<compile_context>
chip_gen: v7x
topology: tpu7x:2x2x1
jax: 0.10.2.dev20260603
libtpu: 0.0.44.dev20260713+nightly
codegen_flags: <defaults>
</compile_context>

<pallas_src>
import functools

import jax
import jax.numpy as jnp
from jax import lax
from jax.experimental import pallas as pl
from jax.experimental.pallas import tpu as pltpu
from jax.experimental.pallas import tpu_sc as plsc

NUM_USERS = 1000000
NUM_ITEMS = 1000000
NUM_LABELS = 5
EMBED_DIM = 32
BATCH = 16384

_PACK = 4
_PACK_W = _PACK * EMBED_DIM

_INFO = plsc.get_sparse_core_info()
_NC, _NS, _LANES = _INFO.num_cores, _INFO.num_subcores, _INFO.num_lanes
_NW = _NC * _NS
_BPW = BATCH // _NW
_HALF = _BPW // 2
_IDX_CHUNK = 128
_NCHUNK = _HALF // _IDX_CHUNK
_NGROUP = _HALF // _LANES
_NB = NUM_LABELS - 1
_BROWS = (_HALF * _NB) // _IDX_CHUNK

_mesh = plsc.VectorSubcoreMesh(core_axis_name="c", subcore_axis_name="s")


@functools.partial(
    pl.kernel,
    mesh=_mesh,
    compiler_params=pltpu.CompilerParams(
        needs_layout_passes=False, use_tc_tiling_on_sc=True),
    out_type=jax.ShapeDtypeStruct((8, BATCH), jnp.float32),
    scratch_types=[
        pltpu.VMEM((_BPW,), jnp.int32),
        pltpu.VMEM((_BPW,), jnp.int32),
        pltpu.VMEM((_NCHUNK, _IDX_CHUNK), jnp.int32),
        pltpu.VMEM((_NCHUNK, _IDX_CHUNK), jnp.int32),
        pltpu.VMEM((_BROWS, _IDX_CHUNK), jnp.int32),
        pltpu.VMEM((_HALF, _PACK_W), jnp.float32),
        pltpu.VMEM((_HALF, _PACK_W), jnp.float32),
        pltpu.VMEM((_BROWS, _IDX_CHUNK), jnp.float32),
        pltpu.VMEM((8, _BPW), jnp.float32),
        pltpu.SemaphoreType.DMA,
    ],
)
def _ordrec_sc(uid_hbm, iid_hbm, uemb_hbm, iemb_hbm, ubeta_hbm, out_hbm,
               uid_v, iid_v, urow_v, irow_v, bel_v, u_rows, i_rows, b_rows,
               out_v, sem):
    wid = lax.axis_index("s") * _NC + lax.axis_index("c")
    base = wid * _BPW

    pltpu.sync_copy(uid_hbm.at[pl.ds(base, _BPW)], uid_v)
    pltpu.sync_copy(iid_hbm.at[pl.ds(base, _BPW)], iid_v)

    lanes = lax.iota(jnp.int32, _LANES)

    for half in range(2):
        hbase = half * _HALF
        for j in range(_NCHUNK):
            for k in range(_IDX_CHUNK // _LANES):
                sl = pl.ds(hbase + j * _IDX_CHUNK + k * _LANES, _LANES)
                dsl = pl.ds(k * _LANES, _LANES)
                urow_v[j, dsl] = lax.shift_right_logical(uid_v[sl], 2)
                irow_v[j, dsl] = lax.shift_right_logical(iid_v[sl], 2)
        for jj in range(_NB):
            for r in range(_BROWS // _NB):
                for k in range(_IDX_CHUNK // _LANES):
                    sl = pl.ds(hbase + r * _IDX_CHUNK + k * _LANES, _LANES)
                    row = jj * (_BROWS // _NB) + r
                    bel_v[row, pl.ds(k * _LANES, _LANES)] = (
                        uid_v[sl] + jj * NUM_USERS)

        copies = []
        for j in range(_NCHUNK):
            sl = pl.ds(j * _IDX_CHUNK, _IDX_CHUNK)
            copies.append(pltpu.async_copy(uemb_hbm.at[urow_v.at[j]],
                                           u_rows.at[sl], sem))
            copies.append(pltpu.async_copy(iemb_hbm.at[irow_v.at[j]],
                                           i_rows.at[sl], sem))
        for r in range(_BROWS):
            copies.append(pltpu.async_copy(ubeta_hbm.at[bel_v.at[r]],
                                           b_rows.at[r], sem))
        for c in copies:
            c.wait()

        def group(g, carry):
            rows = g * _LANES + lanes
            uidv = plsc.load_gather(uid_v, [hbase + rows])
            iidv = plsc.load_gather(iid_v, [hbase + rows])
            uoff = lax.shift_left(uidv & (_PACK - 1), 5)
            ioff = lax.shift_left(iidv & (_PACK - 1), 5)
            y = jnp.zeros((_LANES,), jnp.float32)
            for d in range(EMBED_DIM):
                y = y + (plsc.load_gather(u_rows, [rows, uoff + d]) *
                         plsc.load_gather(i_rows, [rows, ioff + d]))

            def beta(j):
                pos = j * _HALF + g * _LANES
                return plsc.load_gather(
                    b_rows,
                    [jnp.full((_LANES,), pos // _IDX_CHUNK, jnp.int32),
                     pos % _IDX_CHUNK + lanes])

            out_rows = hbase + rows
            cum = beta(0)
            s_prev = 1.0 / (1.0 + jnp.exp(y - cum))
            plsc.store_scatter(out_v,
                               [jnp.zeros((_LANES,), jnp.int32), out_rows],
                               s_prev)
            for j in range(1, _NB):
                cum = cum + jnp.exp(beta(j))
                s = 1.0 / (1.0 + jnp.exp(y - cum))
                plsc.store_scatter(out_v,
                                   [jnp.full((_LANES,), j, jnp.int32),
                                    out_rows],
                                   s - s_prev)
                s_prev = s
            plsc.store_scatter(out_v,
                               [jnp.full((_LANES,), _NB, jnp.int32),
                                out_rows],
                               1.0 - s_prev)
            for j in range(NUM_LABELS, 8):
                plsc.store_scatter(out_v,
                                   [jnp.full((_LANES,), j, jnp.int32),
                                    out_rows],
                                   jnp.zeros((_LANES,), jnp.float32))
            return carry

        lax.fori_loop(0, _NGROUP, group, jnp.int32(0))

    pltpu.sync_copy(out_v, out_hbm.at[:, pl.ds(base, _BPW)])


def kernel(user_ids, item_ids, user_embeddings, item_embeddings, user_betas):
    packed_u, packed_i = jax.lax.optimization_barrier(
        (user_embeddings.reshape(NUM_USERS // _PACK, _PACK_W),
         item_embeddings.reshape(NUM_ITEMS // _PACK, _PACK_W)))
    flat_b = user_betas.T.reshape(-1)
    out8 = _ordrec_sc(user_ids, item_ids, packed_u, packed_i, flat_b)
    return out8[:NUM_LABELS].T

# --- scband reference (transcript-rebuilt; emitter-appended) ---
"""Pipeline reference for scband-ord-rec-net-7086696038884 (READ-ONLY COPY).

The authoritative reference and input builder live on the scoring server;
editing this copy changes nothing except your own understanding.
"""

import jax, jax.numpy as jnp
import numpy as np

NUM_USERS = 1000000
NUM_ITEMS = 1000000
NUM_LABELS = 5
EMBED_DIM = 32
BATCH = 16384


def setup_inputs(seed: int = 0) -> dict:
    key = jax.random.key(seed)
    k1, k2, k3, k4, k5 = jax.random.split(key, 5)
    user_ids = jax.random.randint(k1, (BATCH,), 0, NUM_USERS, dtype=jnp.int64 if jax.config.jax_enable_x64 else jnp.int32).astype(jnp.int32)
    item_ids = jax.random.randint(k2, (BATCH,), 0, NUM_ITEMS, dtype=jnp.int32)
    # ScaledEmbedding: normal init scaled by 1/embedding_dim
    user_embeddings = jax.random.normal(k3, (NUM_USERS, EMBED_DIM), dtype=jnp.float32) / EMBED_DIM
    item_embeddings = jax.random.normal(k4, (NUM_ITEMS, EMBED_DIM), dtype=jnp.float32) / EMBED_DIM
    # ZeroEmbedding: nominally zeros; use small noise so the op is numerically nontrivial
    user_betas = 0.01 * jax.random.normal(k5, (NUM_USERS, NUM_LABELS - 1), dtype=jnp.float32)
    return {
        "user_ids": user_ids,
        "item_ids": item_ids,
        "user_embeddings": user_embeddings,
        "item_embeddings": item_embeddings,
        "user_betas": user_betas,
    }


def reference(user_ids, item_ids, user_embeddings, item_embeddings, user_betas):
    user_embedding = jnp.take(user_embeddings, user_ids, axis=0)  # [B, D]
    item_embedding = jnp.take(item_embeddings, item_ids, axis=0)  # [B, D]
    y = jnp.sum(user_embedding * item_embedding, axis=1).reshape(-1, 1)  # [B, 1]
    user_beta = jnp.take(user_betas, user_ids, axis=0)  # [B, L-1]
    # user_beta[:, 1:] = exp(user_beta[:, 1:])
    user_beta = jnp.concatenate([user_beta[:, :1], jnp.exp(user_beta[:, 1:])], axis=1)
    user_distribution = 1.0 / (1.0 + jnp.exp(y - jnp.cumsum(user_beta, axis=1)))  # [B, L-1]
    one = jnp.ones((user_distribution.shape[0], 1), dtype=user_distribution.dtype)
    user_distribution = jnp.concatenate([user_distribution, one], axis=1)  # [B, L]
    # user_distribution[:, 1:] -= user_distribution[:, :-1]
    user_distribution = jnp.concatenate(
        [user_distribution[:, :1], user_distribution[:, 1:] - user_distribution[:, :-1]], axis=1
    )
    return user_distribution

if __name__ == "__main__":
    import jax
    _d = setup_inputs()
    print(jax.jit(kernel)(*tuple(_d.values())))

</pallas_src>

<mosaic_0001>
#map = affine_map<(d0, d1) -> (0)>
#map1 = affine_map<(d0, d1) -> (0, 0)>
module attributes {stable_mosaic.version = 14 : i64} {
  func.func @_ordrec_sc(%arg0: i32, %arg1: i32, %arg2: memref<16384xi32, #tpu.memory_space<hbm>>, %arg3: memref<16384xi32, #tpu.memory_space<hbm>>, %arg4: memref<250000x128xf32, #tpu.memory_space<hbm>>, %arg5: memref<250000x128xf32, #tpu.memory_space<hbm>>, %arg6: memref<4000000xf32, #tpu.memory_space<hbm>>, %arg7: memref<8x16384xf32, #tpu.memory_space<hbm>>, %arg8: memref<512xi32, #tpu.memory_space<vmem>>, %arg9: memref<512xi32, #tpu.memory_space<vmem>>, %arg10: memref<2x128xi32, #tpu.memory_space<vmem>>, %arg11: memref<2x128xi32, #tpu.memory_space<vmem>>, %arg12: memref<8x128xi32, #tpu.memory_space<vmem>>, %arg13: memref<256x128xf32, #tpu.memory_space<vmem>>, %arg14: memref<256x128xf32, #tpu.memory_space<vmem>>, %arg15: memref<8x128xf32, #tpu.memory_space<vmem>>, %arg16: memref<8x512xf32, #tpu.memory_space<vmem>>, %arg17: memref<!tpu.dma_semaphore, #tpu.memory_space<semaphore_mem>>) attributes {dimension_semantics = [#tpu.dimension_semantics<core_parallel>, #tpu.dimension_semantics<subcore_parallel>], iteration_bounds = array<i64: 2, 16>, scalar_prefetch = 0 : i64, scratch_operands = 10 : i64, tpu.core_type = #tpu.core_type<sc_vector_subcore>, window_params = [{transform_indices = #map}, {transform_indices = #map}, {transform_indices = #map1}, {transform_indices = #map1}, {transform_indices = #map}, {transform_indices = #map1}]} {
    %mul3A = arith.constant 2 : i32
    %mul3A_0 = arith.muli %arg1, %mul3A : i32
    %add3A = arith.addi %mul3A_0, %arg0 : i32
    %mul3A_1 = arith.constant 512 : i32
    %mul3A_2 = arith.muli %add3A, %mul3A_1 : i32
    "tpu.region"() ({
      %run_scoped3A = tpu.sem_alloc : memref<!tpu.dma_semaphore, #tpu.memory_space<semaphore_mem>>
      %dma_start3A_2217 = tpu.memref_slice %arg2[%mul3A_2] : memref<16384xi32, #tpu.memory_space<hbm>> -> memref<512xi32, #tpu.memory_space<hbm>>
      %dma_start3A_2218 = tpu.memref_slice %arg2[%mul3A_2] : memref<16384xi32, #tpu.memory_space<hbm>> -> memref<512xi32, #tpu.memory_space<hbm>>
      tpu.enqueue_dma source(%dma_start3A_2218 : memref<512xi32, #tpu.memory_space<hbm>>) target(%arg8 : memref<512xi32, #tpu.memory_space<vmem>>) target_semaphore(%run_scoped3A : memref<!tpu.dma_semaphore, #tpu.memory_space<semaphore_mem>>)
      %dma_wait3A_2219 = tpu.memref_slice %arg2[%mul3A_2] : memref<16384xi32, #tpu.memory_space<hbm>> -> memref<512xi32, #tpu.memory_space<hbm>>
      %dma_wait3A_2220 = tpu.memref_slice %arg2[%mul3A_2] : memref<16384xi32, #tpu.memory_space<hbm>> -> memref<512xi32, #tpu.memory_space<hbm>>
      tpu.wait_dma2 semaphore(%run_scoped3A : memref<!tpu.dma_semaphore, #tpu.memory_space<semaphore_mem>>) src(%dma_wait3A_2220 : memref<512xi32, #tpu.memory_space<hbm>>) dst(%arg8 : memref<512xi32, #tpu.memory_space<vmem>>)
      tpu.yield
    }) : () -> ()
    "tpu.region"() ({
      %run_scoped3A = tpu.sem_alloc : memref<!tpu.dma_semaphore, #tpu.memory_space<semaphore_mem>>
      %dma_start3A_2217 = tpu.memref_slice %arg3[%mul3A_2] : memref<16384xi32, #tpu.memory_space<hbm>> -> memref<512xi32, #tpu.memory_space<hbm>>
      %dma_start3A_2218 = tpu.memref_slice %arg3[%mul3A_2] : memref<16384xi32, #tpu.memory_space<hbm>> -> memref<512xi32, #tpu.memory_space<hbm>>
      tpu.enqueue_dma source(%dma_start3A_2218 : memref<512xi32, #tpu.memory_space<hbm>>) target(%arg9 : memref<512xi32, #tpu.memory_space<vmem>>) target_semaphore(%run_scoped3A : memref<!tpu.dma_semaphore, #tpu.memory_space<semaphore_mem>>)
      %dma_wait3A_2219 = tpu.memref_slice %arg3[%mul3A_2] : memref<16384xi32, #tpu.memory_space<hbm>> -> memref<512xi32, #tpu.memory_space<hbm>>
      %dma_wait3A_2220 = tpu.memref_slice %arg3[%mul3A_2] : memref<16384xi32, #tpu.memory_space<hbm>> -> memref<512xi32, #tpu.memory_space<hbm>>
      tpu.wait_dma2 semaphore(%run_scoped3A : memref<!tpu.dma_semaphore, #tpu.memory_space<semaphore_mem>>) src(%dma_wait3A_2220 : memref<512xi32, #tpu.memory_space<hbm>>) dst(%arg9 : memref<512xi32, #tpu.memory_space<vmem>>)
      tpu.yield
    }) : () -> ()
    %iota3A = tpu.iota {dimensions = array<i32: 0>} : vector<16xi32>
    %get3A = arith.constant 0 : index
    %get3A_3 = tpu.vector_load %arg8[%get3A] {strides = array<i32>} : memref<512xi32, #tpu.memory_space<vmem>>, vector<16xi32>,
    %shift_right_logical3A = arith.constant 2 : i32
    %shift_right_logical3A_4 = vector.broadcast %shift_right_logical3A : i32 to vector<16xi32>
    %shift_right_logical3A_5 = arith.shrui %get3A_3, %shift_right_logical3A_4 : vector<16xi32>
    %swap3A = arith.constant 0 : i32
    %swap3A_6 = arith.index_cast %swap3A : i32 to index
    %swap3A_7 = arith.constant 0 : index
    %swap3A_8 = tpu.vector_load %arg10[%swap3A_6, %swap3A_7] {strides = array<i32>} : memref<2x128xi32, #tpu.memory_space<vmem>>, vector<16xi32>,
    tpu.vector_store %arg10[%swap3A_6, %swap3A_7], %shift_right_logical3A_5 {strides = array<i32>} : memref<2x128xi32, #tpu.memory_space<vmem>>, vector<16xi32>,
    %get3A_9 = arith.constant 0 : index
    %get3A_10 = tpu.vector_load %arg9[%get3A_9] {strides = array<i32>} : memref<512xi32, #tpu.memory_space<vmem>>, vector<16xi32>,
    %shift_right_logical3A_11 = arith.constant 2 : i32
    %shift_right_logical3A_12 = vector.broadcast %shift_right_logical3A_11 : i32 to vector<16xi32>
    %shift_right_logical3A_13 = arith.shrui %get3A_10, %shift_right_logical3A_12 : vector<16xi32>
    %swap3A_14 = arith.constant 0 : i32
    %swap3A_15 = arith.index_cast %swap3A_14 : i32 to index
    %swap3A_16 = arith.constant 0 : index
    %swap3A_17 = tpu.vector_load %arg11[%swap3A_15, %swap3A_16] {strides = array<i32>} : memref<2x128xi32, #tpu.memory_space<vmem>>, vector<16xi32>,
    tpu.vector_store %arg11[%swap3A_15, %swap3A_16], %shift_right_logical3A_13 {strides = array<i32>} : memref<2x128xi32, #tpu.memory_space<vmem>>, vector<16xi32>,
    %get3A_18 = arith.constant 16 : index
    %get3A_19 = tpu.vector_load %arg8[%get3A_18] {strides = array<i32>} : memref<512xi32, #tpu.memory_space<vmem>>, vector<16xi32>,
    %shift_right_logical3A_20 = arith.constant 2 : i32
    %shift_right_logical3A_21 = vector.broadcast %shift_right_logical3A_20 : i32 to vector<16xi32>
    %shift_right_logical3A_22 = arith.shrui %get3A_19, %shift_right_logical3A_21 : vector<16xi32>
    %swap3A_23 = arith.constant 0 : i32
    %swap3A_24 = arith.index_cast %swap3A_23 : i32 to index
    %swap3A_25 = arith.constant 16 : index
    %swap3A_26 = tpu.vector_load %arg10[%swap3A_24, %swap3A_25] {strides = array<i32>} : memref<2x128xi32, #tpu.memory_space<vmem>>, vector<16xi32>,
    tpu.vector_store %arg10[%swap3A_24, %swap3A_25], %shift_right_logical3A_22 {strides = array<i32>} : memref<2x128xi32, #tpu.memory_space<vmem>>, vector<16xi32>,
    %get3A_27 = arith.constant 16 : index
    %get3A_28 = tpu.vector_load %arg9[%get3A_27] {strides = array<i32>} : memref<512xi32, #tpu.memory_space<vmem>>, vector<16xi32>,
    %shift_right_logical3A_29 = arith.constant 2 : i32
    %shift_right_logical3A_30 = vector.broadcast %shift_right_logical3A_29 : i32 to vector<16xi32>
    %shift_right_logical3A_31 = arith.shrui %get3A_28, %shift_right_logical3A_30 : vector<16xi32>
    %swap3A_32 = arith.constant 0 : i32
    %swap3A_33 = arith.index_cast %swap3A_32 : i32 to index
    %swap3A_34 = arith.constant 16 : index
    %swap3A_35 = tpu.vector_load %arg11[%swap3A_33, %swap3A_34] {strides = array<i32>} : memref<2x128xi32, #tpu.memory_space<vmem>>, vector<16xi32>,
    tpu.vector_store %arg11[%swap3A_33, %swap3A_34], %shift_right_logical3A_31 {strides = array<i32>} : memref<2x128xi32, #tpu.memory_space<vmem>>, vector<16xi32>,
    %get3A_36 = arith.constant 32 : index
    %get3A_37 = tpu.vector_load %arg8[%get3A_36] {strides = array<i32>} : memref<512xi32, #tpu.memory_space<vmem>>, vector<16xi32>,
    %shift_right_logical3A_38 = arith.constant 2 : i32
    %shift_right_logical3A_39 = vector.broadcast %shift_right_logical3A_38 : i32 to vector<16xi32>
    %shift_right_logical3A_40 = arith.shrui %get3A_37, %shift_right_logical3A_39 : vector<16xi32>
    %swap3A_41 = arith.constant 0 : i32
    %swap3A_42 = arith.index_cast %swap3A_41 : i32 to index
    %swap3A_43 = arith.constant 32 : index
    %swap3A_44 = tpu.vector_load %arg10[%swap3A_42, %swap3A_43] {strides = array<i32>} : memref<2x128xi32, #tpu.memory_space<vmem>>, vector<16xi32>,
    tpu.vector_store %arg10[%swap3A_42, %swap3A_43], %shift_right_logical3A_40 {strides = array<i32>} : memref<2x128xi32, #tpu.memory_space<vmem>>, vector<16xi32>,
    %get3A_45 = arith.constant 32 : index
    %get3A_46 = tpu.vector_load %arg9[%get3A_45] {strides = array<i32>} : memref<512xi32, #tpu.memory_space<vmem>>, vector<16xi32>,
    %shift_right_logical3A_47 = arith.constant 2 : i32
    %shift_right_logical3A_48 = vector.broadcast %shift_right_logical3A_47 : i32 to vector<16xi32>
    %shift_right_logical3A_49 = arith.shrui %get3A_46, %shift_right_logical3A_48 : vector<16xi32>
    %swap3A_50 = arith.constant 0 : i32
    %swap3A_51 = arith.index_cast %swap3A_50 : i32 to index
    %swap3A_52 = arith.constant 32 : index
    %swap3A_53 = tpu.vector_load %arg11[%swap3A_51, %swap3A_52] {strides = array<i32>} : memref<2x128xi32, #tpu.memory_space<vmem>>, vector<16xi32>,
    tpu.vector_store %arg11[%swap3A_51, %swap3A_52], %shift_right_logical3A_49 {strides = array<i32>} : memref<2x128xi32, #tpu.memory_space<vmem>>, vector<16xi32>,
    %get3A_54 = arith.constant 48 : index
    %get3A_55 = tpu.vector_load %arg8[%get3A_54] {strides = array<i32>} : memref<512xi32, #tpu.memory_space<vmem>>, vector<16xi32>,
    %shift_right_logical3A_56 = arith.constant 2 : i32
    %shift_right_logical3A_57 = vector.broadcast %shift_right_logical3A_56 : i32 to vector<16xi32>
    %shift_right_logical3A_58 = arith.shrui %get3A_55, %shift_right_logical3A_57 : vector<16xi32>
    %swap3A_59 = arith.constant 0 : i32
    %swap3A_60 = arith.index_cast %swap3A_59 : i32 to index
    %swap3A_61 = arith.constant 48 : index
    %swap3A_62 = tpu.vector_load %arg10[%swap3A_60, %swap3A_61] {strides = array<i32>} : memref<2x128xi32, #tpu.memory_space<vmem>>, vector<16xi32>,
    tpu.vector_store %arg10[%swap3A_60, %swap3A_61], %shift_right_logical3A_58 {strides = array<i32>} : memref<2x128xi32, #tpu.memory_space<vmem>>, vector<16xi32>,
    %get3A_63 = arith.constant 48 : index
    %get3A_64 = tpu.vector_load %arg9[%get3A_63] {strides = array<i32>} : memref<512xi32, #tpu.memory_space<vmem>>, vector<16xi32>,
    %shift_right_logical3A_65 = arith.constant 2 : i32
    %shift_right_logical3A_66 = vector.broadcast %shift_right_logical3A_65 : i32 to vector<16xi32>
    %shift_right_logical3A_67 = arith.shrui %get3A_64, %shift_right_logical3A_66 : vector<16xi32>
    %swap3A_68 = arith.constant 0 : i32
    %swap3A_69 = arith.index_cast %swap3A_68 : i32 to index
    %swap3A_70 = arith.constant 48 : index
    %swap3A_71 = tpu.vector_load %arg11[%swap3A_69, %swap3A_70] {strides = array<i32>} : memref<2x128xi32, #tpu.memory_space<vmem>>, vector<16xi32>,
    tpu.vector_store %arg11[%swap3A_69, %swap3A_70], %shift_right_logical3A_67 {strides = array<i32>} : memref<2x128xi32, #tpu.memory_space<vmem>>, vector<16xi32>,
    %get3A_72 = arith.constant 64 : index
    %get3A_73 = tpu.vector_load %arg8[%get3A_72] {strides = array<i32>} : memref<512xi32, #tpu.memory_space<vmem>>, vector<16xi32>,
    %shift_right_logical3A_74 = arith.constant 2 : i32
    %shift_right_logical3A_75 = vector.broadcast %shift_right_logical3A_74 : i32 to vector<16xi32>
    %shift_right_logical3A_76 = arith.shrui %get3A_73, %shift_right_logical3A_75 : vector<16xi32>
    %swap3A_77 = arith.constant 0 : i32
    %swap3A_78 = arith.index_cast %swap3A_77 : i32 to index
    %swap3A_79 = arith.constant 64 : index
    %swap3A_80 = tpu.vector_load %arg10[%swap3A_78, %swap3A_79] {strides = array<i32>} : memref<2x128xi32, #tpu.memory_space<vmem>>, vector<16xi32>,
    tpu.vector_store %arg10[%swap3A_78, %swap3A_79], %shift_right_logical3A_76 {strides = array<i32>} : memref<2x128xi32, #tpu.memory_space<vmem>>, vector<16xi32>,
    %get3A_81 = arith.constant 64 : index
    %get3A_82 = tpu.vector_load %arg9[%get3A_81] {strides = array<i32>} : memref<512xi32, #tpu.memory_space<vmem>>, vector<16xi32>,
    %shift_right_logical3A_83 = arith.constant 2 : i32
    %shift_right_logical3A_84 = vector.broadcast %shift_right_logical3A_83 : i32 to vector<16xi32>
    %shift_right_logical3A_85 = arith.shrui %get3A_82, %shift_right_logical3A_84 : vector<16xi32>
    %swap3A_86 = arith.constant 0 : i32
    %swap3A_87 = arith.index_cast %swap3A_86 : i32 to index
    %swap3A_88 = arith.constant 64 : index
    %swap3A_89 = tpu.vector_load %arg11[%swap3A_87, %swap3A_88] {strides = array<i32>} : memref<2x128xi32, #tpu.memory_space<vmem>>, vector<16xi32>,
    tpu.vector_store %arg11[%swap3A_87, %swap3A_88], %shift_right_logical3A_85 {strides = array<i32>} : memref<2x128xi32, #tpu.memory_space<vmem>>, vector<16xi32>,
    %get3A_90 = arith.constant 80 : index
    %get3A_91 = tpu.vector_load %arg8[%get3A_90] {strides = array<i32>} : memref<512xi32, #tpu.memory_space<vmem>>, vector<16xi32>,
    %shift_right_logical3A_92 = arith.constant 2 : i32
    %shift_right_logical3A_93 = vector.broadcast %shift_right_logical3A_92 : i32 to vector<16xi32>
    %shift_right_logical3A_94 = arith.shrui %get3A_91, %shift_right_logical3A_93 : vector<16xi32>
    %swap3A_95 = arith.constant 0 : i32
    %swap3A_96 = arith.index_cast %swap3A_95 : i32 to index
    %swap3A_97 = arith.constant 80 : index
    %swap3A_98 = tpu.vector_load %arg10[%swap3A_96, %swap3A_97] {strides = array<i32>} : memref<2x128xi32, #tpu.memory_space<vmem>>, vector<16xi32>,
    tpu.vector_store %arg10[%swap3A_96, %swap3A_97], %shift_right_logical3A_94 {strides = array<i32>} : memref<2x128xi32, #tpu.memory_space<vmem>>, vector<16xi32>,
    %get3A_99 = arith.constant 80 : index
    %get3A_100 = tpu.vector_load %arg9[%get3A_99] {strides = array<i32>} : memref<512xi32, #tpu.memory_space<vmem>>, vector<16xi32>,
    %shift_right_logical3A_101 = arith.constant 2 : i32
    %shift_right_logical3A_102 = vector.broadcast %shift_right_logical3A_101 : i32 to vector<16xi32>
    %shift_right_logical3A_103 = arith.shrui %get3A_100, %shift_right_logical3A_102 : vector<16xi32>
    %swap3A_104 = arith.constant 0 : i32
    %swap3A_105 = arith.index_cast %swap3A_104 : i32 to index
    %swap3A_106 = arith.constant 80 : index
    %swap3A_107 = tpu.vector_load %arg11[%swap3A_105, %swap3A_106] {strides = array<i32>} : memref<2x128xi32, #tpu.memory_space<vmem>>, vector<16xi32>,
    tpu.vector_store %arg11[%swap3A_105, %swap3A_106], %shift_right_logical3A_103 {strides = array<i32>} : memref<2x128xi32, #tpu.memory_space<vmem>>, vector<16xi32>,
    %get3A_108 = arith.constant 96 : index
    %get3A_109 = tpu.vector_load %arg8[%get3A_108] {strides = array<i32>} : memref<512xi32, #tpu.memory_space<vmem>>, vector<16xi32>,
    %shift_right_logical3A_110 = arith.constant 2 : i32
    %shift_right_logical3A_111 = vector.broadcast %shift_right_logical3A_110 : i32 to vector<16xi32>
    %shift_right_logical3A_112 = arith.shrui %get3A_109, %shift_right_logical3A_111 : vector<16xi32>
    %swap3A_113 = arith.constant 0 : i32
    %swap3A_114 = arith.index_cast %swap3A_113 : i32 to index
    %swap3A_115 = arith.constant 96 : index
    %swap3A_116 = tpu.vector_load %arg10[%swap3A_114, %swap3A_115] {strides = array<i32>} : memref<2x128xi32, #tpu.memory_space<vmem>>, vector<16xi32>,
    tpu.vector_store %arg10[%swap3A_114, %swap3A_115], %shift_right_logical3A_112 {strides = array<i32>} : memref<2x128xi32, #tpu.memory_space<vmem>>, vector<16xi32>,
    %get3A_117 = arith.constant 96 : index
    %get3A_118 = tpu.vector_load %arg9[%get3A_117] {strides = array<i32>} : memref<512xi32, #tpu.memory_space<vmem>>, vector<16xi32>,
    %shift_right_logical3A_119 = arith.constant 2 : i32
    %shift_right_logical3A_120 = vector.broadcast %shift_right_logical3A_119 : i32 to vector<16xi32>
    %shift_right_logical3A_121 = arith.shrui %get3A_118, %shift_right_logical3A_120 : vector<16xi32>
    %swap3A_122 = arith.constant 0 : i32
    %swap3A_123 = arith.index_cast %swap3A_122 : i32 to index
    %swap3A_124 = arith.constant 96 : index
    %swap3A_125 = tpu.vector_load %arg11[%swap3A_123, %swap3A_124] {strides = array<i32>} : memref<2x128xi32, #tpu.memory_space<vmem>>, vector<16xi32>,
    tpu.vector_store %arg11[%swap3A_123, %swap3A_124], %shift_right_logical3A_121 {strides = array<i32>} : memref<2x128xi32, #tpu.memory_space<vmem>>, vector<16xi32>,
    %get3A_126 = arith.constant 112 : index
    %get3A_127 = tpu.vector_load %arg8[%get3A_126] {strides = array<i32>} : memref<512xi32, #tpu.memory_space<vmem>>, vector<16xi32>,
    %shift_right_logical3A_128 = arith.constant 2 : i32
    %shift_right_logical3A_129 = vector.broadcast %shift_right_logical3A_128 : i32 to vector<16xi32>
    %shift_right_logical3A_130 = arith.shrui %get3A_127, %shift_right_logical3A_129 : vector<16xi32>
    %swap3A_131 = arith.constant 0 : i32
    %swap3A_132 = arith.index_cast %swap3A_131 : i32 to index
    %swap3A_133 = arith.constant 112 : index
    %swap3A_134 = tpu.vector_load %arg10[%swap3A_132, %swap3A_133] {strides = array<i32>} : memref<2x128xi32, #tpu.memory_space<vmem>>, vector<16xi32>,
    tpu.vector_store %arg10[%swap3A_132, %swap3A_133], %shift_right_logical3A_130 {strides = array<i32>} : memref<2x128xi32, #tpu.memory_space<vmem>>, vector<16xi32>,
    %get3A_135 = arith.constant 112 : index
    %get3A_136 = tpu.vector_load %arg9[%get3A_135] {strides = array<i32>} : memref<512xi32, #tpu.memory_space<vmem>>, vector<16xi32>,
    %shift_right_logical3A_137 = arith.constant 2 : i32
    %shift_right_logical3A_138 = vector.broadcast %shift_right_logical3A_137 : i32 to vector<16xi32>
    %shift_right_logical3A_139 = arith.shrui %get3A_136, %shift_right_logical3A_138 : vector<16xi32>
    %swap3A_140 = arith.constant 0 : i32
    %swap3A_141 = arith.index_cast %swap3A_140 : i32 to index
    %swap3A_142 = arith.constant 112 : index
    %swap3A_143 = tpu.vector_load %arg11[%swap3A_141, %swap3A_142] {strides = array<i32>} : memref<2x128xi32, #tpu.memory_space<vmem>>, vector<16xi32>,
    tpu.vector_store %arg11[%swap3A_141, %swap3A_142], %shift_right_logical3A_139 {strides = array<i32>} : memref<2x128xi32, #tpu.memory_space<vmem>>, vector<16xi32>,
    %get3A_144 = arith.constant 128 : index
    %get3A_145 = tpu.vector_load %arg8[%get3A_144] {strides = array<i32>} : memref<512xi32, #tpu.memory_space<vmem>>, vector<16xi32>,
    %shift_right_logical3A_146 = arith.constant 2 : i32
    %shift_right_logical3A_147 = vector.broadcast %shift_right_logical3A_146 : i32 to vector<16xi32>
    %shift_right_logical3A_148 = arith.shrui %get3A_145, %shift_right_logical3A_147 : vector<16xi32>
    %swap3A_149 = arith.constant 1 : i32
    %swap3A_150 = arith.index_cast %swap3A_149 : i32 to index
    %swap3A_151 = arith.constant 0 : index
    %swap3A_152 = tpu.vector_load %arg10[%swap3A_150, %swap3A_151] {strides = array<i32>} : memref<2x128xi32, #tpu.memory_space<vmem>>, vector<16xi32>,
    tpu.vector_store %arg10[%swap3A_150, %swap3A_151], %shift_right_logical3A_148 {strides = array<i32>} : memref<2x128xi32, #tpu.memory_space<vmem>>, vector<16xi32>,
    %get3A_153 = arith.constant 128 : index
    %get3A_154 = tpu.vector_load %arg9[%get3A_153] {strides = array<i32>} : memref<512xi32, #tpu.memory_space<vmem>>, vector<16xi32>,
    %shift_right_logical3A_155 = arith.constant 2 : i32
    %shift_right_logical3A_156 = vector.broadcast %shift_right_logical3A_155 : i32 to vector<16xi32>
    %shift_right_logical3A_157 = arith.shrui %get3A_154, %shift_right_logical3A_156 : vector<16xi32>
    %swap3A_158 = arith.constant 1 : i32
    %swap3A_159 = arith.index_cast %swap3A_158 : i32 to index
    %swap3A_160 = arith.constant 0 : index
    %swap3A_161 = tpu.vector_load %arg11[%swap3A_159, %swap3A_160] {strides = array<i32>} : memref<2x128xi32, #tpu.memory_space<vmem>>, vector<16xi32>,
    tpu.vector_store %arg11[%swap3A_159, %swap3A_160], %shift_right_logical3A_157 {strides = array<i32>} : memref<2x128xi32, #tpu.memory_space<vmem>>, vector<16xi32>,
    %get3A_162 = arith.constant 144 : index
    %get3A_163 = tpu.vector_load %arg8[%get3A_162] {strides = array<i32>} : memref<512xi32, #tpu.memory_space<vmem>>, vector<16xi32>,
    %shift_right_logical3A_164 = arith.constant 2 : i32
    %shift_right_logical3A_165 = vector.broadcast %shift_right_logical3A_164 : i32 to vector<16xi32>
    %shift_right_logical3A_166 = arith.shrui %get3A_163, %shift_right_logical3A_165 : vector<16xi32>
    %swap3A_167 = arith.constant 1 : i32
    %swap3A_168 = arith.index_cast %swap3A_167 : i32 to index
    %swap3A_169 = arith.constant 16 : index
    %swap3A_170 = tpu.vector_load %arg10[%swap3A_168, %swap3A_169] {strides = array<i32>} : memref<2x128xi32, #tpu.memory_space<vmem>>, vector<16xi32>,
    tpu.vector_store %arg10[%swap3A_168, %swap3A_169], %shift_right_logical3A_166 {strides = array<i32>} : memref<2x128xi32, #tpu.memory_space<vmem>>, vector<16xi32>,
    %get3A_171 = arith.constant 144 : index
    %get3A_172 = tpu.vector_load %arg9[%get3A_171] {strides = array<i32>} : memref<512xi32, #tpu.memory_space<vmem>>, vector<16xi32>,
    %shift_right_logical3A_173 = arith.constant 2 : i32
    %shift_right_logical3A_174 = vector.broadcast %shift_right_logical3A_173 : i32 to vector<16xi32>
    %shift_right_logical3A_175 = arith.shrui %get3A_172, %shift_right_logical3A_174 : vector<16xi32>
    %swap3A_176 = arith.constant 1 : i32
    %swap3A_177 = arith.index_cast %swap3A_176 : i32 to index
    %swap3A_178 = arith.constant 16 : index
    %swap3A_179 = tpu.vector_load %arg11[%swap3A_177, %swap3A_178] {strides = array<i32>} : memref<2x128xi32, #tpu.memory_space<vmem>>, vector<16xi32>,
    tpu.vector_store %arg11[%swap3A_177, %swap3A_178], %shift_right_logical3A_175 {strides = array<i32>} : memref<2x128xi32, #tpu.memory_space<vmem>>, vector<16xi32>,
    %get3A_180 = arith.constant 160 : index
    %get3A_181 = tpu.vector_load %arg8[%get3A_180] {strides = array<i32>} : memref<512xi32, #tpu.memory_space<vmem>>, vector<16xi32>,
    %shift_right_logical3A_182 = arith.constant 2 : i32
    %shift_right_logical3A_183 = vector.broadcast %shift_right_logical3A_182 : i32 to vector<16xi32>
    %shift_right_logical3A_184 = arith.shrui %get3A_181, %shift_right_logical3A_183 : vector<16xi32>
    %swap3A_185 = arith.constant 1 : i32
    %swap3A_186 = arith.index_cast %swap3A_185 : i32 to index
    %swap3A_187 = arith.constant 32 : index
    %swap3A_188 = tpu.vector_load %arg10[%swap3A_186, %swap3A_187] {strides = array<i32>} : memref<2x128xi32, #tpu.memory_space<vmem>>, vector<16xi32>,
    tpu.vector_store %arg10[%swap3A_186, %swap3A_187], %shift_right_logical3A_184 {strides = array<i32>} : memref<2x128xi32, #tpu.memory_space<vmem>>, vector<16xi32>,
    %get3A_189 = arith.constant 160 : index
    %get3A_190 = tpu.vector_load %arg9[%get3A_189] {strides = array<i32>} : memref<512xi32, #tpu.memory_space<vmem>>, vector<16xi32>,
    %shift_right_logical3A_191 = arith.constant 2 : i32
    %shift_right_logical3A_192 = vector.broadcast %shift_right_logical3A_191 : i32 to vector<16xi32>
    %shift_right_logical3A_193 = arith.shrui %get3A_190, %shift_right_logical3A_192 : vector<16xi32>
    %swap3A_194 = arith.constant 1 : i32
    %swap3A_195 = arith.index_cast %swap3A_194 : i32 to index
    %swap3A_196 = arith.constant 32 : index
    %swap3A_197 = tpu.vector_load %arg11[%swap3A_195, %swap3A_196] {strides = array<i32>} : memref<2x128xi32, #tpu.memory_space<vmem>>, vector<16xi32>,
    tpu.vector_store %arg11[%swap3A_195, %swap3A_196], %shift_right_logical3A_193 {strides = array<i32>} : memref<2x128xi32, #tpu.memory_space<vmem>>, vector<16xi32>,
    %get3A_198 = arith.constant 176 : index
    %get3A_199 = tpu.vector_load %arg8[%get3A_198] {strides = array<i32>} : memref<512xi32, #tpu.memory_space<vmem>>, vector<16xi32>,
    %shift_right_logical3A_200 = arith.constant 2 : i32
    %shift_right_logical3A_201 = vector.broadcast %shift_right_logical3A_200 : i32 to vector<16xi32>
    %shift_right_logical3A_202 = arith.shrui %get3A_199, %shift_right_logical3A_201 : vector<16xi32>
    %swap3A_203 = arith.constant 1 : i32
    %swap3A_204 = arith.index_cast %swap3A_203 : i32 to index
    %swap3A_205 = arith.constant 48 : index
    %swap3A_206 = tpu.vector_load %arg10[%swap3A_204, %swap3A_205] {strides = array<i32>} : memref<2x128xi32, #tpu.memory_space<vmem>>, vector<16xi32>,
    tpu.vector_store %arg10[%swap3A_204, %swap3A_205], %shift_right_logical3A_202 {strides = array<i32>} : memref<2x128xi32, #tpu.memory_space<vmem>>, vector<16xi32>,
    %get3A_207 = arith.constant 176 : index
    %get3A_208 = tpu.vector_load %arg9[%get3A_207] {strides = array<i32>} : memref<512xi32, #tpu.memory_space<vmem>>, vector<16xi32>,
    %shift_right_logical3A_209 = arith.constant 2 : i32
    %shift_right_logical3A_210 = vector.broadcast %shift_right_logical3A_209 : i32 to vector<16xi32>
    %shift_right_logical3A_211 = arith.shrui %get3A_208, %shift_right_logical3A_210 : vector<16xi32>
    %swap3A_212 = arith.constant 1 : i32
    %swap3A_213 = arith.index_cast %swap3A_212 : i32 to index
    %swap3A_214 = arith.constant 48 : index
    %swap3A_215 = tpu.vector_load %arg11[%swap3A_213, %swap3A_214] {strides = array<i32>} : memref<2x128xi32, #tpu.memory_space<vmem>>, vector<16xi32>,
    tpu.vector_store %arg11[%swap3A_213, %swap3A_214], %shift_right_logical3A_211 {strides = array<i32>} : memref<2x128xi32, #tpu.memory_space<vmem>>, vector<16xi32>,
    %get3A_216 = arith.constant 192 : index
    %get3A_217 = tpu.vector_load %arg8[%get3A_216] {strides = array<i32>} : memref<512xi32, #tpu.memory_space<vmem>>, vector<16xi32>,
    %shift_right_logical3A_218 = arith.constant 2 : i32
    %shift_right_logical3A_219 = vector.broadcast %shift_right_logical3A_218 : i32 to vector<16xi32>
    %shift_right_logical3A_220 = arith.shrui %get3A_217, %shift_right_logical3A_219 : vector<16xi32>
    %swap3A_221 = arith.constant 1 : i32
    %swap3A_222 = arith.index_cast %swap3A_221 : i32 to index
    %swap3A_223 = arith.constant 64 : index
    %swap3A_224 = tpu.vector_load %arg10[%swap3A_222, %swap3A_223] {strides = array<i32>} : memref<2x128xi32, #tpu.memory_space<vmem>>, vector<16xi32>,
    tpu.vector_store %arg10[%swap3A_222, %swap3A_223], %shift_right_logical3A_220 {strides = array<i32>} : memref<2x128xi32, #tpu.memory_space<vmem>>, vector<16xi32>,
    %get3A_225 = arith.constant 192 : index
    %get3A_226 = tpu.vector_load %arg9[%get3A_225] {strides = array<i32>} : memref<512xi32, #tpu.memory_space<vmem>>, vector<16xi32>,
    %shift_right_logical3A_227 = arith.constant 2 : i32
    %shift_right_logical3A_228 = vector.broadcast %shift_right_logical3A_227 : i32 to vector<16xi32>
    %shift_right_logical3A_229 = arith.shrui %get3A_226, %shift_right_logical3A_228 : vector<16xi32>
    %swap3A_230 = arith.constant 1 : i32
    %swap3A_231 = arith.index_cast %swap3A_230 : i32 to index
    %swap3A_232 = arith.constant 64 : index
    %swap3A_233 = tpu.vector_load %arg11[%swap3A_231, %swap3A_232] {strides = array<i32>} : memref<2x128xi32, #tpu.memory_space<vmem>>, vector<16xi32>,
    tpu.vector_store %arg11[%swap3A_231, %swap3A_232], %shift_right_logical3A_229 {strides = array<i32>} : memref<2x128xi32, #tpu.memory_space<vmem>>, vector<16xi32>,
    %get3A_234 = arith.constant 208 : index
    %get3A_235 = tpu.vector_load %arg8[%get3A_234] {strides = array<i32>} : memref<512xi32, #tpu.memory_space<vmem>>, vector<16xi32>,
    %shift_right_logical3A_236 = arith.constant 2 : i32
    %shift_right_logical3A_237 = vector.broadcast %shift_right_logical3A_236 : i32 to vector<16xi32>
    %shift_right_logical3A_238 = arith.shrui %get3A_235, %shift_right_logical3A_237 : vector<16xi32>
    %swap3A_239 = arith.constant 1 : i32
    %swap3A_240 = arith.index_cast %swap3A_239 : i32 to index
    %swap3A_241 = arith.constant 80 : index
    %swap3A_242 = tpu.vector_load %arg10[%swap3A_240, %swap3A_241] {strides = array<i32>} : memref<2x128xi32, #tpu.memory_space<vmem>>, vector<16xi32>,
    tpu.vector_store %arg10[%swap3A_240, %swap3A_241], %shift_right_logical3A_238 {strides = array<i32>} : memref<2x128xi32, #tpu.memory_space<vmem>>, vector<16xi32>,
    %get3A_243 = arith.constant 208 : index
    %get3A_244 = tpu.vector_load %arg9[%get3A_243] {strides = array<i32>} : memref<512xi32, #tpu.memory_space<vmem>>, vector<16xi32>,
    %shift_right_logical3A_245 = arith.constant 2 : i32
    %shift_right_logical3A_246 = vector.broadcast %shift_right_logical3A_245 : i32 to vector<16xi32>
    %shift_right_logical3A_247 = arith.shrui %get3A_244, %shift_right_logical3A_246 : vector<16xi32>
    %swap3A_248 = arith.constant 1 : i32
    %swap3A_249 = arith.index_cast %swap3A_248 : i32 to index
    %swap3A_250 = arith.constant 80 : index
    %swap3A_251 = tpu.vector_load %arg11[%swap3A_249, %swap3A_250] {strides = array<i32>} : memref<2x128xi32, #tpu.memory_space<vmem>>, vector<16xi32>,
    tpu.vector_store %arg11[%swap3A_249, %swap3A_250], %shift_right_logical3A_247 {strides = array<i32>} : memref<2x128xi32, #tpu.memory_space<vmem>>, vector<16xi32>,
    %get3A_252 = arith.constant 224 : index
    %get3A_253 = tpu.vector_load %arg8[%get3A_252] {strides = array<i32>} : memref<512xi32, #tpu.memory_space<vmem>>, vector<16xi32>,
    %shift_right_logical3A_254 = arith.constant 2 : i32
    %shift_right_logical3A_255 = vector.broadcast %shift_right_logical3A_254 : i32 to vector<16xi32>
    %shift_right_logical3A_256 = arith.shrui %get3A_253, %shift_right_logical3A_255 : vector<16xi32>
    %swap3A_257 = arith.constant 1 : i32
    %swap3A_258 = arith.index_cast %swap3A_257 : i32 to index
    %swap3A_259 = arith.constant 96 : index
    %swap3A_260 = tpu.vector_load %arg10[%swap3A_258, %swap3A_259] {strides = array<i32>} : memref<2x128xi32, #tpu.memory_space<vmem>>, vector<16xi32>,
    tpu.vector_store %arg10[%swap3A_258, %swap3A_259], %shift_right_logical3A_256 {strides = array<i32>} : memref<2x128xi32, #tpu.memory_space<vmem>>, vector<16xi32>,
    %get3A_261 = arith.constant 224 : index
    %get3A_262 = tpu.vector_load %arg9[%get3A_261] {strides = array<i32>} : memref<512xi32, #tpu.memory_space<vmem>>, vector<16xi32>,
    %shift_right_logical3A_263 = arith.constant 2 : i32
    %shift_right_logical3A_264 = vector.broadcast %shift_right_logical3A_263 : i32 to vector<16xi32>
    %shift_right_logical3A_265 = arith.shrui %get3A_262, %shift_right_logical3A_264 : vector<16xi32>
    %swap3A_266 = arith.constant 1 : i32
    %swap3A_267 = arith.index_cast %swap3A_266 : i32 to index
    %swap3A_268 = arith.constant 96 : index
    %swap3A_269 = tpu.vector_load %arg11[%swap3A_267, %swap3A_268] {strides = array<i32>} : memref<2x128xi32, #tpu.memory_space<vmem>>, vector<16xi32>,
    tpu.vector_store %arg11[%swap3A_267, %swap3A_268], %shift_right_logical3A_265 {strides = array<i32>} : memref<2x128xi32, #tpu.memory_space<vmem>>, vector<16xi32>,
    %get3A_270 = arith.constant 240 : index
    %get3A_271 = tpu.vector_load %arg8[%get3A_270] {strides = array<i32>} : memref<512xi32, #tpu.memory_space<vmem>>, vector<16xi32>,
    %shift_right_logical3A_272 = arith.constant 2 : i32
    %shift_right_logical3A_273 = vector.broadcast %shift_right_logical3A_272 : i32 to vector<16xi32>
    %shift_right_logical3A_274 = arith.shrui %get3A_271, %shift_right_logical3A_273 : vector<16xi32>
    %swap3A_275 = arith.constant 1 : i32
    %swap3A_276 = arith.index_cast %swap3A_275 : i32 to index
    %swap3A_277 = arith.constant 112 : index
    %swap3A_278 = tpu.vector_load %arg10[%swap3A_276, %swap3A_277] {strides = array<i32>} : memref<2x128xi32, #tpu.memory_space<vmem>>, vector<16xi32>,
    tpu.vector_store %arg10[%swap3A_276, %swap3A_277], %shift_right_logical3A_274 {strides = array<i32>} : memref<2x128xi32, #tpu.memory_space<vmem>>, vector<16xi32>,
    %get3A_279 = arith.constant 240 : index
    %get3A_280 = tpu.vector_load %arg9[%get3A_279] {strides = array<i32>} : memref<512xi32, #tpu.memory_space<vmem>>, vector<16xi32>,
    %shift_right_logical3A_281 = arith.constant 2 : i32
    %shift_right_logical3A_282 = vector.broadcast %shift_right_logical3A_281 : i32 to vector<16xi32>
    %shift_right_logical3A_283 = arith.shrui %get3A_280, %shift_right_logical3A_282 : vector<16xi32>
    %swap3A_284 = arith.constant 1 : i32
    %swap3A_285 = arith.index_cast %swap3A_284 : i32 to index
    %swap3A_286 = arith.constant 112 : index
    %swap3A_287 = tpu.vector_load %arg11[%swap3A_285, %swap3A_286] {strides = array<i32>} : memref<2x128xi32, #tpu.memory_space<vmem>>, vector<16xi32>,
    tpu.vector_store %arg11[%swap3A_285, %swap3A_286], %shift_right_logical3A_283 {strides = array<i32>} : memref<2x128xi32, #tpu.memory_space<vmem>>, vector<16xi32>,
    %get3A_288 = arith.constant 0 : index
    %get3A_289 = tpu.vector_load %arg8[%get3A_288] {strides = array<i32>} : memref<512xi32, #tpu.memory_space<vmem>>, vector<16xi32>,
    %add3A_290 = arith.constant 0 : i32
    %add3A_291 = vector.broadcast %add3A_290 : i32 to vector<16xi32>
    %add3A_292 = arith.addi %get3A_289, %add3A_291 : vector<16xi32>
    %swap3A_293 = arith.constant 0 : i32
    %swap3A_294 = arith.index_cast %swap3A_293 : i32 to index
    %swap3A_295 = arith.constant 0 : index
    %swap3A_296 = tpu.vector_load %arg12[%swap3A_294, %swap3A_295] {strides = array<i32>} : memref<8x128xi32, #tpu.memory_space<vmem>>, vector<16xi32>,
    tpu.vector_store %arg12[%swap3A_294, %swap3A_295], %add3A_292 {strides = array<i32>} : memref<8x128xi32, #tpu.memory_space<vmem>>, vector<16xi32>,
    %get3A_297 = arith.constant 16 : index
    %get3A_298 = tpu.vector_load %arg8[%get3A_297] {strides = array<i32>} : memref<512xi32, #tpu.memory_space<vmem>>, vector<16xi32>,
    %add3A_299 = arith.constant 0 : i32
    %add3A_300 = vector.broadcast %add3A_299 : i32 to vector<16xi32>
    %add3A_301 = arith.addi %get3A_298, %add3A_300 : vector<16xi32>
    %swap3A_302 = arith.constant 0 : i32
    %swap3A_303 = arith.index_cast %swap3A_302 : i32 to index
    %swap3A_304 = arith.constant 16 : index
    %swap3A_305 = tpu.vector_load %arg12[%swap3A_303, %swap3A_304] {strides = array<i32>} : memref<8x128xi32, #tpu.memory_space<vmem>>, vector<16xi32>,
    tpu.vector_store %arg12[%swap3A_303, %swap3A_304], %add3A_301 {strides = array<i32>} : memref<8x128xi32, #tpu.memory_space<vmem>>, vector<16xi32>,
    %get3A_306 = arith.constant 32 : index
    %get3A_307 = tpu.vector_load %arg8[%get3A_306] {strides = array<i32>} : memref<512xi32, #tpu.memory_space<vmem>>, vector<16xi32>,
    %add3A_308 = arith.constant 0 : i32
    %add3A_309 = vector.broadcast %add3A_308 : i32 to vector<16xi32>
    %add3A_310 = arith.addi %get3A_307, %add3A_309 : vector<16xi32>
    %swap3A_311 = arith.constant 0 : i32
    %swap3A_312 = arith.index_cast %swap3A_311 : i32 to index
    %swap3A_313 = arith.constant 32 : index
    %swap3A_314 = tpu.vector_load %arg12[%swap3A_312, %swap3A_313] {strides = array<i32>} : memref<8x128xi32, #tpu.memory_space<vmem>>, vector<16xi32>,
    tpu.vector_store %arg12[%swap3A_312, %swap3A_313], %add3A_310 {strides = array<i32>} : memref<8x128xi32, #tpu.memory_space<vmem>>, vector<16xi32>,
    %get3A_315 = arith.constant 48 : index
    %get3A_316 = tpu.vector_load %arg8[%get3A_315] {strides = array<i32>} : memref<512xi32, #tpu.memory_space<vmem>>, vector<16xi32>,
    %add3A_317 = arith.constant 0 : i32
    %add3A_318 = vector.broadcast %add3A_317 : i32 to vector<16xi32>
    %add3A_319 = arith.addi %get3A_316, %add3A_318 : vector<16xi32>
    %swap3A_320 = arith.constant 0 : i32
    %swap3A_321 = arith.index_cast %swap3A_320 : i32 to index
    %swap3A_322 = arith.constant 48 : index
    %swap3A_323 = tpu.vector_load %arg12[%swap3A_321, %swap3A_322] {strides = array<i32>} : memref<8x128xi32, #tpu.memory_space<vmem>>, vector<16xi32>,
    tpu.vector_store %arg12[%swap3A_321, %swap3A_322], %add3A_319 {strides = array<i32>} : memref<8x128xi32, #tpu.memory_space<vmem>>, vector<16xi32>,
    %get3A_324 = arith.constant 64 : index
    %get3A_325 = tpu.vector_load %arg8[%get3A_324] {strides = array<i32>} : memref<512xi32, #tpu.memory_space<vmem>>, vector<16xi32>,
    %add3A_326 = arith.constant 0 : i32
    %add3A_327 = vector.broadcast %add3A_326 : i32 to vector<16xi32>
    %add3A_328 = arith.addi %get3A_325, %add3A_327 : vector<16xi32>
    %swap3A_329 = arith.constant 0 : i32
    %swap3A_330 = arith.index_cast %swap3A_329 : i32 to index
    %swap3A_331 = arith.constant 64 : index
    %swap3A_332 = tpu.vector_load %arg12[%swap3A_330, %swap3A_331] {strides = array<i32>} : memref<8x128xi32, #tpu.memory_space<vmem>>, vector<16xi32>,
    tpu.vector_store %arg12[%swap3A_330, %swap3A_331], %add3A_328 {strides = array<i32>} : memref<8x128xi32, #tpu.memory_space<vmem>>, vector<16xi32>,
    %get3A_333 = arith.constant 80 : index
    %get3A_334 = tpu.vector_load %arg8[%get3A_333] {strides = array<i32>} : memref<512xi32, #tpu.memory_space<vmem>>, vector<16xi32>,
    %add3A_335 = arith.constant 0 : i32
    %add3A_336 = vector.broadcast %add3A_335 : i32 to vector<16xi32>
    %add3A_337 = arith.addi %get3A_334, %add3A_336 : vector<16xi32>
    %swap3A_338 = arith.constant 0 : i32
    %swap3A_339 = arith.index_cast %swap3A_338 : i32 to index
    %swap3A_340 = arith.constant 80 : index
    %swap3A_341 = tpu.vector_load %arg12[%swap3A_339, %swap3A_340] {strides = array<i32>} : memref<8x128xi32, #tpu.memory_space<vmem>>, vector<16xi32>,
    tpu.vector_store %arg12[%swap3A_339, %swap3A_340], %add3A_337 {strides = array<i32>} : memref<8x128xi32, #tpu.memory_space<vmem>>, vector<16xi32>,
    %get3A_342 = arith.constant 96 : index
    %get3A_343 = tpu.vector_load %arg8[%get3A_342] {strides = array<i32>} : memref<512xi32, #tpu.memory_space<vmem>>, vector<16xi32>,
    %add3A_344 = arith.constant 0 : i32
    %add3A_345 = vector.broadcast %add3A_344 : i32 to vector<16xi32>
    %add3A_346 = arith.addi %get3A_343, %add3A_345 : vector<16xi32>
    %swap3A_347 = arith.constant 0 : i32
    %swap3A_348 = arith.index_cast %swap3A_347 : i32 to index
    %swap3A_349 = arith.constant 96 : index
    %swap3A_350 = tpu.vector_load %arg12[%swap3A_348, %swap3A_349] {strides = array<i32>} : memref<8x128xi32, #tpu.memory_space<vmem>>, vector<16xi32>,
    tpu.vector_store %arg12[%swap3A_348, %swap3A_349], %add3A_346 {strides = array<i32>} : memref<8x128xi32, #tpu.memory_space<vmem>>, vector<16xi32>,
    %get3A_351 = arith.constant 112 : index
    %get3A_352 = tpu.vector_load %arg8[%get3A_351] {strides = array<i32>} : memref<512xi32, #tpu.memory_space<vmem>>, vector<16xi32>,
    %add3A_353 = arith.constant 0 : i32
    %add3A_354 = vector.broadcast %add3A_353 : i32 to vector<16xi32>
    %add3A_355 = arith.addi %get3A_352, %add3A_354 : vector<16xi32>
    %swap3A_356 = arith.constant 0 : i32
    %swap3A_357 = arith.index_cast %swap3A_356 : i32 to index
    %swap3A_358 = arith.constant 112 : index
    %swap3A_359 = tpu.vector_load %arg12[%swap3A_357, %swap3A_358] {strides = array<i32>} : memref<8x128xi32, #tpu.memory_space<vmem>>, vector<16xi32>,
    tpu.vector_store %arg12[%swap3A_357, %swap3A_358], %add3A_355 {strides = array<i32>} : memref<8x128xi32, #tpu.memory_space<vmem>>, vector<16xi32>,
    %get3A_360 = arith.constant 128 : index
    %get3A_361 = tpu.vector_load %arg8[%get3A_360] {strides = array<i32>} : memref<512xi32, #tpu.memory_space<vmem>>, vector<16xi32>,
    %add3A_362 = arith.constant 0 : i32
    %add3A_363 = vector.broadcast %add3A_362 : i32 to vector<16xi32>
    %add3A_364 = arith.addi %get3A_361, %add3A_363 : vector<16xi32>
    %swap3A_365 = arith.constant 1 : i32
    %swap3A_366 = arith.index_cast %swap3A_365 : i32 to index
    %swap3A_367 = arith.constant 0 : index
    %swap3A_368 = tpu.vector_load %arg12[%swap3A_366, %swap3A_367] {strides = array<i32>} : memref<8x128xi32, #tpu.memory_space<vmem>>, vector<16xi32>,
    tpu.vector_store %arg12[%swap3A_366, %swap3A_367], %add3A_364 {strides = array<i32>} : memref<8x128xi32, #tpu.memory_space<vmem>>, vector<16xi32>,
    %get3A_369 = arith.constant 144 : index
    %get3A_370 = tpu.vector_load %arg8[%get3A_369] {strides = array<i32>} : memref<512xi32, #tpu.memory_space<vmem>>, vector<16xi32>,
    %add3A_371 = arith.constant 0 : i32
    %add3A_372 = vector.broadcast %add3A_371 : i32 to vector<16xi32>
    %add3A_373 = arith.addi %get3A_370, %add3A_372 : vector<16xi32>
    %swap3A_374 = arith.constant 1 : i32
    %swap3A_375 = arith.index_cast %swap3A_374 : i32 to index
    %swap3A_376 = arith.constant 16 : index
    %swap3A_377 = tpu.vector_load %arg12[%swap3A_375, %swap3A_376] {strides = array<i32>} : memref<8x128xi32, #tpu.memory_space<vmem>>, vector<16xi32>,
    tpu.vector_store %arg12[%swap3A_375, %swap3A_376], %add3A_373 {strides = array<i32>} : memref<8x128xi32, #tpu.memory_space<vmem>>, vector<16xi32>,
    %get3A_378 = arith.constant 160 : index
    %get3A_379 = tpu.vector_load %arg8[%get3A_378] {strides = array<i32>} : memref<512xi32, #tpu.memory_space<vmem>>, vector<16xi32>,
    %add3A_380 = arith.constant 0 : i32
    %add3A_381 = vector.broadcast %add3A_380 : i32 to vector<16xi32>
    %add3A_382 = arith.addi %get3A_379, %add3A_381 : vector<16xi32>
    %swap3A_383 = arith.constant 1 : i32
    %swap3A_384 = arith.index_cast %swap3A_383 : i32 to index
    %swap3A_385 = arith.constant 32 : index
    %swap3A_386 = tpu.vector_load %arg12[%swap3A_384, %swap3A_385] {strides = array<i32>} : memref<8x128xi32, #tpu.memory_space<vmem>>, vector<16xi32>,
    tpu.vector_store %arg12[%swap3A_384, %swap3A_385], %add3A_382 {strides = array<i32>} : memref<8x128xi32, #tpu.memory_space<vmem>>, vector<16xi32>,
    %get3A_387 = arith.constant 176 : index
    %get3A_388 = tpu.vector_load %arg8[%get3A_387] {strides = array<i32>} : memref<512xi32, #tpu.memory_space<vmem>>, vector<16xi32>,
    %add3A_389 = arith.constant 0 : i32
    %add3A_390 = vector.broadcast %add3A_389 : i32 to vector<16xi32>
    %add3A_391 = arith.addi %get3A_388, %add3A_390 : vector<16xi32>
    %swap3A_392 = arith.constant 1 : i32
    %swap3A_393 = arith.index_cast %swap3A_392 : i32 to index
    %swap3A_394 = arith.constant 48 : index
    %swap3A_395 = tpu.vector_load %arg12[%swap3A_393, %swap3A_394] {strides = array<i32>} : memref<8x128xi32, #tpu.memory_space<vmem>>, vector<16xi32>,
    tpu.vector_store %arg12[%swap3A_393, %swap3A_394], %add3A_391 {strides = array<i32>} : memref<8x128xi32, #tpu.memory_space<vmem>>, vector<16xi32>,
    %get3A_396 = arith.constant 192 : index
    %get3A_397 = tpu.vector_load %arg8[%get3A_396] {strides = array<i32>} : memref<512xi32, #tpu.memory_space<vmem>>, vector<16xi32>,
    %add3A_398 = arith.constant 0 : i32
    %add3A_399 = vector.broadcast %add3A_398 : i32 to vector<16xi32>
    %add3A_400 = arith.addi %get3A_397, %add3A_399 : vector<16xi32>
    %swap3A_401 = arith.constant 1 : i32
    %swap3A_402 = arith.index_cast %swap3A_401 : i32 to index
    %swap3A_403 = arith.constant 64 : index
    %swap3A_404 = tpu.vector_load %arg12[%swap3A_402, %swap3A_403] {strides = array<i32>} : memref<8x128xi32, #tpu.memory_space<vmem>>, vector<16xi32>,
    tpu.vector_store %arg12[%swap3A_402, %swap3A_403], %add3A_400 {strides = array<i32>} : memref<8x128xi32, #tpu.memory_space<vmem>>, vector<16xi32>,
    %get3A_405 = arith.constant 208 : index
    %get3A_406 = tpu.vector_load %arg8[%get3A_405] {strides = array<i32>} : memref<512xi32, #tpu.memory_space<vmem>>, vector<16xi32>,
    %add3A_407 = arith.constant 0 : i32
    %add3A_408 = vector.broadcast %add3A_407 : i32 to vector<16xi32>
    %add3A_409 = arith.addi %get3A_406, %add3A_408 : vector<16xi32>
    %swap3A_410 = arith.constant 1 : i32
    %swap3A_411 = arith.index_cast %swap3A_410 : i32 to index
    %swap3A_412 = arith.constant 80 : index
    %swap3A_413 = tpu.vector_load %arg12[%swap3A_411, %swap3A_412] {strides = array<i32>} : memref<8x128xi32, #tpu.memory_space<vmem>>, vector<16xi32>,
    tpu.vector_store %arg12[%swap3A_411, %swap3A_412], %add3A_409 {strides = array<i32>} : memref<8x128xi32, #tpu.memory_space<vmem>>, vector<16xi32>,
    %get3A_414 = arith.constant 224 : index
    %get3A_415 = tpu.vector_load %arg8[%get3A_414] {strides = array<i32>} : memref<512xi32, #tpu.memory_space<vmem>>, vector<16xi32>,
    %add3A_416 = arith.constant 0 : i32
    %add3A_417 = vector.broadcast %add3A_416 : i32 to vector<16xi32>
    %add3A_418 = arith.addi %get3A_415, %add3A_417 : vector<16xi32>
    %swap3A_419 = arith.constant 1 : i32
    %swap3A_420 = arith.index_cast %swap3A_419 : i32 to index
    %swap3A_421 = arith.constant 96 : index
    %swap3A_422 = tpu.vector_load %arg12[%swap3A_420, %swap3A_421] {strides = array<i32>} : memref<8x128xi32, #tpu.memory_space<vmem>>, vector<16xi32>,
    tpu.vector_store %arg12[%swap3A_420, %swap3A_421], %add3A_418 {strides = array<i32>} : memref<8x128xi32, #tpu.memory_space<vmem>>, vector<16xi32>,
    %get3A_423 = arith.constant 240 : index
    %get3A_424 = tpu.vector_load %arg8[%get3A_423] {strides = array<i32>} : memref<512xi32, #tpu.memory_space<vmem>>, vector<16xi32>,
    %add3A_425 = arith.constant 0 : i32
    %add3A_426 = vector.broadcast %add3A_425 : i32 to vector<16xi32>
    %add3A_427 = arith.addi %get3A_424, %add3A_426 : vector<16xi32>
    %swap3A_428 = arith.constant 1 : i32
    %swap3A_429 = arith.index_cast %swap3A_428 : i32 to index
    %swap3A_430 = arith.constant 112 : index
    %swap3A_431 = tpu.vector_load %arg12[%swap3A_429, %swap3A_430] {strides = array<i32>} : memref<8x128xi32, #tpu.memory_space<vmem>>, vector<16xi32>,
    tpu.vector_store %arg12[%swap3A_429, %swap3A_430], %add3A_427 {strides = array<i32>} : memref<8x128xi32, #tpu.memory_space<vmem>>, vector<16xi32>,
    %get3A_432 = arith.constant 0 : index
    %get3A_433 = tpu.vector_load %arg8[%get3A_432] {strides = array<i32>} : memref<512xi32, #tpu.memory_space<vmem>>, vector<16xi32>,
    %add3A_434 = arith.constant 1000000 : i32
    %add3A_435 = vector.broadcast %add3A_434 : i32 to vector<16xi32>
    %add3A_436 = arith.addi %get3A_433, %add3A_435 : vector<16xi32>
    %swap3A_437 = arith.constant 2 : i32
    %swap3A_438 = arith.index_cast %swap3A_437 : i32 to index
    %swap3A_439 = arith.constant 0 : index
    %swap3A_440 = tpu.vector_load %arg12[%swap3A_438, %swap3A_439] {strides = array<i32>} : memref<8x128xi32, #tpu.memory_space<vmem>>, vector<16xi32>,
    tpu.vector_store %arg12[%swap3A_438, %swap3A_439], %add3A_436 {strides = array<i32>} : memref<8x128xi32, #tpu.memory_space<vmem>>, vector<16xi32>,
    %get3A_441 = arith.constant 16 : index
    %get3A_442 = tpu.vector_load %arg8[%get3A_441] {strides = array<i32>} : memref<512xi32, #tpu.memory_space<vmem>>, vector<16xi32>,
    %add3A_443 = arith.constant 1000000 : i32
    %add3A_444 = vector.broadcast %add3A_443 : i32 to vector<16xi32>
    %add3A_445 = arith.addi %get3A_442, %add3A_444 : vector<16xi32>
    %swap3A_446 = arith.constant 2 : i32
    %swap3A_447 = arith.index_cast %swap3A_446 : i32 to index
    %swap3A_448 = arith.constant 16 : index
    %swap3A_449 = tpu.vector_load %arg12[%swap3A_447, %swap3A_448] {strides = array<i32>} : memref<8x128xi32, #tpu.memory_space<vmem>>, vector<16xi32>,
    tpu.vector_store %arg12[%swap3A_447, %swap3A_448], %add3A_445 {strides = array<i32>} : memref<8x128xi32, #tpu.memory_space<vmem>>, vector<16xi32>,
    %get3A_450 = arith.constant 32 : index
    %get3A_451 = tpu.vector_load %arg8[%get3A_450] {strides = array<i32>} : memref<512xi32, #tpu.memory_space<vmem>>, vector<16xi32>,
    %add3A_452 = arith.constant 1000000 : i32
    %add3A_453 = vector.broadcast %add3A_452 : i32 to vector<16xi32>
    %add3A_454 = arith.addi %get3A_451, %add3A_453 : vector<16xi32>
    %swap3A_455 = arith.constant 2 : i32
    %swap3A_456 = arith.index_cast %swap3A_455 : i32 to index
    %swap3A_457 = arith.constant 32 : index
    %swap3A_458 = tpu.vector_load %arg12[%swap3A_456, %swap3A_457] {strides = array<i32>} : memref<8x128xi32, #tpu.memory_space<vmem>>, vector<16xi32>,
    tpu.vector_store %arg12[%swap3A_456, %swap3A_457], %add3A_454 {strides = array<i32>} : memref<8x128xi32, #tpu.memory_space<vmem>>, vector<16xi32>,
    %get3A_459 = arith.constant 48 : index
    %get3A_460 = tpu.vector_load %arg8[%get3A_459] {strides = array<i32>} : memref<512xi32, #tpu.memory_space<vmem>>, vector<16xi32>,
    %add3A_461 = arith.constant 1000000 : i32
    %add3A_462 = vector.broadcast %add3A_461 : i32 to vector<16xi32>
    %add3A_463 = arith.addi %get3A_460, %add3A_462 : vector<16xi32>
    %swap3A_464 = arith.constant 2 : i32
    %swap3A_465 = arith.index_cast %swap3A_464 : i32 to index
    %swap3A_466 = arith.constant 48 : index
    %swap3A_467 = tpu.vector_load %arg12[%swap3A_465, %swap3A_466] {strides = array<i32>} : memref<8x128xi32, #tpu.memory_space<vmem>>, vector<16xi32>,
    tpu.vector_store %arg12[%swap3A_465, %swap3A_466], %add3A_463 {strides = array<i32>} : memref<8x128xi32, #tpu.memory_space<vmem>>, vector<16xi32>,
    %get3A_468 = arith.constant 64 : index
    %get3A_469 = tpu.vector_load %arg8[%get3A_468] {strides = array<i32>} : memref<512xi32, #tpu.memory_space<vmem>>, vector<16xi32>,
    %add3A_470 = arith.constant 1000000 : i32
    %add3A_471 = vector.broadcast %add3A_470 : i32 to vector<16xi32>
    %add3A_472 = arith.addi %get3A_469, %add3A_471 : vector<16xi32>
    %swap3A_473 = arith.constant 2 : i32
    %swap3A_474 = arith.index_cast %swap3A_473 : i32 to index
    %swap3A_475 = arith.constant 64 : index
    %swap3A_476 = tpu.vector_load %arg12[%swap3A_474, %swap3A_475] {strides = array<i32>} : memref<8x128xi32, #tpu.memory_space<vmem>>, vector<16xi32>,
    tpu.vector_store %arg12[%swap3A_474, %swap3A_475], %add3A_472 {strides = array<i32>} : memref<8x128xi32, #tpu.memory_space<vmem>>, vector<16xi32>,
    %get3A_477 = arith.constant 80 : index
    %get3A_478 = tpu.vector_load %arg8[%get3A_477] {strides = array<i32>} : memref<512xi32, #tpu.memory_space<vmem>>, vector<16xi32>,
    %add3A_479 = arith.constant 1000000 : i32
    %add3A_480 = vector.broadcast %add3A_479 : i32 to vector<16xi32>
    %add3A_481 = arith.addi %get3A_478, %add3A_480 : vector<16xi32>
    %swap3A_482 = arith.constant 2 : i32
    %swap3A_483 = arith.index_cast %swap3A_482 : i32 to index
    %swap3A_484 = arith.constant 80 : index
    %swap3A_485 = tpu.vector_load %arg12[%swap3A_483, %swap3A_484] {strides = array<i32>} : memref<8x128xi32, #tpu.memory_space<vmem>>, vector<16xi32>,
    tpu.vector_store %arg12[%swap3A_483, %swap3A_484], %add3A_481 {strides = array<i32>} : memref<8x128xi32, #tpu.memory_space<vmem>>, vector<16xi32>,
    %get3A_486 = arith.constant 96 : index
    %get3A_487 = tpu.vector_load %arg8[%get3A_486] {strides = array<i32>} : memref<512xi32, #tpu.memory_space<vmem>>, vector<16xi32>,
    %add3A_488 = arith.constant 1000000 : i32
    %add3A_489 = vector.broadcast %add3A_488 : i32 to vector<16xi32>
    %add3A_490 = arith.addi %get3A_487, %add3A_489 : vector<16xi32>
    %swap3A_491 = arith.constant 2 : i32
    %swap3A_492 = arith.index_cast %swap3A_491 : i32 to index
    %swap3A_493 = arith.constant 96 : index
    %swap3A_494 = tpu.vector_load %arg12[%swap3A_492, %swap3A_493] {strides = array<i32>} : memref<8x128xi32, #tpu.memory_space<vmem>>, vector<16xi32>,
    tpu.vector_store %arg12[%swap3A_492, %swap3A_493], %add3A_490 {strides = array<i32>} : memref<8x128xi32, #tpu.memory_space<vmem>>, vector<16xi32>,
    %get3A_495 = arith.constant 112 : index
    %get3A_496 = tpu.vector_load %arg8[%get3A_495] {strides = array<i32>} : memref<512xi32, #tpu.memory_space<vmem>>, vector<16xi32>,
    %add3A_497 = arith.constant 1000000 : i32
    %add3A_498 = vector.broadcast %add3A_497 : i32 to vector<16xi32>
    %add3A_499 = arith.addi %get3A_496, %add3A_498 : vector<16xi32>
    %swap3A_500 = arith.constant 2 : i32
    %swap3A_501 = arith.index_cast %swap3A_500 : i32 to index
    %swap3A_502 = arith.constant 112 : index
    %swap3A_503 = tpu.vector_load %arg12[%swap3A_501, %swap3A_502] {strides = array<i32>} : memref<8x128xi32, #tpu.memory_space<vmem>>, vector<16xi32>,
    tpu.vector_store %arg12[%swap3A_501, %swap3A_502], %add3A_499 {strides = array<i32>} : memref<8x128xi32, #tpu.memory_space<vmem>>, vector<16xi32>,
    %get3A_504 = arith.constant 128 : index
    %get3A_505 = tpu.vector_load %arg8[%get3A_504] {strides = array<i32>} : memref<512xi32, #tpu.memory_space<vmem>>, vector<16xi32>,
    %add3A_506 = arith.constant 1000000 : i32
    %add3A_507 = vector.broadcast %add3A_506 : i32 to vector<16xi32>
    %add3A_508 = arith.addi %get3A_505, %add3A_507 : vector<16xi32>
    %swap3A_509 = arith.constant 3 : i32
    %swap3A_510 = arith.index_cast %swap3A_509 : i32 to index
    %swap3A_511 = arith.constant 0 : index
    %swap3A_512 = tpu.vector_load %arg12[%swap3A_510, %swap3A_511] {strides = array<i32>} : memref<8x128xi32, #tpu.memory_space<vmem>>, vector<16xi32>,
    tpu.vector_store %arg12[%swap3A_510, %swap3A_511], %add3A_508 {strides = array<i32>} : memref<8x128xi32, #tpu.memory_space<vmem>>, vector<16xi32>,
    %get3A_513 = arith.constant 144 : index
    %get3A_514 = tpu.vector_load %arg8[%get3A_513] {strides = array<i32>} : memref<512xi32, #tpu.memory_space<vmem>>, vector<16xi32>,
    %add3A_515 = arith.constant 1000000 : i32
    %add3A_516 = vector.broadcast %add3A_515 : i32 to vector<16xi32>
    %add3A_517 = arith.addi %get3A_514, %add3A_516 : vector<16xi32>
    %swap3A_518 = arith.constant 3 : i32
    %swap3A_519 = arith.index_cast %swap3A_518 : i32 to index
    %swap3A_520 = arith.constant 16 : index
    %swap3A_521 = tpu.vector_load %arg12[%swap3A_519, %swap3A_520] {strides = array<i32>} : memref<8x128xi32, #tpu.memory_space<vmem>>, vector<16xi32>,
    tpu.vector_store %arg12[%swap3A_519, %swap3A_520], %add3A_517 {strides = array<i32>} : memref<8x128xi32, #tpu.memory_space<vmem>>, vector<16xi32>,
    %get3A_522 = arith.constant 160 : index
    %get3A_523 = tpu.vector_load %arg8[%get3A_522] {strides = array<i32>} : memref<512xi32, #tpu.memory_space<vmem>>, vector<16xi32>,
    %add3A_524 = arith.constant 1000000 : i32
    %add3A_525 = vector.broadcast %add3A_524 : i32 to vector<16xi32>
    %add3A_526 = arith.addi %get3A_523, %add3A_525 : vector<16xi32>
    %swap3A_527 = arith.constant 3 : i32
    %swap3A_528 = arith.index_cast %swap3A_527 : i32 to index
    %swap3A_529 = arith.constant 32 : index
    %swap3A_530 = tpu.vector_load %arg12[%swap3A_528, %swap3A_529] {strides = array<i32>} : memref<8x128xi32, #tpu.memory_space<vmem>>, vector<16xi32>,
    tpu.vector_store %arg12[%swap3A_528, %swap3A_529], %add3A_526 {strides = array<i32>} : memref<8x128xi32, #tpu.memory_space<vmem>>, vector<16xi32>,
    %get3A_531 = arith.constant 176 : index
    %get3A_532 = tpu.vector_load %arg8[%get3A_531] {strides = array<i32>} : memref<512xi32, #tpu.memory_space<vmem>>, vector<16xi32>,
    %add3A_533 = arith.constant 1000000 : i32
    %add3A_534 = vector.broadcast %add3A_533 : i32 to vector<16xi32>
    %add3A_535 = arith.addi %get3A_532, %add3A_534 : vector<16xi32>
    %swap3A_536 = arith.constant 3 : i32
    %swap3A_537 = arith.index_cast %swap3A_536 : i32 to index
    %swap3A_538 = arith.constant 48 : index
    %swap3A_539 = tpu.vector_load %arg12[%swap3A_537, %swap3A_538] {strides = array<i32>} : memref<8x128xi32, #tpu.memory_space<vmem>>, vector<16xi32>,
    tpu.vector_store %arg12[%swap3A_537, %swap3A_538], %add3A_535 {strides = array<i32>} : memref<8x128xi32, #tpu.memory_space<vmem>>, vector<16xi32>,
    %get3A_540 = arith.constant 192 : index
    %get3A_541 = tpu.vector_load %arg8[%get3A_540] {strides = array<i32>} : memref<512xi32, #tpu.memory_space<vmem>>, vector<16xi32>,
    %add3A_542 = arith.constant 1000000 : i32
    %add3A_543 = vector.broadcast %add3A_542 : i32 to vector<16xi32>
    %add3A_544 = arith.addi %get3A_541, %add3A_543 : vector<16xi32>
    %swap3A_545 = arith.constant 3 : i32
    %swap3A_546 = arith.index_cast %swap3A_545 : i32 to index
    %swap3A_547 = arith.constant 64 : index
    %swap3A_548 = tpu.vector_load %arg12[%swap3A_546, %swap3A_547] {strides = array<i32>} : memref<8x128xi32, #tpu.memory_space<vmem>>, vector<16xi32>,
    tpu.vector_store %arg12[%swap3A_546, %swap3A_547], %add3A_544 {strides = array<i32>} : memref<8x128xi32, #tpu.memory_space<vmem>>, vector<16xi32>,
    %get3A_549 = arith.constant 208 : index
    %get3A_550 = tpu.vector_load %arg8[%get3A_549] {strides = array<i32>} : memref<512xi32, #tpu.memory_space<vmem>>, vector<16xi32>,
    %add3A_551 = arith.constant 1000000 : i32
    %add3A_552 = vector.broadcast %add3A_551 : i32 to vector<16xi32>
    %add3A_553 = arith.addi %get3A_550, %add3A_552 : vector<16xi32>
    %swap3A_554 = arith.constant 3 : i32
    %swap3A_555 = arith.index_cast %swap3A_554 : i32 to index
    %swap3A_556 = arith.constant 80 : index
    %swap3A_557 = tpu.vector_load %arg12[%swap3A_555, %swap3A_556] {strides = array<i32>} : memref<8x128xi32, #tpu.memory_space<vmem>>, vector<16xi32>,
    tpu.vector_store %arg12[%swap3A_555, %swap3A_556], %add3A_553 {strides = array<i32>} : memref<8x128xi32, #tpu.memory_space<vmem>>, vector<16xi32>,
    %get3A_558 = arith.constant 224 : index
    %get3A_559 = tpu.vector_load %arg8[%get3A_558] {strides = array<i32>} : memref<512xi32, #tpu.memory_space<vmem>>, vector<16xi32>,
    %add3A_560 = arith.constant 1000000 : i32
    %add3A_561 = vector.broadcast %add3A_560 : i32 to vector<16xi32>
    %add3A_562 = arith.addi %get3A_559, %add3A_561 : vector<16xi32>
    %swap3A_563 = arith.constant 3 : i32
    %swap3A_564 = arith.index_cast %swap3A_563 : i32 to index
    %swap3A_565 = arith.constant 96 : index
    %swap3A_566 = tpu.vector_load %arg12[%swap3A_564, %swap3A_565] {strides = array<i32>} : memref<8x128xi32, #tpu.memory_space<vmem>>, vector<16xi32>,
    tpu.vector_store %arg12[%swap3A_564, %swap3A_565], %add3A_562 {strides = array<i32>} : memref<8x128xi32, #tpu.memory_space<vmem>>, vector<16xi32>,
    %get3A_567 = arith.constant 240 : index
    %get3A_568 = tpu.vector_load %arg8[%get3A_567] {strides = array<i32>} : memref<512xi32, #tpu.memory_space<vmem>>, vector<16xi32>,
    %add3A_569 = arith.constant 1000000 : i32
    %add3A_570 = vector.broadcast %add3A_569 : i32 to vector<16xi32>
    %add3A_571 = arith.addi %get3A_568, %add3A_570 : vector<16xi32>
    %swap3A_572 = arith.constant 3 : i32
    %swap3A_573 = arith.index_cast %swap3A_572 : i32 to index
    %swap3A_574 = arith.constant 112 : index
    %swap3A_575 = tpu.vector_load %arg12[%swap3A_573, %swap3A_574] {strides = array<i32>} : memref<8x128xi32, #tpu.memory_space<vmem>>, vector<16xi32>,
    tpu.vector_store %arg12[%swap3A_573, %swap3A_574], %add3A_571 {strides = array<i32>} : memref<8x128xi32, #tpu.memory_space<vmem>>, vector<16xi32>,
    %get3A_576 = arith.constant 0 : index
    %get3A_577 = tpu.vector_load %arg8[%get3A_576] {strides = array<i32>} : memref<512xi32, #tpu.memory_space<vmem>>, vector<16xi32>,
    %add3A_578 = arith.constant 2000000 : i32
    %add3A_579 = vector.broadcast %add3A_578 : i32 to vector<16xi32>
    %add3A_580 = arith.addi %get3A_577, %add3A_579 : vector<16xi32>
    %swap3A_581 = arith.constant 4 : i32
    %swap3A_582 = arith.index_cast %swap3A_581 : i32 to index
    %swap3A_583 = arith.constant 0 : index
    %swap3A_584 = tpu.vector_load %arg12[%swap3A_582, %swap3A_583] {strides = array<i32>} : memref<8x128xi32, #tpu.memory_space<vmem>>, vector<16xi32>,
    tpu.vector_store %arg12[%swap3A_582, %swap3A_583], %add3A_580 {strides = array<i32>} : memref<8x128xi32, #tpu.memory_space<vmem>>, vector<16xi32>,
    %get3A_585 = arith.constant 16 : index
    %get3A_586 = tpu.vector_load %arg8[%get3A_585] {strides = array<i32>} : memref<512xi32, #tpu.memory_space<vmem>>, vector<16xi32>,
    %add3A_587 = arith.constant 2000000 : i32
    %add3A_588 = vector.broadcast %add3A_587 : i32 to vector<16xi32>
    %add3A_589 = arith.addi %get3A_586, %add3A_588 : vector<16xi32>
    %swap3A_590 = arith.constant 4 : i32
    %swap3A_591 = arith.index_cast %swap3A_590 : i32 to index
    %swap3A_592 = arith.constant 16 : index
    %swap3A_593 = tpu.vector_load %arg12[%swap3A_591, %swap3A_592] {strides = array<i32>} : memref<8x128xi32, #tpu.memory_space<vmem>>, vector<16xi32>,
    tpu.vector_store %arg12[%swap3A_591, %swap3A_592], %add3A_589 {strides = array<i32>} : memref<8x128xi32, #tpu.memory_space<vmem>>, vector<16xi32>,
    %get3A_594 = arith.constant 32 : index
    %get3A_595 = tpu.vector_load %arg8[%get3A_594] {strides = array<i32>} : memref<512xi32, #tpu.memory_space<vmem>>, vector<16xi32>,
    %add3A_596 = arith.constant 2000000 : i32
    %add3A_597 = vector.broadcast %add3A_596 : i32 to vector<16xi32>
    %add3A_598 = arith.addi %get3A_595, %add3A_597 : vector<16xi32>
    %swap3A_599 = arith.constant 4 : i32
    %swap3A_600 = arith.index_cast %swap3A_599 : i32 to index
    %swap3A_601 = arith.constant 32 : index
    %swap3A_602 = tpu.vector_load %arg12[%swap3A_600, %swap3A_601] {strides = array<i32>} : memref<8x128xi32, #tpu.memory_space<vmem>>, vector<16xi32>,
    tpu.vector_store %arg12[%swap3A_600, %swap3A_601], %add3A_598 {strides = array<i32>} : memref<8x128xi32, #tpu.memory_space<vmem>>, vector<16xi32>,
    %get3A_603 = arith.constant 48 : index
    %get3A_604 = tpu.vector_load %arg8[%get3A_603] {strides = array<i32>} : memref<512xi32, #tpu.memory_space<vmem>>, vector<16xi32>,
    %add3A_605 = arith.constant 2000000 : i32
    %add3A_606 = vector.broadcast %add3A_605 : i32 to vector<16xi32>
    %add3A_607 = arith.addi %get3A_604, %add3A_606 : vector<16xi32>
    %swap3A_608 = arith.constant 4 : i32
    %swap3A_609 = arith.index_cast %swap3A_608 : i32 to index
    %swap3A_610 = arith.constant 48 : index
    %swap3A_611 = tpu.vector_load %arg12[%swap3A_609, %swap3A_610] {strides = array<i32>} : memref<8x128xi32, #tpu.memory_space<vmem>>, vector<16xi32>,
    tpu.vector_store %arg12[%swap3A_609, %swap3A_610], %add3A_607 {strides = array<i32>} : memref<8x128xi32, #tpu.memory_space<vmem>>, vector<16xi32>,
    %get3A_612 = arith.constant 64 : index
    %get3A_613 = tpu.vector_load %arg8[%get3A_612] {strides = array<i32>} : memref<512xi32, #tpu.memory_space<vmem>>, vector<16xi32>,
    %add3A_614 = arith.constant 2000000 : i32
    %add3A_615 = vector.broadcast %add3A_614 : i32 to vector<16xi32>
    %add3A_616 = arith.addi %get3A_613, %add3A_615 : vector<16xi32>
    %swap3A_617 = arith.constant 4 : i32
    %swap3A_618 = arith.index_cast %swap3A_617 : i32 to index
    %swap3A_619 = arith.constant 64 : index
    %swap3A_620 = tpu.vector_load %arg12[%swap3A_618, %swap3A_619] {strides = array<i32>} : memref<8x128xi32, #tpu.memory_space<vmem>>, vector<16xi32>,
    tpu.vector_store %arg12[%swap3A_618, %swap3A_619], %add3A_616 {strides = array<i32>} : memref<8x128xi32, #tpu.memory_space<vmem>>, vector<16xi32>,
    %get3A_621 = arith.constant 80 : index
    %get3A_622 = tpu.vector_load %arg8[%get3A_621] {strides = array<i32>} : memref<512xi32, #tpu.memory_space<vmem>>, vector<16xi32>,
    %add3A_623 = arith.constant 2000000 : i32
    %add3A_624 = vector.broadcast %add3A_623 : i32 to vector<16xi32>
    %add3A_625 = arith.addi %get3A_622, %add3A_624 : vector<16xi32>
    %swap3A_626 = arith.constant 4 : i32
    %swap3A_627 = arith.index_cast %swap3A_626 : i32 to index
    %swap3A_628 = arith.constant 80 : index
    %swap3A_629 = tpu.vector_load %arg12[%swap3A_627, %swap3A_628] {strides = array<i32>} : memref<8x128xi32, #tpu.memory_space<vmem>>, vector<16xi32>,
    tpu.vector_store %arg12[%swap3A_627, %swap3A_628], %add3A_625 {strides = array<i32>} : memref<8x128xi32, #tpu.memory_space<vmem>>, vector<16xi32>,
    %get3A_630 = arith.constant 96 : index
    %get3A_631 = tpu.vector_load %arg8[%get3A_630] {strides = array<i32>} : memref<512xi32, #tpu.memory_space<vmem>>, vector<16xi32>,
    %add3A_632 = arith.constant 2000000 : i32
    %add3A_633 = vector.broadcast %add3A_632 : i32 to vector<16xi32>
    %add3A_634 = arith.addi %get3A_631, %add3A_633 : vector<16xi32>
    %swap3A_635 = arith.constant 4 : i32
    %swap3A_636 = arith.index_cast %swap3A_635 : i32 to index
    %swap3A_637 = arith.constant 96 : index
    %swap3A_638 = tpu.vector_load %arg12[%swap3A_636, %swap3A_637] {strides = array<i32>} : memref<8x128xi32, #tpu.memory_space<vmem>>, vector<16xi32>,
    tpu.vector_store %arg12[%swap3A_636, %swap3A_637], %add3A_634 {strides = array<i32>} : memref<8x128xi32, #tpu.memory_space<vmem>>, vector<16xi32>,
    %get3A_639 = arith.constant 112 : index
    %get3A_640 = tpu.vector_load %arg8[%get3A_639] {strides = array<i32>} : memref<512xi32, #tpu.memory_space<vmem>>, vector<16xi32>,
    %add3A_641 = arith.constant 2000000 : i32
    %add3A_642 = vector.broadcast %add3A_641 : i32 to vector<16xi32>
    %add3A_643 = arith.addi %get3A_640, %add3A_642 : vector<16xi32>
    %swap3A_644 = arith.constant 4 : i32
    %swap3A_645 = arith.index_cast %swap3A_644 : i32 to index
    %swap3A_646 = arith.constant 112 : index
    %swap3A_647 = tpu.vector_load %arg12[%swap3A_645, %swap3A_646] {strides = array<i32>} : memref<8x128xi32, #tpu.memory_space<vmem>>, vector<16xi32>,
    tpu.vector_store %arg12[%swap3A_645, %swap3A_646], %add3A_643 {strides = array<i32>} : memref<8x128xi32, #tpu.memory_space<vmem>>, vector<16xi32>,
    %get3A_648 = arith.constant 128 : index
    %get3A_649 = tpu.vector_load %arg8[%get3A_648] {strides = array<i32>} : memref<512xi32, #tpu.memory_space<vmem>>, vector<16xi32>,
    %add3A_650 = arith.constant 2000000 : i32
    %add3A_651 = vector.broadcast %add3A_650 : i32 to vector<16xi32>
    %add3A_652 = arith.addi %get3A_649, %add3A_651 : vector<16xi32>
    %swap3A_653 = arith.constant 5 : i32
    %swap3A_654 = arith.index_cast %swap3A_653 : i32 to index
    %swap3A_655 = arith.constant 0 : index
    %swap3A_656 = tpu.vector_load %arg12[%swap3A_654, %swap3A_655] {strides = array<i32>} : memref<8x128xi32, #tpu.memory_space<vmem>>, vector<16xi32>,
    tpu.vector_store %arg12[%swap3A_654, %swap3A_655], %add3A_652 {strides = array<i32>} : memref<8x128xi32, #tpu.memory_space<vmem>>, vector<16xi32>,
    %get3A_657 = arith.constant 144 : index
    %get3A_658 = tpu.vector_load %arg8[%get3A_657] {strides = array<i32>} : memref<512xi32, #tpu.memory_space<vmem>>, vector<16xi32>,
    %add3A_659 = arith.constant 2000000 : i32
    %add3A_660 = vector.broadcast %add3A_659 : i32 to vector<16xi32>
    %add3A_661 = arith.addi %get3A_658, %add3A_660 : vector<16xi32>
    %swap3A_662 = arith.constant 5 : i32
    %swap3A_663 = arith.index_cast %swap3A_662 : i32 to index
    %swap3A_664 = arith.constant 16 : index
    %swap3A_665 = tpu.vector_load %arg12[%swap3A_663, %swap3A_664] {strides = array<i32>} : memref<8x128xi32, #tpu.memory_space<vmem>>, vector<16xi32>,
    tpu.vector_store %arg12[%swap3A_663, %swap3A_664], %add3A_661 {strides = array<i32>} : memref<8x128xi32, #tpu.memory_space<vmem>>, vector<16xi32>,
    %get3A_666 = arith.constant 160 : index
    %get3A_667 = tpu.vector_load %arg8[%get3A_666] {strides = array<i32>} : memref<512xi32, #tpu.memory_space<vmem>>, vector<16xi32>,
    %add3A_668 = arith.constant 2000000 : i32
    %add3A_669 = vector.broadcast %add3A_668 : i32 to vector<16xi32>
    %add3A_670 = arith.addi %get3A_667, %add3A_669 : vector<16xi32>
    %swap3A_671 = arith.constant 5 : i32
    %swap3A_672 = arith.index_cast %swap3A_671 : i32 to index
    %swap3A_673 = arith.constant 32 : index
    %swap3A_674 = tpu.vector_load %arg12[%swap3A_672, %swap3A_673] {strides = array<i32>} : memref<8x128xi32, #tpu.memory_space<vmem>>, vector<16xi32>,
    tpu.vector_store %arg12[%swap3A_672, %swap3A_673], %add3A_670 {strides = array<i32>} : memref<8x128xi32, #tpu.memory_space<vmem>>, vector<16xi32>,
    %get3A_675 = arith.constant 176 : index
    %get3A_676 = tpu.vector_load %arg8[%get3A_675] {strides = array<i32>} : memref<512xi32, #tpu.memory_space<vmem>>, vector<16xi32>,
    %add3A_677 = arith.constant 2000000 : i32
    %add3A_678 = vector.broadcast %add3A_677 : i32 to vector<16xi32>
    %add3A_679 = arith.addi %get3A_676, %add3A_678 : vector<16xi32>
    %swap3A_680 = arith.constant 5 : i32
    %swap3A_681 = arith.index_cast %swap3A_680 : i32 to index
    %swap3A_682 = arith.constant 48 : index
    %swap3A_683 = tpu.vector_load %arg12[%swap3A_681, %swap3A_682] {strides = array<i32>} : memref<8x128xi32, #tpu.memory_space<vmem>>, vector<16xi32>,
    tpu.vector_store %arg12[%swap3A_681, %swap3A_682], %add3A_679 {strides = array<i32>} : memref<8x128xi32, #tpu.memory_space<vmem>>, vector<16xi32>,
    %get3A_684 = arith.constant 192 : index
    %get3A_685 = tpu.vector_load %arg8[%get3A_684] {strides = array<i32>} : memref<512xi32, #tpu.memory_space<vmem>>, vector<16xi32>,
    %add3A_686 = arith.constant 2000000 : i32
    %add3A_687 = vector.broadcast %add3A_686 : i32 to vector<16xi32>
    %add3A_688 = arith.addi %get3A_685, %add3A_687 : vector<16xi32>
    %swap3A_689 = arith.constant 5 : i32
    %swap3A_690 = arith.index_cast %swap3A_689 : i32 to index
    %swap3A_691 = arith.constant 64 : index
    %swap3A_692 = tpu.vector_load %arg12[%swap3A_690, %swap3A_691] {strides = array<i32>} : memref<8x128xi32, #tpu.memory_space<vmem>>, vector<16xi32>,
    tpu.vector_store %arg12[%swap3A_690, %swap3A_691], %add3A_688 {strides = array<i32>} : memref<8x128xi32, #tpu.memory_space<vmem>>, vector<16xi32>,
    %get3A_693 = arith.constant 208 : index
    %get3A_694 = tpu.vector_load %arg8[%get3A_693] {strides = array<i32>} : memref<512xi32, #tpu.memory_space<vmem>>, vector<16xi32>,
    %add3A_695 = arith.constant 2000000 : i32
    %add3A_696 = vector.broadcast %add3A_695 : i32 to vector<16xi32>
    %add3A_697 = arith.addi %get3A_694, %add3A_696 : vector<16xi32>
    %swap3A_698 = arith.constant 5 : i32
    %swap3A_699 = arith.index_cast %swap3A_698 : i32 to index
    %swap3A_700 = arith.constant 80 : index
    %swap3A_701 = tpu.vector_load %arg12[%swap3A_699, %swap3A_700] {strides = array<i32>} : memref<8x128xi32, #tpu.memory_space<vmem>>, vector<16xi32>,
    tpu.vector_store %arg12[%swap3A_699, %swap3A_700], %add3A_697 {strides = array<i32>} : memref<8x128xi32, #tpu.memory_space<vmem>>, vector<16xi32>,
    %get3A_702 = arith.constant 224 : index
    %get3A_703 = tpu.vector_load %arg8[%get3A_702] {strides = array<i32>} : memref<512xi32, #tpu.memory_space<vmem>>, vector<16xi32>,
    %add3A_704 = arith.constant 2000000 : i32
    %add3A_705 = vector.broadcast %add3A_704 : i32 to vector<16xi32>
    %add3A_706 = arith.addi %get3A_703, %add3A_705 : vector<16xi32>
    %swap3A_707 = arith.constant 5 : i32
    %swap3A_708 = arith.index_cast %swap3A_707 : i32 to index
    %swap3A_709 = arith.constant 96 : index
    %swap3A_710 = tpu.vector_load %arg12[%swap3A_708, %swap3A_709] {strides = array<i32>} : memref<8x128xi32, #tpu.memory_space<vmem>>, vector<16xi32>,
    tpu.vector_store %arg12[%swap3A_708, %swap3A_709], %add3A_706 {strides = array<i32>} : memref<8x128xi32, #tpu.memory_space<vmem>>, vector<16xi32>,
    %get3A_711 = arith.constant 240 : index
    %get3A_712 = tpu.vector_load %arg8[%get3A_711] {strides = array<i32>} : memref<512xi32, #tpu.memory_space<vmem>>, vector<16xi32>,
    %add3A_713 = arith.constant 2000000 : i32
    %add3A_714 = vector.broadcast %add3A_713 : i32 to vector<16xi32>
    %add3A_715 = arith.addi %get3A_712, %add3A_714 : vector<16xi32>
    %swap3A_716 = arith.constant 5 : i32
    %swap3A_717 = arith.index_cast %swap3A_716 : i32 to index
    %swap3A_718 = arith.constant 112 : index
    %swap3A_719 = tpu.vector_load %arg12[%swap3A_717, %swap3A_718] {strides = array<i32>} : memref<8x128xi32, #tpu.memory_space<vmem>>, vector<16xi32>,
    tpu.vector_store %arg12[%swap3A_717, %swap3A_718], %add3A_715 {strides = array<i32>} : memref<8x128xi32, #tpu.memory_space<vmem>>, vector<16xi32>,
    %get3A_720 = arith.constant 0 : index
    %get3A_721 = tpu.vector_load %arg8[%get3A_720] {strides = array<i32>} : memref<512xi32, #tpu.memory_space<vmem>>, vector<16xi32>,
    %add3A_722 = arith.constant 3000000 : i32
    %add3A_723 = vector.broadcast %add3A_722 : i32 to vector<16xi32>
    %add3A_724 = arith.addi %get3A_721, %add3A_723 : vector<16xi32>
    %swap3A_725 = arith.constant 6 : i32
    %swap3A_726 = arith.index_cast %swap3A_725 : i32 to index
    %swap3A_727 = arith.constant 0 : index
    %swap3A_728 = tpu.vector_load %arg12[%swap3A_726, %swap3A_727] {strides = array<i32>} : memref<8x128xi32, #tpu.memory_space<vmem>>, vector<16xi32>,
    tpu.vector_store %arg12[%swap3A_726, %swap3A_727], %add3A_724 {strides = array<i32>} : memref<8x128xi32, #tpu.memory_space<vmem>>, vector<16xi32>,
    %get3A_729 = arith.constant 16 : index
    %get3A_730 = tpu.vector_load %arg8[%get3A_729] {strides = array<i32>} : memref<512xi32, #tpu.memory_space<vmem>>, vector<16xi32>,
    %add3A_731 = arith.constant 3000000 : i32
    %add3A_732 = vector.broadcast %add3A_731 : i32 to vector<16xi32>
    %add3A_733 = arith.addi %get3A_730, %add3A_732 : vector<16xi32>
    %swap3A_734 = arith.constant 6 : i32
    %swap3A_735 = arith.index_cast %swap3A_734 : i32 to index
    %swap3A_736 = arith.constant 16 : index
    %swap3A_737 = tpu.vector_load %arg12[%swap3A_735, %swap3A_736] {strides = array<i32>} : memref<8x128xi32, #tpu.memory_space<vmem>>, vector<16xi32>,
    tpu.vector_store %arg12[%swap3A_735, %swap3A_736], %add3A_733 {strides = array<i32>} : memref<8x128xi32, #tpu.memory_space<vmem>>, vector<16xi32>,
    %get3A_738 = arith.constant 32 : index
    %get3A_739 = tpu.vector_load %arg8[%get3A_738] {strides = array<i32>} : memref<512xi32, #tpu.memory_space<vmem>>, vector<16xi32>,
    %add3A_740 = arith.constant 3000000 : i32
    %add3A_741 = vector.broadcast %add3A_740 : i32 to vector<16xi32>
    %add3A_742 = arith.addi %get3A_739, %add3A_741 : vector<16xi32>
    %swap3A_743 = arith.constant 6 : i32
    %swap3A_744 = arith.index_cast %swap3A_743 : i32 to index
    %swap3A_745 = arith.constant 32 : index
    %swap3A_746 = tpu.vector_load %arg12[%swap3A_744, %swap3A_745] {strides = array<i32>} : memref<8x128xi32, #tpu.memory_space<vmem>>, vector<16xi32>,
    tpu.vector_store %arg12[%swap3A_744, %swap3A_745], %add3A_742 {strides = array<i32>} : memref<8x128xi32, #tpu.memory_space<vmem>>, vector<16xi32>,
    %get3A_747 = arith.constant 48 : index
    %get3A_748 = tpu.vector_load %arg8[%get3A_747] {strides = array<i32>} : memref<512xi32, #tpu.memory_space<vmem>>, vector<16xi32>,
    %add3A_749 = arith.constant 3000000 : i32
    %add3A_750 = vector.broadcast %add3A_749 : i32 to vector<16xi32>
    %add3A_751 = arith.addi %get3A_748, %add3A_750 : vector<16xi32>
    %swap3A_752 = arith.constant 6 : i32
    %swap3A_753 = arith.index_cast %swap3A_752 : i32 to index
    %swap3A_754 = arith.constant 48 : index
    %swap3A_755 = tpu.vector_load %arg12[%swap3A_753, %swap3A_754] {strides = array<i32>} : memref<8x128xi32, #tpu.memory_space<vmem>>, vector<16xi32>,
    tpu.vector_store %arg12[%swap3A_753, %swap3A_754], %add3A_751 {strides = array<i32>} : memref<8x128xi32, #tpu.memory_space<vmem>>, vector<16xi32>,
    %get3A_756 = arith.constant 64 : index
    %get3A_757 = tpu.vector_load %arg8[%get3A_756] {strides = array<i32>} : memref<512xi32, #tpu.memory_space<vmem>>, vector<16xi32>,
    %add3A_758 = arith.constant 3000000 : i32
    %add3A_759 = vector.broadcast %add3A_758 : i32 to vector<16xi32>
    %add3A_760 = arith.addi %get3A_757, %add3A_759 : vector<16xi32>
    %swap3A_761 = arith.constant 6 : i32
    %swap3A_762 = arith.index_cast %swap3A_761 : i32 to index
    %swap3A_763 = arith.constant 64 : index
    %swap3A_764 = tpu.vector_load %arg12[%swap3A_762, %swap3A_763] {strides = array<i32>} : memref<8x128xi32, #tpu.memory_space<vmem>>, vector<16xi32>,
    tpu.vector_store %arg12[%swap3A_762, %swap3A_763], %add3A_760 {strides = array<i32>} : memref<8x128xi32, #tpu.memory_space<vmem>>, vector<16xi32>,
    %get3A_765 = arith.constant 80 : index
    %get3A_766 = tpu.vector_load %arg8[%get3A_765] {strides = array<i32>} : memref<512xi32, #tpu.memory_space<vmem>>, vector<16xi32>,
    %add3A_767 = arith.constant 3000000 : i32
    %add3A_768 = vector.broadcast %add3A_767 : i32 to vector<16xi32>
    %add3A_769 = arith.addi %get3A_766, %add3A_768 : vector<16xi32>
    %swap3A_770 = arith.constant 6 : i32
    %swap3A_771 = arith.index_cast %swap3A_770 : i32 to index
    %swap3A_772 = arith.constant 80 : index
    %swap3A_773 = tpu.vector_load %arg12[%swap3A_771, %swap3A_772] {strides = array<i32>} : memref<8x128xi32, #tpu.memory_space<vmem>>, vector<16xi32>,
    tpu.vector_store %arg12[%swap3A_771, %swap3A_772], %add3A_769 {strides = array<i32>} : memref<8x128xi32, #tpu.memory_space<vmem>>, vector<16xi32>,
    %get3A_774 = arith.constant 96 : index
    %get3A_775 = tpu.vector_load %arg8[%get3A_774] {strides = array<i32>} : memref<512xi32, #tpu.memory_space<vmem>>, vector<16xi32>,
    %add3A_776 = arith.constant 3000000 : i32
    %add3A_777 = vector.broadcast %add3A_776 : i32 to vector<16xi32>
    %add3A_778 = arith.addi %get3A_775, %add3A_777 : vector<16xi32>
    %swap3A_779 = arith.constant 6 : i32
    %swap3A_780 = arith.index_cast %swap3A_779 : i32 to index
    %swap3A_781 = arith.constant 96 : index
    %swap3A_782 = tpu.vector_load %arg12[%swap3A_780, %swap3A_781] {strides = array<i32>} : memref<8x128xi32, #tpu.memory_space<vmem>>, vector<16xi32>,
    tpu.vector_store %arg12[%swap3A_780, %swap3A_781], %add3A_778 {strides = array<i32>} : memref<8x128xi32, #tpu.memory_space<vmem>>, vector<16xi32>,
    %get3A_783 = arith.constant 112 : index
    %get3A_784 = tpu.vector_load %arg8[%get3A_783] {strides = array<i32>} : memref<512xi32, #tpu.memory_space<vmem>>, vector<16xi32>,
    %add3A_785 = arith.constant 3000000 : i32
    %add3A_786 = vector.broadcast %add3A_785 : i32 to vector<16xi32>
    %add3A_787 = arith.addi %get3A_784, %add3A_786 : vector<16xi32>
    %swap3A_788 = arith.constant 6 : i32
    %swap3A_789 = arith.index_cast %swap3A_788 : i32 to index
    %swap3A_790 = arith.constant 112 : index
    %swap3A_791 = tpu.vector_load %arg12[%swap3A_789, %swap3A_790] {strides = array<i32>} : memref<8x128xi32, #tpu.memory_space<vmem>>, vector<16xi32>,
    tpu.vector_store %arg12[%swap3A_789, %swap3A_790], %add3A_787 {strides = array<i32>} : memref<8x128xi32, #tpu.memory_space<vmem>>, vector<16xi32>,
    %get3A_792 = arith.constant 128 : index
    %get3A_793 = tpu.vector_load %arg8[%get3A_792] {strides = array<i32>} : memref<512xi32, #tpu.memory_space<vmem>>, vector<16xi32>,
    %add3A_794 = arith.constant 3000000 : i32
    %add3A_795 = vector.broadcast %add3A_794 : i32 to vector<16xi32>
    %add3A_796 = arith.addi %get3A_793, %add3A_795 : vector<16xi32>
    %swap3A_797 = arith.constant 7 : i32
    %swap3A_798 = arith.index_cast %swap3A_797 : i32 to index
    %swap3A_799 = arith.constant 0 : index
    %swap3A_800 = tpu.vector_load %arg12[%swap3A_798, %swap3A_799] {strides = array<i32>} : memref<8x128xi32, #tpu.memory_space<vmem>>, vector<16xi32>,
    tpu.vector_store %arg12[%swap3A_798, %swap3A_799], %add3A_796 {strides = array<i32>} : memref<8x128xi32, #tpu.memory_space<vmem>>, vector<16xi32>,
    %get3A_801 = arith.constant 144 : index
    %get3A_802 = tpu.vector_load %arg8[%get3A_801] {strides = array<i32>} : memref<512xi32, #tpu.memory_space<vmem>>, vector<16xi32>,
    %add3A_803 = arith.constant 3000000 : i32
    %add3A_804 = vector.broadcast %add3A_803 : i32 to vector<16xi32>
    %add3A_805 = arith.addi %get3A_802, %add3A_804 : vector<16xi32>
    %swap3A_806 = arith.constant 7 : i32
    %swap3A_807 = arith.index_cast %swap3A_806 : i32 to index
    %swap3A_808 = arith.constant 16 : index
    %swap3A_809 = tpu.vector_load %arg12[%swap3A_807, %swap3A_808] {strides = array<i32>} : memref<8x128xi32, #tpu.memory_space<vmem>>, vector<16xi32>,
    tpu.vector_store %arg12[%swap3A_807, %swap3A_808], %add3A_805 {strides = array<i32>} : memref<8x128xi32, #tpu.memory_space<vmem>>, vector<16xi32>,
    %get3A_810 = arith.constant 160 : index
    %get3A_811 = tpu.vector_load %arg8[%get3A_810] {strides = array<i32>} : memref<512xi32, #tpu.memory_space<vmem>>, vector<16xi32>,
    %add3A_812 = arith.constant 3000000 : i32
    %add3A_813 = vector.broadcast %add3A_812 : i32 to vector<16xi32>
    %add3A_814 = arith.addi %get3A_811, %add3A_813 : vector<16xi32>
    %swap3A_815 = arith.constant 7 : i32
    %swap3A_816 = arith.index_cast %swap3A_815 : i32 to index
    %swap3A_817 = arith.constant 32 : index
    %swap3A_818 = tpu.vector_load %arg12[%swap3A_816, %swap3A_817] {strides = array<i32>} : memref<8x128xi32, #tpu.memory_space<vmem>>, vector<16xi32>,
    tpu.vector_store %arg12[%swap3A_816, %swap3A_817], %add3A_814 {strides = array<i32>} : memref<8x128xi32, #tpu.memory_space<vmem>>, vector<16xi32>,
    %get3A_819 = arith.constant 176 : index
    %get3A_820 = tpu.vector_load %arg8[%get3A_819] {strides = array<i32>} : memref<512xi32, #tpu.memory_space<vmem>>, vector<16xi32>,
    %add3A_821 = arith.constant 3000000 : i32
    %add3A_822 = vector.broadcast %add3A_821 : i32 to vector<16xi32>
    %add3A_823 = arith.addi %get3A_820, %add3A_822 : vector<16xi32>
    %swap3A_824 = arith.constant 7 : i32
    %swap3A_825 = arith.index_cast %swap3A_824 : i32 to index
    %swap3A_826 = arith.constant 48 : index
    %swap3A_827 = tpu.vector_load %arg12[%swap3A_825, %swap3A_826] {strides = array<i32>} : memref<8x128xi32, #tpu.memory_space<vmem>>, vector<16xi32>,
    tpu.vector_store %arg12[%swap3A_825, %swap3A_826], %add3A_823 {strides = array<i32>} : memref<8x128xi32, #tpu.memory_space<vmem>>, vector<16xi32>,
    %get3A_828 = arith.constant 192 : index
    %get3A_829 = tpu.vector_load %arg8[%get3A_828] {strides = array<i32>} : memref<512xi32, #tpu.memory_space<vmem>>, vector<16xi32>,
    %add3A_830 = arith.constant 3000000 : i32
    %add3A_831 = vector.broadcast %add3A_830 : i32 to vector<16xi32>
    %add3A_832 = arith.addi %get3A_829, %add3A_831 : vector<16xi32>
    %swap3A_833 = arith.constant 7 : i32
    %swap3A_834 = arith.index_cast %swap3A_833 : i32 to index
    %swap3A_835 = arith.constant 64 : index
    %swap3A_836 = tpu.vector_load %arg12[%swap3A_834, %swap3A_835] {strides = array<i32>} : memref<8x128xi32, #tpu.memory_space<vmem>>, vector<16xi32>,
    tpu.vector_store %arg12[%swap3A_834, %swap3A_835], %add3A_832 {strides = array<i32>} : memref<8x128xi32, #tpu.memory_space<vmem>>, vector<16xi32>,
    %get3A_837 = arith.constant 208 : index
    %get3A_838 = tpu.vector_load %arg8[%get3A_837] {strides = array<i32>} : memref<512xi32, #tpu.memory_space<vmem>>, vector<16xi32>,
    %add3A_839 = arith.constant 3000000 : i32
    %add3A_840 = vector.broadcast %add3A_839 : i32 to vector<16xi32>
    %add3A_841 = arith.addi %get3A_838, %add3A_840 : vector<16xi32>
    %swap3A_842 = arith.constant 7 : i32
    %swap3A_843 = arith.index_cast %swap3A_842 : i32 to index
    %swap3A_844 = arith.constant 80 : index
    %swap3A_845 = tpu.vector_load %arg12[%swap3A_843, %swap3A_844] {strides = array<i32>} : memref<8x128xi32, #tpu.memory_space<vmem>>, vector<16xi32>,
    tpu.vector_store %arg12[%swap3A_843, %swap3A_844], %add3A_841 {strides = array<i32>} : memref<8x128xi32, #tpu.memory_space<vmem>>, vector<16xi32>,
    %get3A_846 = arith.constant 224 : index
    %get3A_847 = tpu.vector_load %arg8[%get3A_846] {strides = array<i32>} : memref<512xi32, #tpu.memory_space<vmem>>, vector<16xi32>,
    %add3A_848 = arith.constant 3000000 : i32
    %add3A_849 = vector.broadcast %add3A_848 : i32 to vector<16xi32>
    %add3A_850 = arith.addi %get3A_847, %add3A_849 : vector<16xi32>
    %swap3A_851 = arith.constant 7 : i32
    %swap3A_852 = arith.index_cast %swap3A_851 : i32 to index
    %swap3A_853 = arith.constant 96 : index
    %swap3A_854 = tpu.vector_load %arg12[%swap3A_852, %swap3A_853] {strides = array<i32>} : memref<8x128xi32, #tpu.memory_space<vmem>>, vector<16xi32>,
    tpu.vector_store %arg12[%swap3A_852, %swap3A_853], %add3A_850 {strides = array<i32>} : memref<8x128xi32, #tpu.memory_space<vmem>>, vector<16xi32>,
    %get3A_855 = arith.constant 240 : index
    %get3A_856 = tpu.vector_load %arg8[%get3A_855] {strides = array<i32>} : memref<512xi32, #tpu.memory_space<vmem>>, vector<16xi32>,
    %add3A_857 = arith.constant 3000000 : i32
    %add3A_858 = vector.broadcast %add3A_857 : i32 to vector<16xi32>
    %add3A_859 = arith.addi %get3A_856, %add3A_858 : vector<16xi32>
    %swap3A_860 = arith.constant 7 : i32
    %swap3A_861 = arith.index_cast %swap3A_860 : i32 to index
    %swap3A_862 = arith.constant 112 : index
    %swap3A_863 = tpu.vector_load %arg12[%swap3A_861, %swap3A_862] {strides = array<i32>} : memref<8x128xi32, #tpu.memory_space<vmem>>, vector<16xi32>,
    tpu.vector_store %arg12[%swap3A_861, %swap3A_862], %add3A_859 {strides = array<i32>} : memref<8x128xi32, #tpu.memory_space<vmem>>, vector<16xi32>,
    %dma_start3A = arith.constant 0 : i32
    %dma_start3A_864 = arith.constant 0 : i32
    %dma_start3A_865 = arith.constant 0 : i32
    %dma_start3A_866 = tpu.memref_slice %arg13[%dma_start3A_864, %dma_start3A_865] : memref<256x128xf32, #tpu.memory_space<vmem>> -> memref<128x128xf32, #tpu.memory_space<vmem>>
    %dma_start3A_867 = arith.constant 0 : i32
    %dma_start3A_868 = tpu.memref_slice %arg10[%dma_start3A, %dma_start3A_867] : memref<2x128xi32, #tpu.memory_space<vmem>> -> memref<1x128xi32, #tpu.memory_space<vmem>>
    %dma_start3A_869 = tpu.memref_squeeze %dma_start3A_868 : memref<1x128xi32, #tpu.memory_space<vmem>> -> memref<128xi32, #tpu.memory_space<vmem>>
    %dma_start3A_870 = arith.constant 0 : i32
    %dma_start3A_871 = arith.constant 0 : i32
    %dma_start3A_872 = tpu.memref_slice %arg4[%dma_start3A_870, %dma_start3A_871] : memref<250000x128xf32, #tpu.memory_space<hbm>> -> memref<250000x128xf32, #tpu.memory_space<hbm>>
    tpu.enqueue_indirect_dma source(%dma_start3A_872 : memref<250000x128xf32, #tpu.memory_space<hbm>>) target(%dma_start3A_866 : memref<128x128xf32, #tpu.memory_space<vmem>>) offsets(%dma_start3A_869 : memref<128xi32, #tpu.memory_space<vmem>>) semaphore(%arg17 : memref<!tpu.dma_semaphore, #tpu.memory_space<semaphore_mem>>)
    %dma_start3A_873 = arith.constant 0 : i32
    %dma_start3A_874 = arith.constant 0 : i32
    %dma_start3A_875 = arith.constant 0 : i32
    %dma_start3A_876 = tpu.memref_slice %arg14[%dma_start3A_874, %dma_start3A_875] : memref<256x128xf32, #tpu.memory_space<vmem>> -> memref<128x128xf32, #tpu.memory_space<vmem>>
    %dma_start3A_877 = arith.constant 0 : i32
    %dma_start3A_878 = tpu.memref_slice %arg11[%dma_start3A_873, %dma_start3A_877] : memref<2x128xi32, #tpu.memory_space<vmem>> -> memref<1x128xi32, #tpu.memory_space<vmem>>
    %dma_start3A_879 = tpu.memref_squeeze %dma_start3A_878 : memref<1x128xi32, #tpu.memory_space<vmem>> -> memref<128xi32, #tpu.memory_space<vmem>>
    %dma_start3A_880 = arith.constant 0 : i32
    %dma_start3A_881 = arith.constant 0 : i32
    %dma_start3A_882 = tpu.memref_slice %arg5[%dma_start3A_880, %dma_start3A_881] : memref<250000x128xf32, #tpu.memory_space<hbm>> -> memref<250000x128xf32, #tpu.memory_space<hbm>>
    tpu.enqueue_indirect_dma source(%dma_start3A_882 : memref<250000x128xf32, #tpu.memory_space<hbm>>) target(%dma_start3A_876 : memref<128x128xf32, #tpu.memory_space<vmem>>) offsets(%dma_start3A_879 : memref<128xi32, #tpu.memory_space<vmem>>) semaphore(%arg17 : memref<!tpu.dma_semaphore, #tpu.memory_space<semaphore_mem>>)
    %dma_start3A_883 = arith.constant 1 : i32
    %dma_start3A_884 = arith.constant 128 : i32
    %dma_start3A_885 = arith.constant 0 : i32
    %dma_start3A_886 = tpu.memref_slice %arg13[%dma_start3A_884, %dma_start3A_885] : memref<256x128xf32, #tpu.memory_space<vmem>> -> memref<128x128xf32, #tpu.memory_space<vmem>>
    %dma_start3A_887 = arith.constant 0 : i32
    %dma_start3A_888 = tpu.memref_slice %arg10[%dma_start3A_883, %dma_start3A_887] : memref<2x128xi32, #tpu.memory_space<vmem>> -> memref<1x128xi32, #tpu.memory_space<vmem>>
    %dma_start3A_889 = tpu.memref_squeeze %dma_start3A_888 : memref<1x128xi32, #tpu.memory_space<vmem>> -> memref<128xi32, #tpu.memory_space<vmem>>
    %dma_start3A_890 = arith.constant 0 : i32
    %dma_start3A_891 = arith.constant 0 : i32
    %dma_start3A_892 = tpu.memref_slice %arg4[%dma_start3A_890, %dma_start3A_891] : memref<250000x128xf32, #tpu.memory_space<hbm>> -> memref<250000x128xf32, #tpu.memory_space<hbm>>
    tpu.enqueue_indirect_dma source(%dma_start3A_892 : memref<250000x128xf32, #tpu.memory_space<hbm>>) target(%dma_start3A_886 : memref<128x128xf32, #tpu.memory_space<vmem>>) offsets(%dma_start3A_889 : memref<128xi32, #tpu.memory_space<vmem>>) semaphore(%arg17 : memref<!tpu.dma_semaphore, #tpu.memory_space<semaphore_mem>>)
    %dma_start3A_893 = arith.constant 1 : i32
    %dma_start3A_894 = arith.constant 128 : i32
    %dma_start3A_895 = arith.constant 0 : i32
    %dma_start3A_896 = tpu.memref_slice %arg14[%dma_start3A_894, %dma_start3A_895] : memref<256x128xf32, #tpu.memory_space<vmem>> -> memref<128x128xf32, #tpu.memory_space<vmem>>
    %dma_start3A_897 = arith.constant 0 : i32
    %dma_start3A_898 = tpu.memref_slice %arg11[%dma_start3A_893, %dma_start3A_897] : memref<2x128xi32, #tpu.memory_space<vmem>> -> memref<1x128xi32, #tpu.memory_space<vmem>>
    %dma_start3A_899 = tpu.memref_squeeze %dma_start3A_898 : memref<1x128xi32, #tpu.memory_space<vmem>> -> memref<128xi32, #tpu.memory_space<vmem>>
    %dma_start3A_900 = arith.constant 0 : i32
    %dma_start3A_901 = arith.constant 0 : i32
    %dma_start3A_902 = tpu.memref_slice %arg5[%dma_start3A_900, %dma_start3A_901] : memref<250000x128xf32, #tpu.memory_space<hbm>> -> memref<250000x128xf32, #tpu.memory_space<hbm>>
    tpu.enqueue_indirect_dma source(%dma_start3A_902 : memref<250000x128xf32, #tpu.memory_space<hbm>>) target(%dma_start3A_896 : memref<128x128xf32, #tpu.memory_space<vmem>>) offsets(%dma_start3A_899 : memref<128xi32, #tpu.memory_space<vmem>>) semaphore(%arg17 : memref<!tpu.dma_semaphore, #tpu.memory_space<semaphore_mem>>)
    %dma_start3A_903 = arith.constant 0 : i32
    %dma_start3A_904 = arith.constant 0 : i32
    %dma_start3A_905 = arith.constant 0 : i32
    %dma_start3A_906 = tpu.memref_slice %arg15[%dma_start3A_904, %dma_start3A_905] : memref<8x128xf32, #tpu.memory_space<vmem>> -> memref<1x128xf32, #tpu.memory_space<vmem>>
    %dma_start3A_907 = tpu.memref_squeeze %dma_start3A_906 : memref<1x128xf32, #tpu.memory_space<vmem>> -> memref<128xf32, #tpu.memory_space<vmem>>
    %dma_start3A_908 = arith.constant 0 : i32
    %dma_start3A_909 = tpu.memref_slice %arg12[%dma_start3A_903, %dma_start3A_908] : memref<8x128xi32, #tpu.memory_space<vmem>> -> memref<1x128xi32, #tpu.memory_space<vmem>>
    %dma_start3A_910 = tpu.memref_squeeze %dma_start3A_909 : memref<1x128xi32, #tpu.memory_space<vmem>> -> memref<128xi32, #tpu.memory_space<vmem>>
    %dma_start3A_911 = arith.constant 0 : i32
    %dma_start3A_912 = tpu.memref_slice %arg6[%dma_start3A_911] : memref<4000000xf32, #tpu.memory_space<hbm>> -> memref<4000000xf32, #tpu.memory_space<hbm>>
    tpu.enqueue_indirect_dma source(%dma_start3A_912 : memref<4000000xf32, #tpu.memory_space<hbm>>) target(%dma_start3A_907 : memref<128xf32, #tpu.memory_space<vmem>>) offsets(%dma_start3A_910 : memref<128xi32, #tpu.memory_space<vmem>>) semaphore(%arg17 : memref<!tpu.dma_semaphore, #tpu.memory_space<semaphore_mem>>)
    %dma_start3A_913 = arith.constant 1 : i32
    %dma_start3A_914 = arith.constant 1 : i32
    %dma_start3A_915 = arith.constant 0 : i32
    %dma_start3A_916 = tpu.memref_slice %arg15[%dma_start3A_914, %dma_start3A_915] : memref<8x128xf32, #tpu.memory_space<vmem>> -> memref<1x128xf32, #tpu.memory_space<vmem>>
    %dma_start3A_917 = tpu.memref_squeeze %dma_start3A_916 : memref<1x128xf32, #tpu.memory_space<vmem>> -> memref<128xf32, #tpu.memory_space<vmem>>
    %dma_start3A_918 = arith.constant 0 : i32
    %dma_start3A_919 = tpu.memref_slice %arg12[%dma_start3A_913, %dma_start3A_918] : memref<8x128xi32, #tpu.memory_space<vmem>> -> memref<1x128xi32, #tpu.memory_space<vmem>>
    %dma_start3A_920 = tpu.memref_squeeze %dma_start3A_919 : memref<1x128xi32, #tpu.memory_space<vmem>> -> memref<128xi32, #tpu.memory_space<vmem>>
    %dma_start3A_921 = arith.constant 0 : i32
    %dma_start3A_922 = tpu.memref_slice %arg6[%dma_start3A_921] : memref<4000000xf32, #tpu.memory_space<hbm>> -> memref<4000000xf32, #tpu.memory_space<hbm>>
    tpu.enqueue_indirect_dma source(%dma_start3A_922 : memref<4000000xf32, #tpu.memory_space<hbm>>) target(%dma_start3A_917 : memref<128xf32, #tpu.memory_space<vmem>>) offsets(%dma_start3A_920 : memref<128xi32, #tpu.memory_space<vmem>>) semaphore(%arg17 : memref<!tpu.dma_semaphore, #tpu.memory_space<semaphore_mem>>)
    %dma_start3A_923 = arith.constant 2 : i32
    %dma_start3A_924 = arith.constant 2 : i32
    %dma_start3A_925 = arith.constant 0 : i32
    %dma_start3A_926 = tpu.memref_slice %arg15[%dma_start3A_924, %dma_start3A_925] : memref<8x128xf32, #tpu.memory_space<vmem>> -> memref<1x128xf32, #tpu.memory_space<vmem>>
    %dma_start3A_927 = tpu.memref_squeeze %dma_start3A_926 : memref<1x128xf32, #tpu.memory_space<vmem>> -> memref<128xf32, #tpu.memory_space<vmem>>
    %dma_start3A_928 = arith.constant 0 : i32
    %dma_start3A_929 = tpu.memref_slice %arg12[%dma_start3A_923, %dma_start3A_928] : memref<8x128xi32, #tpu.memory_space<vmem>> -> memref<1x128xi32, #tpu.memory_space<vmem>>
    %dma_start3A_930 = tpu.memref_squeeze %dma_start3A_929 : memref<1x128xi32, #tpu.memory_space<vmem>> -> memref<128xi32, #tpu.memory_space<vmem>>
    %dma_start3A_931 = arith.constant 0 : i32
    %dma_start3A_932 = tpu.memref_slice %arg6[%dma_start3A_931] : memref<4000000xf32, #tpu.memory_space<hbm>> -> memref<4000000xf32, #tpu.memory_space<hbm>>
    tpu.enqueue_indirect_dma source(%dma_start3A_932 : memref<4000000xf32, #tpu.memory_space<hbm>>) target(%dma_start3A_927 : memref<128xf32, #tpu.memory_space<vmem>>) offsets(%dma_start3A_930 : memref<128xi32, #tpu.memory_space<vmem>>) semaphore(%arg17 : memref<!tpu.dma_semaphore, #tpu.memory_space<semaphore_mem>>)
    %dma_start3A_933 = arith.constant 3 : i32
    %dma_start3A_934 = arith.constant 3 : i32
    %dma_start3A_935 = arith.constant 0 : i32
    %dma_start3A_936 = tpu.memref_slice %arg15[%dma_start3A_934, %dma_start3A_935] : memref<8x128xf32, #tpu.memory_space<vmem>> -> memref<1x128xf32, #tpu.memory_space<vmem>>
    %dma_start3A_937 = tpu.memref_squeeze %dma_start3A_936 : memref<1x128xf32, #tpu.memory_space<vmem>> -> memref<128xf32, #tpu.memory_space<vmem>>
    %dma_start3A_938 = arith.constant 0 : i32
    %dma_start3A_939 = tpu.memref_slice %arg12[%dma_start3A_933, %dma_start3A_938] : memref<8x128xi32, #tpu.memory_space<vmem>> -> memref<1x128xi32, #tpu.memory_space<vmem>>
    %dma_start3A_940 = tpu.memref_squeeze %dma_start3A_939 : memref<1x128xi32, #tpu.memory_space<vmem>> -> memref<128xi32, #tpu.memory_space<vmem>>
    %dma_start3A_941 = arith.constant 0 : i32
    %dma_start3A_942 = tpu.memref_slice %arg6[%dma_start3A_941] : memref<4000000xf32, #tpu.memory_space<hbm>> -> memref<4000000xf32, #tpu.memory_space<hbm>>
    tpu.enqueue_indirect_dma source(%dma_start3A_942 : memref<4000000xf32, #tpu.memory_space<hbm>>) target(%dma_start3A_937 : memref<128xf32, #tpu.memory_space<vmem>>) offsets(%dma_start3A_940 : memref<128xi32, #tpu.memory_space<vmem>>) semaphore(%arg17 : memref<!tpu.dma_semaphore, #tpu.memory_space<semaphore_mem>>)
    %dma_start3A_943 = arith.constant 4 : i32
    %dma_start3A_944 = arith.constant 4 : i32
    %dma_start3A_945 = arith.constant 0 : i32
    %dma_start3A_946 = tpu.memref_slice %arg15[%dma_start3A_944, %dma_start3A_945] : memref<8x128xf32, #tpu.memory_space<vmem>> -> memref<1x128xf32, #tpu.memory_space<vmem>>
    %dma_start3A_947 = tpu.memref_squeeze %dma_start3A_946 : memref<1x128xf32, #tpu.memory_space<vmem>> -> memref<128xf32, #tpu.memory_space<vmem>>
    %dma_start3A_948 = arith.constant 0 : i32
    %dma_start3A_949 = tpu.memref_slice %arg12[%dma_start3A_943, %dma_start3A_948] : memref<8x128xi32, #tpu.memory_space<vmem>> -> memref<1x128xi32, #tpu.memory_space<vmem>>
    %dma_start3A_950 = tpu.memref_squeeze %dma_start3A_949 : memref<1x128xi32, #tpu.memory_space<vmem>> -> memref<128xi32, #tpu.memory_space<vmem>>
    %dma_start3A_951 = arith.constant 0 : i32
    %dma_start3A_952 = tpu.memref_slice %arg6[%dma_start3A_951] : memref<4000000xf32, #tpu.memory_space<hbm>> -> memref<4000000xf32, #tpu.memory_space<hbm>>
    tpu.enqueue_indirect_dma source(%dma_start3A_952 : memref<4000000xf32, #tpu.memory_space<hbm>>) target(%dma_start3A_947 : memref<128xf32, #tpu.memory_space<vmem>>) offsets(%dma_start3A_950 : memref<128xi32, #tpu.memory_space<vmem>>) semaphore(%arg17 : memref<!tpu.dma_semaphore, #tpu.memory_space<semaphore_mem>>)
    %dma_start3A_953 = arith.constant 5 : i32
    %dma_start3A_954 = arith.constant 5 : i32
    %dma_start3A_955 = arith.constant 0 : i32
    %dma_start3A_956 = tpu.memref_slice %arg15[%dma_start3A_954, %dma_start3A_955] : memref<8x128xf32, #tpu.memory_space<vmem>> -> memref<1x128xf32, #tpu.memory_space<vmem>>
    %dma_start3A_957 = tpu.memref_squeeze %dma_start3A_956 : memref<1x128xf32, #tpu.memory_space<vmem>> -> memref<128xf32, #tpu.memory_space<vmem>>
    %dma_start3A_958 = arith.constant 0 : i32
    %dma_start3A_959 = tpu.memref_slice %arg12[%dma_start3A_953, %dma_start3A_958] : memref<8x128xi32, #tpu.memory_space<vmem>> -> memref<1x128xi32, #tpu.memory_space<vmem>>
    %dma_start3A_960 = tpu.memref_squeeze %dma_start3A_959 : memref<1x128xi32, #tpu.memory_space<vmem>> -> memref<128xi32, #tpu.memory_space<vmem>>
    %dma_start3A_961 = arith.constant 0 : i32
    %dma_start3A_962 = tpu.memref_slice %arg6[%dma_start3A_961] : memref<4000000xf32, #tpu.memory_space<hbm>> -> memref<4000000xf32, #tpu.memory_space<hbm>>
    tpu.enqueue_indirect_dma source(%dma_start3A_962 : memref<4000000xf32, #tpu.memory_space<hbm>>) target(%dma_start3A_957 : memref<128xf32, #tpu.memory_space<vmem>>) offsets(%dma_start3A_960 : memref<128xi32, #tpu.memory_space<vmem>>) semaphore(%arg17 : memref<!tpu.dma_semaphore, #tpu.memory_space<semaphore_mem>>)
    %dma_start3A_963 = arith.constant 6 : i32
    %dma_start3A_964 = arith.constant 6 : i32
    %dma_start3A_965 = arith.constant 0 : i32
    %dma_start3A_966 = tpu.memref_slice %arg15[%dma_start3A_964, %dma_start3A_965] : memref<8x128xf32, #tpu.memory_space<vmem>> -> memref<1x128xf32, #tpu.memory_space<vmem>>
    %dma_start3A_967 = tpu.memref_squeeze %dma_start3A_966 : memref<1x128xf32, #tpu.memory_space<vmem>> -> memref<128xf32, #tpu.memory_space<vmem>>
    %dma_start3A_968 = arith.constant 0 : i32
    %dma_start3A_969 = tpu.memref_slice %arg12[%dma_start3A_963, %dma_start3A_968] : memref<8x128xi32, #tpu.memory_space<vmem>> -> memref<1x128xi32, #tpu.memory_space<vmem>>
    %dma_start3A_970 = tpu.memref_squeeze %dma_start3A_969 : memref<1x128xi32, #tpu.memory_space<vmem>> -> memref<128xi32, #tpu.memory_space<vmem>>
    %dma_start3A_971 = arith.constant 0 : i32
    %dma_start3A_972 = tpu.memref_slice %arg6[%dma_start3A_971] : memref<4000000xf32, #tpu.memory_space<hbm>> -> memref<4000000xf32, #tpu.memory_space<hbm>>
    tpu.enqueue_indirect_dma source(%dma_start3A_972 : memref<4000000xf32, #tpu.memory_space<hbm>>) target(%dma_start3A_967 : memref<128xf32, #tpu.memory_space<vmem>>) offsets(%dma_start3A_970 : memref<128xi32, #tpu.memory_space<vmem>>) semaphore(%arg17 : memref<!tpu.dma_semaphore, #tpu.memory_space<semaphore_mem>>)
    %dma_start3A_973 = arith.constant 7 : i32
    %dma_start3A_974 = arith.constant 7 : i32
    %dma_start3A_975 = arith.constant 0 : i32
    %dma_start3A_976 = tpu.memref_slice %arg15[%dma_start3A_974, %dma_start3A_975] : memref<8x128xf32, #tpu.memory_space<vmem>> -> memref<1x128xf32, #tpu.memory_space<vmem>>
    %dma_start3A_977 = tpu.memref_squeeze %dma_start3A_976 : memref<1x128xf32, #tpu.memory_space<vmem>> -> memref<128xf32, #tpu.memory_space<vmem>>
    %dma_start3A_978 = arith.constant 0 : i32
    %dma_start3A_979 = tpu.memref_slice %arg12[%dma_start3A_973, %dma_start3A_978] : memref<8x128xi32, #tpu.memory_space<vmem>> -> memref<1x128xi32, #tpu.memory_space<vmem>>
    %dma_start3A_980 = tpu.memref_squeeze %dma_start3A_979 : memref<1x128xi32, #tpu.memory_space<vmem>> -> memref<128xi32, #tpu.memory_space<vmem>>
    %dma_start3A_981 = arith.constant 0 : i32
    %dma_start3A_982 = tpu.memref_slice %arg6[%dma_start3A_981] : memref<4000000xf32, #tpu.memory_space<hbm>> -> memref<4000000xf32, #tpu.memory_space<hbm>>
    tpu.enqueue_indirect_dma source(%dma_start3A_982 : memref<4000000xf32, #tpu.memory_space<hbm>>) target(%dma_start3A_977 : memref<128xf32, #tpu.memory_space<vmem>>) offsets(%dma_start3A_980 : memref<128xi32, #tpu.memory_space<vmem>>) semaphore(%arg17 : memref<!tpu.dma_semaphore, #tpu.memory_space<semaphore_mem>>)
    %dma_wait3A = arith.constant 0 : i32
    %dma_wait3A_983 = arith.constant 0 : i32
    %dma_wait3A_984 = arith.constant 0 : i32
    %dma_wait3A_985 = tpu.memref_slice %arg13[%dma_wait3A_983, %dma_wait3A_984] : memref<256x128xf32, #tpu.memory_space<vmem>> -> memref<128x128xf32, #tpu.memory_space<vmem>>
    %dma_wait3A_986 = arith.constant 0 : i32
    %dma_wait3A_987 = tpu.memref_slice %arg10[%dma_wait3A, %dma_wait3A_986] : memref<2x128xi32, #tpu.memory_space<vmem>> -> memref<1x128xi32, #tpu.memory_space<vmem>>
    %dma_wait3A_988 = tpu.memref_squeeze %dma_wait3A_987 : memref<1x128xi32, #tpu.memory_space<vmem>> -> memref<128xi32, #tpu.memory_space<vmem>>
    %dma_wait3A_989 = arith.constant 0 : i32
    %dma_wait3A_990 = arith.constant 0 : i32
    %dma_wait3A_991 = tpu.memref_slice %arg4[%dma_wait3A_989, %dma_wait3A_990] : memref<250000x128xf32, #tpu.memory_space<hbm>> -> memref<250000x128xf32, #tpu.memory_space<hbm>>
    tpu.wait_indirect_dma semaphore(%arg17 : memref<!tpu.dma_semaphore, #tpu.memory_space<semaphore_mem>>) src(%dma_wait3A_991 : memref<250000x128xf32, #tpu.memory_space<hbm>>) dst(%dma_wait3A_985 : memref<128x128xf32, #tpu.memory_space<vmem>>)
    %dma_wait3A_992 = arith.constant 0 : i32
    %dma_wait3A_993 = arith.constant 0 : i32
    %dma_wait3A_994 = arith.constant 0 : i32
    %dma_wait3A_995 = tpu.memref_slice %arg14[%dma_wait3A_993, %dma_wait3A_994] : memref<256x128xf32, #tpu.memory_space<vmem>> -> memref<128x128xf32, #tpu.memory_space<vmem>>
    %dma_wait3A_996 = arith.constant 0 : i32
    %dma_wait3A_997 = tpu.memref_slice %arg11[%dma_wait3A_992, %dma_wait3A_996] : memref<2x128xi32, #tpu.memory_space<vmem>> -> memref<1x128xi32, #tpu.memory_space<vmem>>
    %dma_wait3A_998 = tpu.memref_squeeze %dma_wait3A_997 : memref<1x128xi32, #tpu.memory_space<vmem>> -> memref<128xi32, #tpu.memory_space<vmem>>
    %dma_wait3A_999 = arith.constant 0 : i32
    %dma_wait3A_1000 = arith.constant 0 : i32
    %dma_wait3A_1001 = tpu.memref_slice %arg5[%dma_wait3A_999, %dma_wait3A_1000] : memref<250000x128xf32, #tpu.memory_space<hbm>> -> memref<250000x128xf32, #tpu.memory_space<hbm>>
    tpu.wait_indirect_dma semaphore(%arg17 : memref<!tpu.dma_semaphore, #tpu.memory_space<semaphore_mem>>) src(%dma_wait3A_1001 : memref<250000x128xf32, #tpu.memory_space<hbm>>) dst(%dma_wait3A_995 : memref<128x128xf32, #tpu.memory_space<vmem>>)
    %dma_wait3A_1002 = arith.constant 1 : i32
    %dma_wait3A_1003 = arith.constant 128 : i32
    %dma_wait3A_1004 = arith.constant 0 : i32
    %dma_wait3A_1005 = tpu.memref_slice %arg13[%dma_wait3A_1003, %dma_wait3A_1004] : memref<256x128xf32, #tpu.memory_space<vmem>> -> memref<128x128xf32, #tpu.memory_space<vmem>>
    %dma_wait3A_1006 = arith.constant 0 : i32
    %dma_wait3A_1007 = tpu.memref_slice %arg10[%dma_wait3A_1002, %dma_wait3A_1006] : memref<2x128xi32, #tpu.memory_space<vmem>> -> memref<1x128xi32, #tpu.memory_space<vmem>>
    %dma_wait3A_1008 = tpu.memref_squeeze %dma_wait3A_1007 : memref<1x128xi32, #tpu.memory_space<vmem>> -> memref<128xi32, #tpu.memory_space<vmem>>
    %dma_wait3A_1009 = arith.constant 0 : i32
    %dma_wait3A_1010 = arith.constant 0 : i32
    %dma_wait3A_1011 = tpu.memref_slice %arg4[%dma_wait3A_1009, %dma_wait3A_1010] : memref<250000x128xf32, #tpu.memory_space<hbm>> -> memref<250000x128xf32, #tpu.memory_space<hbm>>
    tpu.wait_indirect_dma semaphore(%arg17 : memref<!tpu.dma_semaphore, #tpu.memory_space<semaphore_mem>>) src(%dma_wait3A_1011 : memref<250000x128xf32, #tpu.memory_space<hbm>>) dst(%dma_wait3A_1005 : memref<128x128xf32, #tpu.memory_space<vmem>>)
    %dma_wait3A_1012 = arith.constant 1 : i32
    %dma_wait3A_1013 = arith.constant 128 : i32
    %dma_wait3A_1014 = arith.constant 0 : i32
    %dma_wait3A_1015 = tpu.memref_slice %arg14[%dma_wait3A_1013, %dma_wait3A_1014] : memref<256x128xf32, #tpu.memory_space<vmem>> -> memref<128x128xf32, #tpu.memory_space<vmem>>
    %dma_wait3A_1016 = arith.constant 0 : i32
    %dma_wait3A_1017 = tpu.memref_slice %arg11[%dma_wait3A_1012, %dma_wait3A_1016] : memref<2x128xi32, #tpu.memory_space<vmem>> -> memref<1x128xi32, #tpu.memory_space<vmem>>
    %dma_wait3A_1018 = tpu.memref_squeeze %dma_wait3A_1017 : memref<1x128xi32, #tpu.memory_space<vmem>> -> memref<128xi32, #tpu.memory_space<vmem>>
    %dma_wait3A_1019 = arith.constant 0 : i32
    %dma_wait3A_1020 = arith.constant 0 : i32
    %dma_wait3A_1021 = tpu.memref_slice %arg5[%dma_wait3A_1019, %dma_wait3A_1020] : memref<250000x128xf32, #tpu.memory_space<hbm>> -> memref<250000x128xf32, #tpu.memory_space<hbm>>
    tpu.wait_indirect_dma semaphore(%arg17 : memref<!tpu.dma_semaphore, #tpu.memory_space<semaphore_mem>>) src(%dma_wait3A_1021 : memref<250000x128xf32, #tpu.memory_space<hbm>>) dst(%dma_wait3A_1015 : memref<128x128xf32, #tpu.memory_space<vmem>>)
    %dma_wait3A_1022 = arith.constant 0 : i32
    %dma_wait3A_1023 = arith.constant 0 : i32
    %dma_wait3A_1024 = arith.constant 0 : i32
    %dma_wait3A_1025 = tpu.memref_slice %arg15[%dma_wait3A_1023, %dma_wait3A_1024] : memref<8x128xf32, #tpu.memory_space<vmem>> -> memref<1x128xf32, #tpu.memory_space<vmem>>
    %dma_wait3A_1026 = tpu.memref_squeeze %dma_wait3A_1025 : memref<1x128xf32, #tpu.memory_space<vmem>> -> memref<128xf32, #tpu.memory_space<vmem>>
    %dma_wait3A_1027 = arith.constant 0 : i32
    %dma_wait3A_1028 = tpu.memref_slice %arg12[%dma_wait3A_1022, %dma_wait3A_1027] : memref<8x128xi32, #tpu.memory_space<vmem>> -> memref<1x128xi32, #tpu.memory_space<vmem>>
    %dma_wait3A_1029 = tpu.memref_squeeze %dma_wait3A_1028 : memref<1x128xi32, #tpu.memory_space<vmem>> -> memref<128xi32, #tpu.memory_space<vmem>>
    %dma_wait3A_1030 = arith.constant 0 : i32
    %dma_wait3A_1031 = tpu.memref_slice %arg6[%dma_wait3A_1030] : memref<4000000xf32, #tpu.memory_space<hbm>> -> memref<4000000xf32, #tpu.memory_space<hbm>>
    tpu.wait_indirect_dma semaphore(%arg17 : memref<!tpu.dma_semaphore, #tpu.memory_space<semaphore_mem>>) src(%dma_wait3A_1031 : memref<4000000xf32, #tpu.memory_space<hbm>>) dst(%dma_wait3A_1026 : memref<128xf32, #tpu.memory_space<vmem>>)
    %dma_wait3A_1032 = arith.constant 1 : i32
    %dma_wait3A_1033 = arith.constant 1 : i32
    %dma_wait3A_1034 = arith.constant 0 : i32
    %dma_wait3A_1035 = tpu.memref_slice %arg15[%dma_wait3A_1033, %dma_wait3A_1034] : memref<8x128xf32, #tpu.memory_space<vmem>> -> memref<1x128xf32, #tpu.memory_space<vmem>>
    %dma_wait3A_1036 = tpu.memref_squeeze %dma_wait3A_1035 : memref<1x128xf32, #tpu.memory_space<vmem>> -> memref<128xf32, #tpu.memory_space<vmem>>
    %dma_wait3A_1037 = arith.constant 0 : i32
    %dma_wait3A_1038 = tpu.memref_slice %arg12[%dma_wait3A_1032, %dma_wait3A_1037] : memref<8x128xi32, #tpu.memory_space<vmem>> -> memref<1x128xi32, #tpu.memory_space<vmem>>
    %dma_wait3A_1039 = tpu.memref_squeeze %dma_wait3A_1038 : memref<1x128xi32, #tpu.memory_space<vmem>> -> memref<128xi32, #tpu.memory_space<vmem>>
    %dma_wait3A_1040 = arith.constant 0 : i32
    %dma_wait3A_1041 = tpu.memref_slice %arg6[%dma_wait3A_1040] : memref<4000000xf32, #tpu.memory_space<hbm>> -> memref<4000000xf32, #tpu.memory_space<hbm>>
    tpu.wait_indirect_dma semaphore(%arg17 : memref<!tpu.dma_semaphore, #tpu.memory_space<semaphore_mem>>) src(%dma_wait3A_1041 : memref<4000000xf32, #tpu.memory_space<hbm>>) dst(%dma_wait3A_1036 : memref<128xf32, #tpu.memory_space<vmem>>)
    %dma_wait3A_1042 = arith.constant 2 : i32
    %dma_wait3A_1043 = arith.constant 2 : i32
    %dma_wait3A_1044 = arith.constant 0 : i32
    %dma_wait3A_1045 = tpu.memref_slice %arg15[%dma_wait3A_1043, %dma_wait3A_1044] : memref<8x128xf32, #tpu.memory_space<vmem>> -> memref<1x128xf32, #tpu.memory_space<vmem>>
    %dma_wait3A_1046 = tpu.memref_squeeze %dma_wait3A_1045 : memref<1x128xf32, #tpu.memory_space<vmem>> -> memref<128xf32, #tpu.memory_space<vmem>>
    %dma_wait3A_1047 = arith.constant 0 : i32
    %dma_wait3A_1048 = tpu.memref_slice %arg12[%dma_wait3A_1042, %dma_wait3A_1047] : memref<8x128xi32, #tpu.memory_space<vmem>> -> memref<1x128xi32, #tpu.memory_space<vmem>>
    %dma_wait3A_1049 = tpu.memref_squeeze %dma_wait3A_1048 : memref<1x128xi32, #tpu.memory_space<vmem>> -> memref<128xi32, #tpu.memory_space<vmem>>
    %dma_wait3A_1050 = arith.constant 0 : i32
    %dma_wait3A_1051 = tpu.memref_slice %arg6[%dma_wait3A_1050] : memref<4000000xf32, #tpu.memory_space<hbm>> -> memref<4000000xf32, #tpu.memory_space<hbm>>
    tpu.wait_indirect_dma semaphore(%arg17 : memref<!tpu.dma_semaphore, #tpu.memory_space<semaphore_mem>>) src(%dma_wait3A_1051 : memref<4000000xf32, #tpu.memory_space<hbm>>) dst(%dma_wait3A_1046 : memref<128xf32, #tpu.memory_space<vmem>>)
    %dma_wait3A_1052 = arith.constant 3 : i32
    %dma_wait3A_1053 = arith.constant 3 : i32
    %dma_wait3A_1054 = arith.constant 0 : i32
    %dma_wait3A_1055 = tpu.memref_slice %arg15[%dma_wait3A_1053, %dma_wait3A_1054] : memref<8x128xf32, #tpu.memory_space<vmem>> -> memref<1x128xf32, #tpu.memory_space<vmem>>
    %dma_wait3A_1056 = tpu.memref_squeeze %dma_wait3A_1055 : memref<1x128xf32, #tpu.memory_space<vmem>> -> memref<128xf32, #tpu.memory_space<vmem>>
    %dma_wait3A_1057 = arith.constant 0 : i32
    %dma_wait3A_1058 = tpu.memref_slice %arg12[%dma_wait3A_1052, %dma_wait3A_1057] : memref<8x128xi32, #tpu.memory_space<vmem>> -> memref<1x128xi32, #tpu.memory_space<vmem>>
    %dma_wait3A_1059 = tpu.memref_squeeze %dma_wait3A_1058 : memref<1x128xi32, #tpu.memory_space<vmem>> -> memref<128xi32, #tpu.memory_space<vmem>>
    %dma_wait3A_1060 = arith.constant 0 : i32
    %dma_wait3A_1061 = tpu.memref_slice %arg6[%dma_wait3A_1060] : memref<4000000xf32, #tpu.memory_space<hbm>> -> memref<4000000xf32, #tpu.memory_space<hbm>>
    tpu.wait_indirect_dma semaphore(%arg17 : memref<!tpu.dma_semaphore, #tpu.memory_space<semaphore_mem>>) src(%dma_wait3A_1061 : memref<4000000xf32, #tpu.memory_space<hbm>>) dst(%dma_wait3A_1056 : memref<128xf32, #tpu.memory_space<vmem>>)
    %dma_wait3A_1062 = arith.constant 4 : i32
    %dma_wait3A_1063 = arith.constant 4 : i32
    %dma_wait3A_1064 = arith.constant 0 : i32
    %dma_wait3A_1065 = tpu.memref_slice %arg15[%dma_wait3A_1063, %dma_wait3A_1064] : memref<8x128xf32, #tpu.memory_space<vmem>> -> memref<1x128xf32, #tpu.memory_space<vmem>>
    %dma_wait3A_1066 = tpu.memref_squeeze %dma_wait3A_1065 : memref<1x128xf32, #tpu.memory_space<vmem>> -> memref<128xf32, #tpu.memory_space<vmem>>
    %dma_wait3A_1067 = arith.constant 0 : i32
    %dma_wait3A_1068 = tpu.memref_slice %arg12[%dma_wait3A_1062, %dma_wait3A_1067] : memref<8x128xi32, #tpu.memory_space<vmem>> -> memref<1x128xi32, #tpu.memory_space<vmem>>
    %dma_wait3A_1069 = tpu.memref_squeeze %dma_wait3A_1068 : memref<1x128xi32, #tpu.memory_space<vmem>> -> memref<128xi32, #tpu.memory_space<vmem>>
    %dma_wait3A_1070 = arith.constant 0 : i32
    %dma_wait3A_1071 = tpu.memref_slice %arg6[%dma_wait3A_1070] : memref<4000000xf32, #tpu.memory_space<hbm>> -> memref<4000000xf32, #tpu.memory_space<hbm>>
    tpu.wait_indirect_dma semaphore(%arg17 : memref<!tpu.dma_semaphore, #tpu.memory_space<semaphore_mem>>) src(%dma_wait3A_1071 : memref<4000000xf32, #tpu.memory_space<hbm>>) dst(%dma_wait3A_1066 : memref<128xf32, #tpu.memory_space<vmem>>)
    %dma_wait3A_1072 = arith.constant 5 : i32
    %dma_wait3A_1073 = arith.constant 5 : i32
    %dma_wait3A_1074 = arith.constant 0 : i32
    %dma_wait3A_1075 = tpu.memref_slice %arg15[%dma_wait3A_1073, %dma_wait3A_1074] : memref<8x128xf32, #tpu.memory_space<vmem>> -> memref<1x128xf32, #tpu.memory_space<vmem>>
    %dma_wait3A_1076 = tpu.memref_squeeze %dma_wait3A_1075 : memref<1x128xf32, #tpu.memory_space<vmem>> -> memref<128xf32, #tpu.memory_space<vmem>>
    %dma_wait3A_1077 = arith.constant 0 : i32
    %dma_wait3A_1078 = tpu.memref_slice %arg12[%dma_wait3A_1072, %dma_wait3A_1077] : memref<8x128xi32, #tpu.memory_space<vmem>> -> memref<1x128xi32, #tpu.memory_space<vmem>>
    %dma_wait3A_1079 = tpu.memref_squeeze %dma_wait3A_1078 : memref<1x128xi32, #tpu.memory_space<vmem>> -> memref<128xi32, #tpu.memory_space<vmem>>
    %dma_wait3A_1080 = arith.constant 0 : i32
    %dma_wait3A_1081 = tpu.memref_slice %arg6[%dma_wait3A_1080] : memref<4000000xf32, #tpu.memory_space<hbm>> -> memref<4000000xf32, #tpu.memory_space<hbm>>
    tpu.wait_indirect_dma semaphore(%arg17 : memref<!tpu.dma_semaphore, #tpu.memory_space<semaphore_mem>>) src(%dma_wait3A_1081 : memref<4000000xf32, #tpu.memory_space<hbm>>) dst(%dma_wait3A_1076 : memref<128xf32, #tpu.memory_space<vmem>>)
    %dma_wait3A_1082 = arith.constant 6 : i32
    %dma_wait3A_1083 = arith.constant 6 : i32
    %dma_wait3A_1084 = arith.constant 0 : i32
    %dma_wait3A_1085 = tpu.memref_slice %arg15[%dma_wait3A_1083, %dma_wait3A_1084] : memref<8x128xf32, #tpu.memory_space<vmem>> -> memref<1x128xf32, #tpu.memory_space<vmem>>
    %dma_wait3A_1086 = tpu.memref_squeeze %dma_wait3A_1085 : memref<1x128xf32, #tpu.memory_space<vmem>> -> memref<128xf32, #tpu.memory_space<vmem>>
    %dma_wait3A_1087 = arith.constant 0 : i32
    %dma_wait3A_1088 = tpu.memref_slice %arg12[%dma_wait3A_1082, %dma_wait3A_1087] : memref<8x128xi32, #tpu.memory_space<vmem>> -> memref<1x128xi32, #tpu.memory_space<vmem>>
    %dma_wait3A_1089 = tpu.memref_squeeze %dma_wait3A_1088 : memref<1x128xi32, #tpu.memory_space<vmem>> -> memref<128xi32, #tpu.memory_space<vmem>>
    %dma_wait3A_1090 = arith.constant 0 : i32
    %dma_wait3A_1091 = tpu.memref_slice %arg6[%dma_wait3A_1090] : memref<4000000xf32, #tpu.memory_space<hbm>> -> memref<4000000xf32, #tpu.memory_space<hbm>>
    tpu.wait_indirect_dma semaphore(%arg17 : memref<!tpu.dma_semaphore, #tpu.memory_space<semaphore_mem>>) src(%dma_wait3A_1091 : memref<4000000xf32, #tpu.memory_space<hbm>>) dst(%dma_wait3A_1086 : memref<128xf32, #tpu.memory_space<vmem>>)
    %dma_wait3A_1092 = arith.constant 7 : i32
    %dma_wait3A_1093 = arith.constant 7 : i32
    %dma_wait3A_1094 = arith.constant 0 : i32
    %dma_wait3A_1095 = tpu.memref_slice %arg15[%dma_wait3A_1093, %dma_wait3A_1094] : memref<8x128xf32, #tpu.memory_space<vmem>> -> memref<1x128xf32, #tpu.memory_space<vmem>>
    %dma_wait3A_1096 = tpu.memref_squeeze %dma_wait3A_1095 : memref<1x128xf32, #tpu.memory_space<vmem>> -> memref<128xf32, #tpu.memory_space<vmem>>
    %dma_wait3A_1097 = arith.constant 0 : i32
    %dma_wait3A_1098 = tpu.memref_slice %arg12[%dma_wait3A_1092, %dma_wait3A_1097] : memref<8x128xi32, #tpu.memory_space<vmem>> -> memref<1x128xi32, #tpu.memory_space<vmem>>
    %dma_wait3A_1099 = tpu.memref_squeeze %dma_wait3A_1098 : memref<1x128xi32, #tpu.memory_space<vmem>> -> memref<128xi32, #tpu.memory_space<vmem>>
    %dma_wait3A_1100 = arith.constant 0 : i32
    %dma_wait3A_1101 = tpu.memref_slice %arg6[%dma_wait3A_1100] : memref<4000000xf32, #tpu.memory_space<hbm>> -> memref<4000000xf32, #tpu.memory_space<hbm>>
    tpu.wait_indirect_dma semaphore(%arg17 : memref<!tpu.dma_semaphore, #tpu.memory_space<semaphore_mem>>) src(%dma_wait3A_1101 : memref<4000000xf32, #tpu.memory_space<hbm>>) dst(%dma_wait3A_1096 : memref<128xf32, #tpu.memory_space<vmem>>)
    %scan3A = arith.constant 0 : i32
    %scan3A_1102 = arith.constant 0 : i32
    %scan3A_1103 = arith.constant 16 : i32
    %scan3A_1104 = arith.addi %scan3A_1102, %scan3A_1103 : i32
    %scan3A_1105 = arith.constant 1 : i32
    scf.for %scan3A_2217 = %scan3A_1102 to %scan3A_1104 step %scan3A_1105  : i32 {
      %mul3A_2218 = arith.constant 16 : i32
      %mul3A_2219 = arith.muli %scan3A_2217, %mul3A_2218 : i32
      %add3A_2220 = vector.broadcast %mul3A_2219 : i32 to vector<16xi32>
      %add3A_2221 = arith.addi %add3A_2220, %iota3A : vector<16xi32>
      %add3A_2222 = arith.constant 0 : i32
      %add3A_2223 = vector.broadcast %add3A_2222 : i32 to vector<16xi32>
      %add3A_2224 = arith.addi %add3A_2223, %add3A_2221 : vector<16xi32>
      %gather3A = tpu.vector_load_idx %arg8[%add3A_2224] : memref<512xi32, #tpu.memory_space<vmem>>[vector<16xi32>], vector<16xi32>,
      %add3A_2225 = arith.constant 0 : i32
      %add3A_2226 = vector.broadcast %add3A_2225 : i32 to vector<16xi32>
      %add3A_2227 = arith.addi %add3A_2226, %add3A_2221 : vector<16xi32>
      %gather3A_2228 = tpu.vector_load_idx %arg9[%add3A_2227] : memref<512xi32, #tpu.memory_space<vmem>>[vector<16xi32>], vector<16xi32>,
      %and3A = arith.constant 3 : i32
      %and3A_2229 = vector.broadcast %and3A : i32 to vector<16xi32>
      %and3A_2230 = arith.andi %gather3A, %and3A_2229 : vector<16xi32>
      %shift_left3A = arith.constant 5 : i32
      %shift_left3A_2231 = vector.broadcast %shift_left3A : i32 to vector<16xi32>
      %shift_left3A_2232 = arith.shli %and3A_2230, %shift_left3A_2231 : vector<16xi32>
      %and3A_2233 = arith.constant 3 : i32
      %and3A_2234 = vector.broadcast %and3A_2233 : i32 to vector<16xi32>
      %and3A_2235 = arith.andi %gather3A_2228, %and3A_2234 : vector<16xi32>
      %shift_left3A_2236 = arith.constant 5 : i32
      %shift_left3A_2237 = vector.broadcast %shift_left3A_2236 : i32 to vector<16xi32>
      %shift_left3A_2238 = arith.shli %and3A_2235, %shift_left3A_2237 : vector<16xi32>
      %broadcast_in_dim3A = arith.constant 0.000000e+00 : f32
      %broadcast_in_dim3A_2239 = vector.broadcast %broadcast_in_dim3A : f32 to vector<16xf32>
      %add3A_2240 = arith.constant 0 : i32
      %add3A_2241 = vector.broadcast %add3A_2240 : i32 to vector<16xi32>
      %add3A_2242 = arith.addi %shift_left3A_2232, %add3A_2241 : vector<16xi32>
      %gather3A_2243 = tpu.vector_load_idx %arg13[%add3A_2221, %add3A_2242] : memref<256x128xf32, #tpu.memory_space<vmem>>[vector<16xi32>, vector<16xi32>], vector<16xf32>,
      %add3A_2244 = arith.constant 0 : i32
      %add3A_2245 = vector.broadcast %add3A_2244 : i32 to vector<16xi32>
      %add3A_2246 = arith.addi %shift_left3A_2238, %add3A_2245 : vector<16xi32>
      %gather3A_2247 = tpu.vector_load_idx %arg14[%add3A_2221, %add3A_2246] : memref<256x128xf32, #tpu.memory_space<vmem>>[vector<16xi32>, vector<16xi32>], vector<16xf32>,
      %mul3A_2248 = arith.mulf %gather3A_2243, %gather3A_2247 : vector<16xf32>
      %add3A_2249 = arith.addf %broadcast_in_dim3A_2239, %mul3A_2248 : vector<16xf32>
      %add3A_2250 = arith.constant 1 : i32
      %add3A_2251 = vector.broadcast %add3A_2250 : i32 to vector<16xi32>
      %add3A_2252 = arith.addi %shift_left3A_2232, %add3A_2251 : vector<16xi32>
      %gather3A_2253 = tpu.vector_load_idx %arg13[%add3A_2221, %add3A_2252] : memref<256x128xf32, #tpu.memory_space<vmem>>[vector<16xi32>, vector<16xi32>], vector<16xf32>,
      %add3A_2254 = arith.constant 1 : i32
      %add3A_2255 = vector.broadcast %add3A_2254 : i32 to vector<16xi32>
      %add3A_2256 = arith.addi %shift_left3A_2238, %add3A_2255 : vector<16xi32>
      %gather3A_2257 = tpu.vector_load_idx %arg14[%add3A_2221, %add3A_2256] : memref<256x128xf32, #tpu.memory_space<vmem>>[vector<16xi32>, vector<16xi32>], vector<16xf32>,
      %mul3A_2258 = arith.mulf %gather3A_2253, %gather3A_2257 : vector<16xf32>
      %add3A_2259 = arith.addf %add3A_2249, %mul3A_2258 : vector<16xf32>
      %add3A_2260 = arith.constant 2 : i32
      %add3A_2261 = vector.broadcast %add3A_2260 : i32 to vector<16xi32>
      %add3A_2262 = arith.addi %shift_left3A_2232, %add3A_2261 : vector<16xi32>
      %gather3A_2263 = tpu.vector_load_idx %arg13[%add3A_2221, %add3A_2262] : memref<256x128xf32, #tpu.memory_space<vmem>>[vector<16xi32>, vector<16xi32>], vector<16xf32>,
      %add3A_2264 = arith.constant 2 : i32
      %add3A_2265 = vector.broadcast %add3A_2264 : i32 to vector<16xi32>
      %add3A_2266 = arith.addi %shift_left3A_2238, %add3A_2265 : vector<16xi32>
      %gather3A_2267 = tpu.vector_load_idx %arg14[%add3A_2221, %add3A_2266] : memref<256x128xf32, #tpu.memory_space<vmem>>[vector<16xi32>, vector<16xi32>], vector<16xf32>,
      %mul3A_2268 = arith.mulf %gather3A_2263, %gather3A_2267 : vector<16xf32>
      %add3A_2269 = arith.addf %add3A_2259, %mul3A_2268 : vector<16xf32>
      %add3A_2270 = arith.constant 3 : i32
      %add3A_2271 = vector.broadcast %add3A_2270 : i32 to vector<16xi32>
      %add3A_2272 = arith.addi %shift_left3A_2232, %add3A_2271 : vector<16xi32>
      %gather3A_2273 = tpu.vector_load_idx %arg13[%add3A_2221, %add3A_2272] : memref<256x128xf32, #tpu.memory_space<vmem>>[vector<16xi32>, vector<16xi32>], vector<16xf32>,
      %add3A_2274 = arith.constant 3 : i32
      %add3A_2275 = vector.broadcast %add3A_2274 : i32 to vector<16xi32>
      %add3A_2276 = arith.addi %shift_left3A_2238, %add3A_2275 : vector<16xi32>
      %gather3A_2277 = tpu.vector_load_idx %arg14[%add3A_2221, %add3A_2276] : memref<256x128xf32, #tpu.memory_space<vmem>>[vector<16xi32>, vector<16xi32>], vector<16xf32>,
      %mul3A_2278 = arith.mulf %gather3A_2273, %gather3A_2277 : vector<16xf32>
      %add3A_2279 = arith.addf %add3A_2269, %mul3A_2278 : vector<16xf32>
      %add3A_2280 = arith.constant 4 : i32
      %add3A_2281 = vector.broadcast %add3A_2280 : i32 to vector<16xi32>
      %add3A_2282 = arith.addi %shift_left3A_2232, %add3A_2281 : vector<16xi32>
      %gather3A_2283 = tpu.vector_load_idx %arg13[%add3A_2221, %add3A_2282] : memref<256x128xf32, #tpu.memory_space<vmem>>[vector<16xi32>, vector<16xi32>], vector<16xf32>,
      %add3A_2284 = arith.constant 4 : i32
      %add3A_2285 = vector.broadcast %add3A_2284 : i32 to vector<16xi32>
      %add3A_2286 = arith.addi %shift_left3A_2238, %add3A_2285 : vector<16xi32>
      %gather3A_2287 = tpu.vector_load_idx %arg14[%add3A_2221, %add3A_2286] : memref<256x128xf32, #tpu.memory_space<vmem>>[vector<16xi32>, vector<16xi32>], vector<16xf32>,
      %mul3A_2288 = arith.mulf %gather3A_2283, %gather3A_2287 : vector<16xf32>
      %add3A_2289 = arith.addf %add3A_2279, %mul3A_2288 : vector<16xf32>
      %add3A_2290 = arith.constant 5 : i32
      %add3A_2291 = vector.broadcast %add3A_2290 : i32 to vector<16xi32>
      %add3A_2292 = arith.addi %shift_left3A_2232, %add3A_2291 : vector<16xi32>
      %gather3A_2293 = tpu.vector_load_idx %arg13[%add3A_2221, %add3A_2292] : memref<256x128xf32, #tpu.memory_space<vmem>>[vector<16xi32>, vector<16xi32>], vector<16xf32>,
      %add3A_2294 = arith.constant 5 : i32
      %add3A_2295 = vector.broadcast %add3A_2294 : i32 to vector<16xi32>
      %add3A_2296 = arith.addi %shift_left3A_2238, %add3A_2295 : vector<16xi32>
      %gather3A_2297 = tpu.vector_load_idx %arg14[%add3A_2221, %add3A_2296] : memref<256x128xf32, #tpu.memory_space<vmem>>[vector<16xi32>, vector<16xi32>], vector<16xf32>,
      %mul3A_2298 = arith.mulf %gather3A_2293, %gather3A_2297 : vector<16xf32>
      %add3A_2299 = arith.addf %add3A_2289, %mul3A_2298 : vector<16xf32>
      %add3A_2300 = arith.constant 6 : i32
      %add3A_2301 = vector.broadcast %add3A_2300 : i32 to vector<16xi32>
      %add3A_2302 = arith.addi %shift_left3A_2232, %add3A_2301 : vector<16xi32>
      %gather3A_2303 = tpu.vector_load_idx %arg13[%add3A_2221, %add3A_2302] : memref<256x128xf32, #tpu.memory_space<vmem>>[vector<16xi32>, vector<16xi32>], vector<16xf32>,
      %add3A_2304 = arith.constant 6 : i32
      %add3A_2305 = vector.broadcast %add3A_2304 : i32 to vector<16xi32>
      %add3A_2306 = arith.addi %shift_left3A_2238, %add3A_2305 : vector<16xi32>
      %gather3A_2307 = tpu.vector_load_idx %arg14[%add3A_2221, %add3A_2306] : memref<256x128xf32, #tpu.memory_space<vmem>>[vector<16xi32>, vector<16xi32>], vector<16xf32>,
      %mul3A_2308 = arith.mulf %gather3A_2303, %gather3A_2307 : vector<16xf32>
      %add3A_2309 = arith.addf %add3A_2299, %mul3A_2308 : vector<16xf32>
      %add3A_2310 = arith.constant 7 : i32
      %add3A_2311 = vector.broadcast %add3A_2310 : i32 to vector<16xi32>
      %add3A_2312 = arith.addi %shift_left3A_2232, %add3A_2311 : vector<16xi32>
      %gather3A_2313 = tpu.vector_load_idx %arg13[%add3A_2221, %add3A_2312] : memref<256x128xf32, #tpu.memory_space<vmem>>[vector<16xi32>, vector<16xi32>], vector<16xf32>,
      %add3A_2314 = arith.constant 7 : i32
      %add3A_2315 = vector.broadcast %add3A_2314 : i32 to vector<16xi32>
      %add3A_2316 = arith.addi %shift_left3A_2238, %add3A_2315 : vector<16xi32>
      %gather3A_2317 = tpu.vector_load_idx %arg14[%add3A_2221, %add3A_2316] : memref<256x128xf32, #tpu.memory_space<vmem>>[vector<16xi32>, vector<16xi32>], vector<16xf32>,
      %mul3A_2318 = arith.mulf %gather3A_2313, %gather3A_2317 : vector<16xf32>
      %add3A_2319 = arith.addf %add3A_2309, %mul3A_2318 : vector<16xf32>
      %add3A_2320 = arith.constant 8 : i32
      %add3A_2321 = vector.broadcast %add3A_2320 : i32 to vector<16xi32>
      %add3A_2322 = arith.addi %shift_left3A_2232, %add3A_2321 : vector<16xi32>
      %gather3A_2323 = tpu.vector_load_idx %arg13[%add3A_2221, %add3A_2322] : memref<256x128xf32, #tpu.memory_space<vmem>>[vector<16xi32>, vector<16xi32>], vector<16xf32>,
      %add3A_2324 = arith.constant 8 : i32
      %add3A_2325 = vector.broadcast %add3A_2324 : i32 to vector<16xi32>
      %add3A_2326 = arith.addi %shift_left3A_2238, %add3A_2325 : vector<16xi32>
      %gather3A_2327 = tpu.vector_load_idx %arg14[%add3A_2221, %add3A_2326] : memref<256x128xf32, #tpu.memory_space<vmem>>[vector<16xi32>, vector<16xi32>], vector<16xf32>,
      %mul3A_2328 = arith.mulf %gather3A_2323, %gather3A_2327 : vector<16xf32>
      %add3A_2329 = arith.addf %add3A_2319, %mul3A_2328 : vector<16xf32>
      %add3A_2330 = arith.constant 9 : i32
      %add3A_2331 = vector.broadcast %add3A_2330 : i32 to vector<16xi32>
      %add3A_2332 = arith.addi %shift_left3A_2232, %add3A_2331 : vector<16xi32>
      %gather3A_2333 = tpu.vector_load_idx %arg13[%add3A_2221, %add3A_2332] : memref<256x128xf32, #tpu.memory_space<vmem>>[vector<16xi32>, vector<16xi32>], vector<16xf32>,
      %add3A_2334 = arith.constant 9 : i32
      %add3A_2335 = vector.broadcast %add3A_2334 : i32 to vector<16xi32>
      %add3A_2336 = arith.addi %shift_left3A_2238, %add3A_2335 : vector<16xi32>
      %gather3A_2337 = tpu.vector_load_idx %arg14[%add3A_2221, %add3A_2336] : memref<256x128xf32, #tpu.memory_space<vmem>>[vector<16xi32>, vector<16xi32>], vector<16xf32>,
      %mul3A_2338 = arith.mulf %gather3A_2333, %gather3A_2337 : vector<16xf32>
      %add3A_2339 = arith.addf %add3A_2329, %mul3A_2338 : vector<16xf32>
      %add3A_2340 = arith.constant 10 : i32
      %add3A_2341 = vector.broadcast %add3A_2340 : i32 to vector<16xi32>
      %add3A_2342 = arith.addi %shift_left3A_2232, %add3A_2341 : vector<16xi32>
      %gather3A_2343 = tpu.vector_load_idx %arg13[%add3A_2221, %add3A_2342] : memref<256x128xf32, #tpu.memory_space<vmem>>[vector<16xi32>, vector<16xi32>], vector<16xf32>,
      %add3A_2344 = arith.constant 10 : i32
      %add3A_2345 = vector.broadcast %add3A_2344 : i32 to vector<16xi32>
      %add3A_2346 = arith.addi %shift_left3A_2238, %add3A_2345 : vector<16xi32>
      %gather3A_2347 = tpu.vector_load_idx %arg14[%add3A_2221, %add3A_2346] : memref<256x128xf32, #tpu.memory_space<vmem>>[vector<16xi32>, vector<16xi32>], vector<16xf32>,
      %mul3A_2348 = arith.mulf %gather3A_2343, %gather3A_2347 : vector<16xf32>
      %add3A_2349 = arith.addf %add3A_2339, %mul3A_2348 : vector<16xf32>
      %add3A_2350 = arith.constant 11 : i32
      %add3A_2351 = vector.broadcast %add3A_2350 : i32 to vector<16xi32>
      %add3A_2352 = arith.addi %shift_left3A_2232, %add3A_2351 : vector<16xi32>
      %gather3A_2353 = tpu.vector_load_idx %arg13[%add3A_2221, %add3A_2352] : memref<256x128xf32, #tpu.memory_space<vmem>>[vector<16xi32>, vector<16xi32>], vector<16xf32>,
      %add3A_2354 = arith.constant 11 : i32
      %add3A_2355 = vector.broadcast %add3A_2354 : i32 to vector<16xi32>
      %add3A_2356 = arith.addi %shift_left3A_2238, %add3A_2355 : vector<16xi32>
      %gather3A_2357 = tpu.vector_load_idx %arg14[%add3A_2221, %add3A_2356] : memref<256x128xf32, #tpu.memory_space<vmem>>[vector<16xi32>, vector<16xi32>], vector<16xf32>,
      %mul3A_2358 = arith.mulf %gather3A_2353, %gather3A_2357 : vector<16xf32>
      %add3A_2359 = arith.addf %add3A_2349, %mul3A_2358 : vector<16xf32>
      %add3A_2360 = arith.constant 12 : i32
      %add3A_2361 = vector.broadcast %add3A_2360 : i32 to vector<16xi32>
      %add3A_2362 = arith.addi %shift_left3A_2232, %add3A_2361 : vector<16xi32>
      %gather3A_2363 = tpu.vector_load_idx %arg13[%add3A_2221, %add3A_2362] : memref<256x128xf32, #tpu.memory_space<vmem>>[vector<16xi32>, vector<16xi32>], vector<16xf32>,
      %add3A_2364 = arith.constant 12 : i32
      %add3A_2365 = vector.broadcast %add3A_2364 : i32 to vector<16xi32>
      %add3A_2366 = arith.addi %shift_left3A_2238, %add3A_2365 : vector<16xi32>
      %gather3A_2367 = tpu.vector_load_idx %arg14[%add3A_2221, %add3A_2366] : memref<256x128xf32, #tpu.memory_space<vmem>>[vector<16xi32>, vector<16xi32>], vector<16xf32>,
      %mul3A_2368 = arith.mulf %gather3A_2363, %gather3A_2367 : vector<16xf32>
      %add3A_2369 = arith.addf %add3A_2359, %mul3A_2368 : vector<16xf32>
      %add3A_2370 = arith.constant 13 : i32
      %add3A_2371 = vector.broadcast %add3A_2370 : i32 to vector<16xi32>
      %add3A_2372 = arith.addi %shift_left3A_2232, %add3A_2371 : vector<16xi32>
      %gather3A_2373 = tpu.vector_load_idx %arg13[%add3A_2221, %add3A_2372] : memref<256x128xf32, #tpu.memory_space<vmem>>[vector<16xi32>, vector<16xi32>], vector<16xf32>,
      %add3A_2374 = arith.constant 13 : i32
      %add3A_2375 = vector.broadcast %add3A_2374 : i32 to vector<16xi32>
      %add3A_2376 = arith.addi %shift_left3A_2238, %add3A_2375 : vector<16xi32>
      %gather3A_2377 = tpu.vector_load_idx %arg14[%add3A_2221, %add3A_2376] : memref<256x128xf32, #tpu.memory_space<vmem>>[vector<16xi32>, vector<16xi32>], vector<16xf32>,
      %mul3A_2378 = arith.mulf %gather3A_2373, %gather3A_2377 : vector<16xf32>
      %add3A_2379 = arith.addf %add3A_2369, %mul3A_2378 : vector<16xf32>
      %add3A_2380 = arith.constant 14 : i32
      %add3A_2381 = vector.broadcast %add3A_2380 : i32 to vector<16xi32>
      %add3A_2382 = arith.addi %shift_left3A_2232, %add3A_2381 : vector<16xi32>
      %gather3A_2383 = tpu.vector_load_idx %arg13[%add3A_2221, %add3A_2382] : memref<256x128xf32, #tpu.memory_space<vmem>>[vector<16xi32>, vector<16xi32>], vector<16xf32>,
      %add3A_2384 = arith.constant 14 : i32
      %add3A_2385 = vector.broadcast %add3A_2384 : i32 to vector<16xi32>
      %add3A_2386 = arith.addi %shift_left3A_2238, %add3A_2385 : vector<16xi32>
      %gather3A_2387 = tpu.vector_load_idx %arg14[%add3A_2221, %add3A_2386] : memref<256x128xf32, #tpu.memory_space<vmem>>[vector<16xi32>, vector<16xi32>], vector<16xf32>,
      %mul3A_2388 = arith.mulf %gather3A_2383, %gather3A_2387 : vector<16xf32>
      %add3A_2389 = arith.addf %add3A_2379, %mul3A_2388 : vector<16xf32>
      %add3A_2390 = arith.constant 15 : i32
      %add3A_2391 = vector.broadcast %add3A_2390 : i32 to vector<16xi32>
      %add3A_2392 = arith.addi %shift_left3A_2232, %add3A_2391 : vector<16xi32>
      %gather3A_2393 = tpu.vector_load_idx %arg13[%add3A_2221, %add3A_2392] : memref<256x128xf32, #tpu.memory_space<vmem>>[vector<16xi32>, vector<16xi32>], vector<16xf32>,
      %add3A_2394 = arith.constant 15 : i32
      %add3A_2395 = vector.broadcast %add3A_2394 : i32 to vector<16xi32>
      %add3A_2396 = arith.addi %shift_left3A_2238, %add3A_2395 : vector<16xi32>
      %gather3A_2397 = tpu.vector_load_idx %arg14[%add3A_2221, %add3A_2396] : memref<256x128xf32, #tpu.memory_space<vmem>>[vector<16xi32>, vector<16xi32>], vector<16xf32>,
      %mul3A_2398 = arith.mulf %gather3A_2393, %gather3A_2397 : vector<16xf32>
      %add3A_2399 = arith.addf %add3A_2389, %mul3A_2398 : vector<16xf32>
      %add3A_2400 = arith.constant 16 : i32
      %add3A_2401 = vector.broadcast %add3A_2400 : i32 to vector<16xi32>
      %add3A_2402 = arith.addi %shift_left3A_2232, %add3A_2401 : vector<16xi32>
      %gather3A_2403 = tpu.vector_load_idx %arg13[%add3A_2221, %add3A_2402] : memref<256x128xf32, #tpu.memory_space<vmem>>[vector<16xi32>, vector<16xi32>], vector<16xf32>,
      %add3A_2404 = arith.constant 16 : i32
      %add3A_2405 = vector.broadcast %add3A_2404 : i32 to vector<16xi32>
      %add3A_2406 = arith.addi %shift_left3A_2238, %add3A_2405 : vector<16xi32>
      %gather3A_2407 = tpu.vector_load_idx %arg14[%add3A_2221, %add3A_2406] : memref<256x128xf32, #tpu.memory_space<vmem>>[vector<16xi32>, vector<16xi32>], vector<16xf32>,
      %mul3A_2408 = arith.mulf %gather3A_2403, %gather3A_2407 : vector<16xf32>
      %add3A_2409 = arith.addf %add3A_2399, %mul3A_2408 : vector<16xf32>
      %add3A_2410 = arith.constant 17 : i32
      %add3A_2411 = vector.broadcast %add3A_2410 : i32 to vector<16xi32>
      %add3A_2412 = arith.addi %shift_left3A_2232, %add3A_2411 : vector<16xi32>
      %gather3A_2413 = tpu.vector_load_idx %arg13[%add3A_2221, %add3A_2412] : memref<256x128xf32, #tpu.memory_space<vmem>>[vector<16xi32>, vector<16xi32>], vector<16xf32>,
      %add3A_2414 = arith.constant 17 : i32
      %add3A_2415 = vector.broadcast %add3A_2414 : i32 to vector<16xi32>
      %add3A_2416 = arith.addi %shift_left3A_2238, %add3A_2415 : vector<16xi32>
      %gather3A_2417 = tpu.vector_load_idx %arg14[%add3A_2221, %add3A_2416] : memref<256x128xf32, #tpu.memory_space<vmem>>[vector<16xi32>, vector<16xi32>], vector<16xf32>,
      %mul3A_2418 = arith.mulf %gather3A_2413, %gather3A_2417 : vector<16xf32>
      %add3A_2419 = arith.addf %add3A_2409, %mul3A_2418 : vector<16xf32>
      %add3A_2420 = arith.constant 18 : i32
      %add3A_2421 = vector.broadcast %add3A_2420 : i32 to vector<16xi32>
      %add3A_2422 = arith.addi %shift_left3A_2232, %add3A_2421 : vector<16xi32>
      %gather3A_2423 = tpu.vector_load_idx %arg13[%add3A_2221, %add3A_2422] : memref<256x128xf32, #tpu.memory_space<vmem>>[vector<16xi32>, vector<16xi32>], vector<16xf32>,
      %add3A_2424 = arith.constant 18 : i32
      %add3A_2425 = vector.broadcast %add3A_2424 : i32 to vector<16xi32>
      %add3A_2426 = arith.addi %shift_left3A_2238, %add3A_2425 : vector<16xi32>
      %gather3A_2427 = tpu.vector_load_idx %arg14[%add3A_2221, %add3A_2426] : memref<256x128xf32, #tpu.memory_space<vmem>>[vector<16xi32>, vector<16xi32>], vector<16xf32>,
      %mul3A_2428 = arith.mulf %gather3A_2423, %gather3A_2427 : vector<16xf32>
      %add3A_2429 = arith.addf %add3A_2419, %mul3A_2428 : vector<16xf32>
      %add3A_2430 = arith.constant 19 : i32
      %add3A_2431 = vector.broadcast %add3A_2430 : i32 to vector<16xi32>
      %add3A_2432 = arith.addi %shift_left3A_2232, %add3A_2431 : vector<16xi32>
      %gather3A_2433 = tpu.vector_load_idx %arg13[%add3A_2221, %add3A_2432] : memref<256x128xf32, #tpu.memory_space<vmem>>[vector<16xi32>, vector<16xi32>], vector<16xf32>,
      %add3A_2434 = arith.constant 19 : i32
      %add3A_2435 = vector.broadcast %add3A_2434 : i32 to vector<16xi32>
      %add3A_2436 = arith.addi %shift_left3A_2238, %add3A_2435 : vector<16xi32>
      %gather3A_2437 = tpu.vector_load_idx %arg14[%add3A_2221, %add3A_2436] : memref<256x128xf32, #tpu.memory_space<vmem>>[vector<16xi32>, vector<16xi32>], vector<16xf32>,
      %mul3A_2438 = arith.mulf %gather3A_2433, %gather3A_2437 : vector<16xf32>
      %add3A_2439 = arith.addf %add3A_2429, %mul3A_2438 : vector<16xf32>
      %add3A_2440 = arith.constant 20 : i32
      %add3A_2441 = vector.broadcast %add3A_2440 : i32 to vector<16xi32>
      %add3A_2442 = arith.addi %shift_left3A_2232, %add3A_2441 : vector<16xi32>
      %gather3A_2443 = tpu.vector_load_idx %arg13[%add3A_2221, %add3A_2442] : memref<256x128xf32, #tpu.memory_space<vmem>>[vector<16xi32>, vector<16xi32>], vector<16xf32>,
      %add3A_2444 = arith.constant 20 : i32
      %add3A_2445 = vector.broadcast %add3A_2444 : i32 to vector<16xi32>
      %add3A_2446 = arith.addi %shift_left3A_2238, %add3A_2445 : vector<16xi32>
      %gather3A_2447 = tpu.vector_load_idx %arg14[%add3A_2221, %add3A_2446] : memref<256x128xf32, #tpu.memory_space<vmem>>[vector<16xi32>, vector<16xi32>], vector<16xf32>,
      %mul3A_2448 = arith.mulf %gather3A_2443, %gather3A_2447 : vector<16xf32>
      %add3A_2449 = arith.addf %add3A_2439, %mul3A_2448 : vector<16xf32>
      %add3A_2450 = arith.constant 21 : i32
      %add3A_2451 = vector.broadcast %add3A_2450 : i32 to vector<16xi32>
      %add3A_2452 = arith.addi %shift_left3A_2232, %add3A_2451 : vector<16xi32>
      %gather3A_2453 = tpu.vector_load_idx %arg13[%add3A_2221, %add3A_2452] : memref<256x128xf32, #tpu.memory_space<vmem>>[vector<16xi32>, vector<16xi32>], vector<16xf32>,
      %add3A_2454 = arith.constant 21 : i32
      %add3A_2455 = vector.broadcast %add3A_2454 : i32 to vector<16xi32>
      %add3A_2456 = arith.addi %shift_left3A_2238, %add3A_2455 : vector<16xi32>
      %gather3A_2457 = tpu.vector_load_idx %arg14[%add3A_2221, %add3A_2456] : memref<256x128xf32, #tpu.memory_space<vmem>>[vector<16xi32>, vector<16xi32>], vector<16xf32>,
      %mul3A_2458 = arith.mulf %gather3A_2453, %gather3A_2457 : vector<16xf32>
      %add3A_2459 = arith.addf %add3A_2449, %mul3A_2458 : vector<16xf32>
      %add3A_2460 = arith.constant 22 : i32
      %add3A_2461 = vector.broadcast %add3A_2460 : i32 to vector<16xi32>
      %add3A_2462 = arith.addi %shift_left3A_2232, %add3A_2461 : vector<16xi32>
      %gather3A_2463 = tpu.vector_load_idx %arg13[%add3A_2221, %add3A_2462] : memref<256x128xf32, #tpu.memory_space<vmem>>[vector<16xi32>, vector<16xi32>], vector<16xf32>,
      %add3A_2464 = arith.constant 22 : i32
      %add3A_2465 = vector.broadcast %add3A_2464 : i32 to vector<16xi32>
      %add3A_2466 = arith.addi %shift_left3A_2238, %add3A_2465 : vector<16xi32>
      %gather3A_2467 = tpu.vector_load_idx %arg14[%add3A_2221, %add3A_2466] : memref<256x128xf32, #tpu.memory_space<vmem>>[vector<16xi32>, vector<16xi32>], vector<16xf32>,
      %mul3A_2468 = arith.mulf %gather3A_2463, %gather3A_2467 : vector<16xf32>
      %add3A_2469 = arith.addf %add3A_2459, %mul3A_2468 : vector<16xf32>
      %add3A_2470 = arith.constant 23 : i32
      %add3A_2471 = vector.broadcast %add3A_2470 : i32 to vector<16xi32>
      %add3A_2472 = arith.addi %shift_left3A_2232, %add3A_2471 : vector<16xi32>
      %gather3A_2473 = tpu.vector_load_idx %arg13[%add3A_2221, %add3A_2472] : memref<256x128xf32, #tpu.memory_space<vmem>>[vector<16xi32>, vector<16xi32>], vector<16xf32>,
      %add3A_2474 = arith.constant 23 : i32
      %add3A_2475 = vector.broadcast %add3A_2474 : i32 to vector<16xi32>
      %add3A_2476 = arith.addi %shift_left3A_2238, %add3A_2475 : vector<16xi32>
      %gather3A_2477 = tpu.vector_load_idx %arg14[%add3A_2221, %add3A_2476] : memref<256x128xf32, #tpu.memory_space<vmem>>[vector<16xi32>, vector<16xi32>], vector<16xf32>,
      %mul3A_2478 = arith.mulf %gather3A_2473, %gather3A_2477 : vector<16xf32>
      %add3A_2479 = arith.addf %add3A_2469, %mul3A_2478 : vector<16xf32>
      %add3A_2480 = arith.constant 24 : i32
      %add3A_2481 = vector.broadcast %add3A_2480 : i32 to vector<16xi32>
      %add3A_2482 = arith.addi %shift_left3A_2232, %add3A_2481 : vector<16xi32>
      %gather3A_2483 = tpu.vector_load_idx %arg13[%add3A_2221, %add3A_2482] : memref<256x128xf32, #tpu.memory_space<vmem>>[vector<16xi32>, vector<16xi32>], vector<16xf32>,
      %add3A_2484 = arith.constant 24 : i32
      %add3A_2485 = vector.broadcast %add3A_2484 : i32 to vector<16xi32>
      %add3A_2486 = arith.addi %shift_left3A_2238, %add3A_2485 : vector<16xi32>
      %gather3A_2487 = tpu.vector_load_idx %arg14[%add3A_2221, %add3A_2486] : memref<256x128xf32, #tpu.memory_space<vmem>>[vector<16xi32>, vector<16xi32>], vector<16xf32>,
      %mul3A_2488 = arith.mulf %gather3A_2483, %gather3A_2487 : vector<16xf32>
      %add3A_2489 = arith.addf %add3A_2479, %mul3A_2488 : vector<16xf32>
      %add3A_2490 = arith.constant 25 : i32
      %add3A_2491 = vector.broadcast %add3A_2490 : i32 to vector<16xi32>
      %add3A_2492 = arith.addi %shift_left3A_2232, %add3A_2491 : vector<16xi32>
      %gather3A_2493 = tpu.vector_load_idx %arg13[%add3A_2221, %add3A_2492] : memref<256x128xf32, #tpu.memory_space<vmem>>[vector<16xi32>, vector<16xi32>], vector<16xf32>,
      %add3A_2494 = arith.constant 25 : i32
      %add3A_2495 = vector.broadcast %add3A_2494 : i32 to vector<16xi32>
      %add3A_2496 = arith.addi %shift_left3A_2238, %add3A_2495 : vector<16xi32>
      %gather3A_2497 = tpu.vector_load_idx %arg14[%add3A_2221, %add3A_2496] : memref<256x128xf32, #tpu.memory_space<vmem>>[vector<16xi32>, vector<16xi32>], vector<16xf32>,
      %mul3A_2498 = arith.mulf %gather3A_2493, %gather3A_2497 : vector<16xf32>
      %add3A_2499 = arith.addf %add3A_2489, %mul3A_2498 : vector<16xf32>
      %add3A_2500 = arith.constant 26 : i32
      %add3A_2501 = vector.broadcast %add3A_2500 : i32 to vector<16xi32>
      %add3A_2502 = arith.addi %shift_left3A_2232, %add3A_2501 : vector<16xi32>
      %gather3A_2503 = tpu.vector_load_idx %arg13[%add3A_2221, %add3A_2502] : memref<256x128xf32, #tpu.memory_space<vmem>>[vector<16xi32>, vector<16xi32>], vector<16xf32>,
      %add3A_2504 = arith.constant 26 : i32
      %add3A_2505 = vector.broadcast %add3A_2504 : i32 to vector<16xi32>
      %add3A_2506 = arith.addi %shift_left3A_2238, %add3A_2505 : vector<16xi32>
      %gather3A_2507 = tpu.vector_load_idx %arg14[%add3A_2221, %add3A_2506] : memref<256x128xf32, #tpu.memory_space<vmem>>[vector<16xi32>, vector<16xi32>], vector<16xf32>,
      %mul3A_2508 = arith.mulf %gather3A_2503, %gather3A_2507 : vector<16xf32>
      %add3A_2509 = arith.addf %add3A_2499, %mul3A_2508 : vector<16xf32>
      %add3A_2510 = arith.constant 27 : i32
      %add3A_2511 = vector.broadcast %add3A_2510 : i32 to vector<16xi32>
      %add3A_2512 = arith.addi %shift_left3A_2232, %add3A_2511 : vector<16xi32>
      %gather3A_2513 = tpu.vector_load_idx %arg13[%add3A_2221, %add3A_2512] : memref<256x128xf32, #tpu.memory_space<vmem>>[vector<16xi32>, vector<16xi32>], vector<16xf32>,
      %add3A_2514 = arith.constant 27 : i32
      %add3A_2515 = vector.broadcast %add3A_2514 : i32 to vector<16xi32>
      %add3A_2516 = arith.addi %shift_left3A_2238, %add3A_2515 : vector<16xi32>
      %gather3A_2517 = tpu.vector_load_idx %arg14[%add3A_2221, %add3A_2516] : memref<256x128xf32, #tpu.memory_space<vmem>>[vector<16xi32>, vector<16xi32>], vector<16xf32>,
      %mul3A_2518 = arith.mulf %gather3A_2513, %gather3A_2517 : vector<16xf32>
      %add3A_2519 = arith.addf %add3A_2509, %mul3A_2518 : vector<16xf32>
      %add3A_2520 = arith.constant 28 : i32
      %add3A_2521 = vector.broadcast %add3A_2520 : i32 to vector<16xi32>
      %add3A_2522 = arith.addi %shift_left3A_2232, %add3A_2521 : vector<16xi32>
      %gather3A_2523 = tpu.vector_load_idx %arg13[%add3A_2221, %add3A_2522] : memref<256x128xf32, #tpu.memory_space<vmem>>[vector<16xi32>, vector<16xi32>], vector<16xf32>,
      %add3A_2524 = arith.constant 28 : i32
      %add3A_2525 = vector.broadcast %add3A_2524 : i32 to vector<16xi32>
      %add3A_2526 = arith.addi %shift_left3A_2238, %add3A_2525 : vector<16xi32>
      %gather3A_2527 = tpu.vector_load_idx %arg14[%add3A_2221, %add3A_2526] : memref<256x128xf32, #tpu.memory_space<vmem>>[vector<16xi32>, vector<16xi32>], vector<16xf32>,
      %mul3A_2528 = arith.mulf %gather3A_2523, %gather3A_2527 : vector<16xf32>
      %add3A_2529 = arith.addf %add3A_2519, %mul3A_2528 : vector<16xf32>
      %add3A_2530 = arith.constant 29 : i32
      %add3A_2531 = vector.broadcast %add3A_2530 : i32 to vector<16xi32>
      %add3A_2532 = arith.addi %shift_left3A_2232, %add3A_2531 : vector<16xi32>
      %gather3A_2533 = tpu.vector_load_idx %arg13[%add3A_2221, %add3A_2532] : memref<256x128xf32, #tpu.memory_space<vmem>>[vector<16xi32>, vector<16xi32>], vector<16xf32>,
      %add3A_2534 = arith.constant 29 : i32
      %add3A_2535 = vector.broadcast %add3A_2534 : i32 to vector<16xi32>
      %add3A_2536 = arith.addi %shift_left3A_2238, %add3A_2535 : vector<16xi32>
      %gather3A_2537 = tpu.vector_load_idx %arg14[%add3A_2221, %add3A_2536] : memref<256x128xf32, #tpu.memory_space<vmem>>[vector<16xi32>, vector<16xi32>], vector<16xf32>,
      %mul3A_2538 = arith.mulf %gather3A_2533, %gather3A_2537 : vector<16xf32>
      %add3A_2539 = arith.addf %add3A_2529, %mul3A_2538 : vector<16xf32>
      %add3A_2540 = arith.constant 30 : i32
      %add3A_2541 = vector.broadcast %add3A_2540 : i32 to vector<16xi32>
      %add3A_2542 = arith.addi %shift_left3A_2232, %add3A_2541 : vector<16xi32>
      %gather3A_2543 = tpu.vector_load_idx %arg13[%add3A_2221, %add3A_2542] : memref<256x128xf32, #tpu.memory_space<vmem>>[vector<16xi32>, vector<16xi32>], vector<16xf32>,
      %add3A_2544 = arith.constant 30 : i32
      %add3A_2545 = vector.broadcast %add3A_2544 : i32 to vector<16xi32>
      %add3A_2546 = arith.addi %shift_left3A_2238, %add3A_2545 : vector<16xi32>
      %gather3A_2547 = tpu.vector_load_idx %arg14[%add3A_2221, %add3A_2546] : memref<256x128xf32, #tpu.memory_space<vmem>>[vector<16xi32>, vector<16xi32>], vector<16xf32>,
      %mul3A_2548 = arith.mulf %gather3A_2543, %gather3A_2547 : vector<16xf32>
      %add3A_2549 = arith.addf %add3A_2539, %mul3A_2548 : vector<16xf32>
      %add3A_2550 = arith.constant 31 : i32
      %add3A_2551 = vector.broadcast %add3A_2550 : i32 to vector<16xi32>
      %add3A_2552 = arith.addi %shift_left3A_2232, %add3A_2551 : vector<16xi32>
      %gather3A_2553 = tpu.vector_load_idx %arg13[%add3A_2221, %add3A_2552] : memref<256x128xf32, #tpu.memory_space<vmem>>[vector<16xi32>, vector<16xi32>], vector<16xf32>,
      %add3A_2554 = arith.constant 31 : i32
      %add3A_2555 = vector.broadcast %add3A_2554 : i32 to vector<16xi32>
      %add3A_2556 = arith.addi %shift_left3A_2238, %add3A_2555 : vector<16xi32>
      %gather3A_2557 = tpu.vector_load_idx %arg14[%add3A_2221, %add3A_2556] : memref<256x128xf32, #tpu.memory_space<vmem>>[vector<16xi32>, vector<16xi32>], vector<16xf32>,
      %mul3A_2558 = arith.mulf %gather3A_2553, %gather3A_2557 : vector<16xf32>
      %add3A_2559 = arith.addf %add3A_2549, %mul3A_2558 : vector<16xf32>
      %add3A_2560 = arith.constant 0 : i32
      %add3A_2561 = vector.broadcast %add3A_2560 : i32 to vector<16xi32>
      %add3A_2562 = arith.addi %add3A_2561, %add3A_2221 : vector<16xi32>
      %mul3A_2563 = arith.constant 16 : i32
      %mul3A_2564 = arith.muli %scan3A_2217, %mul3A_2563 : i32
      %add3A_2565 = arith.constant 0 : i32
      %add3A_2566 = arith.addi %add3A_2565, %mul3A_2564 : i32
      %jit3A = arith.constant 128 : i32
      %div3A = arith.divsi %add3A_2566, %jit3A : i32
      %sign3A = arith.constant 0 : i32
      %sign3A_2567 = arith.cmpi sgt, %add3A_2566, %sign3A : i32
      %sign3A_2568 = arith.extui %sign3A_2567 : i1 to i32
      %sign3A_2569 = arith.constant 0 : i32
      %sign3A_2570 = arith.cmpi slt, %add3A_2566, %sign3A_2569 : i32
      %sign3A_2571 = arith.extui %sign3A_2570 : i1 to i32
      %sign3A_2572 = arith.subi %sign3A_2568, %sign3A_2571 : i32
      %sign3A_2573 = arith.constant 0 : i32
      %sign3A_2574 = arith.cmpi sgt, %jit3A, %sign3A_2573 : i32
      %sign3A_2575 = arith.extui %sign3A_2574 : i1 to i32
      %sign3A_2576 = arith.constant 0 : i32
      %sign3A_2577 = arith.cmpi slt, %jit3A, %sign3A_2576 : i32
      %sign3A_2578 = arith.extui %sign3A_2577 : i1 to i32
      %sign3A_2579 = arith.subi %sign3A_2575, %sign3A_2578 : i32
      %ne3A = arith.cmpi ne, %sign3A_2572, %sign3A_2579 : i32
      %rem3A = arith.remsi %add3A_2566, %jit3A : i32
      %ne3A_2580 = arith.constant 0 : i32
      %ne3A_2581 = arith.cmpi ne, %rem3A, %ne3A_2580 : i32
      %and3A_2582 = arith.andi %ne3A, %ne3A_2581 : i1
      %sub3A = arith.constant 1 : i32
      %sub3A_2583 = arith.subi %div3A, %sub3A : i32
      %select_n3A = arith.select %and3A_2582, %sub3A_2583, %div3A : i32
      %broadcast_in_dim3A_2584 = vector.broadcast %select_n3A : i32 to vector<16xi32>
      %jit3A_2585 = arith.constant 128 : i32
      %eq3A = arith.constant 0 : i32
      %eq3A_2586 = arith.cmpi eq, %jit3A_2585, %eq3A : i32
      %jit3A_2587 = arith.constant 1 : i32
      %select_n3A_2588 = arith.select %eq3A_2586, %jit3A_2587, %jit3A_2585 : i32
      %rem3A_2589 = arith.remsi %add3A_2566, %select_n3A_2588 : i32
      %ne3A_2590 = arith.constant 0 : i32
      %ne3A_2591 = arith.cmpi ne, %rem3A_2589, %ne3A_2590 : i32
      %lt3A = arith.constant 0 : i32
      %lt3A_2592 = arith.cmpi slt, %rem3A_2589, %lt3A : i32
      %lt3A_2593 = arith.constant 0 : i32
      %lt3A_2594 = arith.cmpi slt, %select_n3A_2588, %lt3A_2593 : i32
      %ne3A_2595 = arith.xori %lt3A_2592, %lt3A_2594 : i1
      %and3A_2596 = arith.andi %ne3A_2595, %ne3A_2591 : i1
      %add3A_2597 = arith.addi %rem3A_2589, %select_n3A_2588 : i32
      %select_n3A_2598 = arith.select %and3A_2596, %add3A_2597, %rem3A_2589 : i32
      %add3A_2599 = vector.broadcast %select_n3A_2598 : i32 to vector<16xi32>
      %add3A_2600 = arith.addi %add3A_2599, %iota3A : vector<16xi32>
      %gather3A_2601 = tpu.vector_load_idx %arg15[%broadcast_in_dim3A_2584, %add3A_2600] : memref<8x128xf32, #tpu.memory_space<vmem>>[vector<16xi32>, vector<16xi32>], vector<16xf32>,
      %sub3A_2602 = arith.subf %add3A_2559, %gather3A_2601 : vector<16xf32>
      %exp3A = math.exp %sub3A_2602 : vector<16xf32>
      %add3A_2603 = arith.constant 1.000000e+00 : f32
      %add3A_2604 = vector.broadcast %add3A_2603 : f32 to vector<16xf32>
      %add3A_2605 = arith.addf %add3A_2604, %exp3A : vector<16xf32>
      %div3A_2606 = arith.constant 1.000000e+00 : f32
      %div3A_2607 = vector.broadcast %div3A_2606 : f32 to vector<16xf32>
      %div3A_2608 = arith.divf %div3A_2607, %add3A_2605 : vector<16xf32>
      %broadcast_in_dim3A_2609 = arith.constant 0 : i32
      %broadcast_in_dim3A_2610 = vector.broadcast %broadcast_in_dim3A_2609 : i32 to vector<16xi32>
      tpu.vector_store_idx %arg16[%broadcast_in_dim3A_2610, %add3A_2562], %div3A_2608 : memref<8x512xf32, #tpu.memory_space<vmem>>[vector<16xi32>, vector<16xi32>], vector<16xf32>,
      %mul3A_2611 = arith.constant 16 : i32
      %mul3A_2612 = arith.muli %scan3A_2217, %mul3A_2611 : i32
      %add3A_2613 = arith.constant 256 : i32
      %add3A_2614 = arith.addi %add3A_2613, %mul3A_2612 : i32
      %jit3A_2615 = arith.constant 128 : i32
      %div3A_2616 = arith.divsi %add3A_2614, %jit3A_2615 : i32
      %sign3A_2617 = arith.constant 0 : i32
      %sign3A_2618 = arith.cmpi sgt, %add3A_2614, %sign3A_2617 : i32
      %sign3A_2619 = arith.extui %sign3A_2618 : i1 to i32
      %sign3A_2620 = arith.constant 0 : i32
      %sign3A_2621 = arith.cmpi slt, %add3A_2614, %sign3A_2620 : i32
      %sign3A_2622 = arith.extui %sign3A_2621 : i1 to i32
      %sign3A_2623 = arith.subi %sign3A_2619, %sign3A_2622 : i32
      %sign3A_2624 = arith.constant 0 : i32
      %sign3A_2625 = arith.cmpi sgt, %jit3A_2615, %sign3A_2624 : i32
      %sign3A_2626 = arith.extui %sign3A_2625 : i1 to i32
      %sign3A_2627 = arith.constant 0 : i32
      %sign3A_2628 = arith.cmpi slt, %jit3A_2615, %sign3A_2627 : i32
      %sign3A_2629 = arith.extui %sign3A_2628 : i1 to i32
      %sign3A_2630 = arith.subi %sign3A_2626, %sign3A_2629 : i32
      %ne3A_2631 = arith.cmpi ne, %sign3A_2623, %sign3A_2630 : i32
      %rem3A_2632 = arith.remsi %add3A_2614, %jit3A_2615 : i32
      %ne3A_2633 = arith.constant 0 : i32
      %ne3A_2634 = arith.cmpi ne, %rem3A_2632, %ne3A_2633 : i32
      %and3A_2635 = arith.andi %ne3A_2631, %ne3A_2634 : i1
      %sub3A_2636 = arith.constant 1 : i32
      %sub3A_2637 = arith.subi %div3A_2616, %sub3A_2636 : i32
      %select_n3A_2638 = arith.select %and3A_2635, %sub3A_2637, %div3A_2616 : i32
      %broadcast_in_dim3A_2639 = vector.broadcast %select_n3A_2638 : i32 to vector<16xi32>
      %jit3A_2640 = arith.constant 128 : i32
      %eq3A_2641 = arith.constant 0 : i32
      %eq3A_2642 = arith.cmpi eq, %jit3A_2640, %eq3A_2641 : i32
      %jit3A_2643 = arith.constant 1 : i32
      %select_n3A_2644 = arith.select %eq3A_2642, %jit3A_2643, %jit3A_2640 : i32
      %rem3A_2645 = arith.remsi %add3A_2614, %select_n3A_2644 : i32
      %ne3A_2646 = arith.constant 0 : i32
      %ne3A_2647 = arith.cmpi ne, %rem3A_2645, %ne3A_2646 : i32
      %lt3A_2648 = arith.constant 0 : i32
      %lt3A_2649 = arith.cmpi slt, %rem3A_2645, %lt3A_2648 : i32
      %lt3A_2650 = arith.constant 0 : i32
      %lt3A_2651 = arith.cmpi slt, %select_n3A_2644, %lt3A_2650 : i32
      %ne3A_2652 = arith.xori %lt3A_2649, %lt3A_2651 : i1
      %and3A_2653 = arith.andi %ne3A_2652, %ne3A_2647 : i1
      %add3A_2654 = arith.addi %rem3A_2645, %select_n3A_2644 : i32
      %select_n3A_2655 = arith.select %and3A_2653, %add3A_2654, %rem3A_2645 : i32
      %add3A_2656 = vector.broadcast %select_n3A_2655 : i32 to vector<16xi32>
      %add3A_2657 = arith.addi %add3A_2656, %iota3A : vector<16xi32>
      %gather3A_2658 = tpu.vector_load_idx %arg15[%broadcast_in_dim3A_2639, %add3A_2657] : memref<8x128xf32, #tpu.memory_space<vmem>>[vector<16xi32>, vector<16xi32>], vector<16xf32>,
      %exp3A_2659 = math.exp %gather3A_2658 : vector<16xf32>
      %add3A_2660 = arith.addf %gather3A_2601, %exp3A_2659 : vector<16xf32>
      %sub3A_2661 = arith.subf %add3A_2559, %add3A_2660 : vector<16xf32>
      %exp3A_2662 = math.exp %sub3A_2661 : vector<16xf32>
      %add3A_2663 = arith.constant 1.000000e+00 : f32
      %add3A_2664 = vector.broadcast %add3A_2663 : f32 to vector<16xf32>
      %add3A_2665 = arith.addf %add3A_2664, %exp3A_2662 : vector<16xf32>
      %div3A_2666 = arith.constant 1.000000e+00 : f32
      %div3A_2667 = vector.broadcast %div3A_2666 : f32 to vector<16xf32>
      %div3A_2668 = arith.divf %div3A_2667, %add3A_2665 : vector<16xf32>
      %broadcast_in_dim3A_2669 = arith.constant 1 : i32
      %broadcast_in_dim3A_2670 = vector.broadcast %broadcast_in_dim3A_2669 : i32 to vector<16xi32>
      %sub3A_2671 = arith.subf %div3A_2668, %div3A_2608 : vector<16xf32>
      tpu.vector_store_idx %arg16[%broadcast_in_dim3A_2670, %add3A_2562], %sub3A_2671 : memref<8x512xf32, #tpu.memory_space<vmem>>[vector<16xi32>, vector<16xi32>], vector<16xf32>,
      %mul3A_2672 = arith.constant 16 : i32
      %mul3A_2673 = arith.muli %scan3A_2217, %mul3A_2672 : i32
      %add3A_2674 = arith.constant 512 : i32
      %add3A_2675 = arith.addi %add3A_2674, %mul3A_2673 : i32
      %jit3A_2676 = arith.constant 128 : i32
      %div3A_2677 = arith.divsi %add3A_2675, %jit3A_2676 : i32
      %sign3A_2678 = arith.constant 0 : i32
      %sign3A_2679 = arith.cmpi sgt, %add3A_2675, %sign3A_2678 : i32
      %sign3A_2680 = arith.extui %sign3A_2679 : i1 to i32
      %sign3A_2681 = arith.constant 0 : i32
      %sign3A_2682 = arith.cmpi slt, %add3A_2675, %sign3A_2681 : i32
      %sign3A_2683 = arith.extui %sign3A_2682 : i1 to i32
      %sign3A_2684 = arith.subi %sign3A_2680, %sign3A_2683 : i32
      %sign3A_2685 = arith.constant 0 : i32
      %sign3A_2686 = arith.cmpi sgt, %jit3A_2676, %sign3A_2685 : i32
      %sign3A_2687 = arith.extui %sign3A_2686 : i1 to i32
      %sign3A_2688 = arith.constant 0 : i32
      %sign3A_2689 = arith.cmpi slt, %jit3A_2676, %sign3A_2688 : i32
      %sign3A_2690 = arith.extui %sign3A_2689 : i1 to i32
      %sign3A_2691 = arith.subi %sign3A_2687, %sign3A_2690 : i32
      %ne3A_2692 = arith.cmpi ne, %sign3A_2684, %sign3A_2691 : i32
      %rem3A_2693 = arith.remsi %add3A_2675, %jit3A_2676 : i32
      %ne3A_2694 = arith.constant 0 : i32
      %ne3A_2695 = arith.cmpi ne, %rem3A_2693, %ne3A_2694 : i32
      %and3A_2696 = arith.andi %ne3A_2692, %ne3A_2695 : i1
      %sub3A_2697 = arith.constant 1 : i32
      %sub3A_2698 = arith.subi %div3A_2677, %sub3A_2697 : i32
      %select_n3A_2699 = arith.select %and3A_2696, %sub3A_2698, %div3A_2677 : i32
      %broadcast_in_dim3A_2700 = vector.broadcast %select_n3A_2699 : i32 to vector<16xi32>
      %jit3A_2701 = arith.constant 128 : i32
      %eq3A_2702 = arith.constant 0 : i32
      %eq3A_2703 = arith.cmpi eq, %jit3A_2701, %eq3A_2702 : i32
      %jit3A_2704 = arith.constant 1 : i32
      %select_n3A_2705 = arith.select %eq3A_2703, %jit3A_2704, %jit3A_2701 : i32
      %rem3A_2706 = arith.remsi %add3A_2675, %select_n3A_2705 : i32
      %ne3A_2707 = arith.constant 0 : i32
      %ne3A_2708 = arith.cmpi ne, %rem3A_2706, %ne3A_2707 : i32
      %lt3A_2709 = arith.constant 0 : i32
      %lt3A_2710 = arith.cmpi slt, %rem3A_2706, %lt3A_2709 : i32
      %lt3A_2711 = arith.constant 0 : i32
      %lt3A_2712 = arith.cmpi slt, %select_n3A_2705, %lt3A_2711 : i32
      %ne3A_2713 = arith.xori %lt3A_2710, %lt3A_2712 : i1
      %and3A_2714 = arith.andi %ne3A_2713, %ne3A_2708 : i1
      %add3A_2715 = arith.addi %rem3A_2706, %select_n3A_2705 : i32
      %select_n3A_2716 = arith.select %and3A_2714, %add3A_2715, %rem3A_2706 : i32
      %add3A_2717 = vector.broadcast %select_n3A_2716 : i32 to vector<16xi32>
      %add3A_2718 = arith.addi %add3A_2717, %iota3A : vector<16xi32>
      %gather3A_2719 = tpu.vector_load_idx %arg15[%broadcast_in_dim3A_2700, %add3A_2718] : memref<8x128xf32, #tpu.memory_space<vmem>>[vector<16xi32>, vector<16xi32>], vector<16xf32>,
      %exp3A_2720 = math.exp %gather3A_2719 : vector<16xf32>
      %add3A_2721 = arith.addf %add3A_2660, %exp3A_2720 : vector<16xf32>
      %sub3A_2722 = arith.subf %add3A_2559, %add3A_2721 : vector<16xf32>
      %exp3A_2723 = math.exp %sub3A_2722 : vector<16xf32>
      %add3A_2724 = arith.constant 1.000000e+00 : f32
      %add3A_2725 = vector.broadcast %add3A_2724 : f32 to vector<16xf32>
      %add3A_2726 = arith.addf %add3A_2725, %exp3A_2723 : vector<16xf32>
      %div3A_2727 = arith.constant 1.000000e+00 : f32
      %div3A_2728 = vector.broadcast %div3A_2727 : f32 to vector<16xf32>
      %div3A_2729 = arith.divf %div3A_2728, %add3A_2726 : vector<16xf32>
      %broadcast_in_dim3A_2730 = arith.constant 2 : i32
      %broadcast_in_dim3A_2731 = vector.broadcast %broadcast_in_dim3A_2730 : i32 to vector<16xi32>
      %sub3A_2732 = arith.subf %div3A_2729, %div3A_2668 : vector<16xf32>
      tpu.vector_store_idx %arg16[%broadcast_in_dim3A_2731, %add3A_2562], %sub3A_2732 : memref<8x512xf32, #tpu.memory_space<vmem>>[vector<16xi32>, vector<16xi32>], vector<16xf32>,
      %mul3A_2733 = arith.constant 16 : i32
      %mul3A_2734 = arith.muli %scan3A_2217, %mul3A_2733 : i32
      %add3A_2735 = arith.constant 768 : i32
      %add3A_2736 = arith.addi %add3A_2735, %mul3A_2734 : i32
      %jit3A_2737 = arith.constant 128 : i32
      %div3A_2738 = arith.divsi %add3A_2736, %jit3A_2737 : i32
      %sign3A_2739 = arith.constant 0 : i32
      %sign3A_2740 = arith.cmpi sgt, %add3A_2736, %sign3A_2739 : i32
      %sign3A_2741 = arith.extui %sign3A_2740 : i1 to i32
      %sign3A_2742 = arith.constant 0 : i32
      %sign3A_2743 = arith.cmpi slt, %add3A_2736, %sign3A_2742 : i32
      %sign3A_2744 = arith.extui %sign3A_2743 : i1 to i32
      %sign3A_2745 = arith.subi %sign3A_2741, %sign3A_2744 : i32
      %sign3A_2746 = arith.constant 0 : i32
      %sign3A_2747 = arith.cmpi sgt, %jit3A_2737, %sign3A_2746 : i32
      %sign3A_2748 = arith.extui %sign3A_2747 : i1 to i32
      %sign3A_2749 = arith.constant 0 : i32
      %sign3A_2750 = arith.cmpi slt, %jit3A_2737, %sign3A_2749 : i32
      %sign3A_2751 = arith.extui %sign3A_2750 : i1 to i32
      %sign3A_2752 = arith.subi %sign3A_2748, %sign3A_2751 : i32
      %ne3A_2753 = arith.cmpi ne, %sign3A_2745, %sign3A_2752 : i32
      %rem3A_2754 = arith.remsi %add3A_2736, %jit3A_2737 : i32
      %ne3A_2755 = arith.constant 0 : i32
      %ne3A_2756 = arith.cmpi ne, %rem3A_2754, %ne3A_2755 : i32
      %and3A_2757 = arith.andi %ne3A_2753, %ne3A_2756 : i1
      %sub3A_2758 = arith.constant 1 : i32
      %sub3A_2759 = arith.subi %div3A_2738, %sub3A_2758 : i32
      %select_n3A_2760 = arith.select %and3A_2757, %sub3A_2759, %div3A_2738 : i32
      %broadcast_in_dim3A_2761 = vector.broadcast %select_n3A_2760 : i32 to vector<16xi32>
      %jit3A_2762 = arith.constant 128 : i32
      %eq3A_2763 = arith.constant 0 : i32
      %eq3A_2764 = arith.cmpi eq, %jit3A_2762, %eq3A_2763 : i32
      %jit3A_2765 = arith.constant 1 : i32
      %select_n3A_2766 = arith.select %eq3A_2764, %jit3A_2765, %jit3A_2762 : i32
      %rem3A_2767 = arith.remsi %add3A_2736, %select_n3A_2766 : i32
      %ne3A_2768 = arith.constant 0 : i32
      %ne3A_2769 = arith.cmpi ne, %rem3A_2767, %ne3A_2768 : i32
      %lt3A_2770 = arith.constant 0 : i32
      %lt3A_2771 = arith.cmpi slt, %rem3A_2767, %lt3A_2770 : i32
      %lt3A_2772 = arith.constant 0 : i32
      %lt3A_2773 = arith.cmpi slt, %select_n3A_2766, %lt3A_2772 : i32
      %ne3A_2774 = arith.xori %lt3A_2771, %lt3A_2773 : i1
      %and3A_2775 = arith.andi %ne3A_2774, %ne3A_2769 : i1
      %add3A_2776 = arith.addi %rem3A_2767, %select_n3A_2766 : i32
      %select_n3A_2777 = arith.select %and3A_2775, %add3A_2776, %rem3A_2767 : i32
      %add3A_2778 = vector.broadcast %select_n3A_2777 : i32 to vector<16xi32>
      %add3A_2779 = arith.addi %add3A_2778, %iota3A : vector<16xi32>
      %gather3A_2780 = tpu.vector_load_idx %arg15[%broadcast_in_dim3A_2761, %add3A_2779] : memref<8x128xf32, #tpu.memory_space<vmem>>[vector<16xi32>, vector<16xi32>], vector<16xf32>,
      %exp3A_2781 = math.exp %gather3A_2780 : vector<16xf32>
      %add3A_2782 = arith.addf %add3A_2721, %exp3A_2781 : vector<16xf32>
      %sub3A_2783 = arith.subf %add3A_2559, %add3A_2782 : vector<16xf32>
      %exp3A_2784 = math.exp %sub3A_2783 : vector<16xf32>
      %add3A_2785 = arith.constant 1.000000e+00 : f32
      %add3A_2786 = vector.broadcast %add3A_2785 : f32 to vector<16xf32>
      %add3A_2787 = arith.addf %add3A_2786, %exp3A_2784 : vector<16xf32>
      %div3A_2788 = arith.constant 1.000000e+00 : f32
      %div3A_2789 = vector.broadcast %div3A_2788 : f32 to vector<16xf32>
      %div3A_2790 = arith.divf %div3A_2789, %add3A_2787 : vector<16xf32>
      %broadcast_in_dim3A_2791 = arith.constant 3 : i32
      %broadcast_in_dim3A_2792 = vector.broadcast %broadcast_in_dim3A_2791 : i32 to vector<16xi32>
      %sub3A_2793 = arith.subf %div3A_2790, %div3A_2729 : vector<16xf32>
      tpu.vector_store_idx %arg16[%broadcast_in_dim3A_2792, %add3A_2562], %sub3A_2793 : memref<8x512xf32, #tpu.memory_space<vmem>>[vector<16xi32>, vector<16xi32>], vector<16xf32>,
      %broadcast_in_dim3A_2794 = arith.constant 4 : i32
      %broadcast_in_dim3A_2795 = vector.broadcast %broadcast_in_dim3A_2794 : i32 to vector<16xi32>
      %sub3A_2796 = arith.constant 1.000000e+00 : f32
      %sub3A_2797 = vector.broadcast %sub3A_2796 : f32 to vector<16xf32>
      %sub3A_2798 = arith.subf %sub3A_2797, %div3A_2790 : vector<16xf32>
      tpu.vector_store_idx %arg16[%broadcast_in_dim3A_2795, %add3A_2562], %sub3A_2798 : memref<8x512xf32, #tpu.memory_space<vmem>>[vector<16xi32>, vector<16xi32>], vector<16xf32>,
      %broadcast_in_dim3A_2799 = arith.constant 5 : i32
      %broadcast_in_dim3A_2800 = vector.broadcast %broadcast_in_dim3A_2799 : i32 to vector<16xi32>
      %broadcast_in_dim3A_2801 = arith.constant 0.000000e+00 : f32
      %broadcast_in_dim3A_2802 = vector.broadcast %broadcast_in_dim3A_2801 : f32 to vector<16xf32>
      tpu.vector_store_idx %arg16[%broadcast_in_dim3A_2800, %add3A_2562], %broadcast_in_dim3A_2802 : memref<8x512xf32, #tpu.memory_space<vmem>>[vector<16xi32>, vector<16xi32>], vector<16xf32>,
      %broadcast_in_dim3A_2803 = arith.constant 6 : i32
      %broadcast_in_dim3A_2804 = vector.broadcast %broadcast_in_dim3A_2803 : i32 to vector<16xi32>
      %broadcast_in_dim3A_2805 = arith.constant 0.000000e+00 : f32
      %broadcast_in_dim3A_2806 = vector.broadcast %broadcast_in_dim3A_2805 : f32 to vector<16xf32>
      tpu.vector_store_idx %arg16[%broadcast_in_dim3A_2804, %add3A_2562], %broadcast_in_dim3A_2806 : memref<8x512xf32, #tpu.memory_space<vmem>>[vector<16xi32>, vector<16xi32>], vector<16xf32>,
      %broadcast_in_dim3A_2807 = arith.constant 7 : i32
      %broadcast_in_dim3A_2808 = vector.broadcast %broadcast_in_dim3A_2807 : i32 to vector<16xi32>
      %broadcast_in_dim3A_2809 = arith.constant 0.000000e+00 : f32
      %broadcast_in_dim3A_2810 = vector.broadcast %broadcast_in_dim3A_2809 : f32 to vector<16xf32>
      tpu.vector_store_idx %arg16[%broadcast_in_dim3A_2808, %add3A_2562], %broadcast_in_dim3A_2810 : memref<8x512xf32, #tpu.memory_space<vmem>>[vector<16xi32>, vector<16xi32>], vector<16xf32>,
    }
    %scan3A_1106 = arith.constant 16 : i32
    %get3A_1107 = arith.constant 256 : index
    %get3A_1108 = tpu.vector_load %arg8[%get3A_1107] {strides = array<i32>} : memref<512xi32, #tpu.memory_space<vmem>>, vector<16xi32>,
    %shift_right_logical3A_1109 = arith.constant 2 : i32
    %shift_right_logical3A_1110 = vector.broadcast %shift_right_logical3A_1109 : i32 to vector<16xi32>
    %shift_right_logical3A_1111 = arith.shrui %get3A_1108, %shift_right_logical3A_1110 : vector<16xi32>
    %swap3A_1112 = arith.constant 0 : i32
    %swap3A_1113 = arith.index_cast %swap3A_1112 : i32 to index
    %swap3A_1114 = arith.constant 0 : index
    %swap3A_1115 = tpu.vector_load %arg10[%swap3A_1113, %swap3A_1114] {strides = array<i32>} : memref<2x128xi32, #tpu.memory_space<vmem>>, vector<16xi32>,
    tpu.vector_store %arg10[%swap3A_1113, %swap3A_1114], %shift_right_logical3A_1111 {strides = array<i32>} : memref<2x128xi32, #tpu.memory_space<vmem>>, vector<16xi32>,
    %get3A_1116 = arith.constant 256 : index
    %get3A_1117 = tpu.vector_load %arg9[%get3A_1116] {strides = array<i32>} : memref<512xi32, #tpu.memory_space<vmem>>, vector<16xi32>,
    %shift_right_logical3A_1118 = arith.constant 2 : i32
    %shift_right_logical3A_1119 = vector.broadcast %shift_right_logical3A_1118 : i32 to vector<16xi32>
    %shift_right_logical3A_1120 = arith.shrui %get3A_1117, %shift_right_logical3A_1119 : vector<16xi32>
    %swap3A_1121 = arith.constant 0 : i32
    %swap3A_1122 = arith.index_cast %swap3A_1121 : i32 to index
    %swap3A_1123 = arith.constant 0 : index
    %swap3A_1124 = tpu.vector_load %arg11[%swap3A_1122, %swap3A_1123] {strides = array<i32>} : memref<2x128xi32, #tpu.memory_space<vmem>>, vector<16xi32>,
    tpu.vector_store %arg11[%swap3A_1122, %swap3A_1123], %shift_right_logical3A_1120 {strides = array<i32>} : memref<2x128xi32, #tpu.memory_space<vmem>>, vector<16xi32>,
    %get3A_1125 = arith.constant 272 : index
    %get3A_1126 = tpu.vector_load %arg8[%get3A_1125] {strides = array<i32>} : memref<512xi32, #tpu.memory_space<vmem>>, vector<16xi32>,
    %shift_right_logical3A_1127 = arith.constant 2 : i32
    %shift_right_logical3A_1128 = vector.broadcast %shift_right_logical3A_1127 : i32 to vector<16xi32>
    %shift_right_logical3A_1129 = arith.shrui %get3A_1126, %shift_right_logical3A_1128 : vector<16xi32>
    %swap3A_1130 = arith.constant 0 : i32
    %swap3A_1131 = arith.index_cast %swap3A_1130 : i32 to index
    %swap3A_1132 = arith.constant 16 : index
    %swap3A_1133 = tpu.vector_load %arg10[%swap3A_1131, %swap3A_1132] {strides = array<i32>} : memref<2x128xi32, #tpu.memory_space<vmem>>, vector<16xi32>,
    tpu.vector_store %arg10[%swap3A_1131, %swap3A_1132], %shift_right_logical3A_1129 {strides = array<i32>} : memref<2x128xi32, #tpu.memory_space<vmem>>, vector<16xi32>,
    %get3A_1134 = arith.constant 272 : index
    %get3A_1135 = tpu.vector_load %arg9[%get3A_1134] {strides = array<i32>} : memref<512xi32, #tpu.memory_space<vmem>>, vector<16xi32>,
    %shift_right_logical3A_1136 = arith.constant 2 : i32
    %shift_right_logical3A_1137 = vector.broadcast %shift_right_logical3A_1136 : i32 to vector<16xi32>
    %shift_right_logical3A_1138 = arith.shrui %get3A_1135, %shift_right_logical3A_1137 : vector<16xi32>
    %swap3A_1139 = arith.constant 0 : i32
    %swap3A_1140 = arith.index_cast %swap3A_1139 : i32 to index
    %swap3A_1141 = arith.constant 16 : index
    %swap3A_1142 = tpu.vector_load %arg11[%swap3A_1140, %swap3A_1141] {strides = array<i32>} : memref<2x128xi32, #tpu.memory_space<vmem>>, vector<16xi32>,
    tpu.vector_store %arg11[%swap3A_1140, %swap3A_1141], %shift_right_logical3A_1138 {strides = array<i32>} : memref<2x128xi32, #tpu.memory_space<vmem>>, vector<16xi32>,
    %get3A_1143 = arith.constant 288 : index
    %get3A_1144 = tpu.vector_load %arg8[%get3A_1143] {strides = array<i32>} : memref<512xi32, #tpu.memory_space<vmem>>, vector<16xi32>,
    %shift_right_logical3A_1145 = arith.constant 2 : i32
    %shift_right_logical3A_1146 = vector.broadcast %shift_right_logical3A_1145 : i32 to vector<16xi32>
    %shift_right_logical3A_1147 = arith.shrui %get3A_1144, %shift_right_logical3A_1146 : vector<16xi32>
    %swap3A_1148 = arith.constant 0 : i32
    %swap3A_1149 = arith.index_cast %swap3A_1148 : i32 to index
    %swap3A_1150 = arith.constant 32 : index
    %swap3A_1151 = tpu.vector_load %arg10[%swap3A_1149, %swap3A_1150] {strides = array<i32>} : memref<2x128xi32, #tpu.memory_space<vmem>>, vector<16xi32>,
    tpu.vector_store %arg10[%swap3A_1149, %swap3A_1150], %shift_right_logical3A_1147 {strides = array<i32>} : memref<2x128xi32, #tpu.memory_space<vmem>>, vector<16xi32>,
    %get3A_1152 = arith.constant 288 : index
    %get3A_1153 = tpu.vector_load %arg9[%get3A_1152] {strides = array<i32>} : memref<512xi32, #tpu.memory_space<vmem>>, vector<16xi32>,
    %shift_right_logical3A_1154 = arith.constant 2 : i32
    %shift_right_logical3A_1155 = vector.broadcast %shift_right_logical3A_1154 : i32 to vector<16xi32>
    %shift_right_logical3A_1156 = arith.shrui %get3A_1153, %shift_right_logical3A_1155 : vector<16xi32>
    %swap3A_1157 = arith.constant 0 : i32
    %swap3A_1158 = arith.index_cast %swap3A_1157 : i32 to index
    %swap3A_1159 = arith.constant 32 : index
    %swap3A_1160 = tpu.vector_load %arg11[%swap3A_1158, %swap3A_1159] {strides = array<i32>} : memref<2x128xi32, #tpu.memory_space<vmem>>, vector<16xi32>,
    tpu.vector_store %arg11[%swap3A_1158, %swap3A_1159], %shift_right_logical3A_1156 {strides = array<i32>} : memref<2x128xi32, #tpu.memory_space<vmem>>, vector<16xi32>,
    %get3A_1161 = arith.constant 304 : index
    %get3A_1162 = tpu.vector_load %arg8[%get3A_1161] {strides = array<i32>} : memref<512xi32, #tpu.memory_space<vmem>>, vector<16xi32>,
    %shift_right_logical3A_1163 = arith.constant 2 : i32
    %shift_right_logical3A_1164 = vector.broadcast %shift_right_logical3A_1163 : i32 to vector<16xi32>
    %shift_right_logical3A_1165 = arith.shrui %get3A_1162, %shift_right_logical3A_1164 : vector<16xi32>
    %swap3A_1166 = arith.constant 0 : i32
    %swap3A_1167 = arith.index_cast %swap3A_1166 : i32 to index
    %swap3A_1168 = arith.constant 48 : index
    %swap3A_1169 = tpu.vector_load %arg10[%swap3A_1167, %swap3A_1168] {strides = array<i32>} : memref<2x128xi32, #tpu.memory_space<vmem>>, vector<16xi32>,
    tpu.vector_store %arg10[%swap3A_1167, %swap3A_1168], %shift_right_logical3A_1165 {strides = array<i32>} : memref<2x128xi32, #tpu.memory_space<vmem>>, vector<16xi32>,
    %get3A_1170 = arith.constant 304 : index
    %get3A_1171 = tpu.vector_load %arg9[%get3A_1170] {strides = array<i32>} : memref<512xi32, #tpu.memory_space<vmem>>, vector<16xi32>,
    %shift_right_logical3A_1172 = arith.constant 2 : i32
    %shift_right_logical3A_1173 = vector.broadcast %shift_right_logical3A_1172 : i32 to vector<16xi32>
    %shift_right_logical3A_1174 = arith.shrui %get3A_1171, %shift_right_logical3A_1173 : vector<16xi32>
    %swap3A_1175 = arith.constant 0 : i32
    %swap3A_1176 = arith.index_cast %swap3A_1175 : i32 to index
    %swap3A_1177 = arith.constant 48 : index
    %swap3A_1178 = tpu.vector_load %arg11[%swap3A_1176, %swap3A_1177] {strides = array<i32>} : memref<2x128xi32, #tpu.memory_space<vmem>>, vector<16xi32>,
    tpu.vector_store %arg11[%swap3A_1176, %swap3A_1177], %shift_right_logical3A_1174 {strides = array<i32>} : memref<2x128xi32, #tpu.memory_space<vmem>>, vector<16xi32>,
    %get3A_1179 = arith.constant 320 : index
    %get3A_1180 = tpu.vector_load %arg8[%get3A_1179] {strides = array<i32>} : memref<512xi32, #tpu.memory_space<vmem>>, vector<16xi32>,
    %shift_right_logical3A_1181 = arith.constant 2 : i32
    %shift_right_logical3A_1182 = vector.broadcast %shift_right_logical3A_1181 : i32 to vector<16xi32>
    %shift_right_logical3A_1183 = arith.shrui %get3A_1180, %shift_right_logical3A_1182 : vector<16xi32>
    %swap3A_1184 = arith.constant 0 : i32
    %swap3A_1185 = arith.index_cast %swap3A_1184 : i32 to index
    %swap3A_1186 = arith.constant 64 : index
    %swap3A_1187 = tpu.vector_load %arg10[%swap3A_1185, %swap3A_1186] {strides = array<i32>} : memref<2x128xi32, #tpu.memory_space<vmem>>, vector<16xi32>,
    tpu.vector_store %arg10[%swap3A_1185, %swap3A_1186], %shift_right_logical3A_1183 {strides = array<i32>} : memref<2x128xi32, #tpu.memory_space<vmem>>, vector<16xi32>,
    %get3A_1188 = arith.constant 320 : index
    %get3A_1189 = tpu.vector_load %arg9[%get3A_1188] {strides = array<i32>} : memref<512xi32, #tpu.memory_space<vmem>>, vector<16xi32>,
    %shift_right_logical3A_1190 = arith.constant 2 : i32
    %shift_right_logical3A_1191 = vector.broadcast %shift_right_logical3A_1190 : i32 to vector<16xi32>
    %shift_right_logical3A_1192 = arith.shrui %get3A_1189, %shift_right_logical3A_1191 : vector<16xi32>
    %swap3A_1193 = arith.constant 0 : i32
    %swap3A_1194 = arith.index_cast %swap3A_1193 : i32 to index
    %swap3A_1195 = arith.constant 64 : index
    %swap3A_1196 = tpu.vector_load %arg11[%swap3A_1194, %swap3A_1195] {strides = array<i32>} : memref<2x128xi32, #tpu.memory_space<vmem>>, vector<16xi32>,
    tpu.vector_store %arg11[%swap3A_1194, %swap3A_1195], %shift_right_logical3A_1192 {strides = array<i32>} : memref<2x128xi32, #tpu.memory_space<vmem>>, vector<16xi32>,
    %get3A_1197 = arith.constant 336 : index
    %get3A_1198 = tpu.vector_load %arg8[%get3A_1197] {strides = array<i32>} : memref<512xi32, #tpu.memory_space<vmem>>, vector<16xi32>,
    %shift_right_logical3A_1199 = arith.constant 2 : i32
    %shift_right_logical3A_1200 = vector.broadcast %shift_right_logical3A_1199 : i32 to vector<16xi32>
    %shift_right_logical3A_1201 = arith.shrui %get3A_1198, %shift_right_logical3A_1200 : vector<16xi32>
    %swap3A_1202 = arith.constant 0 : i32
    %swap3A_1203 = arith.index_cast %swap3A_1202 : i32 to index
    %swap3A_1204 = arith.constant 80 : index
    %swap3A_1205 = tpu.vector_load %arg10[%swap3A_1203, %swap3A_1204] {strides = array<i32>} : memref<2x128xi32, #tpu.memory_space<vmem>>, vector<16xi32>,
    tpu.vector_store %arg10[%swap3A_1203, %swap3A_1204], %shift_right_logical3A_1201 {strides = array<i32>} : memref<2x128xi32, #tpu.memory_space<vmem>>, vector<16xi32>,
    %get3A_1206 = arith.constant 336 : index
    %get3A_1207 = tpu.vector_load %arg9[%get3A_1206] {strides = array<i32>} : memref<512xi32, #tpu.memory_space<vmem>>, vector<16xi32>,
    %shift_right_logical3A_1208 = arith.constant 2 : i32
    %shift_right_logical3A_1209 = vector.broadcast %shift_right_logical3A_1208 : i32 to vector<16xi32>
    %shift_right_logical3A_1210 = arith.shrui %get3A_1207, %shift_right_logical3A_1209 : vector<16xi32>
    %swap3A_1211 = arith.constant 0 : i32
    %swap3A_1212 = arith.index_cast %swap3A_1211 : i32 to index
    %swap3A_1213 = arith.constant 80 : index
    %swap3A_1214 = tpu.vector_load %arg11[%swap3A_1212, %swap3A_1213] {strides = array<i32>} : memref<2x128xi32, #tpu.memory_space<vmem>>, vector<16xi32>,
    tpu.vector_store %arg11[%swap3A_1212, %swap3A_1213], %shift_right_logical3A_1210 {strides = array<i32>} : memref<2x128xi32, #tpu.memory_space<vmem>>, vector<16xi32>,
    %get3A_1215 = arith.constant 352 : index
    %get3A_1216 = tpu.vector_load %arg8[%get3A_1215] {strides = array<i32>} : memref<512xi32, #tpu.memory_space<vmem>>, vector<16xi32>,
    %shift_right_logical3A_1217 = arith.constant 2 : i32
    %shift_right_logical3A_1218 = vector.broadcast %shift_right_logical3A_1217 : i32 to vector<16xi32>
    %shift_right_logical3A_1219 = arith.shrui %get3A_1216, %shift_right_logical3A_1218 : vector<16xi32>
    %swap3A_1220 = arith.constant 0 : i32
    %swap3A_1221 = arith.index_cast %swap3A_1220 : i32 to index
    %swap3A_1222 = arith.constant 96 : index
    %swap3A_1223 = tpu.vector_load %arg10[%swap3A_1221, %swap3A_1222] {strides = array<i32>} : memref<2x128xi32, #tpu.memory_space<vmem>>, vector<16xi32>,
    tpu.vector_store %arg10[%swap3A_1221, %swap3A_1222], %shift_right_logical3A_1219 {strides = array<i32>} : memref<2x128xi32, #tpu.memory_space<vmem>>, vector<16xi32>,
    %get3A_1224 = arith.constant 352 : index
    %get3A_1225 = tpu.vector_load %arg9[%get3A_1224] {strides = array<i32>} : memref<512xi32, #tpu.memory_space<vmem>>, vector<16xi32>,
    %shift_right_logical3A_1226 = arith.constant 2 : i32
    %shift_right_logical3A_1227 = vector.broadcast %shift_right_logical3A_1226 : i32 to vector<16xi32>
    %shift_right_logical3A_1228 = arith.shrui %get3A_1225, %shift_right_logical3A_1227 : vector<16xi32>
    %swap3A_1229 = arith.constant 0 : i32
    %swap3A_1230 = arith.index_cast %swap3A_1229 : i32 to index
    %swap3A_1231 = arith.constant 96 : index
    %swap3A_1232 = tpu.vector_load %arg11[%swap3A_1230, %swap3A_1231] {strides = array<i32>} : memref<2x128xi32, #tpu.memory_space<vmem>>, vector<16xi32>,
    tpu.vector_store %arg11[%swap3A_1230, %swap3A_1231], %shift_right_logical3A_1228 {strides = array<i32>} : memref<2x128xi32, #tpu.memory_space<vmem>>, vector<16xi32>,
    %get3A_1233 = arith.constant 368 : index
    %get3A_1234 = tpu.vector_load %arg8[%get3A_1233] {strides = array<i32>} : memref<512xi32, #tpu.memory_space<vmem>>, vector<16xi32>,
    %shift_right_logical3A_1235 = arith.constant 2 : i32
    %shift_right_logical3A_1236 = vector.broadcast %shift_right_logical3A_1235 : i32 to vector<16xi32>
    %shift_right_logical3A_1237 = arith.shrui %get3A_1234, %shift_right_logical3A_1236 : vector<16xi32>
    %swap3A_1238 = arith.constant 0 : i32
    %swap3A_1239 = arith.index_cast %swap3A_1238 : i32 to index
    %swap3A_1240 = arith.constant 112 : index
    %swap3A_1241 = tpu.vector_load %arg10[%swap3A_1239, %swap3A_1240] {strides = array<i32>} : memref<2x128xi32, #tpu.memory_space<vmem>>, vector<16xi32>,
    tpu.vector_store %arg10[%swap3A_1239, %swap3A_1240], %shift_right_logical3A_1237 {strides = array<i32>} : memref<2x128xi32, #tpu.memory_space<vmem>>, vector<16xi32>,
    %get3A_1242 = arith.constant 368 : index
    %get3A_1243 = tpu.vector_load %arg9[%get3A_1242] {strides = array<i32>} : memref<512xi32, #tpu.memory_space<vmem>>, vector<16xi32>,
    %shift_right_logical3A_1244 = arith.constant 2 : i32
    %shift_right_logical3A_1245 = vector.broadcast %shift_right_logical3A_1244 : i32 to vector<16xi32>
    %shift_right_logical3A_1246 = arith.shrui %get3A_1243, %shift_right_logical3A_1245 : vector<16xi32>
    %swap3A_1247 = arith.constant 0 : i32
    %swap3A_1248 = arith.index_cast %swap3A_1247 : i32 to index
    %swap3A_1249 = arith.constant 112 : index
    %swap3A_1250 = tpu.vector_load %arg11[%swap3A_1248, %swap3A_1249] {strides = array<i32>} : memref<2x128xi32, #tpu.memory_space<vmem>>, vector<16xi32>,
    tpu.vector_store %arg11[%swap3A_1248, %swap3A_1249], %shift_right_logical3A_1246 {strides = array<i32>} : memref<2x128xi32, #tpu.memory_space<vmem>>, vector<16xi32>,
    %get3A_1251 = arith.constant 384 : index
    %get3A_1252 = tpu.vector_load %arg8[%get3A_1251] {strides = array<i32>} : memref<512xi32, #tpu.memory_space<vmem>>, vector<16xi32>,
    %shift_right_logical3A_1253 = arith.constant 2 : i32
    %shift_right_logical3A_1254 = vector.broadcast %shift_right_logical3A_1253 : i32 to vector<16xi32>
    %shift_right_logical3A_1255 = arith.shrui %get3A_1252, %shift_right_logical3A_1254 : vector<16xi32>
    %swap3A_1256 = arith.constant 1 : i32
    %swap3A_1257 = arith.index_cast %swap3A_1256 : i32 to index
    %swap3A_1258 = arith.constant 0 : index
    %swap3A_1259 = tpu.vector_load %arg10[%swap3A_1257, %swap3A_1258] {strides = array<i32>} : memref<2x128xi32, #tpu.memory_space<vmem>>, vector<16xi32>,
    tpu.vector_store %arg10[%swap3A_1257, %swap3A_1258], %shift_right_logical3A_1255 {strides = array<i32>} : memref<2x128xi32, #tpu.memory_space<vmem>>, vector<16xi32>,
    %get3A_1260 = arith.constant 384 : index
    %get3A_1261 = tpu.vector_load %arg9[%get3A_1260] {strides = array<i32>} : memref<512xi32, #tpu.memory_space<vmem>>, vector<16xi32>,
    %shift_right_logical3A_1262 = arith.constant 2 : i32
    %shift_right_logical3A_1263 = vector.broadcast %shift_right_logical3A_1262 : i32 to vector<16xi32>
    %shift_right_logical3A_1264 = arith.shrui %get3A_1261, %shift_right_logical3A_1263 : vector<16xi32>
    %swap3A_1265 = arith.constant 1 : i32
    %swap3A_1266 = arith.index_cast %swap3A_1265 : i32 to index
    %swap3A_1267 = arith.constant 0 : index
    %swap3A_1268 = tpu.vector_load %arg11[%swap3A_1266, %swap3A_1267] {strides = array<i32>} : memref<2x128xi32, #tpu.memory_space<vmem>>, vector<16xi32>,
    tpu.vector_store %arg11[%swap3A_1266, %swap3A_1267], %shift_right_logical3A_1264 {strides = array<i32>} : memref<2x128xi32, #tpu.memory_space<vmem>>, vector<16xi32>,
    %get3A_1269 = arith.constant 400 : index
    %get3A_1270 = tpu.vector_load %arg8[%get3A_1269] {strides = array<i32>} : memref<512xi32, #tpu.memory_space<vmem>>, vector<16xi32>,
    %shift_right_logical3A_1271 = arith.constant 2 : i32
    %shift_right_logical3A_1272 = vector.broadcast %shift_right_logical3A_1271 : i32 to vector<16xi32>
    %shift_right_logical3A_1273 = arith.shrui %get3A_1270, %shift_right_logical3A_1272 : vector<16xi32>
    %swap3A_1274 = arith.constant 1 : i32
    %swap3A_1275 = arith.index_cast %swap3A_1274 : i32 to index
    %swap3A_1276 = arith.constant 16 : index
    %swap3A_1277 = tpu.vector_load %arg10[%swap3A_1275, %swap3A_1276] {strides = array<i32>} : memref<2x128xi32, #tpu.memory_space<vmem>>, vector<16xi32>,
    tpu.vector_store %arg10[%swap3A_1275, %swap3A_1276], %shift_right_logical3A_1273 {strides = array<i32>} : memref<2x128xi32, #tpu.memory_space<vmem>>, vector<16xi32>,
    %get3A_1278 = arith.constant 400 : index
    %get3A_1279 = tpu.vector_load %arg9[%get3A_1278] {strides = array<i32>} : memref<512xi32, #tpu.memory_space<vmem>>, vector<16xi32>,
    %shift_right_logical3A_1280 = arith.constant 2 : i32
    %shift_right_logical3A_1281 = vector.broadcast %shift_right_logical3A_1280 : i32 to vector<16xi32>
    %shift_right_logical3A_1282 = arith.shrui %get3A_1279, %shift_right_logical3A_1281 : vector<16xi32>
    %swap3A_1283 = arith.constant 1 : i32
    %swap3A_1284 = arith.index_cast %swap3A_1283 : i32 to index
    %swap3A_1285 = arith.constant 16 : index
    %swap3A_1286 = tpu.vector_load %arg11[%swap3A_1284, %swap3A_1285] {strides = array<i32>} : memref<2x128xi32, #tpu.memory_space<vmem>>, vector<16xi32>,
    tpu.vector_store %arg11[%swap3A_1284, %swap3A_1285], %shift_right_logical3A_1282 {strides = array<i32>} : memref<2x128xi32, #tpu.memory_space<vmem>>, vector<16xi32>,
    %get3A_1287 = arith.constant 416 : index
    %get3A_1288 = tpu.vector_load %arg8[%get3A_1287] {strides = array<i32>} : memref<512xi32, #tpu.memory_space<vmem>>, vector<16xi32>,
    %shift_right_logical3A_1289 = arith.constant 2 : i32
    %shift_right_logical3A_1290 = vector.broadcast %shift_right_logical3A_1289 : i32 to vector<16xi32>
    %shift_right_logical3A_1291 = arith.shrui %get3A_1288, %shift_right_logical3A_1290 : vector<16xi32>
    %swap3A_1292 = arith.constant 1 : i32
    %swap3A_1293 = arith.index_cast %swap3A_1292 : i32 to index
    %swap3A_1294 = arith.constant 32 : index
    %swap3A_1295 = tpu.vector_load %arg10[%swap3A_1293, %swap3A_1294] {strides = array<i32>} : memref<2x128xi32, #tpu.memory_space<vmem>>, vector<16xi32>,
    tpu.vector_store %arg10[%swap3A_1293, %swap3A_1294], %shift_right_logical3A_1291 {strides = array<i32>} : memref<2x128xi32, #tpu.memory_space<vmem>>, vector<16xi32>,
    %get3A_1296 = arith.constant 416 : index
    %get3A_1297 = tpu.vector_load %arg9[%get3A_1296] {strides = array<i32>} : memref<512xi32, #tpu.memory_space<vmem>>, vector<16xi32>,
    %shift_right_logical3A_1298 = arith.constant 2 : i32
    %shift_right_logical3A_1299 = vector.broadcast %shift_right_logical3A_1298 : i32 to vector<16xi32>
    %shift_right_logical3A_1300 = arith.shrui %get3A_1297, %shift_right_logical3A_1299 : vector<16xi32>
    %swap3A_1301 = arith.constant 1 : i32
    %swap3A_1302 = arith.index_cast %swap3A_1301 : i32 to index
    %swap3A_1303 = arith.constant 32 : index
    %swap3A_1304 = tpu.vector_load %arg11[%swap3A_1302, %swap3A_1303] {strides = array<i32>} : memref<2x128xi32, #tpu.memory_space<vmem>>, vector<16xi32>,
    tpu.vector_store %arg11[%swap3A_1302, %swap3A_1303], %shift_right_logical3A_1300 {strides = array<i32>} : memref<2x128xi32, #tpu.memory_space<vmem>>, vector<16xi32>,
    %get3A_1305 = arith.constant 432 : index
    %get3A_1306 = tpu.vector_load %arg8[%get3A_1305] {strides = array<i32>} : memref<512xi32, #tpu.memory_space<vmem>>, vector<16xi32>,
    %shift_right_logical3A_1307 = arith.constant 2 : i32
    %shift_right_logical3A_1308 = vector.broadcast %shift_right_logical3A_1307 : i32 to vector<16xi32>
    %shift_right_logical3A_1309 = arith.shrui %get3A_1306, %shift_right_logical3A_1308 : vector<16xi32>
    %swap3A_1310 = arith.constant 1 : i32
    %swap3A_1311 = arith.index_cast %swap3A_1310 : i32 to index
    %swap3A_1312 = arith.constant 48 : index
    %swap3A_1313 = tpu.vector_load %arg10[%swap3A_1311, %swap3A_1312] {strides = array<i32>} : memref<2x128xi32, #tpu.memory_space<vmem>>, vector<16xi32>,
    tpu.vector_store %arg10[%swap3A_1311, %swap3A_1312], %shift_right_logical3A_1309 {strides = array<i32>} : memref<2x128xi32, #tpu.memory_space<vmem>>, vector<16xi32>,
    %get3A_1314 = arith.constant 432 : index
    %get3A_1315 = tpu.vector_load %arg9[%get3A_1314] {strides = array<i32>} : memref<512xi32, #tpu.memory_space<vmem>>, vector<16xi32>,
    %shift_right_logical3A_1316 = arith.constant 2 : i32
    %shift_right_logical3A_1317 = vector.broadcast %shift_right_logical3A_1316 : i32 to vector<16xi32>
    %shift_right_logical3A_1318 = arith.shrui %get3A_1315, %shift_right_logical3A_1317 : vector<16xi32>
    %swap3A_1319 = arith.constant 1 : i32
    %swap3A_1320 = arith.index_cast %swap3A_1319 : i32 to index
    %swap3A_1321 = arith.constant 48 : index
    %swap3A_1322 = tpu.vector_load %arg11[%swap3A_1320, %swap3A_1321] {strides = array<i32>} : memref<2x128xi32, #tpu.memory_space<vmem>>, vector<16xi32>,
    tpu.vector_store %arg11[%swap3A_1320, %swap3A_1321], %shift_right_logical3A_1318 {strides = array<i32>} : memref<2x128xi32, #tpu.memory_space<vmem>>, vector<16xi32>,
    %get3A_1323 = arith.constant 448 : index
    %get3A_1324 = tpu.vector_load %arg8[%get3A_1323] {strides = array<i32>} : memref<512xi32, #tpu.memory_space<vmem>>, vector<16xi32>,
    %shift_right_logical3A_1325 = arith.constant 2 : i32
    %shift_right_logical3A_1326 = vector.broadcast %shift_right_logical3A_1325 : i32 to vector<16xi32>
    %shift_right_logical3A_1327 = arith.shrui %get3A_1324, %shift_right_logical3A_1326 : vector<16xi32>
    %swap3A_1328 = arith.constant 1 : i32
    %swap3A_1329 = arith.index_cast %swap3A_1328 : i32 to index
    %swap3A_1330 = arith.constant 64 : index
    %swap3A_1331 = tpu.vector_load %arg10[%swap3A_1329, %swap3A_1330] {strides = array<i32>} : memref<2x128xi32, #tpu.memory_space<vmem>>, vector<16xi32>,
    tpu.vector_store %arg10[%swap3A_1329, %swap3A_1330], %shift_right_logical3A_1327 {strides = array<i32>} : memref<2x128xi32, #tpu.memory_space<vmem>>, vector<16xi32>,
    %get3A_1332 = arith.constant 448 : index
    %get3A_1333 = tpu.vector_load %arg9[%get3A_1332] {strides = array<i32>} : memref<512xi32, #tpu.memory_space<vmem>>, vector<16xi32>,
    %shift_right_logical3A_1334 = arith.constant 2 : i32
    %shift_right_logical3A_1335 = vector.broadcast %shift_right_logical3A_1334 : i32 to vector<16xi32>
    %shift_right_logical3A_1336 = arith.shrui %get3A_1333, %shift_right_logical3A_1335 : vector<16xi32>
    %swap3A_1337 = arith.constant 1 : i32
    %swap3A_1338 = arith.index_cast %swap3A_1337 : i32 to index
    %swap3A_1339 = arith.constant 64 : index
    %swap3A_1340 = tpu.vector_load %arg11[%swap3A_1338, %swap3A_1339] {strides = array<i32>} : memref<2x128xi32, #tpu.memory_space<vmem>>, vector<16xi32>,
    tpu.vector_store %arg11[%swap3A_1338, %swap3A_1339], %shift_right_logical3A_1336 {strides = array<i32>} : memref<2x128xi32, #tpu.memory_space<vmem>>, vector<16xi32>,
    %get3A_1341 = arith.constant 464 : index
    %get3A_1342 = tpu.vector_load %arg8[%get3A_1341] {strides = array<i32>} : memref<512xi32, #tpu.memory_space<vmem>>, vector<16xi32>,
    %shift_right_logical3A_1343 = arith.constant 2 : i32
    %shift_right_logical3A_1344 = vector.broadcast %shift_right_logical3A_1343 : i32 to vector<16xi32>
    %shift_right_logical3A_1345 = arith.shrui %get3A_1342, %shift_right_logical3A_1344 : vector<16xi32>
    %swap3A_1346 = arith.constant 1 : i32
    %swap3A_1347 = arith.index_cast %swap3A_1346 : i32 to index
    %swap3A_1348 = arith.constant 80 : index
    %swap3A_1349 = tpu.vector_load %arg10[%swap3A_1347, %swap3A_1348] {strides = array<i32>} : memref<2x128xi32, #tpu.memory_space<vmem>>, vector<16xi32>,
    tpu.vector_store %arg10[%swap3A_1347, %swap3A_1348], %shift_right_logical3A_1345 {strides = array<i32>} : memref<2x128xi32, #tpu.memory_space<vmem>>, vector<16xi32>,
    %get3A_1350 = arith.constant 464 : index
    %get3A_1351 = tpu.vector_load %arg9[%get3A_1350] {strides = array<i32>} : memref<512xi32, #tpu.memory_space<vmem>>, vector<16xi32>,
    %shift_right_logical3A_1352 = arith.constant 2 : i32
    %shift_right_logical3A_1353 = vector.broadcast %shift_right_logical3A_1352 : i32 to vector<16xi32>
    %shift_right_logical3A_1354 = arith.shrui %get3A_1351, %shift_right_logical3A_1353 : vector<16xi32>
    %swap3A_1355 = arith.constant 1 : i32
    %swap3A_1356 = arith.index_cast %swap3A_1355 : i32 to index
    %swap3A_1357 = arith.constant 80 : index
    %swap3A_1358 = tpu.vector_load %arg11[%swap3A_1356, %swap3A_1357] {strides = array<i32>} : memref<2x128xi32, #tpu.memory_space<vmem>>, vector<16xi32>,
    tpu.vector_store %arg11[%swap3A_1356, %swap3A_1357], %shift_right_logical3A_1354 {strides = array<i32>} : memref<2x128xi32, #tpu.memory_space<vmem>>, vector<16xi32>,
    %get3A_1359 = arith.constant 480 : index
    %get3A_1360 = tpu.vector_load %arg8[%get3A_1359] {strides = array<i32>} : memref<512xi32, #tpu.memory_space<vmem>>, vector<16xi32>,
    %shift_right_logical3A_1361 = arith.constant 2 : i32
    %shift_right_logical3A_1362 = vector.broadcast %shift_right_logical3A_1361 : i32 to vector<16xi32>
    %shift_right_logical3A_1363 = arith.shrui %get3A_1360, %shift_right_logical3A_1362 : vector<16xi32>
    %swap3A_1364 = arith.constant 1 : i32
    %swap3A_1365 = arith.index_cast %swap3A_1364 : i32 to index
    %swap3A_1366 = arith.constant 96 : index
    %swap3A_1367 = tpu.vector_load %arg10[%swap3A_1365, %swap3A_1366] {strides = array<i32>} : memref<2x128xi32, #tpu.memory_space<vmem>>, vector<16xi32>,
    tpu.vector_store %arg10[%swap3A_1365, %swap3A_1366], %shift_right_logical3A_1363 {strides = array<i32>} : memref<2x128xi32, #tpu.memory_space<vmem>>, vector<16xi32>,
    %get3A_1368 = arith.constant 480 : index
    %get3A_1369 = tpu.vector_load %arg9[%get3A_1368] {strides = array<i32>} : memref<512xi32, #tpu.memory_space<vmem>>, vector<16xi32>,
    %shift_right_logical3A_1370 = arith.constant 2 : i32
    %shift_right_logical3A_1371 = vector.broadcast %shift_right_logical3A_1370 : i32 to vector<16xi32>
    %shift_right_logical3A_1372 = arith.shrui %get3A_1369, %shift_right_logical3A_1371 : vector<16xi32>
    %swap3A_1373 = arith.constant 1 : i32
    %swap3A_1374 = arith.index_cast %swap3A_1373 : i32 to index
    %swap3A_1375 = arith.constant 96 : index
    %swap3A_1376 = tpu.vector_load %arg11[%swap3A_1374, %swap3A_1375] {strides = array<i32>} : memref<2x128xi32, #tpu.memory_space<vmem>>, vector<16xi32>,
    tpu.vector_store %arg11[%swap3A_1374, %swap3A_1375], %shift_right_logical3A_1372 {strides = array<i32>} : memref<2x128xi32, #tpu.memory_space<vmem>>, vector<16xi32>,
    %get3A_1377 = arith.constant 496 : index
    %get3A_1378 = tpu.vector_load %arg8[%get3A_1377] {strides = array<i32>} : memref<512xi32, #tpu.memory_space<vmem>>, vector<16xi32>,
    %shift_right_logical3A_1379 = arith.constant 2 : i32
    %shift_right_logical3A_1380 = vector.broadcast %shift_right_logical3A_1379 : i32 to vector<16xi32>
    %shift_right_logical3A_1381 = arith.shrui %get3A_1378, %shift_right_logical3A_1380 : vector<16xi32>
    %swap3A_1382 = arith.constant 1 : i32
    %swap3A_1383 = arith.index_cast %swap3A_1382 : i32 to index
    %swap3A_1384 = arith.constant 112 : index
    %swap3A_1385 = tpu.vector_load %arg10[%swap3A_1383, %swap3A_1384] {strides = array<i32>} : memref<2x128xi32, #tpu.memory_space<vmem>>, vector<16xi32>,
    tpu.vector_store %arg10[%swap3A_1383, %swap3A_1384], %shift_right_logical3A_1381 {strides = array<i32>} : memref<2x128xi32, #tpu.memory_space<vmem>>, vector<16xi32>,
    %get3A_1386 = arith.constant 496 : index
    %get3A_1387 = tpu.vector_load %arg9[%get3A_1386] {strides = array<i32>} : memref<512xi32, #tpu.memory_space<vmem>>, vector<16xi32>,
    %shift_right_logical3A_1388 = arith.constant 2 : i32
    %shift_right_logical3A_1389 = vector.broadcast %shift_right_logical3A_1388 : i32 to vector<16xi32>
    %shift_right_logical3A_1390 = arith.shrui %get3A_1387, %shift_right_logical3A_1389 : vector<16xi32>
    %swap3A_1391 = arith.constant 1 : i32
    %swap3A_1392 = arith.index_cast %swap3A_1391 : i32 to index
    %swap3A_1393 = arith.constant 112 : index
    %swap3A_1394 = tpu.vector_load %arg11[%swap3A_1392, %swap3A_1393] {strides = array<i32>} : memref<2x128xi32, #tpu.memory_space<vmem>>, vector<16xi32>,
    tpu.vector_store %arg11[%swap3A_1392, %swap3A_1393], %shift_right_logical3A_1390 {strides = array<i32>} : memref<2x128xi32, #tpu.memory_space<vmem>>, vector<16xi32>,
    %get3A_1395 = arith.constant 256 : index
    %get3A_1396 = tpu.vector_load %arg8[%get3A_1395] {strides = array<i32>} : memref<512xi32, #tpu.memory_space<vmem>>, vector<16xi32>,
    %add3A_1397 = arith.constant 0 : i32
    %add3A_1398 = vector.broadcast %add3A_1397 : i32 to vector<16xi32>
    %add3A_1399 = arith.addi %get3A_1396, %add3A_1398 : vector<16xi32>
    %swap3A_1400 = arith.constant 0 : i32
    %swap3A_1401 = arith.index_cast %swap3A_1400 : i32 to index
    %swap3A_1402 = arith.constant 0 : index
    %swap3A_1403 = tpu.vector_load %arg12[%swap3A_1401, %swap3A_1402] {strides = array<i32>} : memref<8x128xi32, #tpu.memory_space<vmem>>, vector<16xi32>,
    tpu.vector_store %arg12[%swap3A_1401, %swap3A_1402], %add3A_1399 {strides = array<i32>} : memref<8x128xi32, #tpu.memory_space<vmem>>, vector<16xi32>,
    %get3A_1404 = arith.constant 272 : index
    %get3A_1405 = tpu.vector_load %arg8[%get3A_1404] {strides = array<i32>} : memref<512xi32, #tpu.memory_space<vmem>>, vector<16xi32>,
    %add3A_1406 = arith.constant 0 : i32
    %add3A_1407 = vector.broadcast %add3A_1406 : i32 to vector<16xi32>
    %add3A_1408 = arith.addi %get3A_1405, %add3A_1407 : vector<16xi32>
    %swap3A_1409 = arith.constant 0 : i32
    %swap3A_1410 = arith.index_cast %swap3A_1409 : i32 to index
    %swap3A_1411 = arith.constant 16 : index
    %swap3A_1412 = tpu.vector_load %arg12[%swap3A_1410, %swap3A_1411] {strides = array<i32>} : memref<8x128xi32, #tpu.memory_space<vmem>>, vector<16xi32>,
    tpu.vector_store %arg12[%swap3A_1410, %swap3A_1411], %add3A_1408 {strides = array<i32>} : memref<8x128xi32, #tpu.memory_space<vmem>>, vector<16xi32>,
    %get3A_1413 = arith.constant 288 : index
    %get3A_1414 = tpu.vector_load %arg8[%get3A_1413] {strides = array<i32>} : memref<512xi32, #tpu.memory_space<vmem>>, vector<16xi32>,
    %add3A_1415 = arith.constant 0 : i32
    %add3A_1416 = vector.broadcast %add3A_1415 : i32 to vector<16xi32>
    %add3A_1417 = arith.addi %get3A_1414, %add3A_1416 : vector<16xi32>
    %swap3A_1418 = arith.constant 0 : i32
    %swap3A_1419 = arith.index_cast %swap3A_1418 : i32 to index
    %swap3A_1420 = arith.constant 32 : index
    %swap3A_1421 = tpu.vector_load %arg12[%swap3A_1419, %swap3A_1420] {strides = array<i32>} : memref<8x128xi32, #tpu.memory_space<vmem>>, vector<16xi32>,
    tpu.vector_store %arg12[%swap3A_1419, %swap3A_1420], %add3A_1417 {strides = array<i32>} : memref<8x128xi32, #tpu.memory_space<vmem>>, vector<16xi32>,
    %get3A_1422 = arith.constant 304 : index
    %get3A_1423 = tpu.vector_load %arg8[%get3A_1422] {strides = array<i32>} : memref<512xi32, #tpu.memory_space<vmem>>, vector<16xi32>,
    %add3A_1424 = arith.constant 0 : i32
    %add3A_1425 = vector.broadcast %add3A_1424 : i32 to vector<16xi32>
    %add3A_1426 = arith.addi %get3A_1423, %add3A_1425 : vector<16xi32>
    %swap3A_1427 = arith.constant 0 : i32
    %swap3A_1428 = arith.index_cast %swap3A_1427 : i32 to index
    %swap3A_1429 = arith.constant 48 : index
    %swap3A_1430 = tpu.vector_load %arg12[%swap3A_1428, %swap3A_1429] {strides = array<i32>} : memref<8x128xi32, #tpu.memory_space<vmem>>, vector<16xi32>,
    tpu.vector_store %arg12[%swap3A_1428, %swap3A_1429], %add3A_1426 {strides = array<i32>} : memref<8x128xi32, #tpu.memory_space<vmem>>, vector<16xi32>,
    %get3A_1431 = arith.constant 320 : index
    %get3A_1432 = tpu.vector_load %arg8[%get3A_1431] {strides = array<i32>} : memref<512xi32, #tpu.memory_space<vmem>>, vector<16xi32>,
    %add3A_1433 = arith.constant 0 : i32
    %add3A_1434 = vector.broadcast %add3A_1433 : i32 to vector<16xi32>
    %add3A_1435 = arith.addi %get3A_1432, %add3A_1434 : vector<16xi32>
    %swap3A_1436 = arith.constant 0 : i32
    %swap3A_1437 = arith.index_cast %swap3A_1436 : i32 to index
    %swap3A_1438 = arith.constant 64 : index
    %swap3A_1439 = tpu.vector_load %arg12[%swap3A_1437, %swap3A_1438] {strides = array<i32>} : memref<8x128xi32, #tpu.memory_space<vmem>>, vector<16xi32>,
    tpu.vector_store %arg12[%swap3A_1437, %swap3A_1438], %add3A_1435 {strides = array<i32>} : memref<8x128xi32, #tpu.memory_space<vmem>>, vector<16xi32>,
    %get3A_1440 = arith.constant 336 : index
    %get3A_1441 = tpu.vector_load %arg8[%get3A_1440] {strides = array<i32>} : memref<512xi32, #tpu.memory_space<vmem>>, vector<16xi32>,
    %add3A_1442 = arith.constant 0 : i32
    %add3A_1443 = vector.broadcast %add3A_1442 : i32 to vector<16xi32>
    %add3A_1444 = arith.addi %get3A_1441, %add3A_1443 : vector<16xi32>
    %swap3A_1445 = arith.constant 0 : i32
    %swap3A_1446 = arith.index_cast %swap3A_1445 : i32 to index
    %swap3A_1447 = arith.constant 80 : index
    %swap3A_1448 = tpu.vector_load %arg12[%swap3A_1446, %swap3A_1447] {strides = array<i32>} : memref<8x128xi32, #tpu.memory_space<vmem>>, vector<16xi32>,
    tpu.vector_store %arg12[%swap3A_1446, %swap3A_1447], %add3A_1444 {strides = array<i32>} : memref<8x128xi32, #tpu.memory_space<vmem>>, vector<16xi32>,
    %get3A_1449 = arith.constant 352 : index
    %get3A_1450 = tpu.vector_load %arg8[%get3A_1449] {strides = array<i32>} : memref<512xi32, #tpu.memory_space<vmem>>, vector<16xi32>,
    %add3A_1451 = arith.constant 0 : i32
    %add3A_1452 = vector.broadcast %add3A_1451 : i32 to vector<16xi32>
    %add3A_1453 = arith.addi %get3A_1450, %add3A_1452 : vector<16xi32>
    %swap3A_1454 = arith.constant 0 : i32
    %swap3A_1455 = arith.index_cast %swap3A_1454 : i32 to index
    %swap3A_1456 = arith.constant 96 : index
    %swap3A_1457 = tpu.vector_load %arg12[%swap3A_1455, %swap3A_1456] {strides = array<i32>} : memref<8x128xi32, #tpu.memory_space<vmem>>, vector<16xi32>,
    tpu.vector_store %arg12[%swap3A_1455, %swap3A_1456], %add3A_1453 {strides = array<i32>} : memref<8x128xi32, #tpu.memory_space<vmem>>, vector<16xi32>,
    %get3A_1458 = arith.constant 368 : index
    %get3A_1459 = tpu.vector_load %arg8[%get3A_1458] {strides = array<i32>} : memref<512xi32, #tpu.memory_space<vmem>>, vector<16xi32>,
    %add3A_1460 = arith.constant 0 : i32
    %add3A_1461 = vector.broadcast %add3A_1460 : i32 to vector<16xi32>
    %add3A_1462 = arith.addi %get3A_1459, %add3A_1461 : vector<16xi32>
    %swap3A_1463 = arith.constant 0 : i32
    %swap3A_1464 = arith.index_cast %swap3A_1463 : i32 to index
    %swap3A_1465 = arith.constant 112 : index
    %swap3A_1466 = tpu.vector_load %arg12[%swap3A_1464, %swap3A_1465] {strides = array<i32>} : memref<8x128xi32, #tpu.memory_space<vmem>>, vector<16xi32>,
    tpu.vector_store %arg12[%swap3A_1464, %swap3A_1465], %add3A_1462 {strides = array<i32>} : memref<8x128xi32, #tpu.memory_space<vmem>>, vector<16xi32>,
    %get3A_1467 = arith.constant 384 : index
    %get3A_1468 = tpu.vector_load %arg8[%get3A_1467] {strides = array<i32>} : memref<512xi32, #tpu.memory_space<vmem>>, vector<16xi32>,
    %add3A_1469 = arith.constant 0 : i32
    %add3A_1470 = vector.broadcast %add3A_1469 : i32 to vector<16xi32>
    %add3A_1471 = arith.addi %get3A_1468, %add3A_1470 : vector<16xi32>
    %swap3A_1472 = arith.constant 1 : i32
    %swap3A_1473 = arith.index_cast %swap3A_1472 : i32 to index
    %swap3A_1474 = arith.constant 0 : index
    %swap3A_1475 = tpu.vector_load %arg12[%swap3A_1473, %swap3A_1474] {strides = array<i32>} : memref<8x128xi32, #tpu.memory_space<vmem>>, vector<16xi32>,
    tpu.vector_store %arg12[%swap3A_1473, %swap3A_1474], %add3A_1471 {strides = array<i32>} : memref<8x128xi32, #tpu.memory_space<vmem>>, vector<16xi32>,
    %get3A_1476 = arith.constant 400 : index
    %get3A_1477 = tpu.vector_load %arg8[%get3A_1476] {strides = array<i32>} : memref<512xi32, #tpu.memory_space<vmem>>, vector<16xi32>,
    %add3A_1478 = arith.constant 0 : i32
    %add3A_1479 = vector.broadcast %add3A_1478 : i32 to vector<16xi32>
    %add3A_1480 = arith.addi %get3A_1477, %add3A_1479 : vector<16xi32>
    %swap3A_1481 = arith.constant 1 : i32
    %swap3A_1482 = arith.index_cast %swap3A_1481 : i32 to index
    %swap3A_1483 = arith.constant 16 : index
    %swap3A_1484 = tpu.vector_load %arg12[%swap3A_1482, %swap3A_1483] {strides = array<i32>} : memref<8x128xi32, #tpu.memory_space<vmem>>, vector<16xi32>,
    tpu.vector_store %arg12[%swap3A_1482, %swap3A_1483], %add3A_1480 {strides = array<i32>} : memref<8x128xi32, #tpu.memory_space<vmem>>, vector<16xi32>,
    %get3A_1485 = arith.constant 416 : index
    %get3A_1486 = tpu.vector_load %arg8[%get3A_1485] {strides = array<i32>} : memref<512xi32, #tpu.memory_space<vmem>>, vector<16xi32>,
    %add3A_1487 = arith.constant 0 : i32
    %add3A_1488 = vector.broadcast %add3A_1487 : i32 to vector<16xi32>
    %add3A_1489 = arith.addi %get3A_1486, %add3A_1488 : vector<16xi32>
    %swap3A_1490 = arith.constant 1 : i32
    %swap3A_1491 = arith.index_cast %swap3A_1490 : i32 to index
    %swap3A_1492 = arith.constant 32 : index
    %swap3A_1493 = tpu.vector_load %arg12[%swap3A_1491, %swap3A_1492] {strides = array<i32>} : memref<8x128xi32, #tpu.memory_space<vmem>>, vector<16xi32>,
    tpu.vector_store %arg12[%swap3A_1491, %swap3A_1492], %add3A_1489 {strides = array<i32>} : memref<8x128xi32, #tpu.memory_space<vmem>>, vector<16xi32>,
    %get3A_1494 = arith.constant 432 : index
    %get3A_1495 = tpu.vector_load %arg8[%get3A_1494] {strides = array<i32>} : memref<512xi32, #tpu.memory_space<vmem>>, vector<16xi32>,
    %add3A_1496 = arith.constant 0 : i32
    %add3A_1497 = vector.broadcast %add3A_1496 : i32 to vector<16xi32>
    %add3A_1498 = arith.addi %get3A_1495, %add3A_1497 : vector<16xi32>
    %swap3A_1499 = arith.constant 1 : i32
    %swap3A_1500 = arith.index_cast %swap3A_1499 : i32 to index
    %swap3A_1501 = arith.constant 48 : index
    %swap3A_1502 = tpu.vector_load %arg12[%swap3A_1500, %swap3A_1501] {strides = array<i32>} : memref<8x128xi32, #tpu.memory_space<vmem>>, vector<16xi32>,
    tpu.vector_store %arg12[%swap3A_1500, %swap3A_1501], %add3A_1498 {strides = array<i32>} : memref<8x128xi32, #tpu.memory_space<vmem>>, vector<16xi32>,
    %get3A_1503 = arith.constant 448 : index
    %get3A_1504 = tpu.vector_load %arg8[%get3A_1503] {strides = array<i32>} : memref<512xi32, #tpu.memory_space<vmem>>, vector<16xi32>,
    %add3A_1505 = arith.constant 0 : i32
    %add3A_1506 = vector.broadcast %add3A_1505 : i32 to vector<16xi32>
    %add3A_1507 = arith.addi %get3A_1504, %add3A_1506 : vector<16xi32>
    %swap3A_1508 = arith.constant 1 : i32
    %swap3A_1509 = arith.index_cast %swap3A_1508 : i32 to index
    %swap3A_1510 = arith.constant 64 : index
    %swap3A_1511 = tpu.vector_load %arg12[%swap3A_1509, %swap3A_1510] {strides = array<i32>} : memref<8x128xi32, #tpu.memory_space<vmem>>, vector<16xi32>,
    tpu.vector_store %arg12[%swap3A_1509, %swap3A_1510], %add3A_1507 {strides = array<i32>} : memref<8x128xi32, #tpu.memory_space<vmem>>, vector<16xi32>,
    %get3A_1512 = arith.constant 464 : index
    %get3A_1513 = tpu.vector_load %arg8[%get3A_1512] {strides = array<i32>} : memref<512xi32, #tpu.memory_space<vmem>>, vector<16xi32>,
    %add3A_1514 = arith.constant 0 : i32
    %add3A_1515 = vector.broadcast %add3A_1514 : i32 to vector<16xi32>
    %add3A_1516 = arith.addi %get3A_1513, %add3A_1515 : vector<16xi32>
    %swap3A_1517 = arith.constant 1 : i32
    %swap3A_1518 = arith.index_cast %swap3A_1517 : i32 to index
    %swap3A_1519 = arith.constant 80 : index
    %swap3A_1520 = tpu.vector_load %arg12[%swap3A_1518, %swap3A_1519] {strides = array<i32>} : memref<8x128xi32, #tpu.memory_space<vmem>>, vector<16xi32>,
    tpu.vector_store %arg12[%swap3A_1518, %swap3A_1519], %add3A_1516 {strides = array<i32>} : memref<8x128xi32, #tpu.memory_space<vmem>>, vector<16xi32>,
    %get3A_1521 = arith.constant 480 : index
    %get3A_1522 = tpu.vector_load %arg8[%get3A_1521] {strides = array<i32>} : memref<512xi32, #tpu.memory_space<vmem>>, vector<16xi32>,
    %add3A_1523 = arith.constant 0 : i32
    %add3A_1524 = vector.broadcast %add3A_1523 : i32 to vector<16xi32>
    %add3A_1525 = arith.addi %get3A_1522, %add3A_1524 : vector<16xi32>
    %swap3A_1526 = arith.constant 1 : i32
    %swap3A_1527 = arith.index_cast %swap3A_1526 : i32 to index
    %swap3A_1528 = arith.constant 96 : index
    %swap3A_1529 = tpu.vector_load %arg12[%swap3A_1527, %swap3A_1528] {strides = array<i32>} : memref<8x128xi32, #tpu.memory_space<vmem>>, vector<16xi32>,
    tpu.vector_store %arg12[%swap3A_1527, %swap3A_1528], %add3A_1525 {strides = array<i32>} : memref<8x128xi32, #tpu.memory_space<vmem>>, vector<16xi32>,
    %get3A_1530 = arith.constant 496 : index
    %get3A_1531 = tpu.vector_load %arg8[%get3A_1530] {strides = array<i32>} : memref<512xi32, #tpu.memory_space<vmem>>, vector<16xi32>,
    %add3A_1532 = arith.constant 0 : i32
    %add3A_1533 = vector.broadcast %add3A_1532 : i32 to vector<16xi32>
    %add3A_1534 = arith.addi %get3A_1531, %add3A_1533 : vector<16xi32>
    %swap3A_1535 = arith.constant 1 : i32
    %swap3A_1536 = arith.index_cast %swap3A_1535 : i32 to index
    %swap3A_1537 = arith.constant 112 : index
    %swap3A_1538 = tpu.vector_load %arg12[%swap3A_1536, %swap3A_1537] {strides = array<i32>} : memref<8x128xi32, #tpu.memory_space<vmem>>, vector<16xi32>,
    tpu.vector_store %arg12[%swap3A_1536, %swap3A_1537], %add3A_1534 {strides = array<i32>} : memref<8x128xi32, #tpu.memory_space<vmem>>, vector<16xi32>,
    %get3A_1539 = arith.constant 256 : index
    %get3A_1540 = tpu.vector_load %arg8[%get3A_1539] {strides = array<i32>} : memref<512xi32, #tpu.memory_space<vmem>>, vector<16xi32>,
    %add3A_1541 = arith.constant 1000000 : i32
    %add3A_1542 = vector.broadcast %add3A_1541 : i32 to vector<16xi32>
    %add3A_1543 = arith.addi %get3A_1540, %add3A_1542 : vector<16xi32>
    %swap3A_1544 = arith.constant 2 : i32
    %swap3A_1545 = arith.index_cast %swap3A_1544 : i32 to index
    %swap3A_1546 = arith.constant 0 : index
    %swap3A_1547 = tpu.vector_load %arg12[%swap3A_1545, %swap3A_1546] {strides = array<i32>} : memref<8x128xi32, #tpu.memory_space<vmem>>, vector<16xi32>,
    tpu.vector_store %arg12[%swap3A_1545, %swap3A_1546], %add3A_1543 {strides = array<i32>} : memref<8x128xi32, #tpu.memory_space<vmem>>, vector<16xi32>,
    %get3A_1548 = arith.constant 272 : index
    %get3A_1549 = tpu.vector_load %arg8[%get3A_1548] {strides = array<i32>} : memref<512xi32, #tpu.memory_space<vmem>>, vector<16xi32>,
    %add3A_1550 = arith.constant 1000000 : i32
    %add3A_1551 = vector.broadcast %add3A_1550 : i32 to vector<16xi32>
    %add3A_1552 = arith.addi %get3A_1549, %add3A_1551 : vector<16xi32>
    %swap3A_1553 = arith.constant 2 : i32
    %swap3A_1554 = arith.index_cast %swap3A_1553 : i32 to index
    %swap3A_1555 = arith.constant 16 : index
    %swap3A_1556 = tpu.vector_load %arg12[%swap3A_1554, %swap3A_1555] {strides = array<i32>} : memref<8x128xi32, #tpu.memory_space<vmem>>, vector<16xi32>,
    tpu.vector_store %arg12[%swap3A_1554, %swap3A_1555], %add3A_1552 {strides = array<i32>} : memref<8x128xi32, #tpu.memory_space<vmem>>, vector<16xi32>,
    %get3A_1557 = arith.constant 288 : index
    %get3A_1558 = tpu.vector_load %arg8[%get3A_1557] {strides = array<i32>} : memref<512xi32, #tpu.memory_space<vmem>>, vector<16xi32>,
    %add3A_1559 = arith.constant 1000000 : i32
    %add3A_1560 = vector.broadcast %add3A_1559 : i32 to vector<16xi32>
    %add3A_1561 = arith.addi %get3A_1558, %add3A_1560 : vector<16xi32>
    %swap3A_1562 = arith.constant 2 : i32
    %swap3A_1563 = arith.index_cast %swap3A_1562 : i32 to index
    %swap3A_1564 = arith.constant 32 : index
    %swap3A_1565 = tpu.vector_load %arg12[%swap3A_1563, %swap3A_1564] {strides = array<i32>} : memref<8x128xi32, #tpu.memory_space<vmem>>, vector<16xi32>,
    tpu.vector_store %arg12[%swap3A_1563, %swap3A_1564], %add3A_1561 {strides = array<i32>} : memref<8x128xi32, #tpu.memory_space<vmem>>, vector<16xi32>,
    %get3A_1566 = arith.constant 304 : index
    %get3A_1567 = tpu.vector_load %arg8[%get3A_1566] {strides = array<i32>} : memref<512xi32, #tpu.memory_space<vmem>>, vector<16xi32>,
    %add3A_1568 = arith.constant 1000000 : i32
    %add3A_1569 = vector.broadcast %add3A_1568 : i32 to vector<16xi32>
    %add3A_1570 = arith.addi %get3A_1567, %add3A_1569 : vector<16xi32>
    %swap3A_1571 = arith.constant 2 : i32
    %swap3A_1572 = arith.index_cast %swap3A_1571 : i32 to index
    %swap3A_1573 = arith.constant 48 : index
    %swap3A_1574 = tpu.vector_load %arg12[%swap3A_1572, %swap3A_1573] {strides = array<i32>} : memref<8x128xi32, #tpu.memory_space<vmem>>, vector<16xi32>,
    tpu.vector_store %arg12[%swap3A_1572, %swap3A_1573], %add3A_1570 {strides = array<i32>} : memref<8x128xi32, #tpu.memory_space<vmem>>, vector<16xi32>,
    %get3A_1575 = arith.constant 320 : index
    %get3A_1576 = tpu.vector_load %arg8[%get3A_1575] {strides = array<i32>} : memref<512xi32, #tpu.memory_space<vmem>>, vector<16xi32>,
    %add3A_1577 = arith.constant 1000000 : i32
    %add3A_1578 = vector.broadcast %add3A_1577 : i32 to vector<16xi32>
    %add3A_1579 = arith.addi %get3A_1576, %add3A_1578 : vector<16xi32>
    %swap3A_1580 = arith.constant 2 : i32
    %swap3A_1581 = arith.index_cast %swap3A_1580 : i32 to index
    %swap3A_1582 = arith.constant 64 : index
    %swap3A_1583 = tpu.vector_load %arg12[%swap3A_1581, %swap3A_1582] {strides = array<i32>} : memref<8x128xi32, #tpu.memory_space<vmem>>, vector<16xi32>,
    tpu.vector_store %arg12[%swap3A_1581, %swap3A_1582], %add3A_1579 {strides = array<i32>} : memref<8x128xi32, #tpu.memory_space<vmem>>, vector<16xi32>,
    %get3A_1584 = arith.constant 336 : index
    %get3A_1585 = tpu.vector_load %arg8[%get3A_1584] {strides = array<i32>} : memref<512xi32, #tpu.memory_space<vmem>>, vector<16xi32>,
    %add3A_1586 = arith.constant 1000000 : i32
    %add3A_1587 = vector.broadcast %add3A_1586 : i32 to vector<16xi32>
    %add3A_1588 = arith.addi %get3A_1585, %add3A_1587 : vector<16xi32>
    %swap3A_1589 = arith.constant 2 : i32
    %swap3A_1590 = arith.index_cast %swap3A_1589 : i32 to index
    %swap3A_1591 = arith.constant 80 : index
    %swap3A_1592 = tpu.vector_load %arg12[%swap3A_1590, %swap3A_1591] {strides = array<i32>} : memref<8x128xi32, #tpu.memory_space<vmem>>, vector<16xi32>,
    tpu.vector_store %arg12[%swap3A_1590, %swap3A_1591], %add3A_1588 {strides = array<i32>} : memref<8x128xi32, #tpu.memory_space<vmem>>, vector<16xi32>,
    %get3A_1593 = arith.constant 352 : index
    %get3A_1594 = tpu.vector_load %arg8[%get3A_1593] {strides = array<i32>} : memref<512xi32, #tpu.memory_space<vmem>>, vector<16xi32>,
    %add3A_1595 = arith.constant 1000000 : i32
    %add3A_1596 = vector.broadcast %add3A_1595 : i32 to vector<16xi32>
    %add3A_1597 = arith.addi %get3A_1594, %add3A_1596 : vector<16xi32>
    %swap3A_1598 = arith.constant 2 : i32
    %swap3A_1599 = arith.index_cast %swap3A_1598 : i32 to index
    %swap3A_1600 = arith.constant 96 : index
    %swap3A_1601 = tpu.vector_load %arg12[%swap3A_1599, %swap3A_1600] {strides = array<i32>} : memref<8x128xi32, #tpu.memory_space<vmem>>, vector<16xi32>,
    tpu.vector_store %arg12[%swap3A_1599, %swap3A_1600], %add3A_1597 {strides = array<i32>} : memref<8x128xi32, #tpu.memory_space<vmem>>, vector<16xi32>,
    %get3A_1602 = arith.constant 368 : index
    %get3A_1603 = tpu.vector_load %arg8[%get3A_1602] {strides = array<i32>} : memref<512xi32, #tpu.memory_space<vmem>>, vector<16xi32>,
    %add3A_1604 = arith.constant 1000000 : i32
    %add3A_1605 = vector.broadcast %add3A_1604 : i32 to vector<16xi32>
    %add3A_1606 = arith.addi %get3A_1603, %add3A_1605 : vector<16xi32>
    %swap3A_1607 = arith.constant 2 : i32
    %swap3A_1608 = arith.index_cast %swap3A_1607 : i32 to index
    %swap3A_1609 = arith.constant 112 : index
    %swap3A_1610 = tpu.vector_load %arg12[%swap3A_1608, %swap3A_1609] {strides = array<i32>} : memref<8x128xi32, #tpu.memory_space<vmem>>, vector<16xi32>,
    tpu.vector_store %arg12[%swap3A_1608, %swap3A_1609], %add3A_1606 {strides = array<i32>} : memref<8x128xi32, #tpu.memory_space<vmem>>, vector<16xi32>,
    %get3A_1611 = arith.constant 384 : index
    %get3A_1612 = tpu.vector_load %arg8[%get3A_1611] {strides = array<i32>} : memref<512xi32, #tpu.memory_space<vmem>>, vector<16xi32>,
    %add3A_1613 = arith.constant 1000000 : i32
    %add3A_1614 = vector.broadcast %add3A_1613 : i32 to vector<16xi32>
    %add3A_1615 = arith.addi %get3A_1612, %add3A_1614 : vector<16xi32>
    %swap3A_1616 = arith.constant 3 : i32
    %swap3A_1617 = arith.index_cast %swap3A_1616 : i32 to index
    %swap3A_1618 = arith.constant 0 : index
    %swap3A_1619 = tpu.vector_load %arg12[%swap3A_1617, %swap3A_1618] {strides = array<i32>} : memref<8x128xi32, #tpu.memory_space<vmem>>, vector<16xi32>,
    tpu.vector_store %arg12[%swap3A_1617, %swap3A_1618], %add3A_1615 {strides = array<i32>} : memref<8x128xi32, #tpu.memory_space<vmem>>, vector<16xi32>,
    %get3A_1620 = arith.constant 400 : index
    %get3A_1621 = tpu.vector_load %arg8[%get3A_1620] {strides = array<i32>} : memref<512xi32, #tpu.memory_space<vmem>>, vector<16xi32>,
    %add3A_1622 = arith.constant 1000000 : i32
    %add3A_1623 = vector.broadcast %add3A_1622 : i32 to vector<16xi32>
    %add3A_1624 = arith.addi %get3A_1621, %add3A_1623 : vector<16xi32>
    %swap3A_1625 = arith.constant 3 : i32
    %swap3A_1626 = arith.index_cast %swap3A_1625 : i32 to index
    %swap3A_1627 = arith.constant 16 : index
    %swap3A_1628 = tpu.vector_load %arg12[%swap3A_1626, %swap3A_1627] {strides = array<i32>} : memref<8x128xi32, #tpu.memory_space<vmem>>, vector<16xi32>,
    tpu.vector_store %arg12[%swap3A_1626, %swap3A_1627], %add3A_1624 {strides = array<i32>} : memref<8x128xi32, #tpu.memory_space<vmem>>, vector<16xi32>,
    %get3A_1629 = arith.constant 416 : index
    %get3A_1630 = tpu.vector_load %arg8[%get3A_1629] {strides = array<i32>} : memref<512xi32, #tpu.memory_space<vmem>>, vector<16xi32>,
    %add3A_1631 = arith.constant 1000000 : i32
    %add3A_1632 = vector.broadcast %add3A_1631 : i32 to vector<16xi32>
    %add3A_1633 = arith.addi %get3A_1630, %add3A_1632 : vector<16xi32>
    %swap3A_1634 = arith.constant 3 : i32
    %swap3A_1635 = arith.index_cast %swap3A_1634 : i32 to index
    %swap3A_1636 = arith.constant 32 : index
    %swap3A_1637 = tpu.vector_load %arg12[%swap3A_1635, %swap3A_1636] {strides = array<i32>} : memref<8x128xi32, #tpu.memory_space<vmem>>, vector<16xi32>,
    tpu.vector_store %arg12[%swap3A_1635, %swap3A_1636], %add3A_1633 {strides = array<i32>} : memref<8x128xi32, #tpu.memory_space<vmem>>, vector<16xi32>,
    %get3A_1638 = arith.constant 432 : index
    %get3A_1639 = tpu.vector_load %arg8[%get3A_1638] {strides = array<i32>} : memref<512xi32, #tpu.memory_space<vmem>>, vector<16xi32>,
    %add3A_1640 = arith.constant 1000000 : i32
    %add3A_1641 = vector.broadcast %add3A_1640 : i32 to vector<16xi32>
    %add3A_1642 = arith.addi %get3A_1639, %add3A_1641 : vector<16xi32>
    %swap3A_1643 = arith.constant 3 : i32
    %swap3A_1644 = arith.index_cast %swap3A_1643 : i32 to index
    %swap3A_1645 = arith.constant 48 : index
    %swap3A_1646 = tpu.vector_load %arg12[%swap3A_1644, %swap3A_1645] {strides = array<i32>} : memref<8x128xi32, #tpu.memory_space<vmem>>, vector<16xi32>,
    tpu.vector_store %arg12[%swap3A_1644, %swap3A_1645], %add3A_1642 {strides = array<i32>} : memref<8x128xi32, #tpu.memory_space<vmem>>, vector<16xi32>,
    %get3A_1647 = arith.constant 448 : index
    %get3A_1648 = tpu.vector_load %arg8[%get3A_1647] {strides = array<i32>} : memref<512xi32, #tpu.memory_space<vmem>>, vector<16xi32>,
    %add3A_1649 = arith.constant 1000000 : i32
    %add3A_1650 = vector.broadcast %add3A_1649 : i32 to vector<16xi32>
    %add3A_1651 = arith.addi %get3A_1648, %add3A_1650 : vector<16xi32>
    %swap3A_1652 = arith.constant 3 : i32
    %swap3A_1653 = arith.index_cast %swap3A_1652 : i32 to index
    %swap3A_1654 = arith.constant 64 : index
    %swap3A_1655 = tpu.vector_load %arg12[%swap3A_1653, %swap3A_1654] {strides = array<i32>} : memref<8x128xi32, #tpu.memory_space<vmem>>, vector<16xi32>,
    tpu.vector_store %arg12[%swap3A_1653, %swap3A_1654], %add3A_1651 {strides = array<i32>} : memref<8x128xi32, #tpu.memory_space<vmem>>, vector<16xi32>,
    %get3A_1656 = arith.constant 464 : index
    %get3A_1657 = tpu.vector_load %arg8[%get3A_1656] {strides = array<i32>} : memref<512xi32, #tpu.memory_space<vmem>>, vector<16xi32>,
    %add3A_1658 = arith.constant 1000000 : i32
    %add3A_1659 = vector.broadcast %add3A_1658 : i32 to vector<16xi32>
    %add3A_1660 = arith.addi %get3A_1657, %add3A_1659 : vector<16xi32>
    %swap3A_1661 = arith.constant 3 : i32
    %swap3A_1662 = arith.index_cast %swap3A_1661 : i32 to index
    %swap3A_1663 = arith.constant 80 : index
    %swap3A_1664 = tpu.vector_load %arg12[%swap3A_1662, %swap3A_1663] {strides = array<i32>} : memref<8x128xi32, #tpu.memory_space<vmem>>, vector<16xi32>,
    tpu.vector_store %arg12[%swap3A_1662, %swap3A_1663], %add3A_1660 {strides = array<i32>} : memref<8x128xi32, #tpu.memory_space<vmem>>, vector<16xi32>,
    %get3A_1665 = arith.constant 480 : index
    %get3A_1666 = tpu.vector_load %arg8[%get3A_1665] {strides = array<i32>} : memref<512xi32, #tpu.memory_space<vmem>>, vector<16xi32>,
    %add3A_1667 = arith.constant 1000000 : i32
    %add3A_1668 = vector.broadcast %add3A_1667 : i32 to vector<16xi32>
    %add3A_1669 = arith.addi %get3A_1666, %add3A_1668 : vector<16xi32>
    %swap3A_1670 = arith.constant 3 : i32
    %swap3A_1671 = arith.index_cast %swap3A_1670 : i32 to index
    %swap3A_1672 = arith.constant 96 : index
    %swap3A_1673 = tpu.vector_load %arg12[%swap3A_1671, %swap3A_1672] {strides = array<i32>} : memref<8x128xi32, #tpu.memory_space<vmem>>, vector<16xi32>,
    tpu.vector_store %arg12[%swap3A_1671, %swap3A_1672], %add3A_1669 {strides = array<i32>} : memref<8x128xi32, #tpu.memory_space<vmem>>, vector<16xi32>,
    %get3A_1674 = arith.constant 496 : index
    %get3A_1675 = tpu.vector_load %arg8[%get3A_1674] {strides = array<i32>} : memref<512xi32, #tpu.memory_space<vmem>>, vector<16xi32>,
    %add3A_1676 = arith.constant 1000000 : i32
    %add3A_1677 = vector.broadcast %add3A_1676 : i32 to vector<16xi32>
    %add3A_1678 = arith.addi %get3A_1675, %add3A_1677 : vector<16xi32>
    %swap3A_1679 = arith.constant 3 : i32
    %swap3A_1680 = arith.index_cast %swap3A_1679 : i32 to index
    %swap3A_1681 = arith.constant 112 : index
    %swap3A_1682 = tpu.vector_load %arg12[%swap3A_1680, %swap3A_1681] {strides = array<i32>} : memref<8x128xi32, #tpu.memory_space<vmem>>, vector<16xi32>,
    tpu.vector_store %arg12[%swap3A_1680, %swap3A_1681], %add3A_1678 {strides = array<i32>} : memref<8x128xi32, #tpu.memory_space<vmem>>, vector<16xi32>,
    %get3A_1683 = arith.constant 256 : index
    %get3A_1684 = tpu.vector_load %arg8[%get3A_1683] {strides = array<i32>} : memref<512xi32, #tpu.memory_space<vmem>>, vector<16xi32>,
    %add3A_1685 = arith.constant 2000000 : i32
    %add3A_1686 = vector.broadcast %add3A_1685 : i32 to vector<16xi32>
    %add3A_1687 = arith.addi %get3A_1684, %add3A_1686 : vector<16xi32>
    %swap3A_1688 = arith.constant 4 : i32
    %swap3A_1689 = arith.index_cast %swap3A_1688 : i32 to index
    %swap3A_1690 = arith.constant 0 : index
    %swap3A_1691 = tpu.vector_load %arg12[%swap3A_1689, %swap3A_1690] {strides = array<i32>} : memref<8x128xi32, #tpu.memory_space<vmem>>, vector<16xi32>,
    tpu.vector_store %arg12[%swap3A_1689, %swap3A_1690], %add3A_1687 {strides = array<i32>} : memref<8x128xi32, #tpu.memory_space<vmem>>, vector<16xi32>,
    %get3A_1692 = arith.constant 272 : index
    %get3A_1693 = tpu.vector_load %arg8[%get3A_1692] {strides = array<i32>} : memref<512xi32, #tpu.memory_space<vmem>>, vector<16xi32>,
    %add3A_1694 = arith.constant 2000000 : i32
    %add3A_1695 = vector.broadcast %add3A_1694 : i32 to vector<16xi32>
    %add3A_1696 = arith.addi %get3A_1693, %add3A_1695 : vector<16xi32>
    %swap3A_1697 = arith.constant 4 : i32
    %swap3A_1698 = arith.index_cast %swap3A_1697 : i32 to index
    %swap3A_1699 = arith.constant 16 : index
    %swap3A_1700 = tpu.vector_load %arg12[%swap3A_1698, %swap3A_1699] {strides = array<i32>} : memref<8x128xi32, #tpu.memory_space<vmem>>, vector<16xi32>,
    tpu.vector_store %arg12[%swap3A_1698, %swap3A_1699], %add3A_1696 {strides = array<i32>} : memref<8x128xi32, #tpu.memory_space<vmem>>, vector<16xi32>,
    %get3A_1701 = arith.constant 288 : index
    %get3A_1702 = tpu.vector_load %arg8[%get3A_1701] {strides = array<i32>} : memref<512xi32, #tpu.memory_space<vmem>>, vector<16xi32>,
    %add3A_1703 = arith.constant 2000000 : i32
    %add3A_1704 = vector.broadcast %add3A_1703 : i32 to vector<16xi32>
    %add3A_1705 = arith.addi %get3A_1702, %add3A_1704 : vector<16xi32>
    %swap3A_1706 = arith.constant 4 : i32
    %swap3A_1707 = arith.index_cast %swap3A_1706 : i32 to index
    %swap3A_1708 = arith.constant 32 : index
    %swap3A_1709 = tpu.vector_load %arg12[%swap3A_1707, %swap3A_1708] {strides = array<i32>} : memref<8x128xi32, #tpu.memory_space<vmem>>, vector<16xi32>,
    tpu.vector_store %arg12[%swap3A_1707, %swap3A_1708], %add3A_1705 {strides = array<i32>} : memref<8x128xi32, #tpu.memory_space<vmem>>, vector<16xi32>,
    %get3A_1710 = arith.constant 304 : index
    %get3A_1711 = tpu.vector_load %arg8[%get3A_1710] {strides = array<i32>} : memref<512xi32, #tpu.memory_space<vmem>>, vector<16xi32>,
    %add3A_1712 = arith.constant 2000000 : i32
    %add3A_1713 = vector.broadcast %add3A_1712 : i32 to vector<16xi32>
    %add3A_1714 = arith.addi %get3A_1711, %add3A_1713 : vector<16xi32>
    %swap3A_1715 = arith.constant 4 : i32
    %swap3A_1716 = arith.index_cast %swap3A_1715 : i32 to index
    %swap3A_1717 = arith.constant 48 : index
    %swap3A_1718 = tpu.vector_load %arg12[%swap3A_1716, %swap3A_1717] {strides = array<i32>} : memref<8x128xi32, #tpu.memory_space<vmem>>, vector<16xi32>,
    tpu.vector_store %arg12[%swap3A_1716, %swap3A_1717], %add3A_1714 {strides = array<i32>} : memref<8x128xi32, #tpu.memory_space<vmem>>, vector<16xi32>,
    %get3A_1719 = arith.constant 320 : index
    %get3A_1720 = tpu.vector_load %arg8[%get3A_1719] {strides = array<i32>} : memref<512xi32, #tpu.memory_space<vmem>>, vector<16xi32>,
    %add3A_1721 = arith.constant 2000000 : i32
    %add3A_1722 = vector.broadcast %add3A_1721 : i32 to vector<16xi32>
    %add3A_1723 = arith.addi %get3A_1720, %add3A_1722 : vector<16xi32>
    %swap3A_1724 = arith.constant 4 : i32
    %swap3A_1725 = arith.index_cast %swap3A_1724 : i32 to index
    %swap3A_1726 = arith.constant 64 : index
    %swap3A_1727 = tpu.vector_load %arg12[%swap3A_1725, %swap3A_1726] {strides = array<i32>} : memref<8x128xi32, #tpu.memory_space<vmem>>, vector<16xi32>,
    tpu.vector_store %arg12[%swap3A_1725, %swap3A_1726], %add3A_1723 {strides = array<i32>} : memref<8x128xi32, #tpu.memory_space<vmem>>, vector<16xi32>,
    %get3A_1728 = arith.constant 336 : index
    %get3A_1729 = tpu.vector_load %arg8[%get3A_1728] {strides = array<i32>} : memref<512xi32, #tpu.memory_space<vmem>>, vector<16xi32>,
    %add3A_1730 = arith.constant 2000000 : i32
    %add3A_1731 = vector.broadcast %add3A_1730 : i32 to vector<16xi32>
    %add3A_1732 = arith.addi %get3A_1729, %add3A_1731 : vector<16xi32>
    %swap3A_1733 = arith.constant 4 : i32
    %swap3A_1734 = arith.index_cast %swap3A_1733 : i32 to index
    %swap3A_1735 = arith.constant 80 : index
    %swap3A_1736 = tpu.vector_load %arg12[%swap3A_1734, %swap3A_1735] {strides = array<i32>} : memref<8x128xi32, #tpu.memory_space<vmem>>, vector<16xi32>,
    tpu.vector_store %arg12[%swap3A_1734, %swap3A_1735], %add3A_1732 {strides = array<i32>} : memref<8x128xi32, #tpu.memory_space<vmem>>, vector<16xi32>,
    %get3A_1737 = arith.constant 352 : index
    %get3A_1738 = tpu.vector_load %arg8[%get3A_1737] {strides = array<i32>} : memref<512xi32, #tpu.memory_space<vmem>>, vector<16xi32>,
    %add3A_1739 = arith.constant 2000000 : i32
    %add3A_1740 = vector.broadcast %add3A_1739 : i32 to vector<16xi32>
    %add3A_1741 = arith.addi %get3A_1738, %add3A_1740 : vector<16xi32>
    %swap3A_1742 = arith.constant 4 : i32
    %swap3A_1743 = arith.index_cast %swap3A_1742 : i32 to index
    %swap3A_1744 = arith.constant 96 : index
    %swap3A_1745 = tpu.vector_load %arg12[%swap3A_1743, %swap3A_1744] {strides = array<i32>} : memref<8x128xi32, #tpu.memory_space<vmem>>, vector<16xi32>,
    tpu.vector_store %arg12[%swap3A_1743, %swap3A_1744], %add3A_1741 {strides = array<i32>} : memref<8x128xi32, #tpu.memory_space<vmem>>, vector<16xi32>,
    %get3A_1746 = arith.constant 368 : index
    %get3A_1747 = tpu.vector_load %arg8[%get3A_1746] {strides = array<i32>} : memref<512xi32, #tpu.memory_space<vmem>>, vector<16xi32>,
    %add3A_1748 = arith.constant 2000000 : i32
    %add3A_1749 = vector.broadcast %add3A_1748 : i32 to vector<16xi32>
    %add3A_1750 = arith.addi %get3A_1747, %add3A_1749 : vector<16xi32>
    %swap3A_1751 = arith.constant 4 : i32
    %swap3A_1752 = arith.index_cast %swap3A_1751 : i32 to index
    %swap3A_1753 = arith.constant 112 : index
    %swap3A_1754 = tpu.vector_load %arg12[%swap3A_1752, %swap3A_1753] {strides = array<i32>} : memref<8x128xi32, #tpu.memory_space<vmem>>, vector<16xi32>,
    tpu.vector_store %arg12[%swap3A_1752, %swap3A_1753], %add3A_1750 {strides = array<i32>} : memref<8x128xi32, #tpu.memory_space<vmem>>, vector<16xi32>,
    %get3A_1755 = arith.constant 384 : index
    %get3A_1756 = tpu.vector_load %arg8[%get3A_1755] {strides = array<i32>} : memref<512xi32, #tpu.memory_space<vmem>>, vector<16xi32>,
    %add3A_1757 = arith.constant 2000000 : i32
    %add3A_1758 = vector.broadcast %add3A_1757 : i32 to vector<16xi32>
    %add3A_1759 = arith.addi %get3A_1756, %add3A_1758 : vector<16xi32>
    %swap3A_1760 = arith.constant 5 : i32
    %swap3A_1761 = arith.index_cast %swap3A_1760 : i32 to index
    %swap3A_1762 = arith.constant 0 : index
    %swap3A_1763 = tpu.vector_load %arg12[%swap3A_1761, %swap3A_1762] {strides = array<i32>} : memref<8x128xi32, #tpu.memory_space<vmem>>, vector<16xi32>,
    tpu.vector_store %arg12[%swap3A_1761, %swap3A_1762], %add3A_1759 {strides = array<i32>} : memref<8x128xi32, #tpu.memory_space<vmem>>, vector<16xi32>,
    %get3A_1764 = arith.constant 400 : index
    %get3A_1765 = tpu.vector_load %arg8[%get3A_1764] {strides = array<i32>} : memref<512xi32, #tpu.memory_space<vmem>>, vector<16xi32>,
    %add3A_1766 = arith.constant 2000000 : i32
    %add3A_1767 = vector.broadcast %add3A_1766 : i32 to vector<16xi32>
    %add3A_1768 = arith.addi %get3A_1765, %add3A_1767 : vector<16xi32>
    %swap3A_1769 = arith.constant 5 : i32
    %swap3A_1770 = arith.index_cast %swap3A_1769 : i32 to index
    %swap3A_1771 = arith.constant 16 : index
    %swap3A_1772 = tpu.vector_load %arg12[%swap3A_1770, %swap3A_1771] {strides = array<i32>} : memref<8x128xi32, #tpu.memory_space<vmem>>, vector<16xi32>,
    tpu.vector_store %arg12[%swap3A_1770, %swap3A_1771], %add3A_1768 {strides = array<i32>} : memref<8x128xi32, #tpu.memory_space<vmem>>, vector<16xi32>,
    %get3A_1773 = arith.constant 416 : index
    %get3A_1774 = tpu.vector_load %arg8[%get3A_1773] {strides = array<i32>} : memref<512xi32, #tpu.memory_space<vmem>>, vector<16xi32>,
    %add3A_1775 = arith.constant 2000000 : i32
    %add3A_1776 = vector.broadcast %add3A_1775 : i32 to vector<16xi32>
    %add3A_1777 = arith.addi %get3A_1774, %add3A_1776 : vector<16xi32>
    %swap3A_1778 = arith.constant 5 : i32
    %swap3A_1779 = arith.index_cast %swap3A_1778 : i32 to index
    %swap3A_1780 = arith.constant 32 : index
    %swap3A_1781 = tpu.vector_load %arg12[%swap3A_1779, %swap3A_1780] {strides = array<i32>} : memref<8x128xi32, #tpu.memory_space<vmem>>, vector<16xi32>,
    tpu.vector_store %arg12[%swap3A_1779, %swap3A_1780], %add3A_1777 {strides = array<i32>} : memref<8x128xi32, #tpu.memory_space<vmem>>, vector<16xi32>,
    %get3A_1782 = arith.constant 432 : index
    %get3A_1783 = tpu.vector_load %arg8[%get3A_1782] {strides = array<i32>} : memref<512xi32, #tpu.memory_space<vmem>>, vector<16xi32>,
    %add3A_1784 = arith.constant 2000000 : i32
    %add3A_1785 = vector.broadcast %add3A_1784 : i32 to vector<16xi32>
    %add3A_1786 = arith.addi %get3A_1783, %add3A_1785 : vector<16xi32>
    %swap3A_1787 = arith.constant 5 : i32
    %swap3A_1788 = arith.index_cast %swap3A_1787 : i32 to index
    %swap3A_1789 = arith.constant 48 : index
    %swap3A_1790 = tpu.vector_load %arg12[%swap3A_1788, %swap3A_1789] {strides = array<i32>} : memref<8x128xi32, #tpu.memory_space<vmem>>, vector<16xi32>,
    tpu.vector_store %arg12[%swap3A_1788, %swap3A_1789], %add3A_1786 {strides = array<i32>} : memref<8x128xi32, #tpu.memory_space<vmem>>, vector<16xi32>,
    %get3A_1791 = arith.constant 448 : index
    %get3A_1792 = tpu.vector_load %arg8[%get3A_1791] {strides = array<i32>} : memref<512xi32, #tpu.memory_space<vmem>>, vector<16xi32>,
    %add3A_1793 = arith.constant 2000000 : i32
    %add3A_1794 = vector.broadcast %add3A_1793 : i32 to vector<16xi32>
    %add3A_1795 = arith.addi %get3A_1792, %add3A_1794 : vector<16xi32>
    %swap3A_1796 = arith.constant 5 : i32
    %swap3A_1797 = arith.index_cast %swap3A_1796 : i32 to index
    %swap3A_1798 = arith.constant 64 : index
    %swap3A_1799 = tpu.vector_load %arg12[%swap3A_1797, %swap3A_1798] {strides = array<i32>} : memref<8x128xi32, #tpu.memory_space<vmem>>, vector<16xi32>,
    tpu.vector_store %arg12[%swap3A_1797, %swap3A_1798], %add3A_1795 {strides = array<i32>} : memref<8x128xi32, #tpu.memory_space<vmem>>, vector<16xi32>,
    %get3A_1800 = arith.constant 464 : index
    %get3A_1801 = tpu.vector_load %arg8[%get3A_1800] {strides = array<i32>} : memref<512xi32, #tpu.memory_space<vmem>>, vector<16xi32>,
    %add3A_1802 = arith.constant 2000000 : i32
    %add3A_1803 = vector.broadcast %add3A_1802 : i32 to vector<16xi32>
    %add3A_1804 = arith.addi %get3A_1801, %add3A_1803 : vector<16xi32>
    %swap3A_1805 = arith.constant 5 : i32
    %swap3A_1806 = arith.index_cast %swap3A_1805 : i32 to index
    %swap3A_1807 = arith.constant 80 : index
    %swap3A_1808 = tpu.vector_load %arg12[%swap3A_1806, %swap3A_1807] {strides = array<i32>} : memref<8x128xi32, #tpu.memory_space<vmem>>, vector<16xi32>,
    tpu.vector_store %arg12[%swap3A_1806, %swap3A_1807], %add3A_1804 {strides = array<i32>} : memref<8x128xi32, #tpu.memory_space<vmem>>, vector<16xi32>,
    %get3A_1809 = arith.constant 480 : index
    %get3A_1810 = tpu.vector_load %arg8[%get3A_1809] {strides = array<i32>} : memref<512xi32, #tpu.memory_space<vmem>>, vector<16xi32>,
    %add3A_1811 = arith.constant 2000000 : i32
    %add3A_1812 = vector.broadcast %add3A_1811 : i32 to vector<16xi32>
    %add3A_1813 = arith.addi %get3A_1810, %add3A_1812 : vector<16xi32>
    %swap3A_1814 = arith.constant 5 : i32
    %swap3A_1815 = arith.index_cast %swap3A_1814 : i32 to index
    %swap3A_1816 = arith.constant 96 : index
    %swap3A_1817 = tpu.vector_load %arg12[%swap3A_1815, %swap3A_1816] {strides = array<i32>} : memref<8x128xi32, #tpu.memory_space<vmem>>, vector<16xi32>,
    tpu.vector_store %arg12[%swap3A_1815, %swap3A_1816], %add3A_1813 {strides = array<i32>} : memref<8x128xi32, #tpu.memory_space<vmem>>, vector<16xi32>,
    %get3A_1818 = arith.constant 496 : index
    %get3A_1819 = tpu.vector_load %arg8[%get3A_1818] {strides = array<i32>} : memref<512xi32, #tpu.memory_space<vmem>>, vector<16xi32>,
    %add3A_1820 = arith.constant 2000000 : i32
    %add3A_1821 = vector.broadcast %add3A_1820 : i32 to vector<16xi32>
    %add3A_1822 = arith.addi %get3A_1819, %add3A_1821 : vector<16xi32>
    %swap3A_1823 = arith.constant 5 : i32
    %swap3A_1824 = arith.index_cast %swap3A_1823 : i32 to index
    %swap3A_1825 = arith.constant 112 : index
    %swap3A_1826 = tpu.vector_load %arg12[%swap3A_1824, %swap3A_1825] {strides = array<i32>} : memref<8x128xi32, #tpu.memory_space<vmem>>, vector<16xi32>,
    tpu.vector_store %arg12[%swap3A_1824, %swap3A_1825], %add3A_1822 {strides = array<i32>} : memref<8x128xi32, #tpu.memory_space<vmem>>, vector<16xi32>,
    %get3A_1827 = arith.constant 256 : index
    %get3A_1828 = tpu.vector_load %arg8[%get3A_1827] {strides = array<i32>} : memref<512xi32, #tpu.memory_space<vmem>>, vector<16xi32>,
    %add3A_1829 = arith.constant 3000000 : i32
    %add3A_1830 = vector.broadcast %add3A_1829 : i32 to vector<16xi32>
    %add3A_1831 = arith.addi %get3A_1828, %add3A_1830 : vector<16xi32>
    %swap3A_1832 = arith.constant 6 : i32
    %swap3A_1833 = arith.index_cast %swap3A_1832 : i32 to index
    %swap3A_1834 = arith.constant 0 : index
    %swap3A_1835 = tpu.vector_load %arg12[%swap3A_1833, %swap3A_1834] {strides = array<i32>} : memref<8x128xi32, #tpu.memory_space<vmem>>, vector<16xi32>,
    tpu.vector_store %arg12[%swap3A_1833, %swap3A_1834], %add3A_1831 {strides = array<i32>} : memref<8x128xi32, #tpu.memory_space<vmem>>, vector<16xi32>,
    %get3A_1836 = arith.constant 272 : index
    %get3A_1837 = tpu.vector_load %arg8[%get3A_1836] {strides = array<i32>} : memref<512xi32, #tpu.memory_space<vmem>>, vector<16xi32>,
    %add3A_1838 = arith.constant 3000000 : i32
    %add3A_1839 = vector.broadcast %add3A_1838 : i32 to vector<16xi32>
    %add3A_1840 = arith.addi %get3A_1837, %add3A_1839 : vector<16xi32>
    %swap3A_1841 = arith.constant 6 : i32
    %swap3A_1842 = arith.index_cast %swap3A_1841 : i32 to index
    %swap3A_1843 = arith.constant 16 : index
    %swap3A_1844 = tpu.vector_load %arg12[%swap3A_1842, %swap3A_1843] {strides = array<i32>} : memref<8x128xi32, #tpu.memory_space<vmem>>, vector<16xi32>,
    tpu.vector_store %arg12[%swap3A_1842, %swap3A_1843], %add3A_1840 {strides = array<i32>} : memref<8x128xi32, #tpu.memory_space<vmem>>, vector<16xi32>,
    %get3A_1845 = arith.constant 288 : index
    %get3A_1846 = tpu.vector_load %arg8[%get3A_1845] {strides = array<i32>} : memref<512xi32, #tpu.memory_space<vmem>>, vector<16xi32>,
    %add3A_1847 = arith.constant 3000000 : i32
    %add3A_1848 = vector.broadcast %add3A_1847 : i32 to vector<16xi32>
    %add3A_1849 = arith.addi %get3A_1846, %add3A_1848 : vector<16xi32>
    %swap3A_1850 = arith.constant 6 : i32
    %swap3A_1851 = arith.index_cast %swap3A_1850 : i32 to index
    %swap3A_1852 = arith.constant 32 : index
    %swap3A_1853 = tpu.vector_load %arg12[%swap3A_1851, %swap3A_1852] {strides = array<i32>} : memref<8x128xi32, #tpu.memory_space<vmem>>, vector<16xi32>,
    tpu.vector_store %arg12[%swap3A_1851, %swap3A_1852], %add3A_1849 {strides = array<i32>} : memref<8x128xi32, #tpu.memory_space<vmem>>, vector<16xi32>,
    %get3A_1854 = arith.constant 304 : index
    %get3A_1855 = tpu.vector_load %arg8[%get3A_1854] {strides = array<i32>} : memref<512xi32, #tpu.memory_space<vmem>>, vector<16xi32>,
    %add3A_1856 = arith.constant 3000000 : i32
    %add3A_1857 = vector.broadcast %add3A_1856 : i32 to vector<16xi32>
    %add3A_1858 = arith.addi %get3A_1855, %add3A_1857 : vector<16xi32>
    %swap3A_1859 = arith.constant 6 : i32
    %swap3A_1860 = arith.index_cast %swap3A_1859 : i32 to index
    %swap3A_1861 = arith.constant 48 : index
    %swap3A_1862 = tpu.vector_load %arg12[%swap3A_1860, %swap3A_1861] {strides = array<i32>} : memref<8x128xi32, #tpu.memory_space<vmem>>, vector<16xi32>,
    tpu.vector_store %arg12[%swap3A_1860, %swap3A_1861], %add3A_1858 {strides = array<i32>} : memref<8x128xi32, #tpu.memory_space<vmem>>, vector<16xi32>,
    %get3A_1863 = arith.constant 320 : index
    %get3A_1864 = tpu.vector_load %arg8[%get3A_1863] {strides = array<i32>} : memref<512xi32, #tpu.memory_space<vmem>>, vector<16xi32>,
    %add3A_1865 = arith.constant 3000000 : i32
    %add3A_1866 = vector.broadcast %add3A_1865 : i32 to vector<16xi32>
    %add3A_1867 = arith.addi %get3A_1864, %add3A_1866 : vector<16xi32>
    %swap3A_1868 = arith.constant 6 : i32
    %swap3A_1869 = arith.index_cast %swap3A_1868 : i32 to index
    %swap3A_1870 = arith.constant 64 : index
    %swap3A_1871 = tpu.vector_load %arg12[%swap3A_1869, %swap3A_1870] {strides = array<i32>} : memref<8x128xi32, #tpu.memory_space<vmem>>, vector<16xi32>,
    tpu.vector_store %arg12[%swap3A_1869, %swap3A_1870], %add3A_1867 {strides = array<i32>} : memref<8x128xi32, #tpu.memory_space<vmem>>, vector<16xi32>,
    %get3A_1872 = arith.constant 336 : index
    %get3A_1873 = tpu.vector_load %arg8[%get3A_1872] {strides = array<i32>} : memref<512xi32, #tpu.memory_space<vmem>>, vector<16xi32>,
    %add3A_1874 = arith.constant 3000000 : i32
    %add3A_1875 = vector.broadcast %add3A_1874 : i32 to vector<16xi32>
    %add3A_1876 = arith.addi %get3A_1873, %add3A_1875 : vector<16xi32>
    %swap3A_1877 = arith.constant 6 : i32
    %swap3A_1878 = arith.index_cast %swap3A_1877 : i32 to index
    %swap3A_1879 = arith.constant 80 : index
    %swap3A_1880 = tpu.vector_load %arg12[%swap3A_1878, %swap3A_1879] {strides = array<i32>} : memref<8x128xi32, #tpu.memory_space<vmem>>, vector<16xi32>,
    tpu.vector_store %arg12[%swap3A_1878, %swap3A_1879], %add3A_1876 {strides = array<i32>} : memref<8x128xi32, #tpu.memory_space<vmem>>, vector<16xi32>,
    %get3A_1881 = arith.constant 352 : index
    %get3A_1882 = tpu.vector_load %arg8[%get3A_1881] {strides = array<i32>} : memref<512xi32, #tpu.memory_space<vmem>>, vector<16xi32>,
    %add3A_1883 = arith.constant 3000000 : i32
    %add3A_1884 = vector.broadcast %add3A_1883 : i32 to vector<16xi32>
    %add3A_1885 = arith.addi %get3A_1882, %add3A_1884 : vector<16xi32>
    %swap3A_1886 = arith.constant 6 : i32
    %swap3A_1887 = arith.index_cast %swap3A_1886 : i32 to index
    %swap3A_1888 = arith.constant 96 : index
    %swap3A_1889 = tpu.vector_load %arg12[%swap3A_1887, %swap3A_1888] {strides = array<i32>} : memref<8x128xi32, #tpu.memory_space<vmem>>, vector<16xi32>,
    tpu.vector_store %arg12[%swap3A_1887, %swap3A_1888], %add3A_1885 {strides = array<i32>} : memref<8x128xi32, #tpu.memory_space<vmem>>, vector<16xi32>,
    %get3A_1890 = arith.constant 368 : index
    %get3A_1891 = tpu.vector_load %arg8[%get3A_1890] {strides = array<i32>} : memref<512xi32, #tpu.memory_space<vmem>>, vector<16xi32>,
    %add3A_1892 = arith.constant 3000000 : i32
    %add3A_1893 = vector.broadcast %add3A_1892 : i32 to vector<16xi32>
    %add3A_1894 = arith.addi %get3A_1891, %add3A_1893 : vector<16xi32>
    %swap3A_1895 = arith.constant 6 : i32
    %swap3A_1896 = arith.index_cast %swap3A_1895 : i32 to index
    %swap3A_1897 = arith.constant 112 : index
    %swap3A_1898 = tpu.vector_load %arg12[%swap3A_1896, %swap3A_1897] {strides = array<i32>} : memref<8x128xi32, #tpu.memory_space<vmem>>, vector<16xi32>,
    tpu.vector_store %arg12[%swap3A_1896, %swap3A_1897], %add3A_1894 {strides = array<i32>} : memref<8x128xi32, #tpu.memory_space<vmem>>, vector<16xi32>,
    %get3A_1899 = arith.constant 384 : index
    %get3A_1900 = tpu.vector_load %arg8[%get3A_1899] {strides = array<i32>} : memref<512xi32, #tpu.memory_space<vmem>>, vector<16xi32>,
    %add3A_1901 = arith.constant 3000000 : i32
    %add3A_1902 = vector.broadcast %add3A_1901 : i32 to vector<16xi32>
    %add3A_1903 = arith.addi %get3A_1900, %add3A_1902 : vector<16xi32>
    %swap3A_1904 = arith.constant 7 : i32
    %swap3A_1905 = arith.index_cast %swap3A_1904 : i32 to index
    %swap3A_1906 = arith.constant 0 : index
    %swap3A_1907 = tpu.vector_load %arg12[%swap3A_1905, %swap3A_1906] {strides = array<i32>} : memref<8x128xi32, #tpu.memory_space<vmem>>, vector<16xi32>,
    tpu.vector_store %arg12[%swap3A_1905, %swap3A_1906], %add3A_1903 {strides = array<i32>} : memref<8x128xi32, #tpu.memory_space<vmem>>, vector<16xi32>,
    %get3A_1908 = arith.constant 400 : index
    %get3A_1909 = tpu.vector_load %arg8[%get3A_1908] {strides = array<i32>} : memref<512xi32, #tpu.memory_space<vmem>>, vector<16xi32>,
    %add3A_1910 = arith.constant 3000000 : i32
    %add3A_1911 = vector.broadcast %add3A_1910 : i32 to vector<16xi32>
    %add3A_1912 = arith.addi %get3A_1909, %add3A_1911 : vector<16xi32>
    %swap3A_1913 = arith.constant 7 : i32
    %swap3A_1914 = arith.index_cast %swap3A_1913 : i32 to index
    %swap3A_1915 = arith.constant 16 : index
    %swap3A_1916 = tpu.vector_load %arg12[%swap3A_1914, %swap3A_1915] {strides = array<i32>} : memref<8x128xi32, #tpu.memory_space<vmem>>, vector<16xi32>,
    tpu.vector_store %arg12[%swap3A_1914, %swap3A_1915], %add3A_1912 {strides = array<i32>} : memref<8x128xi32, #tpu.memory_space<vmem>>, vector<16xi32>,
    %get3A_1917 = arith.constant 416 : index
    %get3A_1918 = tpu.vector_load %arg8[%get3A_1917] {strides = array<i32>} : memref<512xi32, #tpu.memory_space<vmem>>, vector<16xi32>,
    %add3A_1919 = arith.constant 3000000 : i32
    %add3A_1920 = vector.broadcast %add3A_1919 : i32 to vector<16xi32>
    %add3A_1921 = arith.addi %get3A_1918, %add3A_1920 : vector<16xi32>
    %swap3A_1922 = arith.constant 7 : i32
    %swap3A_1923 = arith.index_cast %swap3A_1922 : i32 to index
    %swap3A_1924 = arith.constant 32 : index
    %swap3A_1925 = tpu.vector_load %arg12[%swap3A_1923, %swap3A_1924] {strides = array<i32>} : memref<8x128xi32, #tpu.memory_space<vmem>>, vector<16xi32>,
    tpu.vector_store %arg12[%swap3A_1923, %swap3A_1924], %add3A_1921 {strides = array<i32>} : memref<8x128xi32, #tpu.memory_space<vmem>>, vector<16xi32>,
    %get3A_1926 = arith.constant 432 : index
    %get3A_1927 = tpu.vector_load %arg8[%get3A_1926] {strides = array<i32>} : memref<512xi32, #tpu.memory_space<vmem>>, vector<16xi32>,
    %add3A_1928 = arith.constant 3000000 : i32
    %add3A_1929 = vector.broadcast %add3A_1928 : i32 to vector<16xi32>
    %add3A_1930 = arith.addi %get3A_1927, %add3A_1929 : vector<16xi32>
    %swap3A_1931 = arith.constant 7 : i32
    %swap3A_1932 = arith.index_cast %swap3A_1931 : i32 to index
    %swap3A_1933 = arith.constant 48 : index
    %swap3A_1934 = tpu.vector_load %arg12[%swap3A_1932, %swap3A_1933] {strides = array<i32>} : memref<8x128xi32, #tpu.memory_space<vmem>>, vector<16xi32>,
    tpu.vector_store %arg12[%swap3A_1932, %swap3A_1933], %add3A_1930 {strides = array<i32>} : memref<8x128xi32, #tpu.memory_space<vmem>>, vector<16xi32>,
    %get3A_1935 = arith.constant 448 : index
    %get3A_1936 = tpu.vector_load %arg8[%get3A_1935] {strides = array<i32>} : memref<512xi32, #tpu.memory_space<vmem>>, vector<16xi32>,
    %add3A_1937 = arith.constant 3000000 : i32
    %add3A_1938 = vector.broadcast %add3A_1937 : i32 to vector<16xi32>
    %add3A_1939 = arith.addi %get3A_1936, %add3A_1938 : vector<16xi32>
    %swap3A_1940 = arith.constant 7 : i32
    %swap3A_1941 = arith.index_cast %swap3A_1940 : i32 to index
    %swap3A_1942 = arith.constant 64 : index
    %swap3A_1943 = tpu.vector_load %arg12[%swap3A_1941, %swap3A_1942] {strides = array<i32>} : memref<8x128xi32, #tpu.memory_space<vmem>>, vector<16xi32>,
    tpu.vector_store %arg12[%swap3A_1941, %swap3A_1942], %add3A_1939 {strides = array<i32>} : memref<8x128xi32, #tpu.memory_space<vmem>>, vector<16xi32>,
    %get3A_1944 = arith.constant 464 : index
    %get3A_1945 = tpu.vector_load %arg8[%get3A_1944] {strides = array<i32>} : memref<512xi32, #tpu.memory_space<vmem>>, vector<16xi32>,
    %add3A_1946 = arith.constant 3000000 : i32
    %add3A_1947 = vector.broadcast %add3A_1946 : i32 to vector<16xi32>
    %add3A_1948 = arith.addi %get3A_1945, %add3A_1947 : vector<16xi32>
    %swap3A_1949 = arith.constant 7 : i32
    %swap3A_1950 = arith.index_cast %swap3A_1949 : i32 to index
    %swap3A_1951 = arith.constant 80 : index
    %swap3A_1952 = tpu.vector_load %arg12[%swap3A_1950, %swap3A_1951] {strides = array<i32>} : memref<8x128xi32, #tpu.memory_space<vmem>>, vector<16xi32>,
    tpu.vector_store %arg12[%swap3A_1950, %swap3A_1951], %add3A_1948 {strides = array<i32>} : memref<8x128xi32, #tpu.memory_space<vmem>>, vector<16xi32>,
    %get3A_1953 = arith.constant 480 : index
    %get3A_1954 = tpu.vector_load %arg8[%get3A_1953] {strides = array<i32>} : memref<512xi32, #tpu.memory_space<vmem>>, vector<16xi32>,
    %add3A_1955 = arith.constant 3000000 : i32
    %add3A_1956 = vector.broadcast %add3A_1955 : i32 to vector<16xi32>
    %add3A_1957 = arith.addi %get3A_1954, %add3A_1956 : vector<16xi32>
    %swap3A_1958 = arith.constant 7 : i32
    %swap3A_1959 = arith.index_cast %swap3A_1958 : i32 to index
    %swap3A_1960 = arith.constant 96 : index
    %swap3A_1961 = tpu.vector_load %arg12[%swap3A_1959, %swap3A_1960] {strides = array<i32>} : memref<8x128xi32, #tpu.memory_space<vmem>>, vector<16xi32>,
    tpu.vector_store %arg12[%swap3A_1959, %swap3A_1960], %add3A_1957 {strides = array<i32>} : memref<8x128xi32, #tpu.memory_space<vmem>>, vector<16xi32>,
    %get3A_1962 = arith.constant 496 : index
    %get3A_1963 = tpu.vector_load %arg8[%get3A_1962] {strides = array<i32>} : memref<512xi32, #tpu.memory_space<vmem>>, vector<16xi32>,
    %add3A_1964 = arith.constant 3000000 : i32
    %add3A_1965 = vector.broadcast %add3A_1964 : i32 to vector<16xi32>
    %add3A_1966 = arith.addi %get3A_1963, %add3A_1965 : vector<16xi32>
    %swap3A_1967 = arith.constant 7 : i32
    %swap3A_1968 = arith.index_cast %swap3A_1967 : i32 to index
    %swap3A_1969 = arith.constant 112 : index
    %swap3A_1970 = tpu.vector_load %arg12[%swap3A_1968, %swap3A_1969] {strides = array<i32>} : memref<8x128xi32, #tpu.memory_space<vmem>>, vector<16xi32>,
    tpu.vector_store %arg12[%swap3A_1968, %swap3A_1969], %add3A_1966 {strides = array<i32>} : memref<8x128xi32, #tpu.memory_space<vmem>>, vector<16xi32>,
    %dma_start3A_1971 = arith.constant 0 : i32
    %dma_start3A_1972 = arith.constant 0 : i32
    %dma_start3A_1973 = arith.constant 0 : i32
    %dma_start3A_1974 = tpu.memref_slice %arg13[%dma_start3A_1972, %dma_start3A_1973] : memref<256x128xf32, #tpu.memory_space<vmem>> -> memref<128x128xf32, #tpu.memory_space<vmem>>
    %dma_start3A_1975 = arith.constant 0 : i32
    %dma_start3A_1976 = tpu.memref_slice %arg10[%dma_start3A_1971, %dma_start3A_1975] : memref<2x128xi32, #tpu.memory_space<vmem>> -> memref<1x128xi32, #tpu.memory_space<vmem>>
    %dma_start3A_1977 = tpu.memref_squeeze %dma_start3A_1976 : memref<1x128xi32, #tpu.memory_space<vmem>> -> memref<128xi32, #tpu.memory_space<vmem>>
    %dma_start3A_1978 = arith.constant 0 : i32
    %dma_start3A_1979 = arith.constant 0 : i32
    %dma_start3A_1980 = tpu.memref_slice %arg4[%dma_start3A_1978, %dma_start3A_1979] : memref<250000x128xf32, #tpu.memory_space<hbm>> -> memref<250000x128xf32, #tpu.memory_space<hbm>>
    tpu.enqueue_indirect_dma source(%dma_start3A_1980 : memref<250000x128xf32, #tpu.memory_space<hbm>>) target(%dma_start3A_1974 : memref<128x128xf32, #tpu.memory_space<vmem>>) offsets(%dma_start3A_1977 : memref<128xi32, #tpu.memory_space<vmem>>) semaphore(%arg17 : memref<!tpu.dma_semaphore, #tpu.memory_space<semaphore_mem>>)
    %dma_start3A_1981 = arith.constant 0 : i32
    %dma_start3A_1982 = arith.constant 0 : i32
    %dma_start3A_1983 = arith.constant 0 : i32
    %dma_start3A_1984 = tpu.memref_slice %arg14[%dma_start3A_1982, %dma_start3A_1983] : memref<256x128xf32, #tpu.memory_space<vmem>> -> memref<128x128xf32, #tpu.memory_space<vmem>>
    %dma_start3A_1985 = arith.constant 0 : i32
    %dma_start3A_1986 = tpu.memref_slice %arg11[%dma_start3A_1981, %dma_start3A_1985] : memref<2x128xi32, #tpu.memory_space<vmem>> -> memref<1x128xi32, #tpu.memory_space<vmem>>
    %dma_start3A_1987 = tpu.memref_squeeze %dma_start3A_1986 : memref<1x128xi32, #tpu.memory_space<vmem>> -> memref<128xi32, #tpu.memory_space<vmem>>
    %dma_start3A_1988 = arith.constant 0 : i32
    %dma_start3A_1989 = arith.constant 0 : i32
    %dma_start3A_1990 = tpu.memref_slice %arg5[%dma_start3A_1988, %dma_start3A_1989] : memref<250000x128xf32, #tpu.memory_space<hbm>> -> memref<250000x128xf32, #tpu.memory_space<hbm>>
    tpu.enqueue_indirect_dma source(%dma_start3A_1990 : memref<250000x128xf32, #tpu.memory_space<hbm>>) target(%dma_start3A_1984 : memref<128x128xf32, #tpu.memory_space<vmem>>) offsets(%dma_start3A_1987 : memref<128xi32, #tpu.memory_space<vmem>>) semaphore(%arg17 : memref<!tpu.dma_semaphore, #tpu.memory_space<semaphore_mem>>)
    %dma_start3A_1991 = arith.constant 1 : i32
    %dma_start3A_1992 = arith.constant 128 : i32
    %dma_start3A_1993 = arith.constant 0 : i32
    %dma_start3A_1994 = tpu.memref_slice %arg13[%dma_start3A_1992, %dma_start3A_1993] : memref<256x128xf32, #tpu.memory_space<vmem>> -> memref<128x128xf32, #tpu.memory_space<vmem>>
    %dma_start3A_1995 = arith.constant 0 : i32
    %dma_start3A_1996 = tpu.memref_slice %arg10[%dma_start3A_1991, %dma_start3A_1995] : memref<2x128xi32, #tpu.memory_space<vmem>> -> memref<1x128xi32, #tpu.memory_space<vmem>>
    %dma_start3A_1997 = tpu.memref_squeeze %dma_start3A_1996 : memref<1x128xi32, #tpu.memory_space<vmem>> -> memref<128xi32, #tpu.memory_space<vmem>>
    %dma_start3A_1998 = arith.constant 0 : i32
    %dma_start3A_1999 = arith.constant 0 : i32
    %dma_start3A_2000 = tpu.memref_slice %arg4[%dma_start3A_1998, %dma_start3A_1999] : memref<250000x128xf32, #tpu.memory_space<hbm>> -> memref<250000x128xf32, #tpu.memory_space<hbm>>
    tpu.enqueue_indirect_dma source(%dma_start3A_2000 : memref<250000x128xf32, #tpu.memory_space<hbm>>) target(%dma_start3A_1994 : memref<128x128xf32, #tpu.memory_space<vmem>>) offsets(%dma_start3A_1997 : memref<128xi32, #tpu.memory_space<vmem>>) semaphore(%arg17 : memref<!tpu.dma_semaphore, #tpu.memory_space<semaphore_mem>>)
    %dma_start3A_2001 = arith.constant 1 : i32
    %dma_start3A_2002 = arith.constant 128 : i32
    %dma_start3A_2003 = arith.constant 0 : i32
    %dma_start3A_2004 = tpu.memref_slice %arg14[%dma_start3A_2002, %dma_start3A_2003] : memref<256x128xf32, #tpu.memory_space<vmem>> -> memref<128x128xf32, #tpu.memory_space<vmem>>
    %dma_start3A_2005 = arith.constant 0 : i32
    %dma_start3A_2006 = tpu.memref_slice %arg11[%dma_start3A_2001, %dma_start3A_2005] : memref<2x128xi32, #tpu.memory_space<vmem>> -> memref<1x128xi32, #tpu.memory_space<vmem>>
    %dma_start3A_2007 = tpu.memref_squeeze %dma_start3A_2006 : memref<1x128xi32, #tpu.memory_space<vmem>> -> memref<128xi32, #tpu.memory_space<vmem>>
    %dma_start3A_2008 = arith.constant 0 : i32
    %dma_start3A_2009 = arith.constant 0 : i32
    %dma_start3A_2010 = tpu.memref_slice %arg5[%dma_start3A_2008, %dma_start3A_2009] : memref<250000x128xf32, #tpu.memory_space<hbm>> -> memref<250000x128xf32, #tpu.memory_space<hbm>>
    tpu.enqueue_indirect_dma source(%dma_start3A_2010 : memref<250000x128xf32, #tpu.memory_space<hbm>>) target(%dma_start3A_2004 : memref<128x128xf32, #tpu.memory_space<vmem>>) offsets(%dma_start3A_2007 : memref<128xi32, #tpu.memory_space<vmem>>) semaphore(%arg17 : memref<!tpu.dma_semaphore, #tpu.memory_space<semaphore_mem>>)
    %dma_start3A_2011 = arith.constant 0 : i32
    %dma_start3A_2012 = arith.constant 0 : i32
    %dma_start3A_2013 = arith.constant 0 : i32
    %dma_start3A_2014 = tpu.memref_slice %arg15[%dma_start3A_2012, %dma_start3A_2013] : memref<8x128xf32, #tpu.memory_space<vmem>> -> memref<1x128xf32, #tpu.memory_space<vmem>>
    %dma_start3A_2015 = tpu.memref_squeeze %dma_start3A_2014 : memref<1x128xf32, #tpu.memory_space<vmem>> -> memref<128xf32, #tpu.memory_space<vmem>>
    %dma_start3A_2016 = arith.constant 0 : i32
    %dma_start3A_2017 = tpu.memref_slice %arg12[%dma_start3A_2011, %dma_start3A_2016] : memref<8x128xi32, #tpu.memory_space<vmem>> -> memref<1x128xi32, #tpu.memory_space<vmem>>
    %dma_start3A_2018 = tpu.memref_squeeze %dma_start3A_2017 : memref<1x128xi32, #tpu.memory_space<vmem>> -> memref<128xi32, #tpu.memory_space<vmem>>
    %dma_start3A_2019 = arith.constant 0 : i32
    %dma_start3A_2020 = tpu.memref_slice %arg6[%dma_start3A_2019] : memref<4000000xf32, #tpu.memory_space<hbm>> -> memref<4000000xf32, #tpu.memory_space<hbm>>
    tpu.enqueue_indirect_dma source(%dma_start3A_2020 : memref<4000000xf32, #tpu.memory_space<hbm>>) target(%dma_start3A_2015 : memref<128xf32, #tpu.memory_space<vmem>>) offsets(%dma_start3A_2018 : memref<128xi32, #tpu.memory_space<vmem>>) semaphore(%arg17 : memref<!tpu.dma_semaphore, #tpu.memory_space<semaphore_mem>>)
    %dma_start3A_2021 = arith.constant 1 : i32
    %dma_start3A_2022 = arith.constant 1 : i32
    %dma_start3A_2023 = arith.constant 0 : i32
    %dma_start3A_2024 = tpu.memref_slice %arg15[%dma_start3A_2022, %dma_start3A_2023] : memref<8x128xf32, #tpu.memory_space<vmem>> -> memref<1x128xf32, #tpu.memory_space<vmem>>
    %dma_start3A_2025 = tpu.memref_squeeze %dma_start3A_2024 : memref<1x128xf32, #tpu.memory_space<vmem>> -> memref<128xf32, #tpu.memory_space<vmem>>
    %dma_start3A_2026 = arith.constant 0 : i32
    %dma_start3A_2027 = tpu.memref_slice %arg12[%dma_start3A_2021, %dma_start3A_2026] : memref<8x128xi32, #tpu.memory_space<vmem>> -> memref<1x128xi32, #tpu.memory_space<vmem>>
    %dma_start3A_2028 = tpu.memref_squeeze %dma_start3A_2027 : memref<1x128xi32, #tpu.memory_space<vmem>> -> memref<128xi32, #tpu.memory_space<vmem>>
    %dma_start3A_2029 = arith.constant 0 : i32
    %dma_start3A_2030 = tpu.memref_slice %arg6[%dma_start3A_2029] : memref<4000000xf32, #tpu.memory_space<hbm>> -> memref<4000000xf32, #tpu.memory_space<hbm>>
    tpu.enqueue_indirect_dma source(%dma_start3A_2030 : memref<4000000xf32, #tpu.memory_space<hbm>>) target(%dma_start3A_2025 : memref<128xf32, #tpu.memory_space<vmem>>) offsets(%dma_start3A_2028 : memref<128xi32, #tpu.memory_space<vmem>>) semaphore(%arg17 : memref<!tpu.dma_semaphore, #tpu.memory_space<semaphore_mem>>)
    %dma_start3A_2031 = arith.constant 2 : i32
    %dma_start3A_2032 = arith.constant 2 : i32
    %dma_start3A_2033 = arith.constant 0 : i32
    %dma_start3A_2034 = tpu.memref_slice %arg15[%dma_start3A_2032, %dma_start3A_2033] : memref<8x128xf32, #tpu.memory_space<vmem>> -> memref<1x128xf32, #tpu.memory_space<vmem>>
    %dma_start3A_2035 = tpu.memref_squeeze %dma_start3A_2034 : memref<1x128xf32, #tpu.memory_space<vmem>> -> memref<128xf32, #tpu.memory_space<vmem>>
    %dma_start3A_2036 = arith.constant 0 : i32
    %dma_start3A_2037 = tpu.memref_slice %arg12[%dma_start3A_2031, %dma_start3A_2036] : memref<8x128xi32, #tpu.memory_space<vmem>> -> memref<1x128xi32, #tpu.memory_space<vmem>>
    %dma_start3A_2038 = tpu.memref_squeeze %dma_start3A_2037 : memref<1x128xi32, #tpu.memory_space<vmem>> -> memref<128xi32, #tpu.memory_space<vmem>>
    %dma_start3A_2039 = arith.constant 0 : i32
    %dma_start3A_2040 = tpu.memref_slice %arg6[%dma_start3A_2039] : memref<4000000xf32, #tpu.memory_space<hbm>> -> memref<4000000xf32, #tpu.memory_space<hbm>>
    tpu.enqueue_indirect_dma source(%dma_start3A_2040 : memref<4000000xf32, #tpu.memory_space<hbm>>) target(%dma_start3A_2035 : memref<128xf32, #tpu.memory_space<vmem>>) offsets(%dma_start3A_2038 : memref<128xi32, #tpu.memory_space<vmem>>) semaphore(%arg17 : memref<!tpu.dma_semaphore, #tpu.memory_space<semaphore_mem>>)
    %dma_start3A_2041 = arith.constant 3 : i32
    %dma_start3A_2042 = arith.constant 3 : i32
    %dma_start3A_2043 = arith.constant 0 : i32
    %dma_start3A_2044 = tpu.memref_slice %arg15[%dma_start3A_2042, %dma_start3A_2043] : memref<8x128xf32, #tpu.memory_space<vmem>> -> memref<1x128xf32, #tpu.memory_space<vmem>>
    %dma_start3A_2045 = tpu.memref_squeeze %dma_start3A_2044 : memref<1x128xf32, #tpu.memory_space<vmem>> -> memref<128xf32, #tpu.memory_space<vmem>>
    %dma_start3A_2046 = arith.constant 0 : i32
    %dma_start3A_2047 = tpu.memref_slice %arg12[%dma_start3A_2041, %dma_start3A_2046] : memref<8x128xi32, #tpu.memory_space<vmem>> -> memref<1x128xi32, #tpu.memory_space<vmem>>
    %dma_start3A_2048 = tpu.memref_squeeze %dma_start3A_2047 : memref<1x128xi32, #tpu.memory_space<vmem>> -> memref<128xi32, #tpu.memory_space<vmem>>
    %dma_start3A_2049 = arith.constant 0 : i32
    %dma_start3A_2050 = tpu.memref_slice %arg6[%dma_start3A_2049] : memref<4000000xf32, #tpu.memory_space<hbm>> -> memref<4000000xf32, #tpu.memory_space<hbm>>
    tpu.enqueue_indirect_dma source(%dma_start3A_2050 : memref<4000000xf32, #tpu.memory_space<hbm>>) target(%dma_start3A_2045 : memref<128xf32, #tpu.memory_space<vmem>>) offsets(%dma_start3A_2048 : memref<128xi32, #tpu.memory_space<vmem>>) semaphore(%arg17 : memref<!tpu.dma_semaphore, #tpu.memory_space<semaphore_mem>>)
    %dma_start3A_2051 = arith.constant 4 : i32
    %dma_start3A_2052 = arith.constant 4 : i32
    %dma_start3A_2053 = arith.constant 0 : i32
    %dma_start3A_2054 = tpu.memref_slice %arg15[%dma_start3A_2052, %dma_start3A_2053] : memref<8x128xf32, #tpu.memory_space<vmem>> -> memref<1x128xf32, #tpu.memory_space<vmem>>
    %dma_start3A_2055 = tpu.memref_squeeze %dma_start3A_2054 : memref<1x128xf32, #tpu.memory_space<vmem>> -> memref<128xf32, #tpu.memory_space<vmem>>
    %dma_start3A_2056 = arith.constant 0 : i32
    %dma_start3A_2057 = tpu.memref_slice %arg12[%dma_start3A_2051, %dma_start3A_2056] : memref<8x128xi32, #tpu.memory_space<vmem>> -> memref<1x128xi32, #tpu.memory_space<vmem>>
    %dma_start3A_2058 = tpu.memref_squeeze %dma_start3A_2057 : memref<1x128xi32, #tpu.memory_space<vmem>> -> memref<128xi32, #tpu.memory_space<vmem>>
    %dma_start3A_2059 = arith.constant 0 : i32
    %dma_start3A_2060 = tpu.memref_slice %arg6[%dma_start3A_2059] : memref<4000000xf32, #tpu.memory_space<hbm>> -> memref<4000000xf32, #tpu.memory_space<hbm>>
    tpu.enqueue_indirect_dma source(%dma_start3A_2060 : memref<4000000xf32, #tpu.memory_space<hbm>>) target(%dma_start3A_2055 : memref<128xf32, #tpu.memory_space<vmem>>) offsets(%dma_start3A_2058 : memref<128xi32, #tpu.memory_space<vmem>>) semaphore(%arg17 : memref<!tpu.dma_semaphore, #tpu.memory_space<semaphore_mem>>)
    %dma_start3A_2061 = arith.constant 5 : i32
    %dma_start3A_2062 = arith.constant 5 : i32
    %dma_start3A_2063 = arith.constant 0 : i32
    %dma_start3A_2064 = tpu.memref_slice %arg15[%dma_start3A_2062, %dma_start3A_2063] : memref<8x128xf32, #tpu.memory_space<vmem>> -> memref<1x128xf32, #tpu.memory_space<vmem>>
    %dma_start3A_2065 = tpu.memref_squeeze %dma_start3A_2064 : memref<1x128xf32, #tpu.memory_space<vmem>> -> memref<128xf32, #tpu.memory_space<vmem>>
    %dma_start3A_2066 = arith.constant 0 : i32
    %dma_start3A_2067 = tpu.memref_slice %arg12[%dma_start3A_2061, %dma_start3A_2066] : memref<8x128xi32, #tpu.memory_space<vmem>> -> memref<1x128xi32, #tpu.memory_space<vmem>>
    %dma_start3A_2068 = tpu.memref_squeeze %dma_start3A_2067 : memref<1x128xi32, #tpu.memory_space<vmem>> -> memref<128xi32, #tpu.memory_space<vmem>>
    %dma_start3A_2069 = arith.constant 0 : i32
    %dma_start3A_2070 = tpu.memref_slice %arg6[%dma_start3A_2069] : memref<4000000xf32, #tpu.memory_space<hbm>> -> memref<4000000xf32, #tpu.memory_space<hbm>>
    tpu.enqueue_indirect_dma source(%dma_start3A_2070 : memref<4000000xf32, #tpu.memory_space<hbm>>) target(%dma_start3A_2065 : memref<128xf32, #tpu.memory_space<vmem>>) offsets(%dma_start3A_2068 : memref<128xi32, #tpu.memory_space<vmem>>) semaphore(%arg17 : memref<!tpu.dma_semaphore, #tpu.memory_space<semaphore_mem>>)
    %dma_start3A_2071 = arith.constant 6 : i32
    %dma_start3A_2072 = arith.constant 6 : i32
    %dma_start3A_2073 = arith.constant 0 : i32
    %dma_start3A_2074 = tpu.memref_slice %arg15[%dma_start3A_2072, %dma_start3A_2073] : memref<8x128xf32, #tpu.memory_space<vmem>> -> memref<1x128xf32, #tpu.memory_space<vmem>>
    %dma_start3A_2075 = tpu.memref_squeeze %dma_start3A_2074 : memref<1x128xf32, #tpu.memory_space<vmem>> -> memref<128xf32, #tpu.memory_space<vmem>>
    %dma_start3A_2076 = arith.constant 0 : i32
    %dma_start3A_2077 = tpu.memref_slice %arg12[%dma_start3A_2071, %dma_start3A_2076] : memref<8x128xi32, #tpu.memory_space<vmem>> -> memref<1x128xi32, #tpu.memory_space<vmem>>
    %dma_start3A_2078 = tpu.memref_squeeze %dma_start3A_2077 : memref<1x128xi32, #tpu.memory_space<vmem>> -> memref<128xi32, #tpu.memory_space<vmem>>
    %dma_start3A_2079 = arith.constant 0 : i32
    %dma_start3A_2080 = tpu.memref_slice %arg6[%dma_start3A_2079] : memref<4000000xf32, #tpu.memory_space<hbm>> -> memref<4000000xf32, #tpu.memory_space<hbm>>
    tpu.enqueue_indirect_dma source(%dma_start3A_2080 : memref<4000000xf32, #tpu.memory_space<hbm>>) target(%dma_start3A_2075 : memref<128xf32, #tpu.memory_space<vmem>>) offsets(%dma_start3A_2078 : memref<128xi32, #tpu.memory_space<vmem>>) semaphore(%arg17 : memref<!tpu.dma_semaphore, #tpu.memory_space<semaphore_mem>>)
    %dma_start3A_2081 = arith.constant 7 : i32
    %dma_start3A_2082 = arith.constant 7 : i32
    %dma_start3A_2083 = arith.constant 0 : i32
    %dma_start3A_2084 = tpu.memref_slice %arg15[%dma_start3A_2082, %dma_start3A_2083] : memref<8x128xf32, #tpu.memory_space<vmem>> -> memref<1x128xf32, #tpu.memory_space<vmem>>
    %dma_start3A_2085 = tpu.memref_squeeze %dma_start3A_2084 : memref<1x128xf32, #tpu.memory_space<vmem>> -> memref<128xf32, #tpu.memory_space<vmem>>
    %dma_start3A_2086 = arith.constant 0 : i32
    %dma_start3A_2087 = tpu.memref_slice %arg12[%dma_start3A_2081, %dma_start3A_2086] : memref<8x128xi32, #tpu.memory_space<vmem>> -> memref<1x128xi32, #tpu.memory_space<vmem>>
    %dma_start3A_2088 = tpu.memref_squeeze %dma_start3A_2087 : memref<1x128xi32, #tpu.memory_space<vmem>> -> memref<128xi32, #tpu.memory_space<vmem>>
    %dma_start3A_2089 = arith.constant 0 : i32
    %dma_start3A_2090 = tpu.memref_slice %arg6[%dma_start3A_2089] : memref<4000000xf32, #tpu.memory_space<hbm>> -> memref<4000000xf32, #tpu.memory_space<hbm>>
    tpu.enqueue_indirect_dma source(%dma_start3A_2090 : memref<4000000xf32, #tpu.memory_space<hbm>>) target(%dma_start3A_2085 : memref<128xf32, #tpu.memory_space<vmem>>) offsets(%dma_start3A_2088 : memref<128xi32, #tpu.memory_space<vmem>>) semaphore(%arg17 : memref<!tpu.dma_semaphore, #tpu.memory_space<semaphore_mem>>)
    %dma_wait3A_2091 = arith.constant 0 : i32
    %dma_wait3A_2092 = arith.constant 0 : i32
    %dma_wait3A_2093 = arith.constant 0 : i32
    %dma_wait3A_2094 = tpu.memref_slice %arg13[%dma_wait3A_2092, %dma_wait3A_2093] : memref<256x128xf32, #tpu.memory_space<vmem>> -> memref<128x128xf32, #tpu.memory_space<vmem>>
    %dma_wait3A_2095 = arith.constant 0 : i32
    %dma_wait3A_2096 = tpu.memref_slice %arg10[%dma_wait3A_2091, %dma_wait3A_2095] : memref<2x128xi32, #tpu.memory_space<vmem>> -> memref<1x128xi32, #tpu.memory_space<vmem>>
    %dma_wait3A_2097 = tpu.memref_squeeze %dma_wait3A_2096 : memref<1x128xi32, #tpu.memory_space<vmem>> -> memref<128xi32, #tpu.memory_space<vmem>>
    %dma_wait3A_2098 = arith.constant 0 : i32
    %dma_wait3A_2099 = arith.constant 0 : i32
    %dma_wait3A_2100 = tpu.memref_slice %arg4[%dma_wait3A_2098, %dma_wait3A_2099] : memref<250000x128xf32, #tpu.memory_space<hbm>> -> memref<250000x128xf32, #tpu.memory_space<hbm>>
    tpu.wait_indirect_dma semaphore(%arg17 : memref<!tpu.dma_semaphore, #tpu.memory_space<semaphore_mem>>) src(%dma_wait3A_2100 : memref<250000x128xf32, #tpu.memory_space<hbm>>) dst(%dma_wait3A_2094 : memref<128x128xf32, #tpu.memory_space<vmem>>)
    %dma_wait3A_2101 = arith.constant 0 : i32
    %dma_wait3A_2102 = arith.constant 0 : i32
    %dma_wait3A_2103 = arith.constant 0 : i32
    %dma_wait3A_2104 = tpu.memref_slice %arg14[%dma_wait3A_2102, %dma_wait3A_2103] : memref<256x128xf32, #tpu.memory_space<vmem>> -> memref<128x128xf32, #tpu.memory_space<vmem>>
    %dma_wait3A_2105 = arith.constant 0 : i32
    %dma_wait3A_2106 = tpu.memref_slice %arg11[%dma_wait3A_2101, %dma_wait3A_2105] : memref<2x128xi32, #tpu.memory_space<vmem>> -> memref<1x128xi32, #tpu.memory_space<vmem>>
    %dma_wait3A_2107 = tpu.memref_squeeze %dma_wait3A_2106 : memref<1x128xi32, #tpu.memory_space<vmem>> -> memref<128xi32, #tpu.memory_space<vmem>>
    %dma_wait3A_2108 = arith.constant 0 : i32
    %dma_wait3A_2109 = arith.constant 0 : i32
    %dma_wait3A_2110 = tpu.memref_slice %arg5[%dma_wait3A_2108, %dma_wait3A_2109] : memref<250000x128xf32, #tpu.memory_space<hbm>> -> memref<250000x128xf32, #tpu.memory_space<hbm>>
    tpu.wait_indirect_dma semaphore(%arg17 : memref<!tpu.dma_semaphore, #tpu.memory_space<semaphore_mem>>) src(%dma_wait3A_2110 : memref<250000x128xf32, #tpu.memory_space<hbm>>) dst(%dma_wait3A_2104 : memref<128x128xf32, #tpu.memory_space<vmem>>)
    %dma_wait3A_2111 = arith.constant 1 : i32
    %dma_wait3A_2112 = arith.constant 128 : i32
    %dma_wait3A_2113 = arith.constant 0 : i32
    %dma_wait3A_2114 = tpu.memref_slice %arg13[%dma_wait3A_2112, %dma_wait3A_2113] : memref<256x128xf32, #tpu.memory_space<vmem>> -> memref<128x128xf32, #tpu.memory_space<vmem>>
    %dma_wait3A_2115 = arith.constant 0 : i32
    %dma_wait3A_2116 = tpu.memref_slice %arg10[%dma_wait3A_2111, %dma_wait3A_2115] : memref<2x128xi32, #tpu.memory_space<vmem>> -> memref<1x128xi32, #tpu.memory_space<vmem>>
    %dma_wait3A_2117 = tpu.memref_squeeze %dma_wait3A_2116 : memref<1x128xi32, #tpu.memory_space<vmem>> -> memref<128xi32, #tpu.memory_space<vmem>>
    %dma_wait3A_2118 = arith.constant 0 : i32
    %dma_wait3A_2119 = arith.constant 0 : i32
    %dma_wait3A_2120 = tpu.memref_slice %arg4[%dma_wait3A_2118, %dma_wait3A_2119] : memref<250000x128xf32, #tpu.memory_space<hbm>> -> memref<250000x128xf32, #tpu.memory_space<hbm>>
    tpu.wait_indirect_dma semaphore(%arg17 : memref<!tpu.dma_semaphore, #tpu.memory_space<semaphore_mem>>) src(%dma_wait3A_2120 : memref<250000x128xf32, #tpu.memory_space<hbm>>) dst(%dma_wait3A_2114 : memref<128x128xf32, #tpu.memory_space<vmem>>)
    %dma_wait3A_2121 = arith.constant 1 : i32
    %dma_wait3A_2122 = arith.constant 128 : i32
    %dma_wait3A_2123 = arith.constant 0 : i32
    %dma_wait3A_2124 = tpu.memref_slice %arg14[%dma_wait3A_2122, %dma_wait3A_2123] : memref<256x128xf32, #tpu.memory_space<vmem>> -> memref<128x128xf32, #tpu.memory_space<vmem>>
    %dma_wait3A_2125 = arith.constant 0 : i32
    %dma_wait3A_2126 = tpu.memref_slice %arg11[%dma_wait3A_2121, %dma_wait3A_2125] : memref<2x128xi32, #tpu.memory_space<vmem>> -> memref<1x128xi32, #tpu.memory_space<vmem>>
    %dma_wait3A_2127 = tpu.memref_squeeze %dma_wait3A_2126 : memref<1x128xi32, #tpu.memory_space<vmem>> -> memref<128xi32, #tpu.memory_space<vmem>>
    %dma_wait3A_2128 = arith.constant 0 : i32
    %dma_wait3A_2129 = arith.constant 0 : i32
    %dma_wait3A_2130 = tpu.memref_slice %arg5[%dma_wait3A_2128, %dma_wait3A_2129] : memref<250000x128xf32, #tpu.memory_space<hbm>> -> memref<250000x128xf32, #tpu.memory_space<hbm>>
    tpu.wait_indirect_dma semaphore(%arg17 : memref<!tpu.dma_semaphore, #tpu.memory_space<semaphore_mem>>) src(%dma_wait3A_2130 : memref<250000x128xf32, #tpu.memory_space<hbm>>) dst(%dma_wait3A_2124 : memref<128x128xf32, #tpu.memory_space<vmem>>)
    %dma_wait3A_2131 = arith.constant 0 : i32
    %dma_wait3A_2132 = arith.constant 0 : i32
    %dma_wait3A_2133 = arith.constant 0 : i32
    %dma_wait3A_2134 = tpu.memref_slice %arg15[%dma_wait3A_2132, %dma_wait3A_2133] : memref<8x128xf32, #tpu.memory_space<vmem>> -> memref<1x128xf32, #tpu.memory_space<vmem>>
    %dma_wait3A_2135 = tpu.memref_squeeze %dma_wait3A_2134 : memref<1x128xf32, #tpu.memory_space<vmem>> -> memref<128xf32, #tpu.memory_space<vmem>>
    %dma_wait3A_2136 = arith.constant 0 : i32
    %dma_wait3A_2137 = tpu.memref_slice %arg12[%dma_wait3A_2131, %dma_wait3A_2136] : memref<8x128xi32, #tpu.memory_space<vmem>> -> memref<1x128xi32, #tpu.memory_space<vmem>>
    %dma_wait3A_2138 = tpu.memref_squeeze %dma_wait3A_2137 : memref<1x128xi32, #tpu.memory_space<vmem>> -> memref<128xi32, #tpu.memory_space<vmem>>
    %dma_wait3A_2139 = arith.constant 0 : i32
    %dma_wait3A_2140 = tpu.memref_slice %arg6[%dma_wait3A_2139] : memref<4000000xf32, #tpu.memory_space<hbm>> -> memref<4000000xf32, #tpu.memory_space<hbm>>
    tpu.wait_indirect_dma semaphore(%arg17 : memref<!tpu.dma_semaphore, #tpu.memory_space<semaphore_mem>>) src(%dma_wait3A_2140 : memref<4000000xf32, #tpu.memory_space<hbm>>) dst(%dma_wait3A_2135 : memref<128xf32, #tpu.memory_space<vmem>>)
    %dma_wait3A_2141 = arith.constant 1 : i32
    %dma_wait3A_2142 = arith.constant 1 : i32
    %dma_wait3A_2143 = arith.constant 0 : i32
    %dma_wait3A_2144 = tpu.memref_slice %arg15[%dma_wait3A_2142, %dma_wait3A_2143] : memref<8x128xf32, #tpu.memory_space<vmem>> -> memref<1x128xf32, #tpu.memory_space<vmem>>
    %dma_wait3A_2145 = tpu.memref_squeeze %dma_wait3A_2144 : memref<1x128xf32, #tpu.memory_space<vmem>> -> memref<128xf32, #tpu.memory_space<vmem>>
    %dma_wait3A_2146 = arith.constant 0 : i32
    %dma_wait3A_2147 = tpu.memref_slice %arg12[%dma_wait3A_2141, %dma_wait3A_2146] : memref<8x128xi32, #tpu.memory_space<vmem>> -> memref<1x128xi32, #tpu.memory_space<vmem>>
    %dma_wait3A_2148 = tpu.memref_squeeze %dma_wait3A_2147 : memref<1x128xi32, #tpu.memory_space<vmem>> -> memref<128xi32, #tpu.memory_space<vmem>>
    %dma_wait3A_2149 = arith.constant 0 : i32
    %dma_wait3A_2150 = tpu.memref_slice %arg6[%dma_wait3A_2149] : memref<4000000xf32, #tpu.memory_space<hbm>> -> memref<4000000xf32, #tpu.memory_space<hbm>>
    tpu.wait_indirect_dma semaphore(%arg17 : memref<!tpu.dma_semaphore, #tpu.memory_space<semaphore_mem>>) src(%dma_wait3A_2150 : memref<4000000xf32, #tpu.memory_space<hbm>>) dst(%dma_wait3A_2145 : memref<128xf32, #tpu.memory_space<vmem>>)
    %dma_wait3A_2151 = arith.constant 2 : i32
    %dma_wait3A_2152 = arith.constant 2 : i32
    %dma_wait3A_2153 = arith.constant 0 : i32
    %dma_wait3A_2154 = tpu.memref_slice %arg15[%dma_wait3A_2152, %dma_wait3A_2153] : memref<8x128xf32, #tpu.memory_space<vmem>> -> memref<1x128xf32, #tpu.memory_space<vmem>>
    %dma_wait3A_2155 = tpu.memref_squeeze %dma_wait3A_2154 : memref<1x128xf32, #tpu.memory_space<vmem>> -> memref<128xf32, #tpu.memory_space<vmem>>
    %dma_wait3A_2156 = arith.constant 0 : i32
    %dma_wait3A_2157 = tpu.memref_slice %arg12[%dma_wait3A_2151, %dma_wait3A_2156] : memref<8x128xi32, #tpu.memory_space<vmem>> -> memref<1x128xi32, #tpu.memory_space<vmem>>
    %dma_wait3A_2158 = tpu.memref_squeeze %dma_wait3A_2157 : memref<1x128xi32, #tpu.memory_space<vmem>> -> memref<128xi32, #tpu.memory_space<vmem>>
    %dma_wait3A_2159 = arith.constant 0 : i32
    %dma_wait3A_2160 = tpu.memref_slice %arg6[%dma_wait3A_2159] : memref<4000000xf32, #tpu.memory_space<hbm>> -> memref<4000000xf32, #tpu.memory_space<hbm>>
    tpu.wait_indirect_dma semaphore(%arg17 : memref<!tpu.dma_semaphore, #tpu.memory_space<semaphore_mem>>) src(%dma_wait3A_2160 : memref<4000000xf32, #tpu.memory_space<hbm>>) dst(%dma_wait3A_2155 : memref<128xf32, #tpu.memory_space<vmem>>)
    %dma_wait3A_2161 = arith.constant 3 : i32
    %dma_wait3A_2162 = arith.constant 3 : i32
    %dma_wait3A_2163 = arith.constant 0 : i32
    %dma_wait3A_2164 = tpu.memref_slice %arg15[%dma_wait3A_2162, %dma_wait3A_2163] : memref<8x128xf32, #tpu.memory_space<vmem>> -> memref<1x128xf32, #tpu.memory_space<vmem>>
    %dma_wait3A_2165 = tpu.memref_squeeze %dma_wait3A_2164 : memref<1x128xf32, #tpu.memory_space<vmem>> -> memref<128xf32, #tpu.memory_space<vmem>>
    %dma_wait3A_2166 = arith.constant 0 : i32
    %dma_wait3A_2167 = tpu.memref_slice %arg12[%dma_wait3A_2161, %dma_wait3A_2166] : memref<8x128xi32, #tpu.memory_space<vmem>> -> memref<1x128xi32, #tpu.memory_space<vmem>>
    %dma_wait3A_2168 = tpu.memref_squeeze %dma_wait3A_2167 : memref<1x128xi32, #tpu.memory_space<vmem>> -> memref<128xi32, #tpu.memory_space<vmem>>
    %dma_wait3A_2169 = arith.constant 0 : i32
    %dma_wait3A_2170 = tpu.memref_slice %arg6[%dma_wait3A_2169] : memref<4000000xf32, #tpu.memory_space<hbm>> -> memref<4000000xf32, #tpu.memory_space<hbm>>
    tpu.wait_indirect_dma semaphore(%arg17 : memref<!tpu.dma_semaphore, #tpu.memory_space<semaphore_mem>>) src(%dma_wait3A_2170 : memref<4000000xf32, #tpu.memory_space<hbm>>) dst(%dma_wait3A_2165 : memref<128xf32, #tpu.memory_space<vmem>>)
    %dma_wait3A_2171 = arith.constant 4 : i32
    %dma_wait3A_2172 = arith.constant 4 : i32
    %dma_wait3A_2173 = arith.constant 0 : i32
    %dma_wait3A_2174 = tpu.memref_slice %arg15[%dma_wait3A_2172, %dma_wait3A_2173] : memref<8x128xf32, #tpu.memory_space<vmem>> -> memref<1x128xf32, #tpu.memory_space<vmem>>
    %dma_wait3A_2175 = tpu.memref_squeeze %dma_wait3A_2174 : memref<1x128xf32, #tpu.memory_space<vmem>> -> memref<128xf32, #tpu.memory_space<vmem>>
    %dma_wait3A_2176 = arith.constant 0 : i32
    %dma_wait3A_2177 = tpu.memref_slice %arg12[%dma_wait3A_2171, %dma_wait3A_2176] : memref<8x128xi32, #tpu.memory_space<vmem>> -> memref<1x128xi32, #tpu.memory_space<vmem>>
    %dma_wait3A_2178 = tpu.memref_squeeze %dma_wait3A_2177 : memref<1x128xi32, #tpu.memory_space<vmem>> -> memref<128xi32, #tpu.memory_space<vmem>>
    %dma_wait3A_2179 = arith.constant 0 : i32
    %dma_wait3A_2180 = tpu.memref_slice %arg6[%dma_wait3A_2179] : memref<4000000xf32, #tpu.memory_space<hbm>> -> memref<4000000xf32, #tpu.memory_space<hbm>>
    tpu.wait_indirect_dma semaphore(%arg17 : memref<!tpu.dma_semaphore, #tpu.memory_space<semaphore_mem>>) src(%dma_wait3A_2180 : memref<4000000xf32, #tpu.memory_space<hbm>>) dst(%dma_wait3A_2175 : memref<128xf32, #tpu.memory_space<vmem>>)
    %dma_wait3A_2181 = arith.constant 5 : i32
    %dma_wait3A_2182 = arith.constant 5 : i32
    %dma_wait3A_2183 = arith.constant 0 : i32
    %dma_wait3A_2184 = tpu.memref_slice %arg15[%dma_wait3A_2182, %dma_wait3A_2183] : memref<8x128xf32, #tpu.memory_space<vmem>> -> memref<1x128xf32, #tpu.memory_space<vmem>>
    %dma_wait3A_2185 = tpu.memref_squeeze %dma_wait3A_2184 : memref<1x128xf32, #tpu.memory_space<vmem>> -> memref<128xf32, #tpu.memory_space<vmem>>
    %dma_wait3A_2186 = arith.constant 0 : i32
    %dma_wait3A_2187 = tpu.memref_slice %arg12[%dma_wait3A_2181, %dma_wait3A_2186] : memref<8x128xi32, #tpu.memory_space<vmem>> -> memref<1x128xi32, #tpu.memory_space<vmem>>
    %dma_wait3A_2188 = tpu.memref_squeeze %dma_wait3A_2187 : memref<1x128xi32, #tpu.memory_space<vmem>> -> memref<128xi32, #tpu.memory_space<vmem>>
    %dma_wait3A_2189 = arith.constant 0 : i32
    %dma_wait3A_2190 = tpu.memref_slice %arg6[%dma_wait3A_2189] : memref<4000000xf32, #tpu.memory_space<hbm>> -> memref<4000000xf32, #tpu.memory_space<hbm>>
    tpu.wait_indirect_dma semaphore(%arg17 : memref<!tpu.dma_semaphore, #tpu.memory_space<semaphore_mem>>) src(%dma_wait3A_2190 : memref<4000000xf32, #tpu.memory_space<hbm>>) dst(%dma_wait3A_2185 : memref<128xf32, #tpu.memory_space<vmem>>)
    %dma_wait3A_2191 = arith.constant 6 : i32
    %dma_wait3A_2192 = arith.constant 6 : i32
    %dma_wait3A_2193 = arith.constant 0 : i32
    %dma_wait3A_2194 = tpu.memref_slice %arg15[%dma_wait3A_2192, %dma_wait3A_2193] : memref<8x128xf32, #tpu.memory_space<vmem>> -> memref<1x128xf32, #tpu.memory_space<vmem>>
    %dma_wait3A_2195 = tpu.memref_squeeze %dma_wait3A_2194 : memref<1x128xf32, #tpu.memory_space<vmem>> -> memref<128xf32, #tpu.memory_space<vmem>>
    %dma_wait3A_2196 = arith.constant 0 : i32
    %dma_wait3A_2197 = tpu.memref_slice %arg12[%dma_wait3A_2191, %dma_wait3A_2196] : memref<8x128xi32, #tpu.memory_space<vmem>> -> memref<1x128xi32, #tpu.memory_space<vmem>>
    %dma_wait3A_2198 = tpu.memref_squeeze %dma_wait3A_2197 : memref<1x128xi32, #tpu.memory_space<vmem>> -> memref<128xi32, #tpu.memory_space<vmem>>
    %dma_wait3A_2199 = arith.constant 0 : i32
    %dma_wait3A_2200 = tpu.memref_slice %arg6[%dma_wait3A_2199] : memref<4000000xf32, #tpu.memory_space<hbm>> -> memref<4000000xf32, #tpu.memory_space<hbm>>
    tpu.wait_indirect_dma semaphore(%arg17 : memref<!tpu.dma_semaphore, #tpu.memory_space<semaphore_mem>>) src(%dma_wait3A_2200 : memref<4000000xf32, #tpu.memory_space<hbm>>) dst(%dma_wait3A_2195 : memref<128xf32, #tpu.memory_space<vmem>>)
    %dma_wait3A_2201 = arith.constant 7 : i32
    %dma_wait3A_2202 = arith.constant 7 : i32
    %dma_wait3A_2203 = arith.constant 0 : i32
    %dma_wait3A_2204 = tpu.memref_slice %arg15[%dma_wait3A_2202, %dma_wait3A_2203] : memref<8x128xf32, #tpu.memory_space<vmem>> -> memref<1x128xf32, #tpu.memory_space<vmem>>
    %dma_wait3A_2205 = tpu.memref_squeeze %dma_wait3A_2204 : memref<1x128xf32, #tpu.memory_space<vmem>> -> memref<128xf32, #tpu.memory_space<vmem>>
    %dma_wait3A_2206 = arith.constant 0 : i32
    %dma_wait3A_2207 = tpu.memref_slice %arg12[%dma_wait3A_2201, %dma_wait3A_2206] : memref<8x128xi32, #tpu.memory_space<vmem>> -> memref<1x128xi32, #tpu.memory_space<vmem>>
    %dma_wait3A_2208 = tpu.memref_squeeze %dma_wait3A_2207 : memref<1x128xi32, #tpu.memory_space<vmem>> -> memref<128xi32, #tpu.memory_space<vmem>>
    %dma_wait3A_2209 = arith.constant 0 : i32
    %dma_wait3A_2210 = tpu.memref_slice %arg6[%dma_wait3A_2209] : memref<4000000xf32, #tpu.memory_space<hbm>> -> memref<4000000xf32, #tpu.memory_space<hbm>>
    tpu.wait_indirect_dma semaphore(%arg17 : memref<!tpu.dma_semaphore, #tpu.memory_space<semaphore_mem>>) src(%dma_wait3A_2210 : memref<4000000xf32, #tpu.memory_space<hbm>>) dst(%dma_wait3A_2205 : memref<128xf32, #tpu.memory_space<vmem>>)
    %scan3A_2211 = arith.constant 0 : i32
    %scan3A_2212 = arith.constant 0 : i32
    %scan3A_2213 = arith.constant 16 : i32
    %scan3A_2214 = arith.addi %scan3A_2212, %scan3A_2213 : i32
    %scan3A_2215 = arith.constant 1 : i32
    scf.for %scan3A_2217 = %scan3A_2212 to %scan3A_2214 step %scan3A_2215  : i32 {
      %mul3A_2218 = arith.constant 16 : i32
      %mul3A_2219 = arith.muli %scan3A_2217, %mul3A_2218 : i32
      %add3A_2220 = vector.broadcast %mul3A_2219 : i32 to vector<16xi32>
      %add3A_2221 = arith.addi %add3A_2220, %iota3A : vector<16xi32>
      %add3A_2222 = arith.constant 256 : i32
      %add3A_2223 = vector.broadcast %add3A_2222 : i32 to vector<16xi32>
      %add3A_2224 = arith.addi %add3A_2223, %add3A_2221 : vector<16xi32>
      %gather3A = tpu.vector_load_idx %arg8[%add3A_2224] : memref<512xi32, #tpu.memory_space<vmem>>[vector<16xi32>], vector<16xi32>,
      %add3A_2225 = arith.constant 256 : i32
      %add3A_2226 = vector.broadcast %add3A_2225 : i32 to vector<16xi32>
      %add3A_2227 = arith.addi %add3A_2226, %add3A_2221 : vector<16xi32>
      %gather3A_2228 = tpu.vector_load_idx %arg9[%add3A_2227] : memref<512xi32, #tpu.memory_space<vmem>>[vector<16xi32>], vector<16xi32>,
      %and3A = arith.constant 3 : i32
      %and3A_2229 = vector.broadcast %and3A : i32 to vector<16xi32>
      %and3A_2230 = arith.andi %gather3A, %and3A_2229 : vector<16xi32>
      %shift_left3A = arith.constant 5 : i32
      %shift_left3A_2231 = vector.broadcast %shift_left3A : i32 to vector<16xi32>
      %shift_left3A_2232 = arith.shli %and3A_2230, %shift_left3A_2231 : vector<16xi32>
      %and3A_2233 = arith.constant 3 : i32
      %and3A_2234 = vector.broadcast %and3A_2233 : i32 to vector<16xi32>
      %and3A_2235 = arith.andi %gather3A_2228, %and3A_2234 : vector<16xi32>
      %shift_left3A_2236 = arith.constant 5 : i32
      %shift_left3A_2237 = vector.broadcast %shift_left3A_2236 : i32 to vector<16xi32>
      %shift_left3A_2238 = arith.shli %and3A_2235, %shift_left3A_2237 : vector<16xi32>
      %broadcast_in_dim3A = arith.constant 0.000000e+00 : f32
      %broadcast_in_dim3A_2239 = vector.broadcast %broadcast_in_dim3A : f32 to vector<16xf32>
      %add3A_2240 = arith.constant 0 : i32
      %add3A_2241 = vector.broadcast %add3A_2240 : i32 to vector<16xi32>
      %add3A_2242 = arith.addi %shift_left3A_2232, %add3A_2241 : vector<16xi32>
      %gather3A_2243 = tpu.vector_load_idx %arg13[%add3A_2221, %add3A_2242] : memref<256x128xf32, #tpu.memory_space<vmem>>[vector<16xi32>, vector<16xi32>], vector<16xf32>,
      %add3A_2244 = arith.constant 0 : i32
      %add3A_2245 = vector.broadcast %add3A_2244 : i32 to vector<16xi32>
      %add3A_2246 = arith.addi %shift_left3A_2238, %add3A_2245 : vector<16xi32>
      %gather3A_2247 = tpu.vector_load_idx %arg14[%add3A_2221, %add3A_2246] : memref<256x128xf32, #tpu.memory_space<vmem>>[vector<16xi32>, vector<16xi32>], vector<16xf32>,
      %mul3A_2248 = arith.mulf %gather3A_2243, %gather3A_2247 : vector<16xf32>
      %add3A_2249 = arith.addf %broadcast_in_dim3A_2239, %mul3A_2248 : vector<16xf32>
      %add3A_2250 = arith.constant 1 : i32
      %add3A_2251 = vector.broadcast %add3A_2250 : i32 to vector<16xi32>
      %add3A_2252 = arith.addi %shift_left3A_2232, %add3A_2251 : vector<16xi32>
      %gather3A_2253 = tpu.vector_load_idx %arg13[%add3A_2221, %add3A_2252] : memref<256x128xf32, #tpu.memory_space<vmem>>[vector<16xi32>, vector<16xi32>], vector<16xf32>,
      %add3A_2254 = arith.constant 1 : i32
      %add3A_2255 = vector.broadcast %add3A_2254 : i32 to vector<16xi32>
      %add3A_2256 = arith.addi %shift_left3A_2238, %add3A_2255 : vector<16xi32>
      %gather3A_2257 = tpu.vector_load_idx %arg14[%add3A_2221, %add3A_2256] : memref<256x128xf32, #tpu.memory_space<vmem>>[vector<16xi32>, vector<16xi32>], vector<16xf32>,
      %mul3A_2258 = arith.mulf %gather3A_2253, %gather3A_2257 : vector<16xf32>
      %add3A_2259 = arith.addf %add3A_2249, %mul3A_2258 : vector<16xf32>
      %add3A_2260 = arith.constant 2 : i32
      %add3A_2261 = vector.broadcast %add3A_2260 : i32 to vector<16xi32>
      %add3A_2262 = arith.addi %shift_left3A_2232, %add3A_2261 : vector<16xi32>
      %gather3A_2263 = tpu.vector_load_idx %arg13[%add3A_2221, %add3A_2262] : memref<256x128xf32, #tpu.memory_space<vmem>>[vector<16xi32>, vector<16xi32>], vector<16xf32>,
      %add3A_2264 = arith.constant 2 : i32
      %add3A_2265 = vector.broadcast %add3A_2264 : i32 to vector<16xi32>
      %add3A_2266 = arith.addi %shift_left3A_2238, %add3A_2265 : vector<16xi32>
      %gather3A_2267 = tpu.vector_load_idx %arg14[%add3A_2221, %add3A_2266] : memref<256x128xf32, #tpu.memory_space<vmem>>[vector<16xi32>, vector<16xi32>], vector<16xf32>,
      %mul3A_2268 = arith.mulf %gather3A_2263, %gather3A_2267 : vector<16xf32>
      %add3A_2269 = arith.addf %add3A_2259, %mul3A_2268 : vector<16xf32>
      %add3A_2270 = arith.constant 3 : i32
      %add3A_2271 = vector.broadcast %add3A_2270 : i32 to vector<16xi32>
      %add3A_2272 = arith.addi %shift_left3A_2232, %add3A_2271 : vector<16xi32>
      %gather3A_2273 = tpu.vector_load_idx %arg13[%add3A_2221, %add3A_2272] : memref<256x128xf32, #tpu.memory_space<vmem>>[vector<16xi32>, vector<16xi32>], vector<16xf32>,
      %add3A_2274 = arith.constant 3 : i32
      %add3A_2275 = vector.broadcast %add3A_2274 : i32 to vector<16xi32>
      %add3A_2276 = arith.addi %shift_left3A_2238, %add3A_2275 : vector<16xi32>
      %gather3A_2277 = tpu.vector_load_idx %arg14[%add3A_2221, %add3A_2276] : memref<256x128xf32, #tpu.memory_space<vmem>>[vector<16xi32>, vector<16xi32>], vector<16xf32>,
      %mul3A_2278 = arith.mulf %gather3A_2273, %gather3A_2277 : vector<16xf32>
      %add3A_2279 = arith.addf %add3A_2269, %mul3A_2278 : vector<16xf32>
      %add3A_2280 = arith.constant 4 : i32
      %add3A_2281 = vector.broadcast %add3A_2280 : i32 to vector<16xi32>
      %add3A_2282 = arith.addi %shift_left3A_2232, %add3A_2281 : vector<16xi32>
      %gather3A_2283 = tpu.vector_load_idx %arg13[%add3A_2221, %add3A_2282] : memref<256x128xf32, #tpu.memory_space<vmem>>[vector<16xi32>, vector<16xi32>], vector<16xf32>,
      %add3A_2284 = arith.constant 4 : i32
      %add3A_2285 = vector.broadcast %add3A_2284 : i32 to vector<16xi32>
      %add3A_2286 = arith.addi %shift_left3A_2238, %add3A_2285 : vector<16xi32>
      %gather3A_2287 = tpu.vector_load_idx %arg14[%add3A_2221, %add3A_2286] : memref<256x128xf32, #tpu.memory_space<vmem>>[vector<16xi32>, vector<16xi32>], vector<16xf32>,
      %mul3A_2288 = arith.mulf %gather3A_2283, %gather3A_2287 : vector<16xf32>
      %add3A_2289 = arith.addf %add3A_2279, %mul3A_2288 : vector<16xf32>
      %add3A_2290 = arith.constant 5 : i32
      %add3A_2291 = vector.broadcast %add3A_2290 : i32 to vector<16xi32>
      %add3A_2292 = arith.addi %shift_left3A_2232, %add3A_2291 : vector<16xi32>
      %gather3A_2293 = tpu.vector_load_idx %arg13[%add3A_2221, %add3A_2292] : memref<256x128xf32, #tpu.memory_space<vmem>>[vector<16xi32>, vector<16xi32>], vector<16xf32>,
      %add3A_2294 = arith.constant 5 : i32
      %add3A_2295 = vector.broadcast %add3A_2294 : i32 to vector<16xi32>
      %add3A_2296 = arith.addi %shift_left3A_2238, %add3A_2295 : vector<16xi32>
      %gather3A_2297 = tpu.vector_load_idx %arg14[%add3A_2221, %add3A_2296] : memref<256x128xf32, #tpu.memory_space<vmem>>[vector<16xi32>, vector<16xi32>], vector<16xf32>,
      %mul3A_2298 = arith.mulf %gather3A_2293, %gather3A_2297 : vector<16xf32>
      %add3A_2299 = arith.addf %add3A_2289, %mul3A_2298 : vector<16xf32>
      %add3A_2300 = arith.constant 6 : i32
      %add3A_2301 = vector.broadcast %add3A_2300 : i32 to vector<16xi32>
      %add3A_2302 = arith.addi %shift_left3A_2232, %add3A_2301 : vector<16xi32>
      %gather3A_2303 = tpu.vector_load_idx %arg13[%add3A_2221, %add3A_2302] : memref<256x128xf32, #tpu.memory_space<vmem>>[vector<16xi32>, vector<16xi32>], vector<16xf32>,
      %add3A_2304 = arith.constant 6 : i32
      %add3A_2305 = vector.broadcast %add3A_2304 : i32 to vector<16xi32>
      %add3A_2306 = arith.addi %shift_left3A_2238, %add3A_2305 : vector<16xi32>
      %gather3A_2307 = tpu.vector_load_idx %arg14[%add3A_2221, %add3A_2306] : memref<256x128xf32, #tpu.memory_space<vmem>>[vector<16xi32>, vector<16xi32>], vector<16xf32>,
      %mul3A_2308 = arith.mulf %gather3A_2303, %gather3A_2307 : vector<16xf32>
      %add3A_2309 = arith.addf %add3A_2299, %mul3A_2308 : vector<16xf32>
      %add3A_2310 = arith.constant 7 : i32
      %add3A_2311 = vector.broadcast %add3A_2310 : i32 to vector<16xi32>
      %add3A_2312 = arith.addi %shift_left3A_2232, %add3A_2311 : vector<16xi32>
      %gather3A_2313 = tpu.vector_load_idx %arg13[%add3A_2221, %add3A_2312] : memref<256x128xf32, #tpu.memory_space<vmem>>[vector<16xi32>, vector<16xi32>], vector<16xf32>,
      %add3A_2314 = arith.constant 7 : i32
      %add3A_2315 = vector.broadcast %add3A_2314 : i32 to vector<16xi32>
      %add3A_2316 = arith.addi %shift_left3A_2238, %add3A_2315 : vector<16xi32>
      %gather3A_2317 = tpu.vector_load_idx %arg14[%add3A_2221, %add3A_2316] : memref<256x128xf32, #tpu.memory_space<vmem>>[vector<16xi32>, vector<16xi32>], vector<16xf32>,
      %mul3A_2318 = arith.mulf %gather3A_2313, %gather3A_2317 : vector<16xf32>
      %add3A_2319 = arith.addf %add3A_2309, %mul3A_2318 : vector<16xf32>
      %add3A_2320 = arith.constant 8 : i32
      %add3A_2321 = vector.broadcast %add3A_2320 : i32 to vector<16xi32>
      %add3A_2322 = arith.addi %shift_left3A_2232, %add3A_2321 : vector<16xi32>
      %gather3A_2323 = tpu.vector_load_idx %arg13[%add3A_2221, %add3A_2322] : memref<256x128xf32, #tpu.memory_space<vmem>>[vector<16xi32>, vector<16xi32>], vector<16xf32>,
      %add3A_2324 = arith.constant 8 : i32
      %add3A_2325 = vector.broadcast %add3A_2324 : i32 to vector<16xi32>
      %add3A_2326 = arith.addi %shift_left3A_2238, %add3A_2325 : vector<16xi32>
      %gather3A_2327 = tpu.vector_load_idx %arg14[%add3A_2221, %add3A_2326] : memref<256x128xf32, #tpu.memory_space<vmem>>[vector<16xi32>, vector<16xi32>], vector<16xf32>,
      %mul3A_2328 = arith.mulf %gather3A_2323, %gather3A_2327 : vector<16xf32>
      %add3A_2329 = arith.addf %add3A_2319, %mul3A_2328 : vector<16xf32>
      %add3A_2330 = arith.constant 9 : i32
      %add3A_2331 = vector.broadcast %add3A_2330 : i32 to vector<16xi32>
      %add3A_2332 = arith.addi %shift_left3A_2232, %add3A_2331 : vector<16xi32>
      %gather3A_2333 = tpu.vector_load_idx %arg13[%add3A_2221, %add3A_2332] : memref<256x128xf32, #tpu.memory_space<vmem>>[vector<16xi32>, vector<16xi32>], vector<16xf32>,
      %add3A_2334 = arith.constant 9 : i32
      %add3A_2335 = vector.broadcast %add3A_2334 : i32 to vector<16xi32>
      %add3A_2336 = arith.addi %shift_left3A_2238, %add3A_2335 : vector<16xi32>
      %gather3A_2337 = tpu.vector_load_idx %arg14[%add3A_2221, %add3A_2336] : memref<256x128xf32, #tpu.memory_space<vmem>>[vector<16xi32>, vector<16xi32>], vector<16xf32>,
      %mul3A_2338 = arith.mulf %gather3A_2333, %gather3A_2337 : vector<16xf32>
      %add3A_2339 = arith.addf %add3A_2329, %mul3A_2338 : vector<16xf32>
      %add3A_2340 = arith.constant 10 : i32
      %add3A_2341 = vector.broadcast %add3A_2340 : i32 to vector<16xi32>
      %add3A_2342 = arith.addi %shift_left3A_2232, %add3A_2341 : vector<16xi32>
      %gather3A_2343 = tpu.vector_load_idx %arg13[%add3A_2221, %add3A_2342] : memref<256x128xf32, #tpu.memory_space<vmem>>[vector<16xi32>, vector<16xi32>], vector<16xf32>,
      %add3A_2344 = arith.constant 10 : i32
      %add3A_2345 = vector.broadcast %add3A_2344 : i32 to vector<16xi32>
      %add3A_2346 = arith.addi %shift_left3A_2238, %add3A_2345 : vector<16xi32>
      %gather3A_2347 = tpu.vector_load_idx %arg14[%add3A_2221, %add3A_2346] : memref<256x128xf32, #tpu.memory_space<vmem>>[vector<16xi32>, vector<16xi32>], vector<16xf32>,
      %mul3A_2348 = arith.mulf %gather3A_2343, %gather3A_2347 : vector<16xf32>
      %add3A_2349 = arith.addf %add3A_2339, %mul3A_2348 : vector<16xf32>
      %add3A_2350 = arith.constant 11 : i32
      %add3A_2351 = vector.broadcast %add3A_2350 : i32 to vector<16xi32>
      %add3A_2352 = arith.addi %shift_left3A_2232, %add3A_2351 : vector<16xi32>
      %gather3A_2353 = tpu.vector_load_idx %arg13[%add3A_2221, %add3A_2352] : memref<256x128xf32, #tpu.memory_space<vmem>>[vector<16xi32>, vector<16xi32>], vector<16xf32>,
      %add3A_2354 = arith.constant 11 : i32
      %add3A_2355 = vector.broadcast %add3A_2354 : i32 to vector<16xi32>
      %add3A_2356 = arith.addi %shift_left3A_2238, %add3A_2355 : vector<16xi32>
      %gather3A_2357 = tpu.vector_load_idx %arg14[%add3A_2221, %add3A_2356] : memref<256x128xf32, #tpu.memory_space<vmem>>[vector<16xi32>, vector<16xi32>], vector<16xf32>,
      %mul3A_2358 = arith.mulf %gather3A_2353, %gather3A_2357 : vector<16xf32>
      %add3A_2359 = arith.addf %add3A_2349, %mul3A_2358 : vector<16xf32>
      %add3A_2360 = arith.constant 12 : i32
      %add3A_2361 = vector.broadcast %add3A_2360 : i32 to vector<16xi32>
      %add3A_2362 = arith.addi %shift_left3A_2232, %add3A_2361 : vector<16xi32>
      %gather3A_2363 = tpu.vector_load_idx %arg13[%add3A_2221, %add3A_2362] : memref<256x128xf32, #tpu.memory_space<vmem>>[vector<16xi32>, vector<16xi32>], vector<16xf32>,
      %add3A_2364 = arith.constant 12 : i32
      %add3A_2365 = vector.broadcast %add3A_2364 : i32 to vector<16xi32>
      %add3A_2366 = arith.addi %shift_left3A_2238, %add3A_2365 : vector<16xi32>
      %gather3A_2367 = tpu.vector_load_idx %arg14[%add3A_2221, %add3A_2366] : memref<256x128xf32, #tpu.memory_space<vmem>>[vector<16xi32>, vector<16xi32>], vector<16xf32>,
      %mul3A_2368 = arith.mulf %gather3A_2363, %gather3A_2367 : vector<16xf32>
      %add3A_2369 = arith.addf %add3A_2359, %mul3A_2368 : vector<16xf32>
      %add3A_2370 = arith.constant 13 : i32
      %add3A_2371 = vector.broadcast %add3A_2370 : i32 to vector<16xi32>
      %add3A_2372 = arith.addi %shift_left3A_2232, %add3A_2371 : vector<16xi32>
      %gather3A_2373 = tpu.vector_load_idx %arg13[%add3A_2221, %add3A_2372] : memref<256x128xf32, #tpu.memory_space<vmem>>[vector<16xi32>, vector<16xi32>], vector<16xf32>,
      %add3A_2374 = arith.constant 13 : i32
      %add3A_2375 = vector.broadcast %add3A_2374 : i32 to vector<16xi32>
      %add3A_2376 = arith.addi %shift_left3A_2238, %add3A_2375 : vector<16xi32>
      %gather3A_2377 = tpu.vector_load_idx %arg14[%add3A_2221, %add3A_2376] : memref<256x128xf32, #tpu.memory_space<vmem>>[vector<16xi32>, vector<16xi32>], vector<16xf32>,
      %mul3A_2378 = arith.mulf %gather3A_2373, %gather3A_2377 : vector<16xf32>
      %add3A_2379 = arith.addf %add3A_2369, %mul3A_2378 : vector<16xf32>
      %add3A_2380 = arith.constant 14 : i32
      %add3A_2381 = vector.broadcast %add3A_2380 : i32 to vector<16xi32>
      %add3A_2382 = arith.addi %shift_left3A_2232, %add3A_2381 : vector<16xi32>
      %gather3A_2383 = tpu.vector_load_idx %arg13[%add3A_2221, %add3A_2382] : memref<256x128xf32, #tpu.memory_space<vmem>>[vector<16xi32>, vector<16xi32>], vector<16xf32>,
      %add3A_2384 = arith.constant 14 : i32
      %add3A_2385 = vector.broadcast %add3A_2384 : i32 to vector<16xi32>
      %add3A_2386 = arith.addi %shift_left3A_2238, %add3A_2385 : vector<16xi32>
      %gather3A_2387 = tpu.vector_load_idx %arg14[%add3A_2221, %add3A_2386] : memref<256x128xf32, #tpu.memory_space<vmem>>[vector<16xi32>, vector<16xi32>], vector<16xf32>,
      %mul3A_2388 = arith.mulf %gather3A_2383, %gather3A_2387 : vector<16xf32>
      %add3A_2389 = arith.addf %add3A_2379, %mul3A_2388 : vector<16xf32>
      %add3A_2390 = arith.constant 15 : i32
      %add3A_2391 = vector.broadcast %add3A_2390 : i32 to vector<16xi32>
      %add3A_2392 = arith.addi %shift_left3A_2232, %add3A_2391 : vector<16xi32>
      %gather3A_2393 = tpu.vector_load_idx %arg13[%add3A_2221, %add3A_2392] : memref<256x128xf32, #tpu.memory_space<vmem>>[vector<16xi32>, vector<16xi32>], vector<16xf32>,
      %add3A_2394 = arith.constant 15 : i32
      %add3A_2395 = vector.broadcast %add3A_2394 : i32 to vector<16xi32>
      %add3A_2396 = arith.addi %shift_left3A_2238, %add3A_2395 : vector<16xi32>
      %gather3A_2397 = tpu.vector_load_idx %arg14[%add3A_2221, %add3A_2396] : memref<256x128xf32, #tpu.memory_space<vmem>>[vector<16xi32>, vector<16xi32>], vector<16xf32>,
      %mul3A_2398 = arith.mulf %gather3A_2393, %gather3A_2397 : vector<16xf32>
      %add3A_2399 = arith.addf %add3A_2389, %mul3A_2398 : vector<16xf32>
      %add3A_2400 = arith.constant 16 : i32
      %add3A_2401 = vector.broadcast %add3A_2400 : i32 to vector<16xi32>
      %add3A_2402 = arith.addi %shift_left3A_2232, %add3A_2401 : vector<16xi32>
      %gather3A_2403 = tpu.vector_load_idx %arg13[%add3A_2221, %add3A_2402] : memref<256x128xf32, #tpu.memory_space<vmem>>[vector<16xi32>, vector<16xi32>], vector<16xf32>,
      %add3A_2404 = arith.constant 16 : i32
      %add3A_2405 = vector.broadcast %add3A_2404 : i32 to vector<16xi32>
      %add3A_2406 = arith.addi %shift_left3A_2238, %add3A_2405 : vector<16xi32>
      %gather3A_2407 = tpu.vector_load_idx %arg14[%add3A_2221, %add3A_2406] : memref<256x128xf32, #tpu.memory_space<vmem>>[vector<16xi32>, vector<16xi32>], vector<16xf32>,
      %mul3A_2408 = arith.mulf %gather3A_2403, %gather3A_2407 : vector<16xf32>
      %add3A_2409 = arith.addf %add3A_2399, %mul3A_2408 : vector<16xf32>
      %add3A_2410 = arith.constant 17 : i32
      %add3A_2411 = vector.broadcast %add3A_2410 : i32 to vector<16xi32>
      %add3A_2412 = arith.addi %shift_left3A_2232, %add3A_2411 : vector<16xi32>
      %gather3A_2413 = tpu.vector_load_idx %arg13[%add3A_2221, %add3A_2412] : memref<256x128xf32, #tpu.memory_space<vmem>>[vector<16xi32>, vector<16xi32>], vector<16xf32>,
      %add3A_2414 = arith.constant 17 : i32
      %add3A_2415 = vector.broadcast %add3A_2414 : i32 to vector<16xi32>
      %add3A_2416 = arith.addi %shift_left3A_2238, %add3A_2415 : vector<16xi32>
      %gather3A_2417 = tpu.vector_load_idx %arg14[%add3A_2221, %add3A_2416] : memref<256x128xf32, #tpu.memory_space<vmem>>[vector<16xi32>, vector<16xi32>], vector<16xf32>,
      %mul3A_2418 = arith.mulf %gather3A_2413, %gather3A_2417 : vector<16xf32>
      %add3A_2419 = arith.addf %add3A_2409, %mul3A_2418 : vector<16xf32>
      %add3A_2420 = arith.constant 18 : i32
      %add3A_2421 = vector.broadcast %add3A_2420 : i32 to vector<16xi32>
      %add3A_2422 = arith.addi %shift_left3A_2232, %add3A_2421 : vector<16xi32>
      %gather3A_2423 = tpu.vector_load_idx %arg13[%add3A_2221, %add3A_2422] : memref<256x128xf32, #tpu.memory_space<vmem>>[vector<16xi32>, vector<16xi32>], vector<16xf32>,
      %add3A_2424 = arith.constant 18 : i32
      %add3A_2425 = vector.broadcast %add3A_2424 : i32 to vector<16xi32>
      %add3A_2426 = arith.addi %shift_left3A_2238, %add3A_2425 : vector<16xi32>
      %gather3A_2427 = tpu.vector_load_idx %arg14[%add3A_2221, %add3A_2426] : memref<256x128xf32, #tpu.memory_space<vmem>>[vector<16xi32>, vector<16xi32>], vector<16xf32>,
      %mul3A_2428 = arith.mulf %gather3A_2423, %gather3A_2427 : vector<16xf32>
      %add3A_2429 = arith.addf %add3A_2419, %mul3A_2428 : vector<16xf32>
      %add3A_2430 = arith.constant 19 : i32
      %add3A_2431 = vector.broadcast %add3A_2430 : i32 to vector<16xi32>
      %add3A_2432 = arith.addi %shift_left3A_2232, %add3A_2431 : vector<16xi32>
      %gather3A_2433 = tpu.vector_load_idx %arg13[%add3A_2221, %add3A_2432] : memref<256x128xf32, #tpu.memory_space<vmem>>[vector<16xi32>, vector<16xi32>], vector<16xf32>,
      %add3A_2434 = arith.constant 19 : i32
      %add3A_2435 = vector.broadcast %add3A_2434 : i32 to vector<16xi32>
      %add3A_2436 = arith.addi %shift_left3A_2238, %add3A_2435 : vector<16xi32>
      %gather3A_2437 = tpu.vector_load_idx %arg14[%add3A_2221, %add3A_2436] : memref<256x128xf32, #tpu.memory_space<vmem>>[vector<16xi32>, vector<16xi32>], vector<16xf32>,
      %mul3A_2438 = arith.mulf %gather3A_2433, %gather3A_2437 : vector<16xf32>
      %add3A_2439 = arith.addf %add3A_2429, %mul3A_2438 : vector<16xf32>
      %add3A_2440 = arith.constant 20 : i32
      %add3A_2441 = vector.broadcast %add3A_2440 : i32 to vector<16xi32>
      %add3A_2442 = arith.addi %shift_left3A_2232, %add3A_2441 : vector<16xi32>
      %gather3A_2443 = tpu.vector_load_idx %arg13[%add3A_2221, %add3A_2442] : memref<256x128xf32, #tpu.memory_space<vmem>>[vector<16xi32>, vector<16xi32>], vector<16xf32>,
      %add3A_2444 = arith.constant 20 : i32
      %add3A_2445 = vector.broadcast %add3A_2444 : i32 to vector<16xi32>
      %add3A_2446 = arith.addi %shift_left3A_2238, %add3A_2445 : vector<16xi32>
      %gather3A_2447 = tpu.vector_load_idx %arg14[%add3A_2221, %add3A_2446] : memref<256x128xf32, #tpu.memory_space<vmem>>[vector<16xi32>, vector<16xi32>], vector<16xf32>,
      %mul3A_2448 = arith.mulf %gather3A_2443, %gather3A_2447 : vector<16xf32>
      %add3A_2449 = arith.addf %add3A_2439, %mul3A_2448 : vector<16xf32>
      %add3A_2450 = arith.constant 21 : i32
      %add3A_2451 = vector.broadcast %add3A_2450 : i32 to vector<16xi32>
      %add3A_2452 = arith.addi %shift_left3A_2232, %add3A_2451 : vector<16xi32>
      %gather3A_2453 = tpu.vector_load_idx %arg13[%add3A_2221, %add3A_2452] : memref<256x128xf32, #tpu.memory_space<vmem>>[vector<16xi32>, vector<16xi32>], vector<16xf32>,
      %add3A_2454 = arith.constant 21 : i32
      %add3A_2455 = vector.broadcast %add3A_2454 : i32 to vector<16xi32>
      %add3A_2456 = arith.addi %shift_left3A_2238, %add3A_2455 : vector<16xi32>
      %gather3A_2457 = tpu.vector_load_idx %arg14[%add3A_2221, %add3A_2456] : memref<256x128xf32, #tpu.memory_space<vmem>>[vector<16xi32>, vector<16xi32>], vector<16xf32>,
      %mul3A_2458 = arith.mulf %gather3A_2453, %gather3A_2457 : vector<16xf32>
      %add3A_2459 = arith.addf %add3A_2449, %mul3A_2458 : vector<16xf32>
      %add3A_2460 = arith.constant 22 : i32
      %add3A_2461 = vector.broadcast %add3A_2460 : i32 to vector<16xi32>
      %add3A_2462 = arith.addi %shift_left3A_2232, %add3A_2461 : vector<16xi32>
      %gather3A_2463 = tpu.vector_load_idx %arg13[%add3A_2221, %add3A_2462] : memref<256x128xf32, #tpu.memory_space<vmem>>[vector<16xi32>, vector<16xi32>], vector<16xf32>,
      %add3A_2464 = arith.constant 22 : i32
      %add3A_2465 = vector.broadcast %add3A_2464 : i32 to vector<16xi32>
      %add3A_2466 = arith.addi %shift_left3A_2238, %add3A_2465 : vector<16xi32>
      %gather3A_2467 = tpu.vector_load_idx %arg14[%add3A_2221, %add3A_2466] : memref<256x128xf32, #tpu.memory_space<vmem>>[vector<16xi32>, vector<16xi32>], vector<16xf32>,
      %mul3A_2468 = arith.mulf %gather3A_2463, %gather3A_2467 : vector<16xf32>
      %add3A_2469 = arith.addf %add3A_2459, %mul3A_2468 : vector<16xf32>
      %add3A_2470 = arith.constant 23 : i32
      %add3A_2471 = vector.broadcast %add3A_2470 : i32 to vector<16xi32>
      %add3A_2472 = arith.addi %shift_left3A_2232, %add3A_2471 : vector<16xi32>
      %gather3A_2473 = tpu.vector_load_idx %arg13[%add3A_2221, %add3A_2472] : memref<256x128xf32, #tpu.memory_space<vmem>>[vector<16xi32>, vector<16xi32>], vector<16xf32>,
      %add3A_2474 = arith.constant 23 : i32
      %add3A_2475 = vector.broadcast %add3A_2474 : i32 to vector<16xi32>
      %add3A_2476 = arith.addi %shift_left3A_2238, %add3A_2475 : vector<16xi32>
      %gather3A_2477 = tpu.vector_load_idx %arg14[%add3A_2221, %add3A_2476] : memref<256x128xf32, #tpu.memory_space<vmem>>[vector<16xi32>, vector<16xi32>], vector<16xf32>,
      %mul3A_2478 = arith.mulf %gather3A_2473, %gather3A_2477 : vector<16xf32>
      %add3A_2479 = arith.addf %add3A_2469, %mul3A_2478 : vector<16xf32>
      %add3A_2480 = arith.constant 24 : i32
      %add3A_2481 = vector.broadcast %add3A_2480 : i32 to vector<16xi32>
      %add3A_2482 = arith.addi %shift_left3A_2232, %add3A_2481 : vector<16xi32>
      %gather3A_2483 = tpu.vector_load_idx %arg13[%add3A_2221, %add3A_2482] : memref<256x128xf32, #tpu.memory_space<vmem>>[vector<16xi32>, vector<16xi32>], vector<16xf32>,
      %add3A_2484 = arith.constant 24 : i32
      %add3A_2485 = vector.broadcast %add3A_2484 : i32 to vector<16xi32>
      %add3A_2486 = arith.addi %shift_left3A_2238, %add3A_2485 : vector<16xi32>
      %gather3A_2487 = tpu.vector_load_idx %arg14[%add3A_2221, %add3A_2486] : memref<256x128xf32, #tpu.memory_space<vmem>>[vector<16xi32>, vector<16xi32>], vector<16xf32>,
      %mul3A_2488 = arith.mulf %gather3A_2483, %gather3A_2487 : vector<16xf32>
      %add3A_2489 = arith.addf %add3A_2479, %mul3A_2488 : vector<16xf32>
      %add3A_2490 = arith.constant 25 : i32
      %add3A_2491 = vector.broadcast %add3A_2490 : i32 to vector<16xi32>
      %add3A_2492 = arith.addi %shift_left3A_2232, %add3A_2491 : vector<16xi32>
      %gather3A_2493 = tpu.vector_load_idx %arg13[%add3A_2221, %add3A_2492] : memref<256x128xf32, #tpu.memory_space<vmem>>[vector<16xi32>, vector<16xi32>], vector<16xf32>,
      %add3A_2494 = arith.constant 25 : i32
      %add3A_2495 = vector.broadcast %add3A_2494 : i32 to vector<16xi32>
      %add3A_2496 = arith.addi %shift_left3A_2238, %add3A_2495 : vector<16xi32>
      %gather3A_2497 = tpu.vector_load_idx %arg14[%add3A_2221, %add3A_2496] : memref<256x128xf32, #tpu.memory_space<vmem>>[vector<16xi32>, vector<16xi32>], vector<16xf32>,
      %mul3A_2498 = arith.mulf %gather3A_2493, %gather3A_2497 : vector<16xf32>
      %add3A_2499 = arith.addf %add3A_2489, %mul3A_2498 : vector<16xf32>
      %add3A_2500 = arith.constant 26 : i32
      %add3A_2501 = vector.broadcast %add3A_2500 : i32 to vector<16xi32>
      %add3A_2502 = arith.addi %shift_left3A_2232, %add3A_2501 : vector<16xi32>
      %gather3A_2503 = tpu.vector_load_idx %arg13[%add3A_2221, %add3A_2502] : memref<256x128xf32, #tpu.memory_space<vmem>>[vector<16xi32>, vector<16xi32>], vector<16xf32>,
      %add3A_2504 = arith.constant 26 : i32
      %add3A_2505 = vector.broadcast %add3A_2504 : i32 to vector<16xi32>
      %add3A_2506 = arith.addi %shift_left3A_2238, %add3A_2505 : vector<16xi32>
      %gather3A_2507 = tpu.vector_load_idx %arg14[%add3A_2221, %add3A_2506] : memref<256x128xf32, #tpu.memory_space<vmem>>[vector<16xi32>, vector<16xi32>], vector<16xf32>,
      %mul3A_2508 = arith.mulf %gather3A_2503, %gather3A_2507 : vector<16xf32>
      %add3A_2509 = arith.addf %add3A_2499, %mul3A_2508 : vector<16xf32>
      %add3A_2510 = arith.constant 27 : i32
      %add3A_2511 = vector.broadcast %add3A_2510 : i32 to vector<16xi32>
      %add3A_2512 = arith.addi %shift_left3A_2232, %add3A_2511 : vector<16xi32>
      %gather3A_2513 = tpu.vector_load_idx %arg13[%add3A_2221, %add3A_2512] : memref<256x128xf32, #tpu.memory_space<vmem>>[vector<16xi32>, vector<16xi32>], vector<16xf32>,
      %add3A_2514 = arith.constant 27 : i32
      %add3A_2515 = vector.broadcast %add3A_2514 : i32 to vector<16xi32>
      %add3A_2516 = arith.addi %shift_left3A_2238, %add3A_2515 : vector<16xi32>
      %gather3A_2517 = tpu.vector_load_idx %arg14[%add3A_2221, %add3A_2516] : memref<256x128xf32, #tpu.memory_space<vmem>>[vector<16xi32>, vector<16xi32>], vector<16xf32>,
      %mul3A_2518 = arith.mulf %gather3A_2513, %gather3A_2517 : vector<16xf32>
      %add3A_2519 = arith.addf %add3A_2509, %mul3A_2518 : vector<16xf32>
      %add3A_2520 = arith.constant 28 : i32
      %add3A_2521 = vector.broadcast %add3A_2520 : i32 to vector<16xi32>
      %add3A_2522 = arith.addi %shift_left3A_2232, %add3A_2521 : vector<16xi32>
      %gather3A_2523 = tpu.vector_load_idx %arg13[%add3A_2221, %add3A_2522] : memref<256x128xf32, #tpu.memory_space<vmem>>[vector<16xi32>, vector<16xi32>], vector<16xf32>,
      %add3A_2524 = arith.constant 28 : i32
      %add3A_2525 = vector.broadcast %add3A_2524 : i32 to vector<16xi32>
      %add3A_2526 = arith.addi %shift_left3A_2238, %add3A_2525 : vector<16xi32>
      %gather3A_2527 = tpu.vector_load_idx %arg14[%add3A_2221, %add3A_2526] : memref<256x128xf32, #tpu.memory_space<vmem>>[vector<16xi32>, vector<16xi32>], vector<16xf32>,
      %mul3A_2528 = arith.mulf %gather3A_2523, %gather3A_2527 : vector<16xf32>
      %add3A_2529 = arith.addf %add3A_2519, %mul3A_2528 : vector<16xf32>
      %add3A_2530 = arith.constant 29 : i32
      %add3A_2531 = vector.broadcast %add3A_2530 : i32 to vector<16xi32>
      %add3A_2532 = arith.addi %shift_left3A_2232, %add3A_2531 : vector<16xi32>
      %gather3A_2533 = tpu.vector_load_idx %arg13[%add3A_2221, %add3A_2532] : memref<256x128xf32, #tpu.memory_space<vmem>>[vector<16xi32>, vector<16xi32>], vector<16xf32>,
      %add3A_2534 = arith.constant 29 : i32
      %add3A_2535 = vector.broadcast %add3A_2534 : i32 to vector<16xi32>
      %add3A_2536 = arith.addi %shift_left3A_2238, %add3A_2535 : vector<16xi32>
      %gather3A_2537 = tpu.vector_load_idx %arg14[%add3A_2221, %add3A_2536] : memref<256x128xf32, #tpu.memory_space<vmem>>[vector<16xi32>, vector<16xi32>], vector<16xf32>,
      %mul3A_2538 = arith.mulf %gather3A_2533, %gather3A_2537 : vector<16xf32>
      %add3A_2539 = arith.addf %add3A_2529, %mul3A_2538 : vector<16xf32>
      %add3A_2540 = arith.constant 30 : i32
      %add3A_2541 = vector.broadcast %add3A_2540 : i32 to vector<16xi32>
      %add3A_2542 = arith.addi %shift_left3A_2232, %add3A_2541 : vector<16xi32>
      %gather3A_2543 = tpu.vector_load_idx %arg13[%add3A_2221, %add3A_2542] : memref<256x128xf32, #tpu.memory_space<vmem>>[vector<16xi32>, vector<16xi32>], vector<16xf32>,
      %add3A_2544 = arith.constant 30 : i32
      %add3A_2545 = vector.broadcast %add3A_2544 : i32 to vector<16xi32>
      %add3A_2546 = arith.addi %shift_left3A_2238, %add3A_2545 : vector<16xi32>
      %gather3A_2547 = tpu.vector_load_idx %arg14[%add3A_2221, %add3A_2546] : memref<256x128xf32, #tpu.memory_space<vmem>>[vector<16xi32>, vector<16xi32>], vector<16xf32>,
      %mul3A_2548 = arith.mulf %gather3A_2543, %gather3A_2547 : vector<16xf32>
      %add3A_2549 = arith.addf %add3A_2539, %mul3A_2548 : vector<16xf32>
      %add3A_2550 = arith.constant 31 : i32
      %add3A_2551 = vector.broadcast %add3A_2550 : i32 to vector<16xi32>
      %add3A_2552 = arith.addi %shift_left3A_2232, %add3A_2551 : vector<16xi32>
      %gather3A_2553 = tpu.vector_load_idx %arg13[%add3A_2221, %add3A_2552] : memref<256x128xf32, #tpu.memory_space<vmem>>[vector<16xi32>, vector<16xi32>], vector<16xf32>,
      %add3A_2554 = arith.constant 31 : i32
      %add3A_2555 = vector.broadcast %add3A_2554 : i32 to vector<16xi32>
      %add3A_2556 = arith.addi %shift_left3A_2238, %add3A_2555 : vector<16xi32>
      %gather3A_2557 = tpu.vector_load_idx %arg14[%add3A_2221, %add3A_2556] : memref<256x128xf32, #tpu.memory_space<vmem>>[vector<16xi32>, vector<16xi32>], vector<16xf32>,
      %mul3A_2558 = arith.mulf %gather3A_2553, %gather3A_2557 : vector<16xf32>
      %add3A_2559 = arith.addf %add3A_2549, %mul3A_2558 : vector<16xf32>
      %add3A_2560 = arith.constant 256 : i32
      %add3A_2561 = vector.broadcast %add3A_2560 : i32 to vector<16xi32>
      %add3A_2562 = arith.addi %add3A_2561, %add3A_2221 : vector<16xi32>
      %mul3A_2563 = arith.constant 16 : i32
      %mul3A_2564 = arith.muli %scan3A_2217, %mul3A_2563 : i32
      %add3A_2565 = arith.constant 0 : i32
      %add3A_2566 = arith.addi %add3A_2565, %mul3A_2564 : i32
      %jit3A = arith.constant 128 : i32
      %div3A = arith.divsi %add3A_2566, %jit3A : i32
      %sign3A = arith.constant 0 : i32
      %sign3A_2567 = arith.cmpi sgt, %add3A_2566, %sign3A : i32
      %sign3A_2568 = arith.extui %sign3A_2567 : i1 to i32
      %sign3A_2569 = arith.constant 0 : i32
      %sign3A_2570 = arith.cmpi slt, %add3A_2566, %sign3A_2569 : i32
      %sign3A_2571 = arith.extui %sign3A_2570 : i1 to i32
      %sign3A_2572 = arith.subi %sign3A_2568, %sign3A_2571 : i32
      %sign3A_2573 = arith.constant 0 : i32
      %sign3A_2574 = arith.cmpi sgt, %jit3A, %sign3A_2573 : i32
      %sign3A_2575 = arith.extui %sign3A_2574 : i1 to i32
      %sign3A_2576 = arith.constant 0 : i32
      %sign3A_2577 = arith.cmpi slt, %jit3A, %sign3A_2576 : i32
      %sign3A_2578 = arith.extui %sign3A_2577 : i1 to i32
      %sign3A_2579 = arith.subi %sign3A_2575, %sign3A_2578 : i32
      %ne3A = arith.cmpi ne, %sign3A_2572, %sign3A_2579 : i32
      %rem3A = arith.remsi %add3A_2566, %jit3A : i32
      %ne3A_2580 = arith.constant 0 : i32
      %ne3A_2581 = arith.cmpi ne, %rem3A, %ne3A_2580 : i32
      %and3A_2582 = arith.andi %ne3A, %ne3A_2581 : i1
      %sub3A = arith.constant 1 : i32
      %sub3A_2583 = arith.subi %div3A, %sub3A : i32
      %select_n3A = arith.select %and3A_2582, %sub3A_2583, %div3A : i32
      %broadcast_in_dim3A_2584 = vector.broadcast %select_n3A : i32 to vector<16xi32>
      %jit3A_2585 = arith.constant 128 : i32
      %eq3A = arith.constant 0 : i32
      %eq3A_2586 = arith.cmpi eq, %jit3A_2585, %eq3A : i32
      %jit3A_2587 = arith.constant 1 : i32
      %select_n3A_2588 = arith.select %eq3A_2586, %jit3A_2587, %jit3A_2585 : i32
      %rem3A_2589 = arith.remsi %add3A_2566, %select_n3A_2588 : i32
      %ne3A_2590 = arith.constant 0 : i32
      %ne3A_2591 = arith.cmpi ne, %rem3A_2589, %ne3A_2590 : i32
      %lt3A = arith.constant 0 : i32
      %lt3A_2592 = arith.cmpi slt, %rem3A_2589, %lt3A : i32
      %lt3A_2593 = arith.constant 0 : i32
      %lt3A_2594 = arith.cmpi slt, %select_n3A_2588, %lt3A_2593 : i32
      %ne3A_2595 = arith.xori %lt3A_2592, %lt3A_2594 : i1
      %and3A_2596 = arith.andi %ne3A_2595, %ne3A_2591 : i1
      %add3A_2597 = arith.addi %rem3A_2589, %select_n3A_2588 : i32
      %select_n3A_2598 = arith.select %and3A_2596, %add3A_2597, %rem3A_2589 : i32
      %add3A_2599 = vector.broadcast %select_n3A_2598 : i32 to vector<16xi32>
      %add3A_2600 = arith.addi %add3A_2599, %iota3A : vector<16xi32>
      %gather3A_2601 = tpu.vector_load_idx %arg15[%broadcast_in_dim3A_2584, %add3A_2600] : memref<8x128xf32, #tpu.memory_space<vmem>>[vector<16xi32>, vector<16xi32>], vector<16xf32>,
      %sub3A_2602 = arith.subf %add3A_2559, %gather3A_2601 : vector<16xf32>
      %exp3A = math.exp %sub3A_2602 : vector<16xf32>
      %add3A_2603 = arith.constant 1.000000e+00 : f32
      %add3A_2604 = vector.broadcast %add3A_2603 : f32 to vector<16xf32>
      %add3A_2605 = arith.addf %add3A_2604, %exp3A : vector<16xf32>
      %div3A_2606 = arith.constant 1.000000e+00 : f32
      %div3A_2607 = vector.broadcast %div3A_2606 : f32 to vector<16xf32>
      %div3A_2608 = arith.divf %div3A_2607, %add3A_2605 : vector<16xf32>
      %broadcast_in_dim3A_2609 = arith.constant 0 : i32
      %broadcast_in_dim3A_2610 = vector.broadcast %broadcast_in_dim3A_2609 : i32 to vector<16xi32>
      tpu.vector_store_idx %arg16[%broadcast_in_dim3A_2610, %add3A_2562], %div3A_2608 : memref<8x512xf32, #tpu.memory_space<vmem>>[vector<16xi32>, vector<16xi32>], vector<16xf32>,
      %mul3A_2611 = arith.constant 16 : i32
      %mul3A_2612 = arith.muli %scan3A_2217, %mul3A_2611 : i32
      %add3A_2613 = arith.constant 256 : i32
      %add3A_2614 = arith.addi %add3A_2613, %mul3A_2612 : i32
      %jit3A_2615 = arith.constant 128 : i32
      %div3A_2616 = arith.divsi %add3A_2614, %jit3A_2615 : i32
      %sign3A_2617 = arith.constant 0 : i32
      %sign3A_2618 = arith.cmpi sgt, %add3A_2614, %sign3A_2617 : i32
      %sign3A_2619 = arith.extui %sign3A_2618 : i1 to i32
      %sign3A_2620 = arith.constant 0 : i32
      %sign3A_2621 = arith.cmpi slt, %add3A_2614, %sign3A_2620 : i32
      %sign3A_2622 = arith.extui %sign3A_2621 : i1 to i32
      %sign3A_2623 = arith.subi %sign3A_2619, %sign3A_2622 : i32
      %sign3A_2624 = arith.constant 0 : i32
      %sign3A_2625 = arith.cmpi sgt, %jit3A_2615, %sign3A_2624 : i32
      %sign3A_2626 = arith.extui %sign3A_2625 : i1 to i32
      %sign3A_2627 = arith.constant 0 : i32
      %sign3A_2628 = arith.cmpi slt, %jit3A_2615, %sign3A_2627 : i32
      %sign3A_2629 = arith.extui %sign3A_2628 : i1 to i32
      %sign3A_2630 = arith.subi %sign3A_2626, %sign3A_2629 : i32
      %ne3A_2631 = arith.cmpi ne, %sign3A_2623, %sign3A_2630 : i32
      %rem3A_2632 = arith.remsi %add3A_2614, %jit3A_2615 : i32
      %ne3A_2633 = arith.constant 0 : i32
      %ne3A_2634 = arith.cmpi ne, %rem3A_2632, %ne3A_2633 : i32
      %and3A_2635 = arith.andi %ne3A_2631, %ne3A_2634 : i1
      %sub3A_2636 = arith.constant 1 : i32
      %sub3A_2637 = arith.subi %div3A_2616, %sub3A_2636 : i32
      %select_n3A_2638 = arith.select %and3A_2635, %sub3A_2637, %div3A_2616 : i32
      %broadcast_in_dim3A_2639 = vector.broadcast %select_n3A_2638 : i32 to vector<16xi32>
      %jit3A_2640 = arith.constant 128 : i32
      %eq3A_2641 = arith.constant 0 : i32
      %eq3A_2642 = arith.cmpi eq, %jit3A_2640, %eq3A_2641 : i32
      %jit3A_2643 = arith.constant 1 : i32
      %select_n3A_2644 = arith.select %eq3A_2642, %jit3A_2643, %jit3A_2640 : i32
      %rem3A_2645 = arith.remsi %add3A_2614, %select_n3A_2644 : i32
      %ne3A_2646 = arith.constant 0 : i32
      %ne3A_2647 = arith.cmpi ne, %rem3A_2645, %ne3A_2646 : i32
      %lt3A_2648 = arith.constant 0 : i32
      %lt3A_2649 = arith.cmpi slt, %rem3A_2645, %lt3A_2648 : i32
      %lt3A_2650 = arith.constant 0 : i32
      %lt3A_2651 = arith.cmpi slt, %select_n3A_2644, %lt3A_2650 : i32
      %ne3A_2652 = arith.xori %lt3A_2649, %lt3A_2651 : i1
      %and3A_2653 = arith.andi %ne3A_2652, %ne3A_2647 : i1
      %add3A_2654 = arith.addi %rem3A_2645, %select_n3A_2644 : i32
      %select_n3A_2655 = arith.select %and3A_2653, %add3A_2654, %rem3A_2645 : i32
      %add3A_2656 = vector.broadcast %select_n3A_2655 : i32 to vector<16xi32>
      %add3A_2657 = arith.addi %add3A_2656, %iota3A : vector<16xi32>
      %gather3A_2658 = tpu.vector_load_idx %arg15[%broadcast_in_dim3A_2639, %add3A_2657] : memref<8x128xf32, #tpu.memory_space<vmem>>[vector<16xi32>, vector<16xi32>], vector<16xf32>,
      %exp3A_2659 = math.exp %gather3A_2658 : vector<16xf32>
      %add3A_2660 = arith.addf %gather3A_2601, %exp3A_2659 : vector<16xf32>
      %sub3A_2661 = arith.subf %add3A_2559, %add3A_2660 : vector<16xf32>
      %exp3A_2662 = math.exp %sub3A_2661 : vector<16xf32>
      %add3A_2663 = arith.constant 1.000000e+00 : f32
      %add3A_2664 = vector.broadcast %add3A_2663 : f32 to vector<16xf32>
      %add3A_2665 = arith.addf %add3A_2664, %exp3A_2662 : vector<16xf32>
      %div3A_2666 = arith.constant 1.000000e+00 : f32
      %div3A_2667 = vector.broadcast %div3A_2666 : f32 to vector<16xf32>
      %div3A_2668 = arith.divf %div3A_2667, %add3A_2665 : vector<16xf32>
      %broadcast_in_dim3A_2669 = arith.constant 1 : i32
      %broadcast_in_dim3A_2670 = vector.broadcast %broadcast_in_dim3A_2669 : i32 to vector<16xi32>
      %sub3A_2671 = arith.subf %div3A_2668, %div3A_2608 : vector<16xf32>
      tpu.vector_store_idx %arg16[%broadcast_in_dim3A_2670, %add3A_2562], %sub3A_2671 : memref<8x512xf32, #tpu.memory_space<vmem>>[vector<16xi32>, vector<16xi32>], vector<16xf32>,
      %mul3A_2672 = arith.constant 16 : i32
      %mul3A_2673 = arith.muli %scan3A_2217, %mul3A_2672 : i32
      %add3A_2674 = arith.constant 512 : i32
      %add3A_2675 = arith.addi %add3A_2674, %mul3A_2673 : i32
      %jit3A_2676 = arith.constant 128 : i32
      %div3A_2677 = arith.divsi %add3A_2675, %jit3A_2676 : i32
      %sign3A_2678 = arith.constant 0 : i32
      %sign3A_2679 = arith.cmpi sgt, %add3A_2675, %sign3A_2678 : i32
      %sign3A_2680 = arith.extui %sign3A_2679 : i1 to i32
      %sign3A_2681 = arith.constant 0 : i32
      %sign3A_2682 = arith.cmpi slt, %add3A_2675, %sign3A_2681 : i32
      %sign3A_2683 = arith.extui %sign3A_2682 : i1 to i32
      %sign3A_2684 = arith.subi %sign3A_2680, %sign3A_2683 : i32
      %sign3A_2685 = arith.constant 0 : i32
      %sign3A_2686 = arith.cmpi sgt, %jit3A_2676, %sign3A_2685 : i32
      %sign3A_2687 = arith.extui %sign3A_2686 : i1 to i32
      %sign3A_2688 = arith.constant 0 : i32
      %sign3A_2689 = arith.cmpi slt, %jit3A_2676, %sign3A_2688 : i32
      %sign3A_2690 = arith.extui %sign3A_2689 : i1 to i32
      %sign3A_2691 = arith.subi %sign3A_2687, %sign3A_2690 : i32
      %ne3A_2692 = arith.cmpi ne, %sign3A_2684, %sign3A_2691 : i32
      %rem3A_2693 = arith.remsi %add3A_2675, %jit3A_2676 : i32
      %ne3A_2694 = arith.constant 0 : i32
      %ne3A_2695 = arith.cmpi ne, %rem3A_2693, %ne3A_2694 : i32
      %and3A_2696 = arith.andi %ne3A_2692, %ne3A_2695 : i1
      %sub3A_2697 = arith.constant 1 : i32
      %sub3A_2698 = arith.subi %div3A_2677, %sub3A_2697 : i32
      %select_n3A_2699 = arith.select %and3A_2696, %sub3A_2698, %div3A_2677 : i32
      %broadcast_in_dim3A_2700 = vector.broadcast %select_n3A_2699 : i32 to vector<16xi32>
      %jit3A_2701 = arith.constant 128 : i32
      %eq3A_2702 = arith.constant 0 : i32
      %eq3A_2703 = arith.cmpi eq, %jit3A_2701, %eq3A_2702 : i32
      %jit3A_2704 = arith.constant 1 : i32
      %select_n3A_2705 = arith.select %eq3A_2703, %jit3A_2704, %jit3A_2701 : i32
      %rem3A_2706 = arith.remsi %add3A_2675, %select_n3A_2705 : i32
      %ne3A_2707 = arith.constant 0 : i32
      %ne3A_2708 = arith.cmpi ne, %rem3A_2706, %ne3A_2707 : i32
      %lt3A_2709 = arith.constant 0 : i32
      %lt3A_2710 = arith.cmpi slt, %rem3A_2706, %lt3A_2709 : i32
      %lt3A_2711 = arith.constant 0 : i32
      %lt3A_2712 = arith.cmpi slt, %select_n3A_2705, %lt3A_2711 : i32
      %ne3A_2713 = arith.xori %lt3A_2710, %lt3A_2712 : i1
      %and3A_2714 = arith.andi %ne3A_2713, %ne3A_2708 : i1
      %add3A_2715 = arith.addi %rem3A_2706, %select_n3A_2705 : i32
      %select_n3A_2716 = arith.select %and3A_2714, %add3A_2715, %rem3A_2706 : i32
      %add3A_2717 = vector.broadcast %select_n3A_2716 : i32 to vector<16xi32>
      %add3A_2718 = arith.addi %add3A_2717, %iota3A : vector<16xi32>
      %gather3A_2719 = tpu.vector_load_idx %arg15[%broadcast_in_dim3A_2700, %add3A_2718] : memref<8x128xf32, #tpu.memory_space<vmem>>[vector<16xi32>, vector<16xi32>], vector<16xf32>,
      %exp3A_2720 = math.exp %gather3A_2719 : vector<16xf32>
      %add3A_2721 = arith.addf %add3A_2660, %exp3A_2720 : vector<16xf32>
      %sub3A_2722 = arith.subf %add3A_2559, %add3A_2721 : vector<16xf32>
      %exp3A_2723 = math.exp %sub3A_2722 : vector<16xf32>
      %add3A_2724 = arith.constant 1.000000e+00 : f32
      %add3A_2725 = vector.broadcast %add3A_2724 : f32 to vector<16xf32>
      %add3A_2726 = arith.addf %add3A_2725, %exp3A_2723 : vector<16xf32>
      %div3A_2727 = arith.constant 1.000000e+00 : f32
      %div3A_2728 = vector.broadcast %div3A_2727 : f32 to vector<16xf32>
      %div3A_2729 = arith.divf %div3A_2728, %add3A_2726 : vector<16xf32>
      %broadcast_in_dim3A_2730 = arith.constant 2 : i32
      %broadcast_in_dim3A_2731 = vector.broadcast %broadcast_in_dim3A_2730 : i32 to vector<16xi32>
      %sub3A_2732 = arith.subf %div3A_2729, %div3A_2668 : vector<16xf32>
      tpu.vector_store_idx %arg16[%broadcast_in_dim3A_2731, %add3A_2562], %sub3A_2732 : memref<8x512xf32, #tpu.memory_space<vmem>>[vector<16xi32>, vector<16xi32>], vector<16xf32>,
      %mul3A_2733 = arith.constant 16 : i32
      %mul3A_2734 = arith.muli %scan3A_2217, %mul3A_2733 : i32
      %add3A_2735 = arith.constant 768 : i32
      %add3A_2736 = arith.addi %add3A_2735, %mul3A_2734 : i32
      %jit3A_2737 = arith.constant 128 : i32
      %div3A_2738 = arith.divsi %add3A_2736, %jit3A_2737 : i32
      %sign3A_2739 = arith.constant 0 : i32
      %sign3A_2740 = arith.cmpi sgt, %add3A_2736, %sign3A_2739 : i32
      %sign3A_2741 = arith.extui %sign3A_2740 : i1 to i32
      %sign3A_2742 = arith.constant 0 : i32
      %sign3A_2743 = arith.cmpi slt, %add3A_2736, %sign3A_2742 : i32
      %sign3A_2744 = arith.extui %sign3A_2743 : i1 to i32
      %sign3A_2745 = arith.subi %sign3A_2741, %sign3A_2744 : i32
      %sign3A_2746 = arith.constant 0 : i32
      %sign3A_2747 = arith.cmpi sgt, %jit3A_2737, %sign3A_2746 : i32
      %sign3A_2748 = arith.extui %sign3A_2747 : i1 to i32
      %sign3A_2749 = arith.constant 0 : i32
      %sign3A_2750 = arith.cmpi slt, %jit3A_2737, %sign3A_2749 : i32
      %sign3A_2751 = arith.extui %sign3A_2750 : i1 to i32
      %sign3A_2752 = arith.subi %sign3A_2748, %sign3A_2751 : i32
      %ne3A_2753 = arith.cmpi ne, %sign3A_2745, %sign3A_2752 : i32
      %rem3A_2754 = arith.remsi %add3A_2736, %jit3A_2737 : i32
      %ne3A_2755 = arith.constant 0 : i32
      %ne3A_2756 = arith.cmpi ne, %rem3A_2754, %ne3A_2755 : i32
      %and3A_2757 = arith.andi %ne3A_2753, %ne3A_2756 : i1
      %sub3A_2758 = arith.constant 1 : i32
      %sub3A_2759 = arith.subi %div3A_2738, %sub3A_2758 : i32
      %select_n3A_2760 = arith.select %and3A_2757, %sub3A_2759, %div3A_2738 : i32
      %broadcast_in_dim3A_2761 = vector.broadcast %select_n3A_2760 : i32 to vector<16xi32>
      %jit3A_2762 = arith.constant 128 : i32
      %eq3A_2763 = arith.constant 0 : i32
      %eq3A_2764 = arith.cmpi eq, %jit3A_2762, %eq3A_2763 : i32
      %jit3A_2765 = arith.constant 1 : i32
      %select_n3A_2766 = arith.select %eq3A_2764, %jit3A_2765, %jit3A_2762 : i32
      %rem3A_2767 = arith.remsi %add3A_2736, %select_n3A_2766 : i32
      %ne3A_2768 = arith.constant 0 : i32
      %ne3A_2769 = arith.cmpi ne, %rem3A_2767, %ne3A_2768 : i32
      %lt3A_2770 = arith.constant 0 : i32
      %lt3A_2771 = arith.cmpi slt, %rem3A_2767, %lt3A_2770 : i32
      %lt3A_2772 = arith.constant 0 : i32
      %lt3A_2773 = arith.cmpi slt, %select_n3A_2766, %lt3A_2772 : i32
      %ne3A_2774 = arith.xori %lt3A_2771, %lt3A_2773 : i1
      %and3A_2775 = arith.andi %ne3A_2774, %ne3A_2769 : i1
      %add3A_2776 = arith.addi %rem3A_2767, %select_n3A_2766 : i32
      %select_n3A_2777 = arith.select %and3A_2775, %add3A_2776, %rem3A_2767 : i32
      %add3A_2778 = vector.broadcast %select_n3A_2777 : i32 to vector<16xi32>
      %add3A_2779 = arith.addi %add3A_2778, %iota3A : vector<16xi32>
      %gather3A_2780 = tpu.vector_load_idx %arg15[%broadcast_in_dim3A_2761, %add3A_2779] : memref<8x128xf32, #tpu.memory_space<vmem>>[vector<16xi32>, vector<16xi32>], vector<16xf32>,
      %exp3A_2781 = math.exp %gather3A_2780 : vector<16xf32>
      %add3A_2782 = arith.addf %add3A_2721, %exp3A_2781 : vector<16xf32>
      %sub3A_2783 = arith.subf %add3A_2559, %add3A_2782 : vector<16xf32>
      %exp3A_2784 = math.exp %sub3A_2783 : vector<16xf32>
      %add3A_2785 = arith.constant 1.000000e+00 : f32
      %add3A_2786 = vector.broadcast %add3A_2785 : f32 to vector<16xf32>
      %add3A_2787 = arith.addf %add3A_2786, %exp3A_2784 : vector<16xf32>
      %div3A_2788 = arith.constant 1.000000e+00 : f32
      %div3A_2789 = vector.broadcast %div3A_2788 : f32 to vector<16xf32>
      %div3A_2790 = arith.divf %div3A_2789, %add3A_2787 : vector<16xf32>
      %broadcast_in_dim3A_2791 = arith.constant 3 : i32
      %broadcast_in_dim3A_2792 = vector.broadcast %broadcast_in_dim3A_2791 : i32 to vector<16xi32>
      %sub3A_2793 = arith.subf %div3A_2790, %div3A_2729 : vector<16xf32>
      tpu.vector_store_idx %arg16[%broadcast_in_dim3A_2792, %add3A_2562], %sub3A_2793 : memref<8x512xf32, #tpu.memory_space<vmem>>[vector<16xi32>, vector<16xi32>], vector<16xf32>,
      %broadcast_in_dim3A_2794 = arith.constant 4 : i32
      %broadcast_in_dim3A_2795 = vector.broadcast %broadcast_in_dim3A_2794 : i32 to vector<16xi32>
      %sub3A_2796 = arith.constant 1.000000e+00 : f32
      %sub3A_2797 = vector.broadcast %sub3A_2796 : f32 to vector<16xf32>
      %sub3A_2798 = arith.subf %sub3A_2797, %div3A_2790 : vector<16xf32>
      tpu.vector_store_idx %arg16[%broadcast_in_dim3A_2795, %add3A_2562], %sub3A_2798 : memref<8x512xf32, #tpu.memory_space<vmem>>[vector<16xi32>, vector<16xi32>], vector<16xf32>,
      %broadcast_in_dim3A_2799 = arith.constant 5 : i32
      %broadcast_in_dim3A_2800 = vector.broadcast %broadcast_in_dim3A_2799 : i32 to vector<16xi32>
      %broadcast_in_dim3A_2801 = arith.constant 0.000000e+00 : f32
      %broadcast_in_dim3A_2802 = vector.broadcast %broadcast_in_dim3A_2801 : f32 to vector<16xf32>
      tpu.vector_store_idx %arg16[%broadcast_in_dim3A_2800, %add3A_2562], %broadcast_in_dim3A_2802 : memref<8x512xf32, #tpu.memory_space<vmem>>[vector<16xi32>, vector<16xi32>], vector<16xf32>,
      %broadcast_in_dim3A_2803 = arith.constant 6 : i32
      %broadcast_in_dim3A_2804 = vector.broadcast %broadcast_in_dim3A_2803 : i32 to vector<16xi32>
      %broadcast_in_dim3A_2805 = arith.constant 0.000000e+00 : f32
      %broadcast_in_dim3A_2806 = vector.broadcast %broadcast_in_dim3A_2805 : f32 to vector<16xf32>
      tpu.vector_store_idx %arg16[%broadcast_in_dim3A_2804, %add3A_2562], %broadcast_in_dim3A_2806 : memref<8x512xf32, #tpu.memory_space<vmem>>[vector<16xi32>, vector<16xi32>], vector<16xf32>,
      %broadcast_in_dim3A_2807 = arith.constant 7 : i32
      %broadcast_in_dim3A_2808 = vector.broadcast %broadcast_in_dim3A_2807 : i32 to vector<16xi32>
      %broadcast_in_dim3A_2809 = arith.constant 0.000000e+00 : f32
      %broadcast_in_dim3A_2810 = vector.broadcast %broadcast_in_dim3A_2809 : f32 to vector<16xf32>
      tpu.vector_store_idx %arg16[%broadcast_in_dim3A_2808, %add3A_2562], %broadcast_in_dim3A_2810 : memref<8x512xf32, #tpu.memory_space<vmem>>[vector<16xi32>, vector<16xi32>], vector<16xf32>,
    }
    %scan3A_2216 = arith.constant 16 : i32
    "tpu.region"() ({
      %run_scoped3A = tpu.sem_alloc : memref<!tpu.dma_semaphore, #tpu.memory_space<semaphore_mem>>
      %dma_start3A_2217 = arith.constant 0 : i32
      %dma_start3A_2218 = tpu.memref_slice %arg7[%dma_start3A_2217, %mul3A_2] : memref<8x16384xf32, #tpu.memory_space<hbm>> -> memref<8x512xf32, #tpu.memory_space<hbm>>
      %dma_start3A_2219 = arith.constant 0 : i32
      %dma_start3A_2220 = tpu.memref_slice %arg7[%dma_start3A_2219, %mul3A_2] : memref<8x16384xf32, #tpu.memory_space<hbm>> -> memref<8x512xf32, #tpu.memory_space<hbm>>
      tpu.enqueue_dma source(%arg16 : memref<8x512xf32, #tpu.memory_space<vmem>>) target(%dma_start3A_2220 : memref<8x512xf32, #tpu.memory_space<hbm>>) target_semaphore(%run_scoped3A : memref<!tpu.dma_semaphore, #tpu.memory_space<semaphore_mem>>)
      %dma_wait3A_2221 = arith.constant 0 : i32
      %dma_wait3A_2222 = tpu.memref_slice %arg7[%dma_wait3A_2221, %mul3A_2] : memref<8x16384xf32, #tpu.memory_space<hbm>> -> memref<8x512xf32, #tpu.memory_space<hbm>>
      %dma_wait3A_2223 = arith.constant 0 : i32
      %dma_wait3A_2224 = tpu.memref_slice %arg7[%dma_wait3A_2223, %mul3A_2] : memref<8x16384xf32, #tpu.memory_space<hbm>> -> memref<8x512xf32, #tpu.memory_space<hbm>>
      tpu.wait_dma2 semaphore(%run_scoped3A : memref<!tpu.dma_semaphore, #tpu.memory_space<semaphore_mem>>) src(%arg16 : memref<8x512xf32, #tpu.memory_space<vmem>>) dst(%dma_wait3A_2224 : memref<8x512xf32, #tpu.memory_space<hbm>>)
      tpu.yield
    }) : () -> ()
    return
  }
}

</mosaic_0001>

<sc_bundles>
// kernel: kernel.3.cloned.1.call-start
scs
__scs_entry_jumppad:
0x0: {  	(pc) =	sbr.rel $0x88, $3  }
0x1: {  	(tag) =	ssettag $0x0;
	lr =	simm.s32 $0x1  }
0x2: {  	[smem:$0x3F9C] =	sst lr;
	_ =	strace $0xD0000000  }
0x3: {  	_ = 	snop  }
0x4: {  	_ = 	snop  }
0x5: {  	_ = 	snop  }
0x6: {  	_ = 	snop  }
0x7: {  	_ = 	snop  }
__scs_overlays_trampoline_lowered:
0x8: {  	[smem:$0x3FAB] =	sst s0  }
0x9: {  	[smem:$0x3FAC] =	sst s1  }
0xa: {  	[smem:$0x3FAD] =	sst s2  }
0xb: {  	[smem:$0x3FAE] =	sst s3  }
0xc: {  	[smem:$0x3FAF] =	sst s4  }
0xd: {  	[smem:$0x3FB0] =	sst s5  }
0xe: {  	[smem:$0x3FB1] =	sst s6  }
0xf: {  	[smem:$0x3FB2] =	sst s7  }
0x10: {  	[smem:$0x3FB3] =	sst s8  }
0x11: {  	[smem:$0x3FB4] =	sst s9;
	s0 =	simm.s32 @!p0 $0x0  }
0x12: {  	s1 =	sld [smem:$0x3F9A];
	s0 =	simm.s32 @p0 $0x1  }
0x13: {  	[smem:$0x3FB5] =	sst s0;
	s0 =	simm.s32 @!p1 $0x0  }
0x14: {  	s2 =	sld [smem:$0x3F99];
	s0 =	simm.s32 @p1 $0x1  }
0x15: {  	[smem:$0x3FB6] =	sst s0;
	s0 =	simm.s32 @!p2 $0x0  }
0x16: {  	s3 =	sld [smem:$0x3FDB];
	s0 =	simm.s32 @p2 $0x1  }
0x17: {  	s4 =	simm.s32 $0x1BF5;
	[smem:$0x3FB8] =	sst s0  }
0x18: {  	s0 =	sld [smem:$0x3F9B];
	_ =	swait.ge [sflag:s4], $0x0  }
0x19: {  	s7 =	sld [smem:$0x3F9C]  }
0x1a: {  	s8 =	sadd.s32 $0xFFFFE003, lr  }
0x1b: {  	s9 =	sadd.s32 $0xFFFFFEF7, lr;
	s5 =	simm.s32 $0xFFFFFFFF;
	p2 =	slt.u32 s8, $0xFFFFF086  }
0x1c: {  	p1 =	slt.u32 s9, $0xF7A;
	s5 =	simm.s32 @!p2 $0x0  }
0x1d: {  	s5 =	simm.s32 @p1 $0x1;
	p0 =	seq.s32 s7, s2  }
0x1e: {  	s7 =	smul.u32 @!p0 $0xF7A, s2;
	p2 =	seq.s32 @!p0 s5, $0x0  }
0x1f: {  	s9 =	smul.u32 $0xF7A, s1;
	s8 =	simm.s32 @!p0 $0x1BF5;
	p2 =	por !p2, p0  }
0x20: {  	[sflag:s8] =	ssyncset.s32 @!p0 $0xFFFFF086;
	s6 =	sadd.s32 @!p0 s3, s7;
	s7 =	simm.s32 @!p0 $0x108  }
0x21: {  	s3 =	sadd.s32 s3, s9;
	s6 =	sadd.s32 @!p0 $0x88, s6;
	s7 =	simm.s32 @p2 $0x1082  }
0x22: {  	[simem:s7], [sflag:s8] =	dma.local @!p0 [hbm:s6], $0xF7A  }
0x23: {  	s9 =	sor.u32 $0xD0000000, s2;
	s6 =	simm.s32 $0x108;
	_ =	swait.ge @!p0 [sflag:s8], $0x0  }
0x24: {  	s3 =	sadd.s32 $0x88, s3;
	s6 =	simm.s32 @!p1 $0x1082;
	[sflag:s4] =	ssyncset.s32 $0xFFFFF086  }
0x25: {  	[simem:s6], [sflag:s4] =	dma.local [hbm:s3], $0xF7A  }
0x26: {  	[smem:$0x3F9C] =	sst s1;
	(tag) =	ssettag s2;
	_ =	strace s9  }
0x27: {  	s1 =	sld [smem:$0x3FAC]  }
0x28: {  	s2 =	sld [smem:$0x3FAD]  }
0x29: {  	s4 =	sld [smem:$0x3FAF]  }
0x2a: {  	p0 =	seq.s32 s5, $0x0;
	s5 =	sld [smem:$0x3FB0]  }
0x2b: {  	s6 =	sld [smem:$0x3FB1]  }
0x2c: {  	s7 =	sld [smem:$0x3FB2]  }
0x2d: {  	s3 =	simm.s32 $0x108;
	s8 =	sld [smem:$0x3FB3]  }
0x2e: {  	s3 =	simm.s32 @!p0 $0x1082;
	s9 =	sld [smem:$0x3FB4]  }
0x2f: {  	lr =	sadd.s32 s0, s3;
	s0 =	sld [smem:$0x3FAB]  }
0x30: {  	s3 =	sld [smem:$0x3FAE]  }
0x31: {  	[smem:$0x3FB7] =	sst s10  }
0x32: {  	s10 =	sld [smem:$0x3FB5];
	_ =	sdelay $0x3  }
0x33: {  	p0 =	seq.s32 s10, $0x1;
	s10 =	sld [smem:$0x3FB7];
	_ =	sdelay $0x3  }
0x34: {  	[smem:$0x3FB7] =	sst s10  }
0x35: {  	s10 =	sld [smem:$0x3FB6];
	_ =	sdelay $0x3  }
0x36: {  	p1 =	seq.s32 s10, $0x1;
	s10 =	sld [smem:$0x3FB7];
	_ =	sdelay $0x3  }
0x37: {  	[smem:$0x3FB7] =	sst s10  }
0x38: {  	s10 =	sld [smem:$0x3FB8]  }
0x39: {  	_ = 	snop;
	(pc) =	sbr.ind lr, $3  }
0x3a: {  	_ = 	snop  }
0x3b: {  	_ = 	snop  }
0x3c: {  	p2 =	seq.s32 s10, $0x1;
	s10 =	sld [smem:$0x3FB7]  }
0x3d: {  	_ =	shalt  }
0x3e: {  	_ =	shalt  }
0x3f: {  	_ =	shalt  }
0x40: {  	_ =	shalt  }
0x41: {  	_ =	shalt  }
0x42: {  	_ =	shalt  }
0x43: {  	_ =	shalt  }
0x44: {  	_ =	shalt  }
0x45: {  	_ =	shalt  }
0x46: {  	_ =	shalt  }
0x47: {  	_ =	shalt  }
0x48: {  	_ =	shalt  }
0x49: {  	_ =	shalt  }
0x4a: {  	_ =	shalt  }
0x4b: {  	_ =	shalt  }
0x4c: {  	_ =	shalt  }
0x4d: {  	_ =	shalt  }
0x4e: {  	_ =	shalt  }
0x4f: {  	_ =	shalt  }
0x50: {  	_ =	shalt  }
0x51: {  	_ =	shalt  }
0x52: {  	_ =	shalt  }
0x53: {  	_ =	shalt  }
0x54: {  	_ =	shalt  }
0x55: {  	_ =	shalt  }
0x56: {  	_ =	shalt  }
0x57: {  	_ =	shalt  }
0x58: {  	_ =	shalt  }
0x59: {  	_ =	shalt  }
0x5a: {  	_ =	shalt  }
0x5b: {  	_ =	shalt  }
0x5c: {  	_ =	shalt  }
0x5d: {  	_ =	shalt  }
0x5e: {  	_ =	shalt  }
0x5f: {  	_ =	shalt  }
0x60: {  	_ =	shalt  }
0x61: {  	_ =	shalt  }
0x62: {  	_ =	shalt  }
0x63: {  	_ =	shalt  }
0x64: {  	_ =	shalt  }
0x65: {  	_ =	shalt  }
0x66: {  	_ =	shalt  }
0x67: {  	_ =	shalt  }
0x68: {  	_ =	shalt  }
0x69: {  	_ =	shalt  }
0x6a: {  	_ =	shalt  }
0x6b: {  	_ =	shalt  }
0x6c: {  	_ =	shalt  }
0x6d: {  	_ =	shalt  }
0x6e: {  	_ =	shalt  }
0x6f: {  	_ =	shalt  }
0x70: {  	_ =	shalt  }
0x71: {  	_ =	shalt  }
0x72: {  	_ =	shalt  }
0x73: {  	_ =	shalt  }
0x74: {  	_ =	shalt  }
0x75: {  	_ =	shalt  }
0x76: {  	_ =	shalt  }
0x77: {  	_ =	shalt  }
0x78: {  	_ =	shalt  }
0x79: {  	_ =	shalt  }
0x7a: {  	_ =	shalt  }
0x7b: {  	_ =	shalt  }
0x7c: {  	_ =	shalt  }
0x7d: {  	_ =	shalt  }
0x7e: {  	_ =	shalt  }
0x7f: {  	_ =	shalt  }
0x80: {  	_ =	shalt  }
0x81: {  	_ =	shalt  }
0x82: {  	_ =	shalt  }
0x83: {  	_ =	shalt  }
0x84: {  	_ =	shalt  }
0x85: {  	_ =	shalt  }
0x86: {  	_ =	shalt  }
0x87: {  	_ =	shalt  }
.Lfunc_end0:
.L_simem_size_0:
called_computation_lowered:
.L_overlay_start_0:
0x88: {  	s2 =	sld [smem:$0x3FD9]  }
0x89: {  	s3 =	sld [smem:$0x3FFE];
	_ =	sdelay $0x1  }
0x8a: {  	s1 =	srdreg.scid  }
0x8b: {  	s0 =	sand.u32 $0x1, s1  }
0x8c: {  	s17 =	sshll.u32 s0, $0xA;
	s2 =	sadd.s32 s3, s2  }
0x8d: {  	s2 =	sadd.s32 s2, s17  }
0x8e: {  	[smem:$0x3FC3] =	sst s2  }
0x8f: {  	_ = 	snop  }
0x90: {  	s2 =	sld [smem:$0x3FC9]  }
0x91: {  	s18 =	sld [smem:$0x3FC8];
	(tm) =	ssettm $0x1  }
0x92: {  	s4 =	sld [smem:$0x3FFB];
	_ =	sdelay $0x3  }
0x93: {  	_ =	strace s4  }
0x94: {  	s4 =	sld [smem:$0x3FFC];
	_ =	sdelay $0x3  }
0x95: {  	_ =	strace s4  }
0x96: {  	s4 =	sld [smem:$0x3FFD];
	_ =	sdelay $0x3  }
0x97: {  	_ =	strace s4  }
0x98: {  	_ =	strace $0x8FFFFFFF  }
0x99: {  	s19 =	sld [smem:$0x3FDB];
	_ =	sdelay $0x1  }
0x9a: {  	s5 =	simm.s32 $_scs_section_size  }
0x9b: {  	s6 =	simm.s32 $_size__tile_overlayer_lowered;
	s7 =	simm.s32 $_tile_overlayer_lowered  }
0x9c: {  	s22 =	simm.s32 $0x1BFF;
	s21 =	sshll.u32 s7, $0x1;
	s4 =	sadd.s32 s5, s19  }
0x9d: {  	s8 =	simm.s32 $0x0;
	s20 =	sshll.u32 s6, $0x1;
	s6 =	sadd.s32 s21, s4  }
0x9e: {  	[timem:s8], [sflag:s22] =	dma.local [hbm:s6], s20  }
0x9f: {  	_ =	swait.ge [sflag:s22], s20  }
0xa0: {  	s5 =	ssub.s32 $0x0, s20;
	[sflag:s22] =	ssyncset.done $0x0  }
0xa1: {  	[sflag:s22] =	ssyncadd.s32 s5;
	_ =	sdelay $0x1  }
0xa2: {  	s23 =	simm.s32 $0x1B8B  }
0xa3: {  	_ =	swait.ge [sflag:s23], $0x1  }
0xa4: {  	[sflag:s23] =	ssyncset.done $0x0  }
0xa5: {  	s25 =	simm.s32 $0x1B8E;
	s24 =	sld [smem:$0x3FFE];
	[sflag:s23] =	ssyncadd.s32 $0xFFFFFFFF  }
0xa6: {  	s26 =	simm.s32 $execute0_lowered;
	[smem:$0x3FD2] =	sst s25  }
0xa7: {  	s6 =	sshll.u32 s26, $0x1;
	_ =	strace $0x80000046;
	[dreg:$0x1] =	wrdreg $0xFFFFFFFF  }
0xa8: {  	s28 =	simm.s32 $_size_execute0_lowered;
	s4 =	sadd.s32 s4, s6;
	[dreg:$0x0] =	wrdreg $0x0  }
0xa9: {  	s6 =	sshll.u32 s28, $0x1;
	[dreg:$0x2] =	wrdreg s4  }
0xaa: {  	[dreg:$0x3] =	wrdreg s6  }
0xab: {  	[dreg:$0x4] =	wrdreg $0xC0  }
0xac: {  	_ =	task [dreg:s8], $0x5FFFF  }
0xad: {  	[dreg:$0x1] =	wrdreg $0xFFFFFFFF  }
0xae: {  	[dreg:$0x0] =	wrdreg $0x60  }
0xaf: {  	[dreg:$0x2] =	wrdreg s2  }
0xb0: {  	[dreg:$0x3] =	wrdreg s18  }
0xb1: {  	[dreg:$0x4] =	wrdreg s24  }
0xb2: {  	[dreg:$0x5] =	wrdreg $0x9  }
0xb3: {  	_ =	task.clear_ibuf [dreg:s8], $0x6FFFF;
	_ =	strace $0x90000046  }
0xb4: {  	s29 =	simm.s32 $0x9;
	_ =	strace $0x80000048  }
0xb5: {  	_ =	swait.ge [sflag:s29], $0x1  }
0xb6: {  	[sflag:s29] =	ssyncadd.s32 $0xFFFFFFFF  }
0xb7: {  	_ =	strace $0x90000048  }
0xb8: {  	_ =	sfence  }
0xb9: {  	s30 =	sld [smem:$0x0];
	_ =	sdelay $0x2  }
0xba: {  	s31 =	sshll.u32 s1, $0xD;
	s1 =	sshrl.u32 s1, $0x2  }
0xbb: {  	s3 =	sand.u32 $0x4000, s31;
	s1 =	sadd.s32 s1, s30  }
0xbc: {  	s0 =	sor.u32 s3, s0;
	s1 =	sshll.u32 s1, $0x11  }
0xbd: {  	s0 =	sor.u32 s1, s0  }
0xbe: {  	s0 =	sadd.s32 $0x8F2B, s0  }
0xbf: {  	[sflag:s0] =	ssyncadd.remote.s32 $0x1  }
0xc0: {  	_ =	sfence.sel $0xFFFF  }
0xc1: {  	[dreg:$0x0] =	wrdreg $0xFFFFFFFF;
	(pc) =	sbr.abs _section_cstart, $3  }
0xc2: {  	[dreg:$0x1] =	wrdreg $0xFFFFFFFF  }
0xc3: {  	_ =	task.clear_ibuf [dreg:s8], $0x2FFFF;
	_ =	strace $0x9FFFFFFF  }
0xc4: {  	(tm) =	ssettm $0x7FFFFFFF  }
0xc5: {  	_ =	shalt  }
tec
execute0_lowered:
.L_overlay_start_1:
0x0: {  	(tag) =	ssettag $0x1  }
0x1: {  	s0 =	rddreg [dreg:$0x0]  }
0x2: {  	s1 =	rddreg [dreg:$0x1]  }
0x3: {  	s6 =	rddreg [dreg:$0x2];
	s2 =	simm.s32 $0x0;
	s3 =	srdreg.scid  }
0x4: {  	s4 =	stileid.u32;
	s12 =	simm.s32 $0x80;
	s14 =	simm.s32 $0xA00  }
0x5: {  	s16 =	simm.s32 $0x8A00;
	s22 =	simm.s32 $0x10A00;
	s30 =	simm.s32 $0x800  }
0x6: {  	s31 =	simm.s32 $0x10C00;
	s13 =	simm.s32 $0x900;
	s15 =	simm.s32 $0x10D00  }
0x7: {  	s17 =	simm.s32 $0x980;
	s18 =	simm.s32 $0x10D80;
	s19 =	simm.s32 $0x1  }
0x8: {  	s20 =	simm.s32 $0x10E00;
	s5 =	sand.u32 $0x1, s3;
	s3 =	sadd.s32 $0xF42A00, s6  }
0x9: {  	[smem:$0x7FF] =	sst s2;
	s7 =	sshll.u32 s4, $0xA;
	s4 =	sadd.s32 $0x1313400, s6  }
0xa: {  	s21 =	simm.s32 $0x0;
	_ =	strace $0x80000047;
	s8 =	sshll.u32 s5, $0x9  }
0xb: {  	s29 =	ssub.s32 $0x2, s5;
	s5 =	sadd.s32 $0x600, s6;
	s7 =	sor.u32 s8, s7  }
0xc: {  	s9 =	sshrl.u32 s29, $0x1;
	s10 =	sshrl.u32 s7, $0x3;
	s11 =	sadd.s32 s7, s6  }
0xd: {  	s9 =	ssub.s32 s29, s9;
	s6 =	sadd.s32 s0, s10;
	s7 =	sadd.s32 s1, s10  }
0xe: {  	v0 =	vlaneseq.u32;
	s8 =	sadd.s32 $0x7A800, s11;
	s9 =	smax.u32 s9, $0x1;
	s10 =	simm.s32 $0x2  }
0xf: {  	v1 =	vimm.f32 $0.0e+00;
	v2 =	vor.u32 $0x100, v0;
	v3 =	vmul.u32 $0x80, v0;
	s11 =	simm.s32 $0x200;
	s0 =	simm.s32 $0x880;
	s1 =	simm.s32 $0x10C80  }
.LBB2_1:
0x10: {  	[tilespmem:s2], [sflag:$0x2] =	stream.linear.gather [hbm4b:s6+s2], $0x200, $0x38;
	[tilespmem:$0x11E00] =	vst v63  }
0x11: {  	_ =	swait.ge [sflag:s10], $0x200  }
0x12: {  	[sflag:s10] =	ssyncset.done $0x0  }
0x13: {  	[sflag:s10] =	ssyncadd.s32 $0xFFFFFE00  }
0x14: {  	[tilespmem:s11], [sflag:$0x2] =	stream.linear.gather [hbm4b:s7+s2], $0x200, $0x38;
	[tilespmem:$0x11E00] =	vst v63  }
0x15: {  	_ =	swait.ge [sflag:s10], $0x200  }
0x16: {  	[sflag:s10] =	ssyncset.done $0x0  }
0x17: {  	[sflag:s10] =	ssyncadd.s32 $0xFFFFFE00  }
0x18: {  	v4 =	vld [tilespmem:$0x0]  }
0x19: {  	v5 =	vld [tilespmem:$0x200]  }
0x1a: {  	v6 =	vld [tilespmem:$0x10]  }
0x1b: {  	v7 =	vld [tilespmem:$0x210]  }
0x1c: {  	v8 =	vld [tilespmem:$0x20]  }
0x1d: {  	v9 =	vld [tilespmem:$0x220];
	v4 =	vshrl.u32 v4, $0x2  }
0x1e: {  	[tilespmem:$0x400] =	vst v4;
	v4 =	vshrl.u32 v5, $0x2;
	v5 =	vld [tilespmem:$0x30]  }
0x1f: {  	[tilespmem:$0x500] =	vst v4;
	v4 =	vshrl.u32 v6, $0x2;
	v6 =	vld [tilespmem:$0x230]  }
0x20: {  	[tilespmem:$0x410] =	vst v4;
	v4 =	vshrl.u32 v7, $0x2;
	v7 =	vld [tilespmem:$0x40]  }
0x21: {  	[tilespmem:$0x510] =	vst v4;
	v4 =	vshrl.u32 v8, $0x2;
	v8 =	vld [tilespmem:$0x240]  }
0x22: {  	[tilespmem:$0x420] =	vst v4;
	v4 =	vshrl.u32 v9, $0x2;
	v9 =	vld [tilespmem:$0x50]  }
0x23: {  	[tilespmem:$0x520] =	vst v4;
	v4 =	vshrl.u32 v5, $0x2;
	v5 =	vld [tilespmem:$0x250]  }
0x24: {  	[tilespmem:$0x430] =	vst v4;
	v4 =	vshrl.u32 v6, $0x2;
	v6 =	vld [tilespmem:$0x60]  }
0x25: {  	[tilespmem:$0x530] =	vst v4;
	v4 =	vshrl.u32 v7, $0x2;
	v7 =	vld [tilespmem:$0x260]  }
0x26: {  	[tilespmem:$0x440] =	vst v4;
	v4 =	vshrl.u32 v8, $0x2;
	v8 =	vld [tilespmem:$0x70]  }
0x27: {  	[tilespmem:$0x540] =	vst v4;
	v4 =	vshrl.u32 v9, $0x2;
	v9 =	vld [tilespmem:$0x270]  }
0x28: {  	[tilespmem:$0x450] =	vst v4;
	v4 =	vshrl.u32 v5, $0x2;
	v5 =	vld [tilespmem:$0x80]  }
0x29: {  	[tilespmem:$0x550] =	vst v4;
	v4 =	vshrl.u32 v6, $0x2;
	v6 =	vld [tilespmem:$0x280]  }
0x2a: {  	[tilespmem:$0x460] =	vst v4;
	v4 =	vshrl.u32 v7, $0x2;
	v7 =	vld [tilespmem:$0x90]  }
0x2b: {  	[tilespmem:$0x560] =	vst v4;
	v4 =	vshrl.u32 v8, $0x2;
	v8 =	vld [tilespmem:$0x290]  }
0x2c: {  	[tilespmem:$0x470] =	vst v4;
	v4 =	vshrl.u32 v9, $0x2;
	v9 =	vld [tilespmem:$0xA0]  }
0x2d: {  	[tilespmem:$0x570] =	vst v4;
	v4 =	vshrl.u32 v5, $0x2;
	v5 =	vld [tilespmem:$0x2A0]  }
0x2e: {  	[tilespmem:$0x480] =	vst v4;
	v4 =	vshrl.u32 v6, $0x2;
	v6 =	vld [tilespmem:$0xB0]  }
0x2f: {  	[tilespmem:$0x580] =	vst v4;
	v4 =	vshrl.u32 v7, $0x2;
	v7 =	vld [tilespmem:$0x2B0]  }
0x30: {  	[tilespmem:$0x490] =	vst v4;
	v4 =	vshrl.u32 v8, $0x2;
	v8 =	vld [tilespmem:$0xC0]  }
0x31: {  	[tilespmem:$0x590] =	vst v4;
	v4 =	vshrl.u32 v9, $0x2;
	v9 =	vld [tilespmem:$0x2C0]  }
0x32: {  	[tilespmem:$0x4A0] =	vst v4;
	v4 =	vshrl.u32 v5, $0x2;
	v5 =	vld [tilespmem:$0xD0]  }
0x33: {  	[tilespmem:$0x5A0] =	vst v4;
	v4 =	vshrl.u32 v6, $0x2;
	v6 =	vld [tilespmem:$0x2D0]  }
0x34: {  	[tilespmem:$0x4B0] =	vst v4;
	v4 =	vshrl.u32 v7, $0x2;
	v7 =	vld [tilespmem:$0xE0]  }
0x35: {  	[tilespmem:$0x5B0] =	vst v4;
	v4 =	vshrl.u32 v8, $0x2;
	v8 =	vld [tilespmem:$0x2E0]  }
0x36: {  	[tilespmem:$0x4C0] =	vst v4;
	v4 =	vshrl.u32 v9, $0x2;
	v9 =	vld [tilespmem:$0xF0]  }
0x37: {  	[tilespmem:$0x5C0] =	vst v4;
	v4 =	vshrl.u32 v5, $0x2;
	v5 =	vld [tilespmem:$0x2F0]  }
0x38: {  	[tilespmem:$0x4D0] =	vst v4;
	v4 =	vshrl.u32 v6, $0x2;
	v6 =	vld [tilespmem:$0x0]  }
0x39: {  	[tilespmem:$0x5D0] =	vst v4;
	v4 =	vshrl.u32 v7, $0x2;
	v7 =	vld [tilespmem:$0x10]  }
0x3a: {  	[tilespmem:$0x4E0] =	vst v4;
	v4 =	vshrl.u32 v8, $0x2;
	v8 =	vld [tilespmem:$0x20]  }
0x3b: {  	[tilespmem:$0x5E0] =	vst v4;
	v4 =	vshrl.u32 v9, $0x2;
	v9 =	vld [tilespmem:$0x30]  }
0x3c: {  	[tilespmem:$0x4F0] =	vst v4;
	v4 =	vshrl.u32 v5, $0x2;
	v5 =	vld [tilespmem:$0x40]  }
0x3d: {  	[tilespmem:$0x5F0] =	vst v4;
	v4 =	vld [tilespmem:$0x50]  }
0x3e: {  	[tilespmem:$0x600] =	vst v6;
	v6 =	vld [tilespmem:$0x60]  }
0x3f: {  	[tilespmem:$0x610] =	vst v7;
	v7 =	vld [tilespmem:$0x70]  }
0x40: {  	[tilespmem:$0x620] =	vst v8;
	v8 =	vld [tilespmem:$0x80]  }
0x41: {  	[tilespmem:$0x630] =	vst v9;
	v9 =	vld [tilespmem:$0x90]  }
0x42: {  	[tilespmem:$0x640] =	vst v5;
	v5 =	vld [tilespmem:$0xA0]  }
0x43: {  	[tilespmem:$0x650] =	vst v4;
	v4 =	vld [tilespmem:$0xB0]  }
0x44: {  	[tilespmem:$0x660] =	vst v6;
	v6 =	vld [tilespmem:$0xC0]  }
0x45: {  	[tilespmem:$0x670] =	vst v7;
	v7 =	vld [tilespmem:$0xD0]  }
0x46: {  	[tilespmem:$0x680] =	vst v8;
	v8 =	vld [tilespmem:$0xE0]  }
0x47: {  	[tilespmem:$0x690] =	vst v9;
	v9 =	vld [tilespmem:$0xF0]  }
0x48: {  	[tilespmem:$0x6A0] =	vst v5;
	v5 =	vld [tilespmem:$0x0]  }
0x49: {  	[tilespmem:$0x6B0] =	vst v4;
	v4 =	vld [tilespmem:$0x10]  }
0x4a: {  	[tilespmem:$0x6C0] =	vst v6;
	v6 =	vld [tilespmem:$0x20]  }
0x4b: {  	[tilespmem:$0x6D0] =	vst v7;
	v7 =	vld [tilespmem:$0x30]  }
0x4c: {  	[tilespmem:$0x6E0] =	vst v8;
	v8 =	vld [tilespmem:$0x40]  }
0x4d: {  	[tilespmem:$0x6F0] =	vst v9;
	v9 =	vld [tilespmem:$0x50];
	v5 =	vadd.s32 $0xF4240, v5  }
0x4e: {  	[tilespmem:$0x700] =	vst v5;
	v4 =	vadd.s32 $0xF4240, v4;
	v5 =	vld [tilespmem:$0x60]  }
0x4f: {  	[tilespmem:$0x710] =	vst v4;
	v4 =	vadd.s32 $0xF4240, v6;
	v6 =	vld [tilespmem:$0x70]  }
0x50: {  	[tilespmem:$0x720] =	vst v4;
	v4 =	vadd.s32 $0xF4240, v7;
	v7 =	vld [tilespmem:$0x80]  }
0x51: {  	[tilespmem:$0x730] =	vst v4;
	v4 =	vadd.s32 $0xF4240, v8;
	v8 =	vld [tilespmem:$0x90]  }
0x52: {  	[tilespmem:$0x740] =	vst v4;
	v4 =	vadd.s32 $0xF4240, v9;
	v9 =	vld [tilespmem:$0xA0]  }
0x53: {  	[tilespmem:$0x750] =	vst v4;
	v4 =	vadd.s32 $0xF4240, v5;
	v5 =	vld [tilespmem:$0xB0]  }
0x54: {  	[tilespmem:$0x760] =	vst v4;
	v4 =	vadd.s32 $0xF4240, v6;
	v6 =	vld [tilespmem:$0xC0]  }
0x55: {  	[tilespmem:$0x770] =	vst v4;
	v4 =	vadd.s32 $0xF4240, v7;
	v7 =	vld [tilespmem:$0xD0]  }
0x56: {  	[tilespmem:$0x780] =	vst v4;
	v4 =	vadd.s32 $0xF4240, v8;
	v8 =	vld [tilespmem:$0xE0]  }
0x57: {  	[tilespmem:$0x790] =	vst v4;
	v4 =	vadd.s32 $0xF4240, v9;
	v9 =	vld [tilespmem:$0xF0]  }
0x58: {  	[tilespmem:$0x7A0] =	vst v4;
	v4 =	vadd.s32 $0xF4240, v5;
	v5 =	vld [tilespmem:$0x0]  }
0x59: {  	[tilespmem:$0x7B0] =	vst v4;
	v4 =	vadd.s32 $0xF4240, v6;
	v6 =	vld [tilespmem:$0x10]  }
0x5a: {  	[tilespmem:$0x7C0] =	vst v4;
	v4 =	vadd.s32 $0xF4240, v7;
	v7 =	vld [tilespmem:$0x20]  }
0x5b: {  	[tilespmem:$0x7D0] =	vst v4;
	v4 =	vadd.s32 $0xF4240, v8;
	v8 =	vld [tilespmem:$0x30]  }
0x5c: {  	[tilespmem:$0x7E0] =	vst v4;
	v4 =	vadd.s32 $0xF4240, v9;
	v9 =	vld [tilespmem:$0x40]  }
0x5d: {  	[tilespmem:$0x7F0] =	vst v4;
	v4 =	vadd.s32 $0x1E8480, v5;
	v5 =	vld [tilespmem:$0x50]  }
0x5e: {  	[tilespmem:$0x800] =	vst v4;
	v4 =	vadd.s32 $0x1E8480, v6;
	v6 =	vld [tilespmem:$0x60]  }
0x5f: {  	[tilespmem:$0x810] =	vst v4;
	v4 =	vadd.s32 $0x1E8480, v7;
	v7 =	vld [tilespmem:$0x70]  }
0x60: {  	[tilespmem:$0x820] =	vst v4;
	v4 =	vadd.s32 $0x1E8480, v8;
	v8 =	vld [tilespmem:$0x80]  }
0x61: {  	[tilespmem:$0x830] =	vst v4;
	v4 =	vadd.s32 $0x1E8480, v9;
	v9 =	vld [tilespmem:$0x90]  }
0x62: {  	[tilespmem:$0x840] =	vst v4;
	v4 =	vadd.s32 $0x1E8480, v5;
	v5 =	vld [tilespmem:$0xA0]  }
0x63: {  	[tilespmem:$0x850] =	vst v4;
	v4 =	vadd.s32 $0x1E8480, v6;
	v6 =	vld [tilespmem:$0xB0]  }
0x64: {  	[tilespmem:$0x860] =	vst v4;
	v4 =	vadd.s32 $0x1E8480, v7;
	v7 =	vld [tilespmem:$0xC0]  }
0x65: {  	[tilespmem:$0x870] =	vst v4;
	v4 =	vadd.s32 $0x1E8480, v8;
	v8 =	vld [tilespmem:$0xD0]  }
0x66: {  	[tilespmem:$0x880] =	vst v4;
	v4 =	vadd.s32 $0x1E8480, v9;
	v9 =	vld [tilespmem:$0xE0]  }
0x67: {  	[tilespmem:$0x890] =	vst v4;
	v4 =	vadd.s32 $0x1E8480, v5;
	v5 =	vld [tilespmem:$0xF0]  }
0x68: {  	[tilespmem:$0x8A0] =	vst v4;
	v4 =	vadd.s32 $0x1E8480, v6;
	v6 =	vld [tilespmem:$0x0]  }
0x69: {  	[tilespmem:$0x8B0] =	vst v4;
	v4 =	vadd.s32 $0x1E8480, v7;
	v7 =	vld [tilespmem:$0x10]  }
0x6a: {  	[tilespmem:$0x8C0] =	vst v4;
	v4 =	vadd.s32 $0x1E8480, v8;
	v8 =	vld [tilespmem:$0x20]  }
0x6b: {  	[tilespmem:$0x8D0] =	vst v4;
	v4 =	vadd.s32 $0x1E8480, v9;
	v9 =	vld [tilespmem:$0x30]  }
0x6c: {  	[tilespmem:$0x8E0] =	vst v4;
	v4 =	vadd.s32 $0x1E8480, v5;
	v5 =	vld [tilespmem:$0x40]  }
0x6d: {  	[tilespmem:$0x8F0] =	vst v4;
	v4 =	vadd.s32 $0x2DC6C0, v6;
	v6 =	vld [tilespmem:$0x50]  }
0x6e: {  	[tilespmem:$0x900] =	vst v4;
	v4 =	vadd.s32 $0x2DC6C0, v7;
	v7 =	vld [tilespmem:$0x60]  }
0x6f: {  	[tilespmem:$0x910] =	vst v4;
	v4 =	vadd.s32 $0x2DC6C0, v8;
	v8 =	vld [tilespmem:$0x70]  }
0x70: {  	[tilespmem:$0x920] =	vst v4;
	v4 =	vadd.s32 $0x2DC6C0, v9;
	v9 =	vld [tilespmem:$0x80]  }
0x71: {  	[tilespmem:$0x930] =	vst v4;
	v4 =	vadd.s32 $0x2DC6C0, v5;
	v5 =	vld [tilespmem:$0x90]  }
0x72: {  	[tilespmem:$0x940] =	vst v4;
	v4 =	vadd.s32 $0x2DC6C0, v6;
	v6 =	vld [tilespmem:$0xA0]  }
0x73: {  	[tilespmem:$0x950] =	vst v4;
	v4 =	vadd.s32 $0x2DC6C0, v7;
	v7 =	vld [tilespmem:$0xB0]  }
0x74: {  	[tilespmem:$0x960] =	vst v4;
	v4 =	vadd.s32 $0x2DC6C0, v8;
	v8 =	vld [tilespmem:$0xC0]  }
0x75: {  	[tilespmem:$0x970] =	vst v4;
	v4 =	vadd.s32 $0x2DC6C0, v9;
	v9 =	vld [tilespmem:$0xD0]  }
0x76: {  	[tilespmem:$0x980] =	vst v4;
	v4 =	vadd.s32 $0x2DC6C0, v5;
	v5 =	vld [tilespmem:$0xE0]  }
0x77: {  	[tilespmem:$0x990] =	vst v4;
	v4 =	vadd.s32 $0x2DC6C0, v6;
	v6 =	vld [tilespmem:$0xF0]  }
0x78: {  	[tilespmem:$0x9A0] =	vst v4;
	v4 =	vadd.s32 $0x2DC6C0, v7  }
0x79: {  	[tilespmem:$0x9B0] =	vst v4;
	v4 =	vadd.s32 $0x2DC6C0, v8  }
0x7a: {  	[tilespmem:$0x9C0] =	vst v4;
	v4 =	vadd.s32 $0x2DC6C0, v9  }
0x7b: {  	[tilespmem:$0x9D0] =	vst v4;
	v4 =	vadd.s32 $0x2DC6C0, v5  }
0x7c: {  	[tilespmem:$0x9E0] =	vst v4;
	v4 =	vadd.s32 $0x2DC6C0, v6  }
0x7d: {  	s23 =	simm.s32 $0x400;
	[tilespmem:$0x9F0] =	vst v4  }
0x7e: {  	[tilespmem:s14], [sflag:$0x1] =	stream.indirect.gather [hbm4b:s3+s12], $0x80, s23, s12, $0xb8;
	[tilespmem:$0x11E00] =	vst v63  }
0x7f: {  	s25 =	simm.s32 $0x500  }
0x80: {  	[tilespmem:s16], [sflag:$0x1] =	stream.indirect.gather [hbm4b:s4+s12], $0x80, s25, s12, $0xb8;
	[tilespmem:$0x11E00] =	vst v63  }
0x81: {  	s26 =	simm.s32 $0x480;
	s24 =	simm.s32 $0x4A00  }
0x82: {  	[tilespmem:s24], [sflag:$0x1] =	stream.indirect.gather [hbm4b:s3+s12], $0x80, s26, s12, $0xb8;
	[tilespmem:$0x11E00] =	vst v63  }
0x83: {  	s28 =	simm.s32 $0x580;
	s29 =	simm.s32 $0xCA00  }
0x84: {  	[tilespmem:s29], [sflag:$0x1] =	stream.indirect.gather [hbm4b:s4+s12], $0x80, s28, s12, $0xb8;
	[tilespmem:$0x11E00] =	vst v63  }
0x85: {  	s24 =	simm.s32 $0x600  }
0x86: {  	[tilespmem:s22], [sflag:$0x1] =	stream.indirect.gather [hbm4b:s5+s12], $0x1, s24, s12, $0xb8;
	[tilespmem:$0x11E00] =	vst v63  }
0x87: {  	s25 =	simm.s32 $0x680;
	s26 =	simm.s32 $0x10A80  }
0x88: {  	[tilespmem:s26], [sflag:$0x1] =	stream.indirect.gather [hbm4b:s5+s12], $0x1, s25, s12, $0xb8;
	[tilespmem:$0x11E00] =	vst v63  }
0x89: {  	s28 =	simm.s32 $0x700;
	s29 =	simm.s32 $0x10B00  }
0x8a: {  	[tilespmem:s29], [sflag:$0x1] =	stream.indirect.gather [hbm4b:s5+s12], $0x1, s28, s12, $0xb8;
	[tilespmem:$0x11E00] =	vst v63  }
0x8b: {  	s24 =	simm.s32 $0x780;
	s25 =	simm.s32 $0x10B80  }
0x8c: {  	[tilespmem:s25], [sflag:$0x1] =	stream.indirect.gather [hbm4b:s5+s12], $0x1, s24, s12, $0xb8;
	[tilespmem:$0x11E00] =	vst v63  }
0x8d: {  	_ = 	snop  }
0x8e: {  	[tilespmem:s31], [sflag:$0x1] =	stream.indirect.gather [hbm4b:s5+s12], $0x1, s30, s12, $0xb8;
	[tilespmem:$0x11E00] =	vst v63  }
0x8f: {  	_ = 	snop  }
0x90: {  	[tilespmem:s1], [sflag:$0x1] =	stream.indirect.gather [hbm4b:s5+s12], $0x1, s0, s12, $0xb8;
	[tilespmem:$0x11E00] =	vst v63  }
0x91: {  	_ = 	snop  }
0x92: {  	[tilespmem:s15], [sflag:$0x1] =	stream.indirect.gather [hbm4b:s5+s12], $0x1, s13, s12, $0xb8;
	[tilespmem:$0x11E00] =	vst v63  }
0x93: {  	_ = 	snop  }
0x94: {  	[tilespmem:s18], [sflag:$0x1] =	stream.indirect.gather [hbm4b:s5+s12], $0x1, s17, s12, $0xb8;
	[tilespmem:$0x11E00] =	vst v63  }
0x95: {  	_ =	swait.ge [sflag:s19], $0x4000  }
0x96: {  	[sflag:s19] =	ssyncset.done $0x0  }
0x97: {  	[sflag:s19] =	ssyncadd.s32 $0xFFFFC000  }
0x98: {  	_ =	swait.ge [sflag:s19], $0x4000  }
0x99: {  	[sflag:s19] =	ssyncset.done $0x0  }
0x9a: {  	[sflag:s19] =	ssyncadd.s32 $0xFFFFC000  }
0x9b: {  	_ =	swait.ge [sflag:s19], $0x4000  }
0x9c: {  	[sflag:s19] =	ssyncset.done $0x0  }
0x9d: {  	[sflag:s19] =	ssyncadd.s32 $0xFFFFC000  }
0x9e: {  	_ =	swait.ge [sflag:s19], $0x4000  }
0x9f: {  	[sflag:s19] =	ssyncset.done $0x0  }
0xa0: {  	[sflag:s19] =	ssyncadd.s32 $0xFFFFC000  }
0xa1: {  	_ =	swait.ge [sflag:s19], $0x80  }
0xa2: {  	[sflag:s19] =	ssyncset.done $0x0  }
0xa3: {  	[sflag:s19] =	ssyncadd.s32 $0xFFFFFF80  }
0xa4: {  	_ =	swait.ge [sflag:s19], $0x80  }
0xa5: {  	[sflag:s19] =	ssyncset.done $0x0  }
0xa6: {  	[sflag:s19] =	ssyncadd.s32 $0xFFFFFF80  }
0xa7: {  	_ =	swait.ge [sflag:s19], $0x80  }
0xa8: {  	[sflag:s19] =	ssyncset.done $0x0  }
0xa9: {  	[sflag:s19] =	ssyncadd.s32 $0xFFFFFF80  }
0xaa: {  	_ =	swait.ge [sflag:s19], $0x80  }
0xab: {  	[sflag:s19] =	ssyncset.done $0x0  }
0xac: {  	[sflag:s19] =	ssyncadd.s32 $0xFFFFFF80  }
0xad: {  	_ =	swait.ge [sflag:s19], $0x80  }
0xae: {  	[sflag:s19] =	ssyncset.done $0x0  }
0xaf: {  	[sflag:s19] =	ssyncadd.s32 $0xFFFFFF80  }
0xb0: {  	_ =	swait.ge [sflag:s19], $0x80  }
0xb1: {  	[sflag:s19] =	ssyncset.done $0x0  }
0xb2: {  	[sflag:s19] =	ssyncadd.s32 $0xFFFFFF80  }
0xb3: {  	_ =	swait.ge [sflag:s19], $0x80  }
0xb4: {  	v4 =	vor.u32 s2, v0;
	[sflag:s19] =	ssyncset.done $0x0  }
0xb5: {  	[sflag:s19] =	ssyncadd.s32 $0xFFFFFF80  }
0xb6: {  	_ =	swait.ge [sflag:s19], $0x80  }
0xb7: {  	[sflag:s19] =	ssyncset.done $0x0  }
0xb8: {  	[sflag:s19] =	ssyncadd.s32 $0xFFFFFF80  }
0xb9: {  	v5 =	vld.idx.msk [tilespmem:v4+s2+$0x0], $0xffff  }
0xba: {  	v6 =	vld.idx.msk [tilespmem:v4+s11+$0x0], $0xffff;
	_ =	sdelay $0x3  }
0xbb: {  	v5 =	vshll.u32 v5, $0x5  }
0xbc: {  	v7 =	vshll.u32 v4, $0x7;
	v6 =	vshll.u32 v6, $0x5;
	v5 =	vand.u32 $0x60, v5  }
0xbd: {  	v8 =	vand.u32 $0x60, v6;
	v6 =	vor.u32 v7, v5  }
0xbe: {  	v5 =	vor.u32 v7, v8  }
0xbf: {  	v7 =	vor.u32 $0x1, v5  }
0xc0: {  	v8 =	vor.u32 $0x1, v6  }
0xc1: {  	v9 =	vor.u32 $0x2, v6  }
0xc2: {  	v10 =	vor.u32 $0x2, v5;
	v11 =	vld.idx.msk [tilespmem:v6+s14+$0x0], $0xffff  }
0xc3: {  	v12 =	vor.u32 $0x3, v6;
	v13 =	vld.idx.msk [tilespmem:v5+s16+$0x0], $0xffff  }
0xc4: {  	v14 =	vor.u32 $0x3, v5;
	v7 =	vld.idx.msk [tilespmem:v7+s16+$0x0], $0xffff  }
0xc5: {  	v15 =	vor.u32 $0x4, v6;
	v8 =	vld.idx.msk [tilespmem:v8+s14+$0x0], $0xffff  }
0xc6: {  	v16 =	vor.u32 $0x4, v5;
	v9 =	vld.idx.msk [tilespmem:v9+s14+$0x0], $0xffff  }
0xc7: {  	v17 =	vor.u32 $0x5, v6;
	v10 =	vld.idx.msk [tilespmem:v10+s16+$0x0], $0xffff  }
0xc8: {  	v18 =	vor.u32 $0x5, v5;
	v12 =	vld.idx.msk [tilespmem:v12+s14+$0x0], $0xffff;
	v11 =	vmul.f32 v13, v11  }
0xc9: {  	v19 =	vor.u32 $0x6, v5;
	v14 =	vld.idx.msk [tilespmem:v14+s16+$0x0], $0xffff  }
0xca: {  	v41 =	vor.u32 $0x6, v6;
	v15 =	vld.idx.msk [tilespmem:v15+s14+$0x0], $0xffff;
	v7 =	vmul.f32 v7, v8;
	v11 =	vadd.f32 $0.0e+00, v11  }
0xcb: {  	v20 =	vor.u32 $0x7, v5;
	v16 =	vld.idx.msk [tilespmem:v16+s16+$0x0], $0xffff  }
0xcc: {  	v17 =	vld.idx.msk [tilespmem:v17+s14+$0x0], $0xffff;
	v8 =	vor.u32 $0x7, v6;
	v9 =	vmul.f32 v10, v9;
	v7 =	vadd.f32 v7, v11  }
0xcd: {  	v42 =	vor.u32 $0x8, v5;
	v11 =	vld.idx.msk [tilespmem:v18+s16+$0x0], $0xffff  }
0xce: {  	v44 =	vld.idx.msk [tilespmem:v19+s16+$0x0], $0xffff;
	v10 =	vor.u32 $0x8, v6;
	v7 =	vadd.f32 v9, v7;
	v9 =	vmul.f32 v14, v12  }
0xcf: {  	v45 =	vor.u32 $0x9, v5;
	v13 =	vld.idx.msk [tilespmem:v41+s14+$0x0], $0xffff  }
0xd0: {  	v43 =	vor.u32 $0x9, v6;
	v47 =	vld.idx.msk [tilespmem:v20+s16+$0x0], $0xffff;
	v7 =	vadd.f32 v9, v7;
	v9 =	vmul.f32 v16, v15  }
0xd1: {  	v48 =	vor.u32 $0xA, v5;
	v8 =	vld.idx.msk [tilespmem:v8+s14+$0x0], $0xffff  }
0xd2: {  	v46 =	vor.u32 $0xA, v6;
	v49 =	vld.idx.msk [tilespmem:v42+s16+$0x0], $0xffff;
	v7 =	vadd.f32 v9, v7;
	v9 =	vmul.f32 v11, v17  }
0xd3: {  	v50 =	vor.u32 $0xB, v5;
	v10 =	vld.idx.msk [tilespmem:v10+s14+$0x0], $0xffff  }
0xd4: {  	v52 =	vld.idx.msk [tilespmem:v45+s16+$0x0], $0xffff;
	v11 =	vor.u32 $0xB, v6;
	v7 =	vadd.f32 v9, v7;
	v9 =	vmul.f32 v44, v13  }
0xd5: {  	v53 =	vor.u32 $0xC, v5;
	v12 =	vld.idx.msk [tilespmem:v43+s14+$0x0], $0xffff  }
0xd6: {  	v51 =	vor.u32 $0xC, v6;
	v54 =	vld.idx.msk [tilespmem:v48+s16+$0x0], $0xffff;
	v8 =	vmul.f32 v47, v8;
	v7 =	vadd.f32 v9, v7  }
0xd7: {  	v55 =	vor.u32 $0xD, v5;
	v15 =	vld.idx.msk [tilespmem:v46+s14+$0x0], $0xffff  }
0xd8: {  	v56 =	vld.idx.msk [tilespmem:v50+s16+$0x0], $0xffff;
	v9 =	vor.u32 $0xD, v6;
	v7 =	vadd.f32 v8, v7;
	v8 =	vmul.f32 v49, v10  }
0xd9: {  	v57 =	vor.u32 $0xE, v5;
	v11 =	vld.idx.msk [tilespmem:v11+s14+$0x0], $0xffff  }
0xda: {  	v59 =	vld.idx.msk [tilespmem:v53+s16+$0x0], $0xffff;
	v10 =	vor.u32 $0xE, v6;
	v7 =	vadd.f32 v8, v7;
	v8 =	vmul.f32 v52, v12  }
0xdb: {  	v60 =	vor.u32 $0xF, v5;
	v13 =	vld.idx.msk [tilespmem:v51+s14+$0x0], $0xffff  }
0xdc: {  	v58 =	vor.u32 $0xF, v6;
	v62 =	vld.idx.msk [tilespmem:v55+s16+$0x0], $0xffff;
	v7 =	vadd.f32 v8, v7;
	v8 =	vmul.f32 v54, v15  }
0xdd: {  	v63 =	vor.u32 $0x10, v5;
	v9 =	vld.idx.msk [tilespmem:v9+s14+$0x0], $0xffff  }
0xde: {  	v61 =	vor.u32 $0x10, v6;
	v24 =	vld.idx.msk [tilespmem:v57+s16+$0x0], $0xffff;
	v7 =	vadd.f32 v8, v7;
	v8 =	vmul.f32 v56, v11  }
0xdf: {  	v25 =	vor.u32 $0x11, v5;
	v10 =	vld.idx.msk [tilespmem:v10+s14+$0x0], $0xffff  }
0xe0: {  	v27 =	vld.idx.msk [tilespmem:v60+s16+$0x0], $0xffff;
	v11 =	vor.u32 $0x11, v6;
	v7 =	vadd.f32 v8, v7;
	v8 =	vmul.f32 v59, v13  }
0xe1: {  	v28 =	vor.u32 $0x12, v5;
	v12 =	vld.idx.msk [tilespmem:v58+s14+$0x0], $0xffff  }
0xe2: {  	v26 =	vor.u32 $0x12, v6;
	v29 =	vld.idx.msk [tilespmem:v63+s16+$0x0], $0xffff;
	v7 =	vadd.f32 v8, v7;
	v8 =	vmul.f32 v62, v9  }
0xe3: {  	v30 =	vor.u32 $0x13, v5;
	v15 =	vld.idx.msk [tilespmem:v61+s14+$0x0], $0xffff  }
0xe4: {  	v31 =	vld.idx.msk [tilespmem:v25+s16+$0x0], $0xffff;
	v9 =	vor.u32 $0x13, v6;
	v7 =	vadd.f32 v8, v7;
	v8 =	vmul.f32 v24, v10  }
0xe5: {  	v32 =	vor.u32 $0x14, v5;
	v11 =	vld.idx.msk [tilespmem:v11+s14+$0x0], $0xffff  }
0xe6: {  	v34 =	vld.idx.msk [tilespmem:v28+s16+$0x0], $0xffff;
	v10 =	vor.u32 $0x14, v6;
	v7 =	vadd.f32 v8, v7;
	v8 =	vmul.f32 v27, v12  }
0xe7: {  	v35 =	vor.u32 $0x15, v5;
	v13 =	vld.idx.msk [tilespmem:v26+s14+$0x0], $0xffff  }
0xe8: {  	v33 =	vor.u32 $0x15, v6;
	v37 =	vld.idx.msk [tilespmem:v30+s16+$0x0], $0xffff;
	v7 =	vadd.f32 v8, v7;
	v8 =	vmul.f32 v29, v15  }
0xe9: {  	v38 =	vor.u32 $0x16, v5;
	v9 =	vld.idx.msk [tilespmem:v9+s14+$0x0], $0xffff  }
0xea: {  	v36 =	vor.u32 $0x16, v6;
	v39 =	vld.idx.msk [tilespmem:v32+s16+$0x0], $0xffff;
	v7 =	vadd.f32 v8, v7;
	v8 =	vmul.f32 v31, v11  }
0xeb: {  	v40 =	vor.u32 $0x17, v5;
	v10 =	vld.idx.msk [tilespmem:v10+s14+$0x0], $0xffff  }
0xec: {  	v42 =	vld.idx.msk [tilespmem:v35+s16+$0x0], $0xffff;
	v11 =	vor.u32 $0x17, v6;
	v7 =	vadd.f32 v8, v7;
	v8 =	vmul.f32 v34, v13  }
0xed: {  	v43 =	vor.u32 $0x18, v5;
	v12 =	vld.idx.msk [tilespmem:v33+s14+$0x0], $0xffff  }
0xee: {  	v41 =	vor.u32 $0x18, v6;
	v44 =	vld.idx.msk [tilespmem:v38+s16+$0x0], $0xffff;
	v7 =	vadd.f32 v8, v7;
	v8 =	vmul.f32 v37, v9  }
0xef: {  	v45 =	vor.u32 $0x19, v5;
	v15 =	vld.idx.msk [tilespmem:v36+s14+$0x0], $0xffff  }
0xf0: {  	v46 =	vld.idx.msk [tilespmem:v40+s16+$0x0], $0xffff;
	v9 =	vor.u32 $0x19, v6;
	v7 =	vadd.f32 v8, v7;
	v8 =	vmul.f32 v39, v10  }
0xf1: {  	v47 =	vor.u32 $0x1A, v5;
	v11 =	vld.idx.msk [tilespmem:v11+s14+$0x0], $0xffff  }
0xf2: {  	v49 =	vld.idx.msk [tilespmem:v43+s16+$0x0], $0xffff;
	v10 =	vor.u32 $0x1A, v6;
	v7 =	vadd.f32 v8, v7;
	v8 =	vmul.f32 v42, v12  }
0xf3: {  	v50 =	vor.u32 $0x1B, v5;
	v13 =	vld.idx.msk [tilespmem:v41+s14+$0x0], $0xffff  }
0xf4: {  	v48 =	vor.u32 $0x1B, v6;
	v52 =	vld.idx.msk [tilespmem:v45+s16+$0x0], $0xffff;
	v7 =	vadd.f32 v8, v7;
	v8 =	vmul.f32 v44, v15  }
0xf5: {  	v51 =	vor.u32 $0x1C, v6;
	v9 =	vld.idx.msk [tilespmem:v9+s14+$0x0], $0xffff  }
0xf6: {  	v53 =	vor.u32 $0x1C, v5;
	v54 =	vld.idx.msk [tilespmem:v47+s16+$0x0], $0xffff;
	v7 =	vadd.f32 v8, v7;
	v8 =	vmul.f32 v46, v11  }
0xf7: {  	v10 =	vld.idx.msk [tilespmem:v10+s14+$0x0], $0xffff;
	v11 =	vor.u32 $0x1D, v6  }
0xf8: {  	v55 =	vor.u32 $0x1D, v5;
	v57 =	vld.idx.msk [tilespmem:v50+s16+$0x0], $0xffff;
	v7 =	vadd.f32 v8, v7;
	v8 =	vmul.f32 v49, v13  }
0xf9: {  	v58 =	vor.u32 $0x1E, v5;
	v12 =	vld.idx.msk [tilespmem:v48+s14+$0x0], $0xffff  }
0xfa: {  	v56 =	vor.u32 $0x1E, v6;
	v15 =	vld.idx.msk [tilespmem:v51+s14+$0x0], $0xffff;
	v7 =	vadd.f32 v8, v7;
	v8 =	vmul.f32 v52, v9  }
0xfb: {  	v5 =	vor.u32 $0x1F, v5;
	v9 =	vld.idx.msk [tilespmem:v53+s16+$0x0], $0xffff  }
0xfc: {  	v6 =	vor.u32 $0x1F, v6;
	v11 =	vld.idx.msk [tilespmem:v11+s14+$0x0], $0xffff;
	v7 =	vadd.f32 v8, v7;
	v8 =	vmul.f32 v54, v10  }
0xfd: {  	s26 =	simm.s32 $0x0;
	v10 =	vld.idx.msk [tilespmem:v55+s16+$0x0], $0xffff  }
0xfe: {  	s23 =	sand.u32 $0xFFFFFF80, s26;
	s28 =	sand.u32 $0x70, s2;
	v59 =	vld.idx.msk [tilespmem:v58+s16+$0x0], $0xffff;
	v7 =	vadd.f32 v8, v7;
	v8 =	vmul.f32 v57, v12  }
0xff: {  	s23 =	sor.u32 s28, s23;
	v13 =	vld.idx.msk [tilespmem:v56+s14+$0x0], $0xffff  }
0x100: {  	v60 =	vor.u32 s23, v0;
	v5 =	vld.idx.msk [tilespmem:v5+s16+$0x0], $0xffff;
	v7 =	vadd.f32 v8, v7;
	v8 =	vmul.f32 v9, v15  }
0x101: {  	v6 =	vld.idx.msk [tilespmem:v6+s14+$0x0], $0xffff  }
0x102: {  	v7 =	vadd.f32 v8, v7;
	v8 =	vmul.f32 v10, v11;
	_ =	sdelay $0x1  }
0x103: {  	v7 =	vadd.f32 v8, v7;
	v8 =	vmul.f32 v59, v13  }
0x104: {  	v9 =	vld.idx.msk [tilespmem:v60+s22+$0x0], $0xffff  }
0x105: {  	v5 =	vmul.f32 v5, v6;
	v7 =	vadd.f32 v8, v7;
	_ =	sdelay $0x1  }
0x106: {  	v5 =	vadd.f32 v5, v7;
	_ =	sdelay $0x1  }
0x107: {  	v6 =	vsub.f32 v5, v9;
	_ =	sdelay $0x1  }
0x108: {  	v6 =	vmul.f32 $1.442695020e+00, v6;
	_ =	sdelay $0x1  }
0x109: {  	(erf) = vpow2.f32 v6;
	_ =	sdelay $0x8  }
0x10a: {  	v6 =	vpop (erf)  }
0x10b: {  	v6 =	vadd.f32 $1.000000000e+00, v6;
	_ =	sdelay $0x1  }
0x10c: {  	(erf) = vrcp.f32 v6;
	_ =	sdelay $0x1  }
0x10d: {  	v6 =	vmov s2  }
0x10e: {  	v6 =	vshll.u32 v6, $0x3  }
0x10f: {  	v4 =	vand.u32 $0x7F, v4;
	v7 =	vand.u32 $0x400, v6  }
0x110: {  	s24 =	sor.u32 $0x100, s23;
	v8 =	vor.u32 v4, v7  }
0x111: {  	v7 =	vor.u32 s24, v0;
	_ =	sdelay $0x2  }
0x112: {  	v10 =	vpop (erf)  }
0x113: {  	[tilespmem:v8+s20+$0x0] =	vst.idx.msk $0xffff, v10  }
0x114: {  	v7 =	vld.idx.msk [tilespmem:v7+s22+$0x0], $0xffff;
	_ =	sdelay $0x4  }
0x115: {  	v7 =	vmul.f32 $1.442695020e+00, v7;
	_ =	sdelay $0x1  }
0x116: {  	(erf) = vpow2.f32 v7;
	_ =	sdelay $0x8  }
0x117: {  	v7 =	vpop (erf)  }
0x118: {  	v7 =	vadd.f32 v7, v9;
	_ =	sdelay $0x1  }
0x119: {  	v9 =	vsub.f32 v5, v7;
	_ =	sdelay $0x1  }
0x11a: {  	v9 =	vmul.f32 $1.442695020e+00, v9;
	_ =	sdelay $0x1  }
0x11b: {  	(erf) = vpow2.f32 v9;
	_ =	sdelay $0x8  }
0x11c: {  	v9 =	vpop (erf)  }
0x11d: {  	v9 =	vadd.f32 $1.000000000e+00, v9;
	_ =	sdelay $0x1  }
0x11e: {  	(erf) = vrcp.f32 v9;
	_ =	sdelay $0x6  }
0x11f: {  	s29 =	sor.u32 $0x200, s23;
	v9 =	vor.u32 $0x80, v8  }
0x120: {  	v11 =	vor.u32 s29, v0  }
0x121: {  	v61 =	vpop (erf)  }
0x122: {  	v10 =	vsub.f32 v61, v10;
	_ =	sdelay $0x1  }
0x123: {  	[tilespmem:v9+s20+$0x0] =	vst.idx.msk $0xffff, v10  }
0x124: {  	v9 =	vld.idx.msk [tilespmem:v11+s22+$0x0], $0xffff;
	_ =	sdelay $0x4  }
0x125: {  	v9 =	vmul.f32 $1.442695020e+00, v9;
	_ =	sdelay $0x1  }
0x126: {  	(erf) = vpow2.f32 v9;
	_ =	sdelay $0x8  }
0x127: {  	v9 =	vpop (erf)  }
0x128: {  	v7 =	vadd.f32 v9, v7;
	_ =	sdelay $0x1  }
0x129: {  	v9 =	vsub.f32 v5, v7;
	_ =	sdelay $0x1  }
0x12a: {  	v9 =	vmul.f32 $1.442695020e+00, v9;
	_ =	sdelay $0x1  }
0x12b: {  	(erf) = vpow2.f32 v9;
	_ =	sdelay $0x8  }
0x12c: {  	v9 =	vpop (erf)  }
0x12d: {  	v9 =	vadd.f32 $1.000000000e+00, v9;
	_ =	sdelay $0x1  }
0x12e: {  	(erf) = vrcp.f32 v9;
	_ =	sdelay $0x6  }
0x12f: {  	s23 =	sor.u32 $0x300, s23;
	v9 =	vor.u32 $0x100, v8  }
0x130: {  	v10 =	vor.u32 s23, v0  }
0x131: {  	v11 =	vpop (erf)  }
0x132: {  	v12 =	vsub.f32 v11, v61;
	_ =	sdelay $0x1  }
0x133: {  	[tilespmem:v9+s20+$0x0] =	vst.idx.msk $0xffff, v12  }
0x134: {  	v9 =	vld.idx.msk [tilespmem:v10+s22+$0x0], $0xffff;
	_ =	sdelay $0x4  }
0x135: {  	v9 =	vmul.f32 $1.442695020e+00, v9;
	_ =	sdelay $0x1  }
0x136: {  	(erf) = vpow2.f32 v9;
	_ =	sdelay $0x8  }
0x137: {  	v9 =	vpop (erf)  }
0x138: {  	v7 =	vadd.f32 v9, v7;
	_ =	sdelay $0x1  }
0x139: {  	v5 =	vsub.f32 v5, v7;
	_ =	sdelay $0x1  }
0x13a: {  	v5 =	vmul.f32 $1.442695020e+00, v5;
	_ =	sdelay $0x1  }
0x13b: {  	(erf) = vpow2.f32 v5;
	_ =	sdelay $0x8  }
0x13c: {  	v5 =	vpop (erf)  }
0x13d: {  	v5 =	vadd.f32 $1.000000000e+00, v5;
	_ =	sdelay $0x1  }
0x13e: {  	(erf) = vrcp.f32 v5;
	_ =	sdelay $0x6  }
0x13f: {  	v5 =	vor.u32 $0x180, v8  }
0x140: {  	v9 =	vor.u32 $0x200, v8  }
0x141: {  	v7 =	vpop (erf)  }
0x142: {  	v11 =	vsub.f32 v7, v11  }
0x143: {  	v62 =	vsub.f32 $1.000000000e+00, v7  }
0x144: {  	v10 =	vor.u32 $0x280, v8;
	[tilespmem:v5+s20+$0x0] =	vst.idx.msk $0xffff, v11  }
0x145: {  	v4 =	vor.u32 v4, v6;
	[tilespmem:v9+s20+$0x0] =	vst.idx.msk $0xffff, v62;
	v9 =	vor.u32 $0x300, v8  }
0x146: {  	s23 =	simm.s32 $0x10;
	v8 =	vor.u32 $0x380, v4  }
0x147: {  	v63 =	vmov s23;
	v7 =	vor.u32 s23, v0  }
0x148: {  	v6 =	vshll.u32 v63, $0x3;
	v5 =	vand.u32 $0x7F, v7  }
0x149: {  	s25 =	simm.s32 $0x2;
	s24 =	simm.s32 $0x1;
	v4 =	vor.u32 v5, v6;
	[tilespmem:v10+s20+$0x0] =	vst.idx.msk $0xffff, v1  }
.LBB2_2:
0x14a: {  	p0 =	sne.s32 s25, $0xF;
	[tilespmem:v9+s20+$0x0] =	vst.idx.msk $0xffff, v1;
	s26 =	smov.u32 s25;
	s25 =	sadd.s32 $0x1, s25  }
0x14b: {  	[tilespmem:v8+s20+$0x0] =	vst.idx.msk $0xffff, v1  }
0x14c: {  	v8 =	vld.idx.msk [tilespmem:v7+s2+$0x0], $0xffff  }
0x14d: {  	v9 =	vld.idx.msk [tilespmem:v7+s11+$0x0], $0xffff;
	_ =	sdelay $0x4  }
0x14e: {  	v8 =	vshll.u32 v8, $0x5  }
0x14f: {  	v7 =	vshll.u32 v7, $0x7;
	v8 =	vand.u32 $0x60, v8;
	v9 =	vshll.u32 v9, $0x5  }
0x150: {  	v9 =	vand.u32 $0x60, v9;
	v10 =	vor.u32 v7, v8  }
0x151: {  	v7 =	vor.u32 v7, v9;
	v8 =	vor.u32 $0x1, v10;
	v9 =	vor.u32 $0x2, v10  }
0x152: {  	v11 =	vor.u32 $0x1, v7;
	v12 =	vor.u32 $0x2, v7;
	v13 =	vor.u32 $0x3, v7  }
0x153: {  	v14 =	vor.u32 $0x3, v10;
	v15 =	vor.u32 $0x4, v10;
	v16 =	vor.u32 $0x4, v7  }
0x154: {  	v17 =	vor.u32 $0x5, v10;
	v18 =	vor.u32 $0x5, v7;
	v19 =	vor.u32 $0x6, v7  }
0x155: {  	v21 =	vor.u32 $0x6, v10;
	v22 =	vor.u32 $0x7, v10;
	v23 =	vor.u32 $0x7, v7;
	v20 =	vld.idx.msk [tilespmem:v10+s14+$0x0], $0xffff  }
0x156: {  	v25 =	vor.u32 $0x8, v10;
	v26 =	vor.u32 $0x8, v7;
	v27 =	vor.u32 $0x9, v7;
	v24 =	vld.idx.msk [tilespmem:v7+s16+$0x0], $0xffff  }
0x157: {  	v28 =	vor.u32 $0x9, v10;
	v29 =	vor.u32 $0xA, v10;
	v30 =	vor.u32 $0xA, v7;
	v11 =	vld.idx.msk [tilespmem:v11+s16+$0x0], $0xffff  }
0x158: {  	v31 =	vor.u32 $0xB, v10;
	v32 =	vor.u32 $0xB, v7;
	v33 =	vor.u32 $0xC, v7;
	v8 =	vld.idx.msk [tilespmem:v8+s14+$0x0], $0xffff  }
0x159: {  	v34 =	vor.u32 $0xC, v10;
	v35 =	vor.u32 $0xD, v10;
	v36 =	vor.u32 $0xD, v7;
	v9 =	vld.idx.msk [tilespmem:v9+s14+$0x0], $0xffff  }
0x15a: {  	v37 =	vor.u32 $0xE, v10;
	v38 =	vor.u32 $0xE, v7;
	v39 =	vor.u32 $0xF, v7;
	v12 =	vld.idx.msk [tilespmem:v12+s16+$0x0], $0xffff  }
0x15b: {  	v40 =	vor.u32 $0xF, v10;
	v41 =	vor.u32 $0x10, v10;
	v42 =	vor.u32 $0x10, v7;
	v14 =	vld.idx.msk [tilespmem:v14+s14+$0x0], $0xffff  }
0x15c: {  	v43 =	vor.u32 $0x11, v7;
	v20 =	vmul.f32 v24, v20;
	v24 =	vor.u32 $0x11, v10;
	v13 =	vld.idx.msk [tilespmem:v13+s16+$0x0], $0xffff  }
0x15d: {  	v44 =	vor.u32 $0x12, v10;
	v45 =	vor.u32 $0x12, v7;
	v46 =	vor.u32 $0x13, v7;
	v15 =	vld.idx.msk [tilespmem:v15+s14+$0x0], $0xffff  }
0x15e: {  	v20 =	vadd.f32 $0.0e+00, v20;
	v8 =	vmul.f32 v11, v8;
	v11 =	vld.idx.msk [tilespmem:v16+s16+$0x0], $0xffff;
	v16 =	vor.u32 $0x13, v10  }
0x15f: {  	v47 =	vor.u32 $0x14, v10;
	v48 =	vor.u32 $0x14, v7;
	v49 =	vor.u32 $0x15, v7;
	v17 =	vld.idx.msk [tilespmem:v17+s14+$0x0], $0xffff  }
0x160: {  	v8 =	vadd.f32 v8, v20;
	v9 =	vmul.f32 v12, v9;
	v12 =	vld.idx.msk [tilespmem:v18+s16+$0x0], $0xffff;
	v18 =	vor.u32 $0x15, v10  }
0x161: {  	v50 =	vor.u32 $0x16, v7;
	v51 =	vor.u32 $0x17, v7;
	v20 =	vld.idx.msk [tilespmem:v21+s14+$0x0], $0xffff;
	v21 =	vor.u32 $0x16, v10  }
0x162: {  	v8 =	vadd.f32 v9, v8;
	v9 =	vmul.f32 v13, v14;
	v14 =	vor.u32 $0x17, v10;
	v13 =	vld.idx.msk [tilespmem:v19+s16+$0x0], $0xffff  }
0x163: {  	v52 =	vor.u32 $0x18, v7;
	v53 =	vor.u32 $0x19, v7;
	v19 =	vld.idx.msk [tilespmem:v22+s14+$0x0], $0xffff;
	v22 =	vor.u32 $0x18, v10  }
0x164: {  	v8 =	vadd.f32 v9, v8;
	v9 =	vmul.f32 v11, v15;
	v15 =	vor.u32 $0x19, v10;
	v11 =	vld.idx.msk [tilespmem:v23+s16+$0x0], $0xffff  }
0x165: {  	v54 =	vor.u32 $0x1A, v7;
	v55 =	vor.u32 $0x1B, v7;
	v23 =	vld.idx.msk [tilespmem:v25+s14+$0x0], $0xffff;
	v25 =	vor.u32 $0x1A, v10  }
0x166: {  	v8 =	vadd.f32 v9, v8;
	v12 =	vmul.f32 v12, v17;
	v17 =	vld.idx.msk [tilespmem:v26+s16+$0x0], $0xffff;
	v26 =	vor.u32 $0x1B, v10  }
0x167: {  	v56 =	vor.u32 $0x1C, v10;
	v57 =	vor.u32 $0x1C, v7;
	v9 =	vor.u32 $0x1D, v7;
	v28 =	vld.idx.msk [tilespmem:v28+s14+$0x0], $0xffff  }
0x168: {  	v12 =	vadd.f32 v12, v8;
	v13 =	vmul.f32 v13, v20;
	v20 =	vld.idx.msk [tilespmem:v27+s16+$0x0], $0xffff;
	v27 =	vor.u32 $0x1D, v10  }
0x169: {  	v58 =	vor.u32 $0x1E, v10;
	v8 =	vor.u32 $0x1E, v7;
	v7 =	vor.u32 $0x1F, v7;
	v29 =	vld.idx.msk [tilespmem:v29+s14+$0x0], $0xffff  }
0x16a: {  	v10 =	vor.u32 $0x1F, v10;
	v12 =	vadd.f32 v13, v12;
	v11 =	vmul.f32 v11, v19;
	v13 =	vld.idx.msk [tilespmem:v30+s16+$0x0], $0xffff  }
0x16b: {  	v19 =	vld.idx.msk [tilespmem:v31+s14+$0x0], $0xffff  }
0x16c: {  	v11 =	vadd.f32 v11, v12;
	v12 =	vmul.f32 v17, v23;
	v17 =	vld.idx.msk [tilespmem:v32+s16+$0x0], $0xffff  }
0x16d: {  	v23 =	vld.idx.msk [tilespmem:v34+s14+$0x0], $0xffff  }
0x16e: {  	v11 =	vadd.f32 v12, v11;
	v12 =	vmul.f32 v20, v28;
	v20 =	vld.idx.msk [tilespmem:v33+s16+$0x0], $0xffff  }
0x16f: {  	v28 =	vld.idx.msk [tilespmem:v35+s14+$0x0], $0xffff  }
0x170: {  	v11 =	vadd.f32 v12, v11;
	v12 =	vmul.f32 v13, v29;
	v13 =	vld.idx.msk [tilespmem:v36+s16+$0x0], $0xffff  }
0x171: {  	v29 =	vld.idx.msk [tilespmem:v37+s14+$0x0], $0xffff  }
0x172: {  	v11 =	vadd.f32 v12, v11;
	v12 =	vmul.f32 v17, v19;
	v17 =	vld.idx.msk [tilespmem:v38+s16+$0x0], $0xffff  }
0x173: {  	v19 =	vld.idx.msk [tilespmem:v40+s14+$0x0], $0xffff  }
0x174: {  	v11 =	vadd.f32 v12, v11;
	v12 =	vmul.f32 v20, v23;
	v20 =	vld.idx.msk [tilespmem:v39+s16+$0x0], $0xffff  }
0x175: {  	v23 =	vld.idx.msk [tilespmem:v41+s14+$0x0], $0xffff  }
0x176: {  	v11 =	vadd.f32 v12, v11;
	v12 =	vmul.f32 v13, v28;
	v13 =	vld.idx.msk [tilespmem:v42+s16+$0x0], $0xffff  }
0x177: {  	v24 =	vld.idx.msk [tilespmem:v24+s14+$0x0], $0xffff  }
0x178: {  	v11 =	vadd.f32 v12, v11;
	v12 =	vmul.f32 v17, v29;
	v17 =	vld.idx.msk [tilespmem:v43+s16+$0x0], $0xffff  }
0x179: {  	v28 =	vld.idx.msk [tilespmem:v44+s14+$0x0], $0xffff  }
0x17a: {  	v11 =	vadd.f32 v12, v11;
	v12 =	vmul.f32 v20, v19;
	v19 =	vld.idx.msk [tilespmem:v45+s16+$0x0], $0xffff  }
0x17b: {  	v16 =	vld.idx.msk [tilespmem:v16+s14+$0x0], $0xffff  }
0x17c: {  	v11 =	vadd.f32 v12, v11;
	v12 =	vmul.f32 v13, v23;
	v13 =	vld.idx.msk [tilespmem:v46+s16+$0x0], $0xffff  }
0x17d: {  	v20 =	vld.idx.msk [tilespmem:v47+s14+$0x0], $0xffff  }
0x17e: {  	v11 =	vadd.f32 v12, v11;
	v12 =	vmul.f32 v17, v24;
	v17 =	vld.idx.msk [tilespmem:v48+s16+$0x0], $0xffff  }
0x17f: {  	v18 =	vld.idx.msk [tilespmem:v18+s14+$0x0], $0xffff  }
0x180: {  	v11 =	vadd.f32 v12, v11;
	v12 =	vmul.f32 v19, v28;
	v19 =	vld.idx.msk [tilespmem:v49+s16+$0x0], $0xffff  }
0x181: {  	v21 =	vld.idx.msk [tilespmem:v21+s14+$0x0], $0xffff  }
0x182: {  	v11 =	vadd.f32 v12, v11;
	v12 =	vmul.f32 v13, v16;
	v13 =	vld.idx.msk [tilespmem:v50+s16+$0x0], $0xffff  }
0x183: {  	v14 =	vld.idx.msk [tilespmem:v14+s14+$0x0], $0xffff  }
0x184: {  	v11 =	vadd.f32 v12, v11;
	v12 =	vmul.f32 v17, v20;
	v16 =	vld.idx.msk [tilespmem:v51+s16+$0x0], $0xffff  }
0x185: {  	v17 =	vld.idx.msk [tilespmem:v22+s14+$0x0], $0xffff  }
0x186: {  	v11 =	vadd.f32 v12, v11;
	v12 =	vmul.f32 v19, v18;
	v18 =	vld.idx.msk [tilespmem:v52+s16+$0x0], $0xffff  }
0x187: {  	v15 =	vld.idx.msk [tilespmem:v15+s14+$0x0], $0xffff  }
0x188: {  	v11 =	vadd.f32 v12, v11;
	v12 =	vmul.f32 v13, v21;
	v13 =	vld.idx.msk [tilespmem:v53+s16+$0x0], $0xffff  }
0x189: {  	v19 =	vld.idx.msk [tilespmem:v25+s14+$0x0], $0xffff  }
0x18a: {  	v11 =	vadd.f32 v12, v11;
	v12 =	vmul.f32 v16, v14;
	v14 =	vld.idx.msk [tilespmem:v54+s16+$0x0], $0xffff  }
0x18b: {  	v16 =	vld.idx.msk [tilespmem:v26+s14+$0x0], $0xffff  }
0x18c: {  	v11 =	vadd.f32 v12, v11;
	v12 =	vmul.f32 v18, v17;
	v17 =	vld.idx.msk [tilespmem:v55+s16+$0x0], $0xffff  }
0x18d: {  	v18 =	vld.idx.msk [tilespmem:v56+s14+$0x0], $0xffff  }
0x18e: {  	v11 =	vadd.f32 v12, v11;
	v12 =	vmul.f32 v13, v15;
	v13 =	vld.idx.msk [tilespmem:v57+s16+$0x0], $0xffff  }
0x18f: {  	v15 =	vld.idx.msk [tilespmem:v27+s14+$0x0], $0xffff  }
0x190: {  	s28 =	sshll.u32 s24, $0x4;
	s24 =	smov.u32 s26;
	v11 =	vadd.f32 v12, v11;
	v12 =	vmul.f32 v14, v19;
	v9 =	vld.idx.msk [tilespmem:v9+s16+$0x0], $0xffff  }
0x191: {  	s26 =	sand.u32 $0x70, s23;
	s28 =	sand.u32 $0xFFFFFF80, s28;
	v14 =	vld.idx.msk [tilespmem:v58+s14+$0x0], $0xffff  }
0x192: {  	s26 =	sor.u32 s26, s28;
	v11 =	vadd.f32 v12, v11;
	v12 =	vmul.f32 v17, v16;
	v8 =	vld.idx.msk [tilespmem:v8+s16+$0x0], $0xffff  }
0x193: {  	s29 =	sor.u32 $0x100, s26;
	s28 =	sor.u32 $0x200, s26;
	v16 =	vor.u32 s26, v0;
	s26 =	sor.u32 $0x300, s26;
	v10 =	vld.idx.msk [tilespmem:v10+s14+$0x0], $0xffff  }
0x194: {  	v11 =	vadd.f32 v12, v11;
	v12 =	vmul.f32 v13, v18;
	v7 =	vld.idx.msk [tilespmem:v7+s16+$0x0], $0xffff;
	_ =	sdelay $0x1  }
0x195: {  	v11 =	vadd.f32 v12, v11;
	v9 =	vmul.f32 v9, v15;
	_ =	sdelay $0x1  }
0x196: {  	v9 =	vadd.f32 v9, v11;
	v8 =	vmul.f32 v8, v14;
	v11 =	vld.idx.msk [tilespmem:v16+s22+$0x0], $0xffff;
	_ =	sdelay $0x1  }
0x197: {  	v8 =	vadd.f32 v8, v9;
	v7 =	vmul.f32 v7, v10;
	_ =	sdelay $0x1  }
0x198: {  	v7 =	vadd.f32 v7, v8;
	_ =	sdelay $0x1  }
0x199: {  	v8 =	vsub.f32 v7, v11;
	_ =	sdelay $0x1  }
0x19a: {  	v8 =	vmul.f32 $1.442695020e+00, v8;
	_ =	sdelay $0x1  }
0x19b: {  	(erf) = vpow2.f32 v8;
	_ =	sdelay $0x8  }
0x19c: {  	v8 =	vpop (erf)  }
0x19d: {  	v8 =	vadd.f32 $1.000000000e+00, v8;
	_ =	sdelay $0x1  }
0x19e: {  	(erf) = vrcp.f32 v8;
	_ =	sdelay $0x3  }
0x19f: {  	v6 =	vand.u32 $0x400, v6  }
0x1a0: {  	v5 =	vor.u32 v5, v6  }
0x1a1: {  	v6 =	vor.u32 s29, v0;
	_ =	sdelay $0x2  }
0x1a2: {  	v8 =	vpop (erf)  }
0x1a3: {  	[tilespmem:v5+s20+$0x0] =	vst.idx.msk $0xffff, v8  }
0x1a4: {  	v6 =	vld.idx.msk [tilespmem:v6+s22+$0x0], $0xffff;
	_ =	sdelay $0x5  }
0x1a5: {  	v6 =	vmul.f32 $1.442695020e+00, v6;
	_ =	sdelay $0x1  }
0x1a6: {  	(erf) = vpow2.f32 v6;
	_ =	sdelay $0x8  }
0x1a7: {  	v6 =	vpop (erf)  }
0x1a8: {  	v6 =	vadd.f32 v6, v11;
	_ =	sdelay $0x1  }
0x1a9: {  	v9 =	vsub.f32 v7, v6;
	_ =	sdelay $0x1  }
0x1aa: {  	v9 =	vmul.f32 $1.442695020e+00, v9;
	_ =	sdelay $0x1  }
0x1ab: {  	(erf) = vpow2.f32 v9;
	_ =	sdelay $0x8  }
0x1ac: {  	v9 =	vpop (erf)  }
0x1ad: {  	v9 =	vadd.f32 $1.000000000e+00, v9;
	_ =	sdelay $0x1  }
0x1ae: {  	(erf) = vrcp.f32 v9;
	_ =	sdelay $0x6  }
0x1af: {  	v9 =	vor.u32 $0x80, v5  }
0x1b0: {  	v10 =	vor.u32 s28, v0  }
0x1b1: {  	v11 =	vpop (erf)  }
0x1b2: {  	v8 =	vsub.f32 v11, v8;
	_ =	sdelay $0x1  }
0x1b3: {  	[tilespmem:v9+s20+$0x0] =	vst.idx.msk $0xffff, v8  }
0x1b4: {  	v8 =	vld.idx.msk [tilespmem:v10+s22+$0x0], $0xffff;
	_ =	sdelay $0x5  }
0x1b5: {  	v8 =	vmul.f32 $1.442695020e+00, v8;
	_ =	sdelay $0x1  }
0x1b6: {  	(erf) = vpow2.f32 v8;
	_ =	sdelay $0x8  }
0x1b7: {  	v8 =	vpop (erf)  }
0x1b8: {  	v6 =	vadd.f32 v8, v6;
	_ =	sdelay $0x1  }
0x1b9: {  	v8 =	vsub.f32 v7, v6;
	_ =	sdelay $0x1  }
0x1ba: {  	v8 =	vmul.f32 $1.442695020e+00, v8;
	_ =	sdelay $0x1  }
0x1bb: {  	(erf) = vpow2.f32 v8;
	_ =	sdelay $0x8  }
0x1bc: {  	v8 =	vpop (erf)  }
0x1bd: {  	v8 =	vadd.f32 $1.000000000e+00, v8;
	_ =	sdelay $0x1  }
0x1be: {  	(erf) = vrcp.f32 v8;
	_ =	sdelay $0x6  }
0x1bf: {  	v8 =	vor.u32 $0x100, v5  }
0x1c0: {  	v9 =	vor.u32 s26, v0  }
0x1c1: {  	v10 =	vpop (erf)  }
0x1c2: {  	v11 =	vsub.f32 v10, v11;
	_ =	sdelay $0x1  }
0x1c3: {  	[tilespmem:v8+s20+$0x0] =	vst.idx.msk $0xffff, v11  }
0x1c4: {  	v8 =	vld.idx.msk [tilespmem:v9+s22+$0x0], $0xffff;
	_ =	sdelay $0x5  }
0x1c5: {  	v8 =	vmul.f32 $1.442695020e+00, v8;
	_ =	sdelay $0x1  }
0x1c6: {  	(erf) = vpow2.f32 v8;
	_ =	sdelay $0x8  }
0x1c7: {  	v8 =	vpop (erf)  }
0x1c8: {  	v6 =	vadd.f32 v8, v6;
	_ =	sdelay $0x1  }
0x1c9: {  	v6 =	vsub.f32 v7, v6;
	_ =	sdelay $0x1  }
0x1ca: {  	v6 =	vmul.f32 $1.442695020e+00, v6;
	_ =	sdelay $0x1  }
0x1cb: {  	(erf) = vpow2.f32 v6;
	_ =	sdelay $0x8  }
0x1cc: {  	v6 =	vpop (erf)  }
0x1cd: {  	v6 =	vadd.f32 $1.000000000e+00, v6;
	_ =	sdelay $0x1  }
0x1ce: {  	(erf) = vrcp.f32 v6;
	_ =	sdelay $0x6  }
0x1cf: {  	v6 =	vor.u32 $0x180, v5  }
0x1d0: {  	v11 =	vor.u32 $0x200, v5  }
0x1d1: {  	v12 =	vor.u32 $0x280, v5;
	v7 =	vpop (erf)  }
.Ltmp0:
0x1d2: {  	v9 =	vor.u32 $0x300, v5;
	v10 =	vsub.f32 v7, v10;
	(pc) =	sbr.rel @p0 .LBB2_2-.Ltmp0, $4  }
0x1d3: {  	s23 =	sadd.s32 $0x10, s23;
	v8 =	vor.u32 $0x380, v4;
	v13 =	vsub.f32 $1.000000000e+00, v7  }
0x1d4: {  	v4 =	vmov s23;
	v7 =	vor.u32 s23, v0;
	[tilespmem:v6+s20+$0x0] =	vst.idx.msk $0xffff, v10  }
0x1d5: {  	v5 =	vand.u32 $0x7F, v7;
	v6 =	vshll.u32 v4, $0x3;
	[tilespmem:v11+s20+$0x0] =	vst.idx.msk $0xffff, v13  }
0x1d6: {  	v4 =	vor.u32 v5, v6;
	[tilespmem:v12+s20+$0x0] =	vst.idx.msk $0xffff, v1  }
0x1d7: {  	_ =	sdelay $0x3  }
0x1d8: {  	[tilespmem:v9+s20+$0x0] =	vst.idx.msk $0xffff, v1  }
0x1d9: {  	[tilespmem:v8+s20+$0x0] =	vst.idx.msk $0xffff, v1  }
0x1da: {  	v8 =	vld.idx.msk [tilespmem:v7+s2+$0x0], $0xffff  }
0x1db: {  	v9 =	vld.idx.msk [tilespmem:v7+s11+$0x0], $0xffff;
	_ =	sdelay $0x3  }
0x1dc: {  	v8 =	vshll.u32 v8, $0x5  }
0x1dd: {  	v7 =	vshll.u32 v7, $0x7;
	v9 =	vshll.u32 v9, $0x5;
	v8 =	vand.u32 $0x60, v8  }
0x1de: {  	v9 =	vand.u32 $0x60, v9;
	v8 =	vor.u32 v7, v8  }
0x1df: {  	v7 =	vor.u32 v7, v9  }
0x1e0: {  	v9 =	vor.u32 $0x1, v7  }
0x1e1: {  	v10 =	vor.u32 $0x1, v8  }
0x1e2: {  	v11 =	vor.u32 $0x2, v8  }
0x1e3: {  	v12 =	vor.u32 $0x2, v7;
	v13 =	vld.idx.msk [tilespmem:v8+s14+$0x0], $0xffff  }
0x1e4: {  	v14 =	vor.u32 $0x3, v8;
	v15 =	vld.idx.msk [tilespmem:v7+s16+$0x0], $0xffff  }
0x1e5: {  	v16 =	vor.u32 $0x3, v7;
	v9 =	vld.idx.msk [tilespmem:v9+s16+$0x0], $0xffff  }
0x1e6: {  	v17 =	vor.u32 $0x4, v8;
	v10 =	vld.idx.msk [tilespmem:v10+s14+$0x0], $0xffff  }
0x1e7: {  	v18 =	vor.u32 $0x4, v7;
	v11 =	vld.idx.msk [tilespmem:v11+s14+$0x0], $0xffff  }
0x1e8: {  	v19 =	vor.u32 $0x5, v8;
	v12 =	vld.idx.msk [tilespmem:v12+s16+$0x0], $0xffff  }
0x1e9: {  	v20 =	vor.u32 $0x5, v7;
	v14 =	vld.idx.msk [tilespmem:v14+s14+$0x0], $0xffff;
	v13 =	vmul.f32 v15, v13  }
0x1ea: {  	v21 =	vor.u32 $0x6, v7;
	v16 =	vld.idx.msk [tilespmem:v16+s16+$0x0], $0xffff  }
0x1eb: {  	v47 =	vor.u32 $0x6, v8;
	v17 =	vld.idx.msk [tilespmem:v17+s14+$0x0], $0xffff;
	v9 =	vmul.f32 v9, v10;
	v13 =	vadd.f32 $0.0e+00, v13  }
0x1ec: {  	v22 =	vor.u32 $0x7, v7;
	v18 =	vld.idx.msk [tilespmem:v18+s16+$0x0], $0xffff  }
0x1ed: {  	v48 =	vor.u32 $0x7, v8;
	v19 =	vld.idx.msk [tilespmem:v19+s14+$0x0], $0xffff;
	v11 =	vmul.f32 v12, v11;
	v9 =	vadd.f32 v9, v13  }
0x1ee: {  	v51 =	vor.u32 $0x8, v7;
	v50 =	vld.idx.msk [tilespmem:v20+s16+$0x0], $0xffff  }
0x1ef: {  	v49 =	vor.u32 $0x8, v8;
	v54 =	vld.idx.msk [tilespmem:v21+s16+$0x0], $0xffff;
	v52 =	vmul.f32 v16, v14;
	v9 =	vadd.f32 v11, v9  }
0x1f0: {  	v55 =	vor.u32 $0x9, v7;
	v15 =	vld.idx.msk [tilespmem:v47+s14+$0x0], $0xffff  }
0x1f1: {  	v53 =	vor.u32 $0x9, v8;
	v58 =	vld.idx.msk [tilespmem:v22+s16+$0x0], $0xffff;
	v56 =	vmul.f32 v18, v17;
	v9 =	vadd.f32 v52, v9  }
0x1f2: {  	v59 =	vor.u32 $0xA, v7;
	v10 =	vld.idx.msk [tilespmem:v48+s14+$0x0], $0xffff  }
0x1f3: {  	v57 =	vor.u32 $0xA, v8;
	v62 =	vld.idx.msk [tilespmem:v51+s16+$0x0], $0xffff;
	v60 =	vmul.f32 v50, v19;
	v9 =	vadd.f32 v56, v9  }
0x1f4: {  	v63 =	vor.u32 $0xB, v7;
	v12 =	vld.idx.msk [tilespmem:v49+s14+$0x0], $0xffff  }
0x1f5: {  	v61 =	vor.u32 $0xB, v8;
	v26 =	vld.idx.msk [tilespmem:v55+s16+$0x0], $0xffff;
	v24 =	vmul.f32 v54, v15;
	v9 =	vadd.f32 v60, v9  }
0x1f6: {  	v27 =	vor.u32 $0xC, v7;
	v14 =	vld.idx.msk [tilespmem:v53+s14+$0x0], $0xffff  }
0x1f7: {  	v25 =	vor.u32 $0xC, v8;
	v29 =	vld.idx.msk [tilespmem:v59+s16+$0x0], $0xffff;
	v10 =	vmul.f32 v58, v10;
	v9 =	vadd.f32 v24, v9  }
0x1f8: {  	v30 =	vor.u32 $0xD, v7;
	v17 =	vld.idx.msk [tilespmem:v57+s14+$0x0], $0xffff  }
0x1f9: {  	v28 =	vor.u32 $0xD, v8;
	v33 =	vld.idx.msk [tilespmem:v63+s16+$0x0], $0xffff;
	v31 =	vmul.f32 v62, v12;
	v9 =	vadd.f32 v10, v9  }
0x1fa: {  	v34 =	vor.u32 $0xE, v7;
	v13 =	vld.idx.msk [tilespmem:v61+s14+$0x0], $0xffff  }
0x1fb: {  	v32 =	vor.u32 $0xE, v8;
	v37 =	vld.idx.msk [tilespmem:v27+s16+$0x0], $0xffff;
	v35 =	vmul.f32 v26, v14;
	v9 =	vadd.f32 v31, v9  }
0x1fc: {  	v38 =	vor.u32 $0xF, v7;
	v15 =	vld.idx.msk [tilespmem:v25+s14+$0x0], $0xffff  }
0x1fd: {  	v36 =	vor.u32 $0xF, v8;
	v41 =	vld.idx.msk [tilespmem:v30+s16+$0x0], $0xffff;
	v39 =	vmul.f32 v29, v17;
	v9 =	vadd.f32 v35, v9  }
0x1fe: {  	v42 =	vor.u32 $0x10, v7;
	v11 =	vld.idx.msk [tilespmem:v28+s14+$0x0], $0xffff  }
0x1ff: {  	v40 =	vor.u32 $0x10, v8;
	v45 =	vld.idx.msk [tilespmem:v34+s16+$0x0], $0xffff;
	v43 =	vmul.f32 v33, v13;
	v9 =	vadd.f32 v39, v9  }
0x200: {  	v46 =	vor.u32 $0x11, v7;
	v12 =	vld.idx.msk [tilespmem:v32+s14+$0x0], $0xffff  }
0x201: {  	v44 =	vor.u32 $0x11, v8;
	v49 =	vld.idx.msk [tilespmem:v38+s16+$0x0], $0xffff;
	v47 =	vmul.f32 v37, v15;
	v9 =	vadd.f32 v43, v9  }
0x202: {  	v50 =	vor.u32 $0x12, v7;
	v14 =	vld.idx.msk [tilespmem:v36+s14+$0x0], $0xffff  }
0x203: {  	v48 =	vor.u32 $0x12, v8;
	v53 =	vld.idx.msk [tilespmem:v42+s16+$0x0], $0xffff;
	v51 =	vmul.f32 v41, v11;
	v9 =	vadd.f32 v47, v9  }
0x204: {  	v54 =	vor.u32 $0x13, v7;
	v17 =	vld.idx.msk [tilespmem:v40+s14+$0x0], $0xffff  }
0x205: {  	v57 =	vld.idx.msk [tilespmem:v46+s16+$0x0], $0xffff;
	v52 =	vor.u32 $0x13, v8;
	v55 =	vmul.f32 v45, v12;
	v9 =	vadd.f32 v51, v9  }
0x206: {  	v58 =	vor.u32 $0x14, v7;
	v13 =	vld.idx.msk [tilespmem:v44+s14+$0x0], $0xffff  }
0x207: {  	v61 =	vld.idx.msk [tilespmem:v50+s16+$0x0], $0xffff;
	v56 =	vor.u32 $0x14, v8;
	v59 =	vmul.f32 v49, v14;
	v9 =	vadd.f32 v55, v9  }
0x208: {  	v62 =	vor.u32 $0x15, v7;
	v15 =	vld.idx.msk [tilespmem:v48+s14+$0x0], $0xffff  }
0x209: {  	v25 =	vld.idx.msk [tilespmem:v54+s16+$0x0], $0xffff;
	v63 =	vmul.f32 v53, v17;
	v60 =	vor.u32 $0x15, v8;
	v9 =	vadd.f32 v59, v9  }
0x20a: {  	v26 =	vor.u32 $0x16, v7;
	v11 =	vld.idx.msk [tilespmem:v52+s14+$0x0], $0xffff  }
0x20b: {  	v29 =	vld.idx.msk [tilespmem:v58+s16+$0x0], $0xffff;
	v24 =	vor.u32 $0x16, v8;
	v27 =	vmul.f32 v57, v13;
	v9 =	vadd.f32 v63, v9  }
0x20c: {  	v30 =	vor.u32 $0x17, v7;
	v12 =	vld.idx.msk [tilespmem:v56+s14+$0x0], $0xffff  }
0x20d: {  	v28 =	vor.u32 $0x17, v8;
	v33 =	vld.idx.msk [tilespmem:v62+s16+$0x0], $0xffff;
	v31 =	vmul.f32 v61, v15;
	v9 =	vadd.f32 v27, v9  }
0x20e: {  	v34 =	vor.u32 $0x18, v7;
	v14 =	vld.idx.msk [tilespmem:v60+s14+$0x0], $0xffff  }
0x20f: {  	v32 =	vor.u32 $0x18, v8;
	v37 =	vld.idx.msk [tilespmem:v26+s16+$0x0], $0xffff;
	v35 =	vmul.f32 v25, v11;
	v9 =	vadd.f32 v31, v9  }
0x210: {  	v38 =	vor.u32 $0x19, v7;
	v17 =	vld.idx.msk [tilespmem:v24+s14+$0x0], $0xffff  }
0x211: {  	v36 =	vor.u32 $0x19, v8;
	v41 =	vld.idx.msk [tilespmem:v30+s16+$0x0], $0xffff;
	v39 =	vmul.f32 v29, v12;
	v9 =	vadd.f32 v35, v9  }
0x212: {  	v42 =	vor.u32 $0x1A, v7;
	v13 =	vld.idx.msk [tilespmem:v28+s14+$0x0], $0xffff  }
0x213: {  	v40 =	vor.u32 $0x1A, v8;
	v45 =	vld.idx.msk [tilespmem:v34+s16+$0x0], $0xffff;
	v43 =	vmul.f32 v33, v14;
	v9 =	vadd.f32 v39, v9  }
0x214: {  	v46 =	vor.u32 $0x1B, v7;
	v15 =	vld.idx.msk [tilespmem:v32+s14+$0x0], $0xffff  }
0x215: {  	v44 =	vor.u32 $0x1B, v8;
	v49 =	vld.idx.msk [tilespmem:v38+s16+$0x0], $0xffff;
	v47 =	vmul.f32 v37, v17;
	v9 =	vadd.f32 v43, v9  }
0x216: {  	v50 =	vor.u32 $0x1C, v7;
	v11 =	vld.idx.msk [tilespmem:v36+s14+$0x0], $0xffff  }
0x217: {  	v48 =	vor.u32 $0x1C, v8;
	v53 =	vld.idx.msk [tilespmem:v42+s16+$0x0], $0xffff;
	v51 =	vmul.f32 v41, v13;
	v9 =	vadd.f32 v47, v9  }
0x218: {  	v54 =	vor.u32 $0x1D, v7;
	v12 =	vld.idx.msk [tilespmem:v40+s14+$0x0], $0xffff  }
0x219: {  	v52 =	vor.u32 $0x1D, v8;
	v57 =	vld.idx.msk [tilespmem:v46+s16+$0x0], $0xffff;
	v55 =	vmul.f32 v45, v15;
	v9 =	vadd.f32 v51, v9  }
0x21a: {  	v58 =	vor.u32 $0x1E, v7;
	v14 =	vld.idx.msk [tilespmem:v44+s14+$0x0], $0xffff  }
0x21b: {  	v56 =	vor.u32 $0x1E, v8;
	v60 =	vld.idx.msk [tilespmem:v50+s16+$0x0], $0xffff;
	v59 =	vmul.f32 v49, v11;
	v9 =	vadd.f32 v55, v9  }
0x21c: {  	v7 =	vor.u32 $0x1F, v7;
	v17 =	vld.idx.msk [tilespmem:v48+s14+$0x0], $0xffff  }
0x21d: {  	v8 =	vor.u32 $0x1F, v8;
	v62 =	vld.idx.msk [tilespmem:v54+s16+$0x0], $0xffff;
	v61 =	vmul.f32 v53, v12;
	v9 =	vadd.f32 v59, v9  }
0x21e: {  	s24 =	sshll.u32 s24, $0x4;
	v13 =	vld.idx.msk [tilespmem:v52+s14+$0x0], $0xffff  }
0x21f: {  	s23 =	sand.u32 $0x70, s23;
	s24 =	sand.u32 $0xFFFFFF80, s24;
	v20 =	vld.idx.msk [tilespmem:v58+s16+$0x0], $0xffff;
	v63 =	vmul.f32 v57, v14;
	v9 =	vadd.f32 v61, v9  }
0x220: {  	s23 =	sor.u32 s23, s24;
	v15 =	vld.idx.msk [tilespmem:v56+s14+$0x0], $0xffff  }
0x221: {  	v21 =	vor.u32 s23, v0;
	v7 =	vld.idx.msk [tilespmem:v7+s16+$0x0], $0xffff;
	v22 =	vmul.f32 v60, v17;
	v9 =	vadd.f32 v63, v9  }
0x222: {  	v8 =	vld.idx.msk [tilespmem:v8+s14+$0x0], $0xffff  }
0x223: {  	v23 =	vmul.f32 v62, v13;
	v9 =	vadd.f32 v22, v9;
	_ =	sdelay $0x1  }
0x224: {  	v24 =	vmul.f32 v20, v15;
	v9 =	vadd.f32 v23, v9  }
0x225: {  	v25 =	vld.idx.msk [tilespmem:v21+s22+$0x0], $0xffff  }
0x226: {  	v7 =	vmul.f32 v7, v8;
	v9 =	vadd.f32 v24, v9;
	_ =	sdelay $0x1  }
0x227: {  	v7 =	vadd.f32 v7, v9;
	_ =	sdelay $0x1  }
0x228: {  	v8 =	vsub.f32 v7, v25;
	_ =	sdelay $0x1  }
0x229: {  	v8 =	vmul.f32 $1.442695020e+00, v8;
	_ =	sdelay $0x1  }
0x22a: {  	(erf) = vpow2.f32 v8;
	_ =	sdelay $0x8  }
0x22b: {  	v8 =	vpop (erf)  }
0x22c: {  	v8 =	vadd.f32 $1.000000000e+00, v8;
	_ =	sdelay $0x1  }
0x22d: {  	(erf) = vrcp.f32 v8;
	_ =	sdelay $0x3  }
0x22e: {  	v6 =	vand.u32 $0x400, v6  }
0x22f: {  	v5 =	vor.u32 v5, v6;
	s24 =	sor.u32 $0x100, s23  }
0x230: {  	v6 =	vor.u32 s24, v0;
	_ =	sdelay $0x2  }
0x231: {  	v8 =	vpop (erf)  }
0x232: {  	[tilespmem:v5+s20+$0x0] =	vst.idx.msk $0xffff, v8  }
0x233: {  	v6 =	vld.idx.msk [tilespmem:v6+s22+$0x0], $0xffff;
	_ =	sdelay $0x4  }
0x234: {  	v6 =	vmul.f32 $1.442695020e+00, v6;
	_ =	sdelay $0x1  }
0x235: {  	(erf) = vpow2.f32 v6;
	_ =	sdelay $0x8  }
0x236: {  	v6 =	vpop (erf)  }
0x237: {  	v6 =	vadd.f32 v6, v25;
	_ =	sdelay $0x1  }
0x238: {  	v9 =	vsub.f32 v7, v6;
	_ =	sdelay $0x1  }
0x239: {  	v9 =	vmul.f32 $1.442695020e+00, v9;
	_ =	sdelay $0x1  }
0x23a: {  	(erf) = vpow2.f32 v9;
	_ =	sdelay $0x8  }
0x23b: {  	v9 =	vpop (erf)  }
0x23c: {  	v9 =	vadd.f32 $1.000000000e+00, v9;
	_ =	sdelay $0x1  }
0x23d: {  	(erf) = vrcp.f32 v9;
	_ =	sdelay $0x6  }
0x23e: {  	s28 =	sor.u32 $0x200, s23;
	v26 =	vor.u32 $0x80, v5  }
0x23f: {  	v27 =	vor.u32 s28, v0  }
0x240: {  	v28 =	vpop (erf)  }
0x241: {  	v8 =	vsub.f32 v28, v8;
	_ =	sdelay $0x1  }
0x242: {  	[tilespmem:v26+s20+$0x0] =	vst.idx.msk $0xffff, v8  }
0x243: {  	v8 =	vld.idx.msk [tilespmem:v27+s22+$0x0], $0xffff;
	_ =	sdelay $0x4  }
0x244: {  	v8 =	vmul.f32 $1.442695020e+00, v8;
	_ =	sdelay $0x1  }
0x245: {  	(erf) = vpow2.f32 v8;
	_ =	sdelay $0x8  }
0x246: {  	v8 =	vpop (erf)  }
0x247: {  	v6 =	vadd.f32 v8, v6;
	_ =	sdelay $0x1  }
0x248: {  	v8 =	vsub.f32 v7, v6;
	_ =	sdelay $0x1  }
0x249: {  	v8 =	vmul.f32 $1.442695020e+00, v8;
	_ =	sdelay $0x1  }
0x24a: {  	(erf) = vpow2.f32 v8;
	_ =	sdelay $0x8  }
0x24b: {  	v8 =	vpop (erf)  }
0x24c: {  	v8 =	vadd.f32 $1.000000000e+00, v8;
	_ =	sdelay $0x1  }
0x24d: {  	(erf) = vrcp.f32 v8;
	_ =	sdelay $0x6  }
0x24e: {  	s23 =	sor.u32 $0x300, s23;
	v8 =	vor.u32 $0x100, v5  }
0x24f: {  	v29 =	vor.u32 s23, v0  }
0x250: {  	v30 =	vpop (erf)  }
0x251: {  	v11 =	vsub.f32 v30, v28;
	_ =	sdelay $0x1  }
0x252: {  	[tilespmem:v8+s20+$0x0] =	vst.idx.msk $0xffff, v11  }
0x253: {  	v8 =	vld.idx.msk [tilespmem:v29+s22+$0x0], $0xffff;
	_ =	sdelay $0x4  }
0x254: {  	v8 =	vmul.f32 $1.442695020e+00, v8;
	_ =	sdelay $0x1  }
0x255: {  	(erf) = vpow2.f32 v8;
	_ =	sdelay $0x8  }
0x256: {  	v8 =	vpop (erf)  }
0x257: {  	v6 =	vadd.f32 v8, v6;
	_ =	sdelay $0x1  }
0x258: {  	v6 =	vsub.f32 v7, v6;
	_ =	sdelay $0x1  }
0x259: {  	v6 =	vmul.f32 $1.442695020e+00, v6;
	_ =	sdelay $0x1  }
0x25a: {  	(erf) = vpow2.f32 v6;
	_ =	sdelay $0x8  }
0x25b: {  	v6 =	vpop (erf)  }
0x25c: {  	v6 =	vadd.f32 $1.000000000e+00, v6;
	_ =	sdelay $0x1  }
0x25d: {  	(erf) = vrcp.f32 v6;
	_ =	sdelay $0x6  }
0x25e: {  	v6 =	vor.u32 $0x180, v5  }
0x25f: {  	v7 =	vor.u32 $0x200, v5  }
0x260: {  	v8 =	vor.u32 $0x280, v5;
	v31 =	vpop (erf)  }
0x261: {  	v5 =	vor.u32 $0x300, v5;
	v10 =	vsub.f32 v31, v30  }
0x262: {  	v4 =	vor.u32 $0x380, v4;
	v9 =	vsub.f32 $1.000000000e+00, v31  }
0x263: {  	[tilespmem:v6+s20+$0x0] =	vst.idx.msk $0xffff, v10  }
0x264: {  	[tilespmem:v7+s20+$0x0] =	vst.idx.msk $0xffff, v9  }
0x265: {  	[tilespmem:v8+s20+$0x0] =	vst.idx.msk $0xffff, v1  }
0x266: {  	[tilespmem:v5+s20+$0x0] =	vst.idx.msk $0xffff, v1  }
0x267: {  	[tilespmem:v4+s20+$0x0] =	vst.idx.msk $0xffff, v1  }
0x268: {  	v4 =	vld [tilespmem:$0x100]  }
0x269: {  	v37 =	vld [tilespmem:$0x130]  }
0x26a: {  	v38 =	vld [tilespmem:$0x190]  }
0x26b: {  	v5 =	vld [tilespmem:$0x300]  }
0x26c: {  	v6 =	vld [tilespmem:$0x110]  }
0x26d: {  	v7 =	vld [tilespmem:$0x310]  }
0x26e: {  	v8 =	vld [tilespmem:$0x120];
	[tilespmem:$0x630] =	vst v37  }
0x26f: {  	v9 =	vld [tilespmem:$0x320];
	v4 =	vshrl.u32 v4, $0x2;
	[tilespmem:$0x690] =	vst v38  }
0x270: {  	[tilespmem:$0x400] =	vst v4;
	v4 =	vshrl.u32 v5, $0x2;
	v5 =	vld [tilespmem:$0x130]  }
0x271: {  	[tilespmem:$0x500] =	vst v4;
	v4 =	vshrl.u32 v6, $0x2;
	v6 =	vld [tilespmem:$0x330]  }
0x272: {  	[tilespmem:$0x410] =	vst v4;
	v4 =	vshrl.u32 v7, $0x2;
	v7 =	vld [tilespmem:$0x140]  }
0x273: {  	[tilespmem:$0x510] =	vst v4;
	v4 =	vshrl.u32 v8, $0x2;
	v8 =	vld [tilespmem:$0x340]  }
0x274: {  	v32 =	vld [tilespmem:$0x150];
	[tilespmem:$0x420] =	vst v4;
	v4 =	vshrl.u32 v9, $0x2  }
0x275: {  	[tilespmem:$0x520] =	vst v4;
	v4 =	vshrl.u32 v5, $0x2;
	v5 =	vld [tilespmem:$0x350]  }
0x276: {  	[tilespmem:$0x430] =	vst v4;
	v4 =	vshrl.u32 v6, $0x2;
	v6 =	vld [tilespmem:$0x160]  }
0x277: {  	[tilespmem:$0x530] =	vst v4;
	v4 =	vshrl.u32 v7, $0x2;
	v7 =	vld [tilespmem:$0x360]  }
0x278: {  	[tilespmem:$0x440] =	vst v4;
	v4 =	vshrl.u32 v8, $0x2;
	v8 =	vld [tilespmem:$0x170]  }
0x279: {  	v33 =	vld [tilespmem:$0x370];
	[tilespmem:$0x540] =	vst v4;
	v4 =	vshrl.u32 v32, $0x2  }
0x27a: {  	[tilespmem:$0x450] =	vst v4;
	v4 =	vshrl.u32 v5, $0x2;
	v5 =	vld [tilespmem:$0x180]  }
0x27b: {  	[tilespmem:$0x550] =	vst v4;
	v4 =	vshrl.u32 v6, $0x2;
	v6 =	vld [tilespmem:$0x380]  }
0x27c: {  	[tilespmem:$0x460] =	vst v4;
	v4 =	vshrl.u32 v7, $0x2;
	v7 =	vld [tilespmem:$0x190]  }
0x27d: {  	[tilespmem:$0x560] =	vst v4;
	v4 =	vshrl.u32 v8, $0x2;
	v8 =	vld [tilespmem:$0x390]  }
0x27e: {  	v34 =	vld [tilespmem:$0x1A0];
	[tilespmem:$0x470] =	vst v4;
	v4 =	vshrl.u32 v33, $0x2  }
0x27f: {  	[tilespmem:$0x570] =	vst v4;
	v4 =	vshrl.u32 v5, $0x2;
	v5 =	vld [tilespmem:$0x3A0]  }
0x280: {  	[tilespmem:$0x480] =	vst v4;
	v4 =	vshrl.u32 v6, $0x2;
	v6 =	vld [tilespmem:$0x1B0]  }
0x281: {  	[tilespmem:$0x580] =	vst v4;
	v4 =	vshrl.u32 v7, $0x2;
	v7 =	vld [tilespmem:$0x3B0]  }
0x282: {  	[tilespmem:$0x490] =	vst v4;
	v4 =	vshrl.u32 v8, $0x2;
	v8 =	vld [tilespmem:$0x1C0]  }
0x283: {  	v35 =	vld [tilespmem:$0x3C0];
	[tilespmem:$0x590] =	vst v4;
	v4 =	vshrl.u32 v34, $0x2  }
0x284: {  	[tilespmem:$0x4A0] =	vst v4;
	v4 =	vshrl.u32 v5, $0x2;
	v5 =	vld [tilespmem:$0x1D0]  }
0x285: {  	[tilespmem:$0x5A0] =	vst v4;
	v4 =	vshrl.u32 v6, $0x2;
	v6 =	vld [tilespmem:$0x3D0]  }
0x286: {  	[tilespmem:$0x4B0] =	vst v4;
	v4 =	vshrl.u32 v7, $0x2;
	v7 =	vld [tilespmem:$0x1E0]  }
0x287: {  	[tilespmem:$0x5B0] =	vst v4;
	v4 =	vshrl.u32 v8, $0x2;
	v8 =	vld [tilespmem:$0x3E0]  }
0x288: {  	v36 =	vld [tilespmem:$0x1F0];
	[tilespmem:$0x4C0] =	vst v4;
	v4 =	vshrl.u32 v35, $0x2  }
0x289: {  	[tilespmem:$0x5C0] =	vst v4;
	v4 =	vshrl.u32 v5, $0x2;
	v5 =	vld [tilespmem:$0x3F0]  }
0x28a: {  	v39 =	vld [tilespmem:$0x1F0];
	[tilespmem:$0x4D0] =	vst v4;
	v4 =	vshrl.u32 v6, $0x2  }
0x28b: {  	v6 =	vld [tilespmem:$0x100];
	[tilespmem:$0x5D0] =	vst v4;
	v4 =	vshrl.u32 v7, $0x2  }
0x28c: {  	v7 =	vld [tilespmem:$0x110];
	[tilespmem:$0x4E0] =	vst v4;
	v4 =	vshrl.u32 v8, $0x2  }
0x28d: {  	v8 =	vld [tilespmem:$0x120];
	[tilespmem:$0x5E0] =	vst v4;
	v4 =	vshrl.u32 v36, $0x2  }
0x28e: {  	[tilespmem:$0x4F0] =	vst v4;
	v4 =	vshrl.u32 v5, $0x2;
	v5 =	vld [tilespmem:$0x140]  }
0x28f: {  	[tilespmem:$0x5F0] =	vst v4;
	v4 =	vld [tilespmem:$0x150]  }
0x290: {  	[tilespmem:$0x600] =	vst v6;
	v6 =	vld [tilespmem:$0x160]  }
0x291: {  	[tilespmem:$0x610] =	vst v7;
	v7 =	vld [tilespmem:$0x170]  }
0x292: {  	[tilespmem:$0x620] =	vst v8;
	v8 =	vld [tilespmem:$0x180]  }
0x293: {  	[tilespmem:$0x640] =	vst v5;
	v5 =	vld [tilespmem:$0x1A0]  }
0x294: {  	[tilespmem:$0x650] =	vst v4;
	v4 =	vld [tilespmem:$0x1B0]  }
0x295: {  	[tilespmem:$0x660] =	vst v6;
	v6 =	vld [tilespmem:$0x1C0]  }
0x296: {  	[tilespmem:$0x670] =	vst v7;
	v7 =	vld [tilespmem:$0x1D0]  }
0x297: {  	[tilespmem:$0x680] =	vst v8;
	v8 =	vld [tilespmem:$0x1E0]  }
0x298: {  	[tilespmem:$0x6A0] =	vst v5;
	v5 =	vld [tilespmem:$0x100]  }
0x299: {  	[tilespmem:$0x6B0] =	vst v4;
	v4 =	vld [tilespmem:$0x110]  }
0x29a: {  	[tilespmem:$0x6C0] =	vst v6;
	v6 =	vld [tilespmem:$0x120]  }
0x29b: {  	[tilespmem:$0x6D0] =	vst v7;
	v7 =	vld [tilespmem:$0x130]  }
0x29c: {  	[tilespmem:$0x6E0] =	vst v8;
	v8 =	vld [tilespmem:$0x140]  }
0x29d: {  	v40 =	vld [tilespmem:$0x150];
	[tilespmem:$0x6F0] =	vst v39;
	v5 =	vadd.s32 $0xF4240, v5  }
0x29e: {  	[tilespmem:$0x700] =	vst v5;
	v4 =	vadd.s32 $0xF4240, v4;
	v5 =	vld [tilespmem:$0x160]  }
0x29f: {  	[tilespmem:$0x710] =	vst v4;
	v4 =	vadd.s32 $0xF4240, v6;
	v6 =	vld [tilespmem:$0x170]  }
0x2a0: {  	[tilespmem:$0x720] =	vst v4;
	v4 =	vadd.s32 $0xF4240, v7;
	v7 =	vld [tilespmem:$0x180]  }
0x2a1: {  	[tilespmem:$0x730] =	vst v4;
	v4 =	vadd.s32 $0xF4240, v8;
	v8 =	vld [tilespmem:$0x190]  }
0x2a2: {  	v41 =	vld [tilespmem:$0x1A0];
	[tilespmem:$0x740] =	vst v4;
	v4 =	vadd.s32 $0xF4240, v40  }
0x2a3: {  	[tilespmem:$0x750] =	vst v4;
	v4 =	vadd.s32 $0xF4240, v5;
	v5 =	vld [tilespmem:$0x1B0]  }
0x2a4: {  	[tilespmem:$0x760] =	vst v4;
	v4 =	vadd.s32 $0xF4240, v6;
	v6 =	vld [tilespmem:$0x1C0]  }
0x2a5: {  	[tilespmem:$0x770] =	vst v4;
	v4 =	vadd.s32 $0xF4240, v7;
	v7 =	vld [tilespmem:$0x1D0]  }
0x2a6: {  	[tilespmem:$0x780] =	vst v4;
	v4 =	vadd.s32 $0xF4240, v8;
	v8 =	vld [tilespmem:$0x1E0]  }
0x2a7: {  	v42 =	vld [tilespmem:$0x1F0];
	[tilespmem:$0x790] =	vst v4;
	v4 =	vadd.s32 $0xF4240, v41  }
0x2a8: {  	[tilespmem:$0x7A0] =	vst v4;
	v4 =	vadd.s32 $0xF4240, v5;
	v5 =	vld [tilespmem:$0x100]  }
0x2a9: {  	[tilespmem:$0x7B0] =	vst v4;
	v4 =	vadd.s32 $0xF4240, v6;
	v6 =	vld [tilespmem:$0x110]  }
0x2aa: {  	[tilespmem:$0x7C0] =	vst v4;
	v4 =	vadd.s32 $0xF4240, v7;
	v7 =	vld [tilespmem:$0x120]  }
0x2ab: {  	[tilespmem:$0x7D0] =	vst v4;
	v4 =	vadd.s32 $0xF4240, v8;
	v8 =	vld [tilespmem:$0x130]  }
0x2ac: {  	v43 =	vld [tilespmem:$0x140];
	[tilespmem:$0x7E0] =	vst v4;
	v4 =	vadd.s32 $0xF4240, v42  }
0x2ad: {  	[tilespmem:$0x7F0] =	vst v4;
	v4 =	vadd.s32 $0x1E8480, v5;
	v5 =	vld [tilespmem:$0x150]  }
0x2ae: {  	[tilespmem:$0x800] =	vst v4;
	v4 =	vadd.s32 $0x1E8480, v6;
	v6 =	vld [tilespmem:$0x160]  }
0x2af: {  	[tilespmem:$0x810] =	vst v4;
	v4 =	vadd.s32 $0x1E8480, v7;
	v7 =	vld [tilespmem:$0x170]  }
0x2b0: {  	[tilespmem:$0x820] =	vst v4;
	v4 =	vadd.s32 $0x1E8480, v8;
	v8 =	vld [tilespmem:$0x180]  }
0x2b1: {  	v44 =	vld [tilespmem:$0x190];
	[tilespmem:$0x830] =	vst v4;
	v4 =	vadd.s32 $0x1E8480, v43  }
0x2b2: {  	[tilespmem:$0x840] =	vst v4;
	v4 =	vadd.s32 $0x1E8480, v5;
	v5 =	vld [tilespmem:$0x1A0]  }
0x2b3: {  	[tilespmem:$0x850] =	vst v4;
	v4 =	vadd.s32 $0x1E8480, v6;
	v6 =	vld [tilespmem:$0x1B0]  }
0x2b4: {  	[tilespmem:$0x860] =	vst v4;
	v4 =	vadd.s32 $0x1E8480, v7;
	v7 =	vld [tilespmem:$0x1C0]  }
0x2b5: {  	[tilespmem:$0x870] =	vst v4;
	v4 =	vadd.s32 $0x1E8480, v8;
	v8 =	vld [tilespmem:$0x1D0]  }
0x2b6: {  	v45 =	vld [tilespmem:$0x1E0];
	[tilespmem:$0x880] =	vst v4;
	v4 =	vadd.s32 $0x1E8480, v44  }
0x2b7: {  	[tilespmem:$0x890] =	vst v4;
	v4 =	vadd.s32 $0x1E8480, v5;
	v5 =	vld [tilespmem:$0x1F0]  }
0x2b8: {  	[tilespmem:$0x8A0] =	vst v4;
	v4 =	vadd.s32 $0x1E8480, v6;
	v6 =	vld [tilespmem:$0x100]  }
0x2b9: {  	[tilespmem:$0x8B0] =	vst v4;
	v4 =	vadd.s32 $0x1E8480, v7;
	v7 =	vld [tilespmem:$0x110]  }
0x2ba: {  	[tilespmem:$0x8C0] =	vst v4;
	v4 =	vadd.s32 $0x1E8480, v8;
	v8 =	vld [tilespmem:$0x120]  }
0x2bb: {  	v46 =	vld [tilespmem:$0x130];
	[tilespmem:$0x8D0] =	vst v4;
	v4 =	vadd.s32 $0x1E8480, v45  }
0x2bc: {  	[tilespmem:$0x8E0] =	vst v4;
	v4 =	vadd.s32 $0x1E8480, v5;
	v5 =	vld [tilespmem:$0x140]  }
0x2bd: {  	[tilespmem:$0x8F0] =	vst v4;
	v4 =	vadd.s32 $0x2DC6C0, v6;
	v6 =	vld [tilespmem:$0x150]  }
0x2be: {  	[tilespmem:$0x900] =	vst v4;
	v4 =	vadd.s32 $0x2DC6C0, v7;
	v7 =	vld [tilespmem:$0x160]  }
0x2bf: {  	[tilespmem:$0x910] =	vst v4;
	v4 =	vadd.s32 $0x2DC6C0, v8;
	v8 =	vld [tilespmem:$0x170]  }
0x2c0: {  	v47 =	vld [tilespmem:$0x180];
	[tilespmem:$0x920] =	vst v4;
	v4 =	vadd.s32 $0x2DC6C0, v46  }
0x2c1: {  	[tilespmem:$0x930] =	vst v4;
	v4 =	vadd.s32 $0x2DC6C0, v5;
	v5 =	vld [tilespmem:$0x190]  }
0x2c2: {  	[tilespmem:$0x940] =	vst v4;
	v4 =	vadd.s32 $0x2DC6C0, v6;
	v6 =	vld [tilespmem:$0x1A0]  }
0x2c3: {  	[tilespmem:$0x950] =	vst v4;
	v4 =	vadd.s32 $0x2DC6C0, v7;
	v7 =	vld [tilespmem:$0x1B0]  }
0x2c4: {  	[tilespmem:$0x960] =	vst v4;
	v4 =	vadd.s32 $0x2DC6C0, v8;
	v8 =	vld [tilespmem:$0x1C0]  }
0x2c5: {  	v48 =	vld [tilespmem:$0x1D0];
	[tilespmem:$0x970] =	vst v4;
	v4 =	vadd.s32 $0x2DC6C0, v47  }
0x2c6: {  	[tilespmem:$0x980] =	vst v4;
	v4 =	vadd.s32 $0x2DC6C0, v5;
	v5 =	vld [tilespmem:$0x1E0]  }
0x2c7: {  	[tilespmem:$0x990] =	vst v4;
	v4 =	vadd.s32 $0x2DC6C0, v6;
	v6 =	vld [tilespmem:$0x1F0]  }
0x2c8: {  	[tilespmem:$0x9A0] =	vst v4;
	v4 =	vadd.s32 $0x2DC6C0, v7  }
0x2c9: {  	[tilespmem:$0x9B0] =	vst v4;
	v4 =	vadd.s32 $0x2DC6C0, v8  }
0x2ca: {  	[tilespmem:$0x9C0] =	vst v4;
	v4 =	vadd.s32 $0x2DC6C0, v48  }
0x2cb: {  	[tilespmem:$0x9D0] =	vst v4;
	v4 =	vadd.s32 $0x2DC6C0, v5  }
0x2cc: {  	[tilespmem:$0x9E0] =	vst v4;
	v4 =	vadd.s32 $0x2DC6C0, v6  }
0x2cd: {  	s29 =	simm.s32 $0x400;
	[tilespmem:$0x9F0] =	vst v4  }
0x2ce: {  	[tilespmem:s14], [sflag:$0x1] =	stream.indirect.gather [hbm4b:s3+s12], $0x80, s29, s12, $0xb8;
	[tilespmem:$0x11E00] =	vst v63  }
0x2cf: {  	s24 =	simm.s32 $0x500  }
0x2d0: {  	[tilespmem:s16], [sflag:$0x1] =	stream.indirect.gather [hbm4b:s4+s12], $0x80, s24, s12, $0xb8;
	[tilespmem:$0x11E00] =	vst v63  }
0x2d1: {  	s25 =	simm.s32 $0x480;
	s26 =	simm.s32 $0x4A00  }
0x2d2: {  	[tilespmem:s26], [sflag:$0x1] =	stream.indirect.gather [hbm4b:s3+s12], $0x80, s25, s12, $0xb8;
	[tilespmem:$0x11E00] =	vst v63  }
0x2d3: {  	s28 =	simm.s32 $0x580;
	s29 =	simm.s32 $0xCA00  }
0x2d4: {  	[tilespmem:s29], [sflag:$0x1] =	stream.indirect.gather [hbm4b:s4+s12], $0x80, s28, s12, $0xb8;
	[tilespmem:$0x11E00] =	vst v63  }
0x2d5: {  	s24 =	simm.s32 $0x600  }
0x2d6: {  	[tilespmem:s22], [sflag:$0x1] =	stream.indirect.gather [hbm4b:s5+s12], $0x1, s24, s12, $0xb8;
	[tilespmem:$0x11E00] =	vst v63  }
0x2d7: {  	s25 =	simm.s32 $0x680;
	s26 =	simm.s32 $0x10A80  }
0x2d8: {  	[tilespmem:s26], [sflag:$0x1] =	stream.indirect.gather [hbm4b:s5+s12], $0x1, s25, s12, $0xb8;
	[tilespmem:$0x11E00] =	vst v63  }
0x2d9: {  	s28 =	simm.s32 $0x700;
	s29 =	simm.s32 $0x10B00  }
0x2da: {  	[tilespmem:s29], [sflag:$0x1] =	stream.indirect.gather [hbm4b:s5+s12], $0x1, s28, s12, $0xb8;
	[tilespmem:$0x11E00] =	vst v63  }
0x2db: {  	s24 =	simm.s32 $0x780;
	s25 =	simm.s32 $0x10B80  }
0x2dc: {  	[tilespmem:s25], [sflag:$0x1] =	stream.indirect.gather [hbm4b:s5+s12], $0x1, s24, s12, $0xb8;
	[tilespmem:$0x11E00] =	vst v63  }
0x2dd: {  	_ = 	snop  }
0x2de: {  	[tilespmem:s31], [sflag:$0x1] =	stream.indirect.gather [hbm4b:s5+s12], $0x1, s30, s12, $0xb8;
	[tilespmem:$0x11E00] =	vst v63  }
0x2df: {  	_ = 	snop  }
0x2e0: {  	[tilespmem:s1], [sflag:$0x1] =	stream.indirect.gather [hbm4b:s5+s12], $0x1, s0, s12, $0xb8;
	[tilespmem:$0x11E00] =	vst v63  }
0x2e1: {  	_ = 	snop  }
0x2e2: {  	[tilespmem:s15], [sflag:$0x1] =	stream.indirect.gather [hbm4b:s5+s12], $0x1, s13, s12, $0xb8;
	[tilespmem:$0x11E00] =	vst v63  }
0x2e3: {  	_ = 	snop  }
0x2e4: {  	[tilespmem:s18], [sflag:$0x1] =	stream.indirect.gather [hbm4b:s5+s12], $0x1, s17, s12, $0xb8;
	[tilespmem:$0x11E00] =	vst v63  }
0x2e5: {  	_ =	swait.ge [sflag:s19], $0x4000  }
0x2e6: {  	[sflag:s19] =	ssyncset.done $0x0  }
0x2e7: {  	[sflag:s19] =	ssyncadd.s32 $0xFFFFC000  }
0x2e8: {  	_ =	swait.ge [sflag:s19], $0x4000  }
0x2e9: {  	[sflag:s19] =	ssyncset.done $0x0  }
0x2ea: {  	[sflag:s19] =	ssyncadd.s32 $0xFFFFC000  }
0x2eb: {  	_ =	swait.ge [sflag:s19], $0x4000  }
0x2ec: {  	[sflag:s19] =	ssyncset.done $0x0  }
0x2ed: {  	[sflag:s19] =	ssyncadd.s32 $0xFFFFC000  }
0x2ee: {  	_ =	swait.ge [sflag:s19], $0x4000  }
0x2ef: {  	[sflag:s19] =	ssyncset.done $0x0  }
0x2f0: {  	[sflag:s19] =	ssyncadd.s32 $0xFFFFC000  }
0x2f1: {  	_ =	swait.ge [sflag:s19], $0x80  }
0x2f2: {  	[sflag:s19] =	ssyncset.done $0x0  }
0x2f3: {  	[sflag:s19] =	ssyncadd.s32 $0xFFFFFF80  }
0x2f4: {  	_ =	swait.ge [sflag:s19], $0x80  }
0x2f5: {  	[sflag:s19] =	ssyncset.done $0x0  }
0x2f6: {  	[sflag:s19] =	ssyncadd.s32 $0xFFFFFF80  }
0x2f7: {  	_ =	swait.ge [sflag:s19], $0x80  }
0x2f8: {  	[sflag:s19] =	ssyncset.done $0x0  }
0x2f9: {  	[sflag:s19] =	ssyncadd.s32 $0xFFFFFF80  }
0x2fa: {  	_ =	swait.ge [sflag:s19], $0x80  }
0x2fb: {  	[sflag:s19] =	ssyncset.done $0x0  }
0x2fc: {  	[sflag:s19] =	ssyncadd.s32 $0xFFFFFF80  }
0x2fd: {  	_ =	swait.ge [sflag:s19], $0x80  }
0x2fe: {  	[sflag:s19] =	ssyncset.done $0x0  }
0x2ff: {  	[sflag:s19] =	ssyncadd.s32 $0xFFFFFF80  }
0x300: {  	_ =	swait.ge [sflag:s19], $0x80  }
0x301: {  	[sflag:s19] =	ssyncset.done $0x0  }
0x302: {  	[sflag:s19] =	ssyncadd.s32 $0xFFFFFF80  }
0x303: {  	s26 =	simm.s32 $0x0;
	_ =	swait.ge [sflag:s19], $0x80  }
0x304: {  	v4 =	vor.u32 s26, v2;
	[sflag:s19] =	ssyncset.done $0x0  }
0x305: {  	[sflag:s19] =	ssyncadd.s32 $0xFFFFFF80  }
0x306: {  	_ =	swait.ge [sflag:s19], $0x80  }
0x307: {  	[sflag:s19] =	ssyncset.done $0x0  }
0x308: {  	[sflag:s19] =	ssyncadd.s32 $0xFFFFFF80  }
0x309: {  	v5 =	vld.idx.msk [tilespmem:v4+s2+$0x0], $0xffff  }
0x30a: {  	v6 =	vld.idx.msk [tilespmem:v4+s11+$0x0], $0xffff;
	_ =	sdelay $0x2  }
0x30b: {  	v7 =	vmov s26  }
0x30c: {  	v7 =	vshll.u32 v7, $0x7;
	v5 =	vshll.u32 v5, $0x5  }
0x30d: {  	v7 =	vor.u32 v3, v7;
	v6 =	vshll.u32 v6, $0x5;
	v5 =	vand.u32 $0x60, v5  }
0x30e: {  	v8 =	vand.u32 $0x60, v6;
	v6 =	vor.u32 v7, v5  }
0x30f: {  	v5 =	vor.u32 v7, v8  }
0x310: {  	v7 =	vor.u32 $0x1, v5  }
0x311: {  	v8 =	vor.u32 $0x1, v6  }
0x312: {  	v49 =	vor.u32 $0x2, v6  }
0x313: {  	v50 =	vor.u32 $0x2, v5;
	v51 =	vld.idx.msk [tilespmem:v6+s14+$0x0], $0xffff  }
0x314: {  	v52 =	vor.u32 $0x3, v6;
	v53 =	vld.idx.msk [tilespmem:v5+s16+$0x0], $0xffff  }
0x315: {  	v54 =	vor.u32 $0x3, v5;
	v7 =	vld.idx.msk [tilespmem:v7+s16+$0x0], $0xffff  }
0x316: {  	v55 =	vor.u32 $0x4, v6;
	v8 =	vld.idx.msk [tilespmem:v8+s14+$0x0], $0xffff  }
0x317: {  	v56 =	vor.u32 $0x4, v5;
	v9 =	vld.idx.msk [tilespmem:v49+s14+$0x0], $0xffff  }
0x318: {  	v57 =	vor.u32 $0x5, v6;
	v10 =	vld.idx.msk [tilespmem:v50+s16+$0x0], $0xffff  }
0x319: {  	v58 =	vor.u32 $0x5, v5;
	v12 =	vld.idx.msk [tilespmem:v52+s14+$0x0], $0xffff;
	v11 =	vmul.f32 v53, v51  }
0x31a: {  	v59 =	vor.u32 $0x6, v6;
	v14 =	vld.idx.msk [tilespmem:v54+s16+$0x0], $0xffff  }
0x31b: {  	v60 =	vor.u32 $0x6, v5;
	v15 =	vld.idx.msk [tilespmem:v55+s14+$0x0], $0xffff;
	v7 =	vmul.f32 v7, v8;
	v11 =	vadd.f32 $0.0e+00, v11  }
0x31c: {  	v61 =	vor.u32 $0x7, v5;
	v16 =	vld.idx.msk [tilespmem:v56+s16+$0x0], $0xffff  }
0x31d: {  	v17 =	vld.idx.msk [tilespmem:v57+s14+$0x0], $0xffff;
	v8 =	vor.u32 $0x7, v6;
	v9 =	vmul.f32 v10, v9;
	v7 =	vadd.f32 v7, v11  }
0x31e: {  	v24 =	vor.u32 $0x8, v5;
	v63 =	vld.idx.msk [tilespmem:v58+s16+$0x0], $0xffff  }
0x31f: {  	v62 =	vor.u32 $0x8, v6;
	v13 =	vld.idx.msk [tilespmem:v59+s14+$0x0], $0xffff;
	v25 =	vmul.f32 v14, v12;
	v7 =	vadd.f32 v9, v7  }
0x320: {  	v28 =	vor.u32 $0x9, v5;
	v27 =	vld.idx.msk [tilespmem:v60+s16+$0x0], $0xffff  }
0x321: {  	v26 =	vor.u32 $0x9, v6;
	v31 =	vld.idx.msk [tilespmem:v61+s16+$0x0], $0xffff;
	v29 =	vmul.f32 v16, v15;
	v7 =	vadd.f32 v25, v7  }
0x322: {  	v32 =	vor.u32 $0xA, v5;
	v8 =	vld.idx.msk [tilespmem:v8+s14+$0x0], $0xffff  }
0x323: {  	v30 =	vor.u32 $0xA, v6;
	v35 =	vld.idx.msk [tilespmem:v24+s16+$0x0], $0xffff;
	v33 =	vmul.f32 v63, v17;
	v7 =	vadd.f32 v29, v7  }
0x324: {  	v36 =	vor.u32 $0xB, v5;
	v10 =	vld.idx.msk [tilespmem:v62+s14+$0x0], $0xffff  }
0x325: {  	v34 =	vor.u32 $0xB, v6;
	v39 =	vld.idx.msk [tilespmem:v28+s16+$0x0], $0xffff;
	v37 =	vmul.f32 v27, v13;
	v7 =	vadd.f32 v33, v7  }
0x326: {  	v40 =	vor.u32 $0xC, v5;
	v12 =	vld.idx.msk [tilespmem:v26+s14+$0x0], $0xffff  }
0x327: {  	v38 =	vor.u32 $0xC, v6;
	v42 =	vld.idx.msk [tilespmem:v32+s16+$0x0], $0xffff;
	v8 =	vmul.f32 v31, v8;
	v7 =	vadd.f32 v37, v7  }
0x328: {  	v43 =	vor.u32 $0xD, v5;
	v15 =	vld.idx.msk [tilespmem:v30+s14+$0x0], $0xffff  }
0x329: {  	v41 =	vor.u32 $0xD, v6;
	v45 =	vld.idx.msk [tilespmem:v36+s16+$0x0], $0xffff;
	v7 =	vadd.f32 v8, v7;
	v8 =	vmul.f32 v35, v10  }
0x32a: {  	v46 =	vor.u32 $0xE, v5;
	v11 =	vld.idx.msk [tilespmem:v34+s14+$0x0], $0xffff  }
0x32b: {  	v44 =	vor.u32 $0xE, v6;
	v48 =	vld.idx.msk [tilespmem:v40+s16+$0x0], $0xffff;
	v7 =	vadd.f32 v8, v7;
	v8 =	vmul.f32 v39, v12  }
0x32c: {  	v49 =	vor.u32 $0xF, v5;
	v13 =	vld.idx.msk [tilespmem:v38+s14+$0x0], $0xffff  }
0x32d: {  	v47 =	vor.u32 $0xF, v6;
	v51 =	vld.idx.msk [tilespmem:v43+s16+$0x0], $0xffff;
	v7 =	vadd.f32 v8, v7;
	v8 =	vmul.f32 v42, v15  }
0x32e: {  	v52 =	vor.u32 $0x10, v5;
	v9 =	vld.idx.msk [tilespmem:v41+s14+$0x0], $0xffff  }
0x32f: {  	v50 =	vor.u32 $0x10, v6;
	v54 =	vld.idx.msk [tilespmem:v46+s16+$0x0], $0xffff;
	v7 =	vadd.f32 v8, v7;
	v8 =	vmul.f32 v45, v11  }
0x330: {  	v55 =	vor.u32 $0x11, v5;
	v10 =	vld.idx.msk [tilespmem:v44+s14+$0x0], $0xffff  }
0x331: {  	v53 =	vor.u32 $0x11, v6;
	v57 =	vld.idx.msk [tilespmem:v49+s16+$0x0], $0xffff;
	v7 =	vadd.f32 v8, v7;
	v8 =	vmul.f32 v48, v13  }
0x332: {  	v58 =	vor.u32 $0x12, v5;
	v12 =	vld.idx.msk [tilespmem:v47+s14+$0x0], $0xffff  }
0x333: {  	v56 =	vor.u32 $0x12, v6;
	v60 =	vld.idx.msk [tilespmem:v52+s16+$0x0], $0xffff;
	v7 =	vadd.f32 v8, v7;
	v8 =	vmul.f32 v51, v9  }
0x334: {  	v61 =	vor.u32 $0x13, v5;
	v15 =	vld.idx.msk [tilespmem:v50+s14+$0x0], $0xffff  }
0x335: {  	v59 =	vor.u32 $0x13, v6;
	v63 =	vld.idx.msk [tilespmem:v55+s16+$0x0], $0xffff;
	v7 =	vadd.f32 v8, v7;
	v8 =	vmul.f32 v54, v10  }
0x336: {  	v24 =	vor.u32 $0x14, v5;
	v11 =	vld.idx.msk [tilespmem:v53+s14+$0x0], $0xffff  }
0x337: {  	v62 =	vor.u32 $0x14, v6;
	v26 =	vld.idx.msk [tilespmem:v58+s16+$0x0], $0xffff;
	v7 =	vadd.f32 v8, v7;
	v8 =	vmul.f32 v57, v12  }
0x338: {  	v27 =	vor.u32 $0x15, v5;
	v13 =	vld.idx.msk [tilespmem:v56+s14+$0x0], $0xffff  }
0x339: {  	v25 =	vor.u32 $0x15, v6;
	v29 =	vld.idx.msk [tilespmem:v61+s16+$0x0], $0xffff;
	v7 =	vadd.f32 v8, v7;
	v8 =	vmul.f32 v60, v15  }
0x33a: {  	v30 =	vor.u32 $0x16, v5;
	v9 =	vld.idx.msk [tilespmem:v59+s14+$0x0], $0xffff  }
0x33b: {  	v28 =	vor.u32 $0x16, v6;
	v32 =	vld.idx.msk [tilespmem:v24+s16+$0x0], $0xffff;
	v7 =	vadd.f32 v8, v7;
	v8 =	vmul.f32 v63, v11  }
0x33c: {  	v33 =	vor.u32 $0x17, v5;
	v10 =	vld.idx.msk [tilespmem:v62+s14+$0x0], $0xffff  }
0x33d: {  	v31 =	vor.u32 $0x17, v6;
	v35 =	vld.idx.msk [tilespmem:v27+s16+$0x0], $0xffff;
	v7 =	vadd.f32 v8, v7;
	v8 =	vmul.f32 v26, v13  }
0x33e: {  	v36 =	vor.u32 $0x18, v5;
	v12 =	vld.idx.msk [tilespmem:v25+s14+$0x0], $0xffff  }
0x33f: {  	v34 =	vor.u32 $0x18, v6;
	v38 =	vld.idx.msk [tilespmem:v30+s16+$0x0], $0xffff;
	v7 =	vadd.f32 v8, v7;
	v8 =	vmul.f32 v29, v9  }
0x340: {  	v39 =	vor.u32 $0x19, v5;
	v15 =	vld.idx.msk [tilespmem:v28+s14+$0x0], $0xffff  }
0x341: {  	v37 =	vor.u32 $0x19, v6;
	v41 =	vld.idx.msk [tilespmem:v33+s16+$0x0], $0xffff;
	v7 =	vadd.f32 v8, v7;
	v8 =	vmul.f32 v32, v10  }
0x342: {  	v42 =	vor.u32 $0x1A, v5;
	v11 =	vld.idx.msk [tilespmem:v31+s14+$0x0], $0xffff  }
0x343: {  	v40 =	vor.u32 $0x1A, v6;
	v44 =	vld.idx.msk [tilespmem:v36+s16+$0x0], $0xffff;
	v7 =	vadd.f32 v8, v7;
	v8 =	vmul.f32 v35, v12  }
0x344: {  	v45 =	vor.u32 $0x1B, v5;
	v13 =	vld.idx.msk [tilespmem:v34+s14+$0x0], $0xffff  }
0x345: {  	v43 =	vor.u32 $0x1B, v6;
	v47 =	vld.idx.msk [tilespmem:v39+s16+$0x0], $0xffff;
	v7 =	vadd.f32 v8, v7;
	v8 =	vmul.f32 v38, v15  }
0x346: {  	v48 =	vor.u32 $0x1C, v5;
	v9 =	vld.idx.msk [tilespmem:v37+s14+$0x0], $0xffff  }
0x347: {  	v46 =	vor.u32 $0x1C, v6;
	v50 =	vld.idx.msk [tilespmem:v42+s16+$0x0], $0xffff;
	v7 =	vadd.f32 v8, v7;
	v8 =	vmul.f32 v41, v11  }
0x348: {  	v51 =	vor.u32 $0x1D, v5;
	v10 =	vld.idx.msk [tilespmem:v40+s14+$0x0], $0xffff  }
0x349: {  	v49 =	vor.u32 $0x1D, v6;
	v53 =	vld.idx.msk [tilespmem:v45+s16+$0x0], $0xffff;
	v7 =	vadd.f32 v8, v7;
	v8 =	vmul.f32 v44, v13  }
0x34a: {  	v54 =	vor.u32 $0x1E, v5;
	v12 =	vld.idx.msk [tilespmem:v43+s14+$0x0], $0xffff  }
0x34b: {  	v52 =	vor.u32 $0x1E, v6;
	v55 =	vld.idx.msk [tilespmem:v48+s16+$0x0], $0xffff;
	v7 =	vadd.f32 v8, v7;
	v8 =	vmul.f32 v47, v9  }
0x34c: {  	v6 =	vor.u32 $0x1F, v6;
	v15 =	vld.idx.msk [tilespmem:v46+s14+$0x0], $0xffff  }
0x34d: {  	v5 =	vor.u32 $0x1F, v5;
	v56 =	vld.idx.msk [tilespmem:v51+s16+$0x0], $0xffff;
	v7 =	vadd.f32 v8, v7;
	v8 =	vmul.f32 v50, v10  }
0x34e: {  	s28 =	simm.s32 $0x0;
	v11 =	vld.idx.msk [tilespmem:v49+s14+$0x0], $0xffff  }
0x34f: {  	s23 =	sand.u32 $0x70, s26;
	s24 =	sand.u32 $0xFFFFFF80, s28;
	v57 =	vld.idx.msk [tilespmem:v54+s16+$0x0], $0xffff;
	v7 =	vadd.f32 v8, v7;
	v8 =	vmul.f32 v53, v12  }
0x350: {  	s23 =	sor.u32 s23, s24;
	v13 =	vld.idx.msk [tilespmem:v52+s14+$0x0], $0xffff  }
0x351: {  	v58 =	vor.u32 s23, v0;
	v6 =	vld.idx.msk [tilespmem:v6+s14+$0x0], $0xffff;
	v7 =	vadd.f32 v8, v7;
	v8 =	vmul.f32 v55, v15  }
0x352: {  	v5 =	vld.idx.msk [tilespmem:v5+s16+$0x0], $0xffff  }
0x353: {  	v7 =	vadd.f32 v8, v7;
	v8 =	vmul.f32 v56, v11;
	_ =	sdelay $0x1  }
0x354: {  	v7 =	vadd.f32 v8, v7;
	v8 =	vmul.f32 v57, v13  }
0x355: {  	v59 =	vld.idx.msk [tilespmem:v58+s22+$0x0], $0xffff  }
0x356: {  	v5 =	vmul.f32 v5, v6;
	v7 =	vadd.f32 v8, v7;
	_ =	sdelay $0x1  }
0x357: {  	v5 =	vadd.f32 v5, v7;
	_ =	sdelay $0x1  }
0x358: {  	v6 =	vsub.f32 v5, v59;
	_ =	sdelay $0x1  }
0x359: {  	v6 =	vmul.f32 $1.442695020e+00, v6;
	_ =	sdelay $0x1  }
0x35a: {  	(erf) = vpow2.f32 v6;
	_ =	sdelay $0x8  }
0x35b: {  	v6 =	vpop (erf)  }
0x35c: {  	v6 =	vadd.f32 $1.000000000e+00, v6;
	_ =	sdelay $0x1  }
0x35d: {  	(erf) = vrcp.f32 v6;
	_ =	sdelay $0x2  }
0x35e: {  	v6 =	vshll.u32 v4, $0x3  }
0x35f: {  	v4 =	vand.u32 $0x7F, v4;
	v6 =	vand.u32 $0xC00, v6  }
0x360: {  	s24 =	sor.u32 $0x100, s23;
	v6 =	vor.u32 v4, v6  }
0x361: {  	v4 =	vor.u32 s24, v0;
	_ =	sdelay $0x2  }
0x362: {  	v7 =	vpop (erf)  }
0x363: {  	[tilespmem:v6+s20+$0x0] =	vst.idx.msk $0xffff, v7  }
0x364: {  	v4 =	vld.idx.msk [tilespmem:v4+s22+$0x0], $0xffff;
	_ =	sdelay $0x4  }
0x365: {  	v4 =	vmul.f32 $1.442695020e+00, v4;
	_ =	sdelay $0x1  }
0x366: {  	(erf) = vpow2.f32 v4;
	_ =	sdelay $0x8  }
0x367: {  	v4 =	vpop (erf)  }
0x368: {  	v4 =	vadd.f32 v4, v59;
	_ =	sdelay $0x1  }
0x369: {  	v8 =	vsub.f32 v5, v4;
	_ =	sdelay $0x1  }
0x36a: {  	v8 =	vmul.f32 $1.442695020e+00, v8;
	_ =	sdelay $0x1  }
0x36b: {  	(erf) = vpow2.f32 v8;
	_ =	sdelay $0x8  }
0x36c: {  	v8 =	vpop (erf)  }
0x36d: {  	v8 =	vadd.f32 $1.000000000e+00, v8;
	_ =	sdelay $0x1  }
0x36e: {  	(erf) = vrcp.f32 v8;
	_ =	sdelay $0x6  }
0x36f: {  	s29 =	sor.u32 $0x200, s23;
	v8 =	vor.u32 $0x80, v6  }
0x370: {  	v60 =	vor.u32 s29, v0  }
0x371: {  	v61 =	vpop (erf)  }
0x372: {  	v7 =	vsub.f32 v61, v7;
	_ =	sdelay $0x1  }
0x373: {  	[tilespmem:v8+s20+$0x0] =	vst.idx.msk $0xffff, v7  }
0x374: {  	v7 =	vld.idx.msk [tilespmem:v60+s22+$0x0], $0xffff;
	_ =	sdelay $0x4  }
0x375: {  	v7 =	vmul.f32 $1.442695020e+00, v7;
	_ =	sdelay $0x1  }
0x376: {  	(erf) = vpow2.f32 v7;
	_ =	sdelay $0x8  }
0x377: {  	v7 =	vpop (erf)  }
0x378: {  	v4 =	vadd.f32 v7, v4;
	_ =	sdelay $0x1  }
0x379: {  	v7 =	vsub.f32 v5, v4;
	_ =	sdelay $0x1  }
0x37a: {  	v7 =	vmul.f32 $1.442695020e+00, v7;
	_ =	sdelay $0x1  }
0x37b: {  	(erf) = vpow2.f32 v7;
	_ =	sdelay $0x8  }
0x37c: {  	v7 =	vpop (erf)  }
0x37d: {  	v7 =	vadd.f32 $1.000000000e+00, v7;
	_ =	sdelay $0x1  }
0x37e: {  	(erf) = vrcp.f32 v7;
	_ =	sdelay $0x6  }
0x37f: {  	s23 =	sor.u32 $0x300, s23;
	v7 =	vor.u32 $0x100, v6  }
0x380: {  	v8 =	vor.u32 s23, v0  }
0x381: {  	v62 =	vpop (erf)  }
0x382: {  	v10 =	vsub.f32 v62, v61;
	_ =	sdelay $0x1  }
0x383: {  	[tilespmem:v7+s20+$0x0] =	vst.idx.msk $0xffff, v10  }
0x384: {  	v7 =	vld.idx.msk [tilespmem:v8+s22+$0x0], $0xffff;
	_ =	sdelay $0x4  }
0x385: {  	v7 =	vmul.f32 $1.442695020e+00, v7;
	_ =	sdelay $0x1  }
0x386: {  	(erf) = vpow2.f32 v7;
	_ =	sdelay $0x8  }
0x387: {  	v7 =	vpop (erf)  }
0x388: {  	v4 =	vadd.f32 v7, v4;
	_ =	sdelay $0x1  }
0x389: {  	v4 =	vsub.f32 v5, v4;
	_ =	sdelay $0x1  }
0x38a: {  	v4 =	vmul.f32 $1.442695020e+00, v4;
	_ =	sdelay $0x1  }
0x38b: {  	(erf) = vpow2.f32 v4;
	_ =	sdelay $0x8  }
0x38c: {  	v4 =	vpop (erf)  }
0x38d: {  	v4 =	vadd.f32 $1.000000000e+00, v4;
	_ =	sdelay $0x1  }
0x38e: {  	(erf) = vrcp.f32 v4;
	_ =	sdelay $0x6  }
0x38f: {  	v5 =	vor.u32 $0x180, v6  }
0x390: {  	v7 =	vor.u32 $0x200, v6  }
0x391: {  	v4 =	vpop (erf)  }
0x392: {  	v9 =	vsub.f32 v4, v62  }
0x393: {  	v63 =	vsub.f32 $1.000000000e+00, v4  }
0x394: {  	v8 =	vor.u32 $0x280, v6;
	[tilespmem:v5+s20+$0x0] =	vst.idx.msk $0xffff, v9  }
0x395: {  	[tilespmem:v7+s20+$0x0] =	vst.idx.msk $0xffff, v63;
	v7 =	vor.u32 $0x300, v6  }
0x396: {  	s23 =	simm.s32 $0x10;
	v6 =	vor.u32 $0x380, v6  }
0x397: {  	v4 =	vor.u32 s23, v2  }
0x398: {  	v5 =	vshll.u32 v4, $0x3  }
0x399: {  	s25 =	simm.s32 $0x2;
	s24 =	simm.s32 $0x1;
	v5 =	vand.u32 $0xC00, v5;
	[tilespmem:v8+s20+$0x0] =	vst.idx.msk $0xffff, v1  }
.LBB2_4:
0x39a: {  	p0 =	sne.s32 s25, $0xF;
	[tilespmem:v7+s20+$0x0] =	vst.idx.msk $0xffff, v1;
	s26 =	smov.u32 s25;
	s25 =	sadd.s32 $0x1, s25  }
0x39b: {  	[tilespmem:v6+s20+$0x0] =	vst.idx.msk $0xffff, v1  }
0x39c: {  	v6 =	vld.idx.msk [tilespmem:v4+s2+$0x0], $0xffff  }
0x39d: {  	v7 =	vld.idx.msk [tilespmem:v4+s11+$0x0], $0xffff;
	_ =	sdelay $0x3  }
0x39e: {  	v8 =	vmov s23  }
0x39f: {  	v8 =	vshll.u32 v8, $0x7;
	v6 =	vshll.u32 v6, $0x5  }
0x3a0: {  	v8 =	vor.u32 v3, v8;
	v6 =	vand.u32 $0x60, v6;
	v7 =	vshll.u32 v7, $0x5  }
0x3a1: {  	v7 =	vand.u32 $0x60, v7;
	v9 =	vor.u32 v8, v6  }
0x3a2: {  	v6 =	vor.u32 v8, v7;
	v7 =	vor.u32 $0x1, v9;
	v8 =	vor.u32 $0x2, v9  }
0x3a3: {  	v10 =	vor.u32 $0x1, v6;
	v11 =	vor.u32 $0x2, v6;
	v12 =	vor.u32 $0x3, v6  }
0x3a4: {  	v13 =	vor.u32 $0x3, v9;
	v14 =	vor.u32 $0x4, v9;
	v15 =	vor.u32 $0x4, v6  }
0x3a5: {  	v16 =	vor.u32 $0x5, v9;
	v17 =	vor.u32 $0x5, v6;
	v18 =	vor.u32 $0x6, v6  }
0x3a6: {  	v20 =	vor.u32 $0x6, v9;
	v21 =	vor.u32 $0x7, v9;
	v22 =	vor.u32 $0x7, v6;
	v19 =	vld.idx.msk [tilespmem:v9+s14+$0x0], $0xffff  }
0x3a7: {  	v24 =	vor.u32 $0x8, v9;
	v25 =	vor.u32 $0x8, v6;
	v26 =	vor.u32 $0x9, v6;
	v23 =	vld.idx.msk [tilespmem:v6+s16+$0x0], $0xffff  }
0x3a8: {  	v27 =	vor.u32 $0x9, v9;
	v28 =	vor.u32 $0xA, v9;
	v29 =	vor.u32 $0xA, v6;
	v10 =	vld.idx.msk [tilespmem:v10+s16+$0x0], $0xffff  }
0x3a9: {  	v30 =	vor.u32 $0xB, v9;
	v31 =	vor.u32 $0xB, v6;
	v32 =	vor.u32 $0xC, v6;
	v7 =	vld.idx.msk [tilespmem:v7+s14+$0x0], $0xffff  }
0x3aa: {  	v33 =	vor.u32 $0xC, v9;
	v34 =	vor.u32 $0xD, v9;
	v35 =	vor.u32 $0xD, v6;
	v8 =	vld.idx.msk [tilespmem:v8+s14+$0x0], $0xffff  }
0x3ab: {  	v36 =	vor.u32 $0xE, v9;
	v37 =	vor.u32 $0xE, v6;
	v38 =	vor.u32 $0xF, v6;
	v11 =	vld.idx.msk [tilespmem:v11+s16+$0x0], $0xffff  }
0x3ac: {  	v39 =	vor.u32 $0xF, v9;
	v40 =	vor.u32 $0x10, v9;
	v41 =	vor.u32 $0x10, v6;
	v13 =	vld.idx.msk [tilespmem:v13+s14+$0x0], $0xffff  }
0x3ad: {  	v42 =	vor.u32 $0x11, v6;
	v19 =	vmul.f32 v23, v19;
	v23 =	vor.u32 $0x11, v9;
	v12 =	vld.idx.msk [tilespmem:v12+s16+$0x0], $0xffff  }
0x3ae: {  	v43 =	vor.u32 $0x12, v9;
	v44 =	vor.u32 $0x12, v6;
	v45 =	vor.u32 $0x13, v6;
	v14 =	vld.idx.msk [tilespmem:v14+s14+$0x0], $0xffff  }
0x3af: {  	v19 =	vadd.f32 $0.0e+00, v19;
	v7 =	vmul.f32 v10, v7;
	v10 =	vld.idx.msk [tilespmem:v15+s16+$0x0], $0xffff;
	v15 =	vor.u32 $0x13, v9  }
0x3b0: {  	v46 =	vor.u32 $0x14, v9;
	v47 =	vor.u32 $0x14, v6;
	v48 =	vor.u32 $0x15, v6;
	v16 =	vld.idx.msk [tilespmem:v16+s14+$0x0], $0xffff  }
0x3b1: {  	v7 =	vadd.f32 v7, v19;
	v8 =	vmul.f32 v11, v8;
	v11 =	vld.idx.msk [tilespmem:v17+s16+$0x0], $0xffff;
	v17 =	vor.u32 $0x15, v9  }
0x3b2: {  	v49 =	vor.u32 $0x16, v6;
	v50 =	vor.u32 $0x17, v6;
	v19 =	vld.idx.msk [tilespmem:v20+s14+$0x0], $0xffff;
	v20 =	vor.u32 $0x16, v9  }
0x3b3: {  	v7 =	vadd.f32 v8, v7;
	v8 =	vmul.f32 v12, v13;
	v13 =	vor.u32 $0x17, v9;
	v12 =	vld.idx.msk [tilespmem:v18+s16+$0x0], $0xffff  }
0x3b4: {  	v51 =	vor.u32 $0x18, v6;
	v52 =	vor.u32 $0x19, v6;
	v18 =	vld.idx.msk [tilespmem:v21+s14+$0x0], $0xffff;
	v21 =	vor.u32 $0x18, v9  }
0x3b5: {  	v7 =	vadd.f32 v8, v7;
	v8 =	vmul.f32 v10, v14;
	v14 =	vor.u32 $0x19, v9;
	v10 =	vld.idx.msk [tilespmem:v22+s16+$0x0], $0xffff  }
0x3b6: {  	v53 =	vor.u32 $0x1A, v6;
	v54 =	vor.u32 $0x1B, v6;
	v22 =	vld.idx.msk [tilespmem:v24+s14+$0x0], $0xffff;
	v24 =	vor.u32 $0x1A, v9  }
0x3b7: {  	v7 =	vadd.f32 v8, v7;
	v11 =	vmul.f32 v11, v16;
	v16 =	vld.idx.msk [tilespmem:v25+s16+$0x0], $0xffff;
	v25 =	vor.u32 $0x1B, v9  }
0x3b8: {  	v55 =	vor.u32 $0x1C, v9;
	v56 =	vor.u32 $0x1C, v6;
	v8 =	vor.u32 $0x1D, v6;
	v27 =	vld.idx.msk [tilespmem:v27+s14+$0x0], $0xffff  }
0x3b9: {  	v11 =	vadd.f32 v11, v7;
	v12 =	vmul.f32 v12, v19;
	v19 =	vld.idx.msk [tilespmem:v26+s16+$0x0], $0xffff;
	v26 =	vor.u32 $0x1D, v9  }
0x3ba: {  	v57 =	vor.u32 $0x1E, v9;
	v7 =	vor.u32 $0x1E, v6;
	v6 =	vor.u32 $0x1F, v6;
	v28 =	vld.idx.msk [tilespmem:v28+s14+$0x0], $0xffff  }
0x3bb: {  	v9 =	vor.u32 $0x1F, v9;
	v11 =	vadd.f32 v12, v11;
	v10 =	vmul.f32 v10, v18;
	v12 =	vld.idx.msk [tilespmem:v29+s16+$0x0], $0xffff  }
0x3bc: {  	v18 =	vld.idx.msk [tilespmem:v30+s14+$0x0], $0xffff  }
0x3bd: {  	v10 =	vadd.f32 v10, v11;
	v11 =	vmul.f32 v16, v22;
	v16 =	vld.idx.msk [tilespmem:v31+s16+$0x0], $0xffff  }
0x3be: {  	v22 =	vld.idx.msk [tilespmem:v33+s14+$0x0], $0xffff  }
0x3bf: {  	v10 =	vadd.f32 v11, v10;
	v11 =	vmul.f32 v19, v27;
	v19 =	vld.idx.msk [tilespmem:v32+s16+$0x0], $0xffff  }
0x3c0: {  	v27 =	vld.idx.msk [tilespmem:v34+s14+$0x0], $0xffff  }
0x3c1: {  	v10 =	vadd.f32 v11, v10;
	v11 =	vmul.f32 v12, v28;
	v12 =	vld.idx.msk [tilespmem:v35+s16+$0x0], $0xffff  }
0x3c2: {  	v28 =	vld.idx.msk [tilespmem:v36+s14+$0x0], $0xffff  }
0x3c3: {  	v10 =	vadd.f32 v11, v10;
	v11 =	vmul.f32 v16, v18;
	v16 =	vld.idx.msk [tilespmem:v37+s16+$0x0], $0xffff  }
0x3c4: {  	v18 =	vld.idx.msk [tilespmem:v39+s14+$0x0], $0xffff  }
0x3c5: {  	v10 =	vadd.f32 v11, v10;
	v11 =	vmul.f32 v19, v22;
	v19 =	vld.idx.msk [tilespmem:v38+s16+$0x0], $0xffff  }
0x3c6: {  	v22 =	vld.idx.msk [tilespmem:v40+s14+$0x0], $0xffff  }
0x3c7: {  	v10 =	vadd.f32 v11, v10;
	v11 =	vmul.f32 v12, v27;
	v12 =	vld.idx.msk [tilespmem:v41+s16+$0x0], $0xffff  }
0x3c8: {  	v23 =	vld.idx.msk [tilespmem:v23+s14+$0x0], $0xffff  }
0x3c9: {  	v10 =	vadd.f32 v11, v10;
	v11 =	vmul.f32 v16, v28;
	v16 =	vld.idx.msk [tilespmem:v42+s16+$0x0], $0xffff  }
0x3ca: {  	v27 =	vld.idx.msk [tilespmem:v43+s14+$0x0], $0xffff  }
0x3cb: {  	v10 =	vadd.f32 v11, v10;
	v11 =	vmul.f32 v19, v18;
	v18 =	vld.idx.msk [tilespmem:v44+s16+$0x0], $0xffff  }
0x3cc: {  	v15 =	vld.idx.msk [tilespmem:v15+s14+$0x0], $0xffff  }
0x3cd: {  	v10 =	vadd.f32 v11, v10;
	v11 =	vmul.f32 v12, v22;
	v12 =	vld.idx.msk [tilespmem:v45+s16+$0x0], $0xffff  }
0x3ce: {  	v19 =	vld.idx.msk [tilespmem:v46+s14+$0x0], $0xffff  }
0x3cf: {  	v10 =	vadd.f32 v11, v10;
	v11 =	vmul.f32 v16, v23;
	v16 =	vld.idx.msk [tilespmem:v47+s16+$0x0], $0xffff  }
0x3d0: {  	v17 =	vld.idx.msk [tilespmem:v17+s14+$0x0], $0xffff  }
0x3d1: {  	v10 =	vadd.f32 v11, v10;
	v11 =	vmul.f32 v18, v27;
	v18 =	vld.idx.msk [tilespmem:v48+s16+$0x0], $0xffff  }
0x3d2: {  	v20 =	vld.idx.msk [tilespmem:v20+s14+$0x0], $0xffff  }
0x3d3: {  	v10 =	vadd.f32 v11, v10;
	v11 =	vmul.f32 v12, v15;
	v12 =	vld.idx.msk [tilespmem:v49+s16+$0x0], $0xffff  }
0x3d4: {  	v13 =	vld.idx.msk [tilespmem:v13+s14+$0x0], $0xffff  }
0x3d5: {  	v10 =	vadd.f32 v11, v10;
	v11 =	vmul.f32 v16, v19;
	v15 =	vld.idx.msk [tilespmem:v50+s16+$0x0], $0xffff  }
0x3d6: {  	v16 =	vld.idx.msk [tilespmem:v21+s14+$0x0], $0xffff  }
0x3d7: {  	v10 =	vadd.f32 v11, v10;
	v11 =	vmul.f32 v18, v17;
	v17 =	vld.idx.msk [tilespmem:v51+s16+$0x0], $0xffff  }
0x3d8: {  	v14 =	vld.idx.msk [tilespmem:v14+s14+$0x0], $0xffff  }
0x3d9: {  	v10 =	vadd.f32 v11, v10;
	v11 =	vmul.f32 v12, v20;
	v12 =	vld.idx.msk [tilespmem:v52+s16+$0x0], $0xffff  }
0x3da: {  	v18 =	vld.idx.msk [tilespmem:v24+s14+$0x0], $0xffff  }
0x3db: {  	v10 =	vadd.f32 v11, v10;
	v11 =	vmul.f32 v15, v13;
	v13 =	vld.idx.msk [tilespmem:v53+s16+$0x0], $0xffff  }
0x3dc: {  	v15 =	vld.idx.msk [tilespmem:v25+s14+$0x0], $0xffff  }
0x3dd: {  	v10 =	vadd.f32 v11, v10;
	v11 =	vmul.f32 v17, v16;
	v16 =	vld.idx.msk [tilespmem:v54+s16+$0x0], $0xffff  }
0x3de: {  	v17 =	vld.idx.msk [tilespmem:v55+s14+$0x0], $0xffff  }
0x3df: {  	v10 =	vadd.f32 v11, v10;
	v11 =	vmul.f32 v12, v14;
	v12 =	vld.idx.msk [tilespmem:v56+s16+$0x0], $0xffff  }
0x3e0: {  	v14 =	vld.idx.msk [tilespmem:v26+s14+$0x0], $0xffff  }
0x3e1: {  	s28 =	sshll.u32 s24, $0x4;
	s24 =	smov.u32 s26;
	v10 =	vadd.f32 v11, v10;
	v11 =	vmul.f32 v13, v18;
	v8 =	vld.idx.msk [tilespmem:v8+s16+$0x0], $0xffff  }
0x3e2: {  	s26 =	sand.u32 $0x70, s23;
	s28 =	sand.u32 $0xFFFFFF80, s28;
	v13 =	vld.idx.msk [tilespmem:v57+s14+$0x0], $0xffff  }
0x3e3: {  	s26 =	sor.u32 s26, s28;
	v10 =	vadd.f32 v11, v10;
	v11 =	vmul.f32 v16, v15;
	v7 =	vld.idx.msk [tilespmem:v7+s16+$0x0], $0xffff  }
0x3e4: {  	s29 =	sor.u32 $0x100, s26;
	s28 =	sor.u32 $0x200, s26;
	v15 =	vor.u32 s26, v0;
	s26 =	sor.u32 $0x300, s26;
	v9 =	vld.idx.msk [tilespmem:v9+s14+$0x0], $0xffff  }
0x3e5: {  	v10 =	vadd.f32 v11, v10;
	v11 =	vmul.f32 v12, v17;
	v6 =	vld.idx.msk [tilespmem:v6+s16+$0x0], $0xffff;
	_ =	sdelay $0x1  }
0x3e6: {  	v10 =	vadd.f32 v11, v10;
	v8 =	vmul.f32 v8, v14;
	_ =	sdelay $0x1  }
0x3e7: {  	v8 =	vadd.f32 v8, v10;
	v7 =	vmul.f32 v7, v13;
	v10 =	vld.idx.msk [tilespmem:v15+s22+$0x0], $0xffff;
	_ =	sdelay $0x1  }
0x3e8: {  	v7 =	vadd.f32 v7, v8;
	v6 =	vmul.f32 v6, v9;
	_ =	sdelay $0x1  }
0x3e9: {  	v6 =	vadd.f32 v6, v7;
	_ =	sdelay $0x1  }
0x3ea: {  	v7 =	vsub.f32 v6, v10;
	_ =	sdelay $0x1  }
0x3eb: {  	v7 =	vmul.f32 $1.442695020e+00, v7;
	_ =	sdelay $0x1  }
0x3ec: {  	(erf) = vpow2.f32 v7;
	_ =	sdelay $0x8  }
0x3ed: {  	v7 =	vpop (erf)  }
0x3ee: {  	v7 =	vadd.f32 $1.000000000e+00, v7;
	_ =	sdelay $0x1  }
0x3ef: {  	(erf) = vrcp.f32 v7;
	_ =	sdelay $0x3  }
0x3f0: {  	v4 =	vand.u32 $0x7F, v4  }
0x3f1: {  	v4 =	vor.u32 v4, v5  }
0x3f2: {  	v5 =	vor.u32 s29, v0;
	_ =	sdelay $0x2  }
0x3f3: {  	v7 =	vpop (erf)  }
0x3f4: {  	[tilespmem:v4+s20+$0x0] =	vst.idx.msk $0xffff, v7  }
0x3f5: {  	v5 =	vld.idx.msk [tilespmem:v5+s22+$0x0], $0xffff;
	_ =	sdelay $0x5  }
0x3f6: {  	v5 =	vmul.f32 $1.442695020e+00, v5;
	_ =	sdelay $0x1  }
0x3f7: {  	(erf) = vpow2.f32 v5;
	_ =	sdelay $0x8  }
0x3f8: {  	v5 =	vpop (erf)  }
0x3f9: {  	v5 =	vadd.f32 v5, v10;
	_ =	sdelay $0x1  }
0x3fa: {  	v8 =	vsub.f32 v6, v5;
	_ =	sdelay $0x1  }
0x3fb: {  	v8 =	vmul.f32 $1.442695020e+00, v8;
	_ =	sdelay $0x1  }
0x3fc: {  	(erf) = vpow2.f32 v8;
	_ =	sdelay $0x8  }
0x3fd: {  	v8 =	vpop (erf)  }
0x3fe: {  	v8 =	vadd.f32 $1.000000000e+00, v8;
	_ =	sdelay $0x1  }
0x3ff: {  	(erf) = vrcp.f32 v8;
	_ =	sdelay $0x6  }
0x400: {  	v8 =	vor.u32 $0x80, v4  }
0x401: {  	v9 =	vor.u32 s28, v0  }
0x402: {  	v10 =	vpop (erf)  }
0x403: {  	v7 =	vsub.f32 v10, v7;
	_ =	sdelay $0x1  }
0x404: {  	[tilespmem:v8+s20+$0x0] =	vst.idx.msk $0xffff, v7  }
0x405: {  	v7 =	vld.idx.msk [tilespmem:v9+s22+$0x0], $0xffff;
	_ =	sdelay $0x5  }
0x406: {  	v7 =	vmul.f32 $1.442695020e+00, v7;
	_ =	sdelay $0x1  }
0x407: {  	(erf) = vpow2.f32 v7;
	_ =	sdelay $0x8  }
0x408: {  	v7 =	vpop (erf)  }
0x409: {  	v5 =	vadd.f32 v7, v5;
	_ =	sdelay $0x1  }
0x40a: {  	v7 =	vsub.f32 v6, v5;
	_ =	sdelay $0x1  }
0x40b: {  	v7 =	vmul.f32 $1.442695020e+00, v7;
	_ =	sdelay $0x1  }
0x40c: {  	(erf) = vpow2.f32 v7;
	_ =	sdelay $0x8  }
0x40d: {  	v7 =	vpop (erf)  }
0x40e: {  	v7 =	vadd.f32 $1.000000000e+00, v7;
	_ =	sdelay $0x1  }
0x40f: {  	(erf) = vrcp.f32 v7;
	_ =	sdelay $0x6  }
0x410: {  	v7 =	vor.u32 $0x100, v4  }
0x411: {  	v8 =	vor.u32 s26, v0  }
0x412: {  	v9 =	vpop (erf)  }
0x413: {  	v10 =	vsub.f32 v9, v10;
	_ =	sdelay $0x1  }
0x414: {  	[tilespmem:v7+s20+$0x0] =	vst.idx.msk $0xffff, v10  }
0x415: {  	v7 =	vld.idx.msk [tilespmem:v8+s22+$0x0], $0xffff;
	_ =	sdelay $0x5  }
0x416: {  	v7 =	vmul.f32 $1.442695020e+00, v7;
	_ =	sdelay $0x1  }
0x417: {  	(erf) = vpow2.f32 v7;
	_ =	sdelay $0x8  }
0x418: {  	v7 =	vpop (erf)  }
0x419: {  	v5 =	vadd.f32 v7, v5;
	_ =	sdelay $0x1  }
0x41a: {  	v5 =	vsub.f32 v6, v5;
	_ =	sdelay $0x1  }
0x41b: {  	v5 =	vmul.f32 $1.442695020e+00, v5;
	_ =	sdelay $0x1  }
0x41c: {  	(erf) = vpow2.f32 v5;
	_ =	sdelay $0x8  }
0x41d: {  	v5 =	vpop (erf)  }
0x41e: {  	v5 =	vadd.f32 $1.000000000e+00, v5;
	_ =	sdelay $0x1  }
0x41f: {  	(erf) = vrcp.f32 v5;
	_ =	sdelay $0x6  }
0x420: {  	v5 =	vor.u32 $0x180, v4  }
0x421: {  	v8 =	vor.u32 $0x200, v4  }
0x422: {  	v10 =	vor.u32 $0x280, v4;
	v6 =	vpop (erf)  }
.Ltmp1:
0x423: {  	v7 =	vor.u32 $0x300, v4;
	v9 =	vsub.f32 v6, v9;
	(pc) =	sbr.rel @p0 .LBB2_4-.Ltmp1, $4  }
0x424: {  	s23 =	sadd.s32 $0x10, s23;
	v11 =	vsub.f32 $1.000000000e+00, v6;
	v6 =	vor.u32 $0x380, v4  }
0x425: {  	v4 =	vor.u32 s23, v2;
	[tilespmem:v5+s20+$0x0] =	vst.idx.msk $0xffff, v9  }
0x426: {  	v5 =	vshll.u32 v4, $0x3;
	[tilespmem:v8+s20+$0x0] =	vst.idx.msk $0xffff, v11  }
0x427: {  	v5 =	vand.u32 $0xC00, v5;
	[tilespmem:v10+s20+$0x0] =	vst.idx.msk $0xffff, v1  }
0x428: {  	_ =	sdelay $0x3  }
0x429: {  	[tilespmem:v7+s20+$0x0] =	vst.idx.msk $0xffff, v1  }
0x42a: {  	[tilespmem:v6+s20+$0x0] =	vst.idx.msk $0xffff, v1  }
0x42b: {  	v6 =	vld.idx.msk [tilespmem:v4+s2+$0x0], $0xffff  }
0x42c: {  	v7 =	vld.idx.msk [tilespmem:v4+s11+$0x0], $0xffff;
	_ =	sdelay $0x2  }
0x42d: {  	v8 =	vmov s23  }
0x42e: {  	v8 =	vshll.u32 v8, $0x7;
	v6 =	vshll.u32 v6, $0x5  }
0x42f: {  	v8 =	vor.u32 v3, v8;
	v7 =	vshll.u32 v7, $0x5;
	v6 =	vand.u32 $0x60, v6  }
0x430: {  	v9 =	vand.u32 $0x60, v7;
	v7 =	vor.u32 v8, v6  }
0x431: {  	v6 =	vor.u32 v8, v9  }
0x432: {  	v8 =	vor.u32 $0x1, v6  }
0x433: {  	v29 =	vor.u32 $0x1, v7  }
0x434: {  	v10 =	vor.u32 $0x2, v7  }
0x435: {  	v11 =	vor.u32 $0x2, v6;
	v12 =	vld.idx.msk [tilespmem:v7+s14+$0x0], $0xffff  }
0x436: {  	v13 =	vor.u32 $0x3, v7;
	v14 =	vld.idx.msk [tilespmem:v6+s16+$0x0], $0xffff  }
0x437: {  	v15 =	vor.u32 $0x3, v6;
	v8 =	vld.idx.msk [tilespmem:v8+s16+$0x0], $0xffff  }
0x438: {  	v16 =	vor.u32 $0x4, v7;
	v9 =	vld.idx.msk [tilespmem:v29+s14+$0x0], $0xffff  }
0x439: {  	v17 =	vor.u32 $0x4, v6;
	v10 =	vld.idx.msk [tilespmem:v10+s14+$0x0], $0xffff  }
0x43a: {  	v18 =	vor.u32 $0x5, v7;
	v11 =	vld.idx.msk [tilespmem:v11+s16+$0x0], $0xffff  }
0x43b: {  	v19 =	vor.u32 $0x5, v6;
	v13 =	vld.idx.msk [tilespmem:v13+s14+$0x0], $0xffff;
	v12 =	vmul.f32 v14, v12  }
0x43c: {  	v20 =	vor.u32 $0x6, v6;
	v15 =	vld.idx.msk [tilespmem:v15+s16+$0x0], $0xffff  }
0x43d: {  	v30 =	vor.u32 $0x6, v7;
	v16 =	vld.idx.msk [tilespmem:v16+s14+$0x0], $0xffff;
	v8 =	vmul.f32 v8, v9;
	v12 =	vadd.f32 $0.0e+00, v12  }
0x43e: {  	v21 =	vor.u32 $0x7, v6;
	v17 =	vld.idx.msk [tilespmem:v17+s16+$0x0], $0xffff  }
0x43f: {  	v31 =	vor.u32 $0x7, v7;
	v18 =	vld.idx.msk [tilespmem:v18+s14+$0x0], $0xffff;
	v10 =	vmul.f32 v11, v10;
	v8 =	vadd.f32 v8, v12  }
0x440: {  	v34 =	vor.u32 $0x8, v6;
	v33 =	vld.idx.msk [tilespmem:v19+s16+$0x0], $0xffff  }
0x441: {  	v32 =	vor.u32 $0x8, v7;
	v37 =	vld.idx.msk [tilespmem:v20+s16+$0x0], $0xffff;
	v35 =	vmul.f32 v15, v13;
	v8 =	vadd.f32 v10, v8  }
0x442: {  	v38 =	vor.u32 $0x9, v6;
	v14 =	vld.idx.msk [tilespmem:v30+s14+$0x0], $0xffff  }
0x443: {  	v36 =	vor.u32 $0x9, v7;
	v41 =	vld.idx.msk [tilespmem:v21+s16+$0x0], $0xffff;
	v39 =	vmul.f32 v17, v16;
	v8 =	vadd.f32 v35, v8  }
0x444: {  	v42 =	vor.u32 $0xA, v6;
	v9 =	vld.idx.msk [tilespmem:v31+s14+$0x0], $0xffff  }
0x445: {  	v40 =	vor.u32 $0xA, v7;
	v45 =	vld.idx.msk [tilespmem:v34+s16+$0x0], $0xffff;
	v43 =	vmul.f32 v33, v18;
	v8 =	vadd.f32 v39, v8  }
0x446: {  	v46 =	vor.u32 $0xB, v6;
	v11 =	vld.idx.msk [tilespmem:v32+s14+$0x0], $0xffff  }
0x447: {  	v44 =	vor.u32 $0xB, v7;
	v49 =	vld.idx.msk [tilespmem:v38+s16+$0x0], $0xffff;
	v47 =	vmul.f32 v37, v14;
	v8 =	vadd.f32 v43, v8  }
0x448: {  	v50 =	vor.u32 $0xC, v6;
	v13 =	vld.idx.msk [tilespmem:v36+s14+$0x0], $0xffff  }
0x449: {  	v48 =	vor.u32 $0xC, v7;
	v52 =	vld.idx.msk [tilespmem:v42+s16+$0x0], $0xffff;
	v9 =	vmul.f32 v41, v9;
	v8 =	vadd.f32 v47, v8  }
0x44a: {  	v53 =	vor.u32 $0xD, v6;
	v16 =	vld.idx.msk [tilespmem:v40+s14+$0x0], $0xffff  }
0x44b: {  	v51 =	vor.u32 $0xD, v7;
	v56 =	vld.idx.msk [tilespmem:v46+s16+$0x0], $0xffff;
	v54 =	vmul.f32 v45, v11;
	v8 =	vadd.f32 v9, v8  }
0x44c: {  	v57 =	vor.u32 $0xE, v6;
	v12 =	vld.idx.msk [tilespmem:v44+s14+$0x0], $0xffff  }
0x44d: {  	v55 =	vor.u32 $0xE, v7;
	v60 =	vld.idx.msk [tilespmem:v50+s16+$0x0], $0xffff;
	v58 =	vmul.f32 v49, v13;
	v8 =	vadd.f32 v54, v8  }
0x44e: {  	v61 =	vor.u32 $0xF, v6;
	v14 =	vld.idx.msk [tilespmem:v48+s14+$0x0], $0xffff  }
0x44f: {  	v59 =	vor.u32 $0xF, v7;
	v24 =	vld.idx.msk [tilespmem:v53+s16+$0x0], $0xffff;
	v62 =	vmul.f32 v52, v16;
	v8 =	vadd.f32 v58, v8  }
0x450: {  	v25 =	vor.u32 $0x10, v6;
	v10 =	vld.idx.msk [tilespmem:v51+s14+$0x0], $0xffff  }
0x451: {  	v63 =	vor.u32 $0x10, v7;
	v28 =	vld.idx.msk [tilespmem:v57+s16+$0x0], $0xffff;
	v26 =	vmul.f32 v56, v12;
	v8 =	vadd.f32 v62, v8  }
0x452: {  	v29 =	vor.u32 $0x11, v6;
	v11 =	vld.idx.msk [tilespmem:v55+s14+$0x0], $0xffff  }
0x453: {  	v27 =	vor.u32 $0x11, v7;
	v32 =	vld.idx.msk [tilespmem:v61+s16+$0x0], $0xffff;
	v30 =	vmul.f32 v60, v14;
	v8 =	vadd.f32 v26, v8  }
0x454: {  	v33 =	vor.u32 $0x12, v6;
	v13 =	vld.idx.msk [tilespmem:v59+s14+$0x0], $0xffff  }
0x455: {  	v31 =	vor.u32 $0x12, v7;
	v36 =	vld.idx.msk [tilespmem:v25+s16+$0x0], $0xffff;
	v34 =	vmul.f32 v24, v10;
	v8 =	vadd.f32 v30, v8  }
0x456: {  	v37 =	vor.u32 $0x13, v6;
	v16 =	vld.idx.msk [tilespmem:v63+s14+$0x0], $0xffff  }
0x457: {  	v40 =	vld.idx.msk [tilespmem:v29+s16+$0x0], $0xffff;
	v35 =	vor.u32 $0x13, v7;
	v38 =	vmul.f32 v28, v11;
	v8 =	vadd.f32 v34, v8  }
0x458: {  	v41 =	vor.u32 $0x14, v6;
	v12 =	vld.idx.msk [tilespmem:v27+s14+$0x0], $0xffff  }
0x459: {  	v44 =	vld.idx.msk [tilespmem:v33+s16+$0x0], $0xffff;
	v39 =	vor.u32 $0x14, v7;
	v42 =	vmul.f32 v32, v13;
	v8 =	vadd.f32 v38, v8  }
0x45a: {  	v45 =	vor.u32 $0x15, v6;
	v14 =	vld.idx.msk [tilespmem:v31+s14+$0x0], $0xffff  }
0x45b: {  	v48 =	vld.idx.msk [tilespmem:v37+s16+$0x0], $0xffff;
	v46 =	vmul.f32 v36, v16;
	v43 =	vor.u32 $0x15, v7;
	v8 =	vadd.f32 v42, v8  }
0x45c: {  	v49 =	vor.u32 $0x16, v6;
	v10 =	vld.idx.msk [tilespmem:v35+s14+$0x0], $0xffff  }
0x45d: {  	v52 =	vld.idx.msk [tilespmem:v41+s16+$0x0], $0xffff;
	v47 =	vor.u32 $0x16, v7;
	v50 =	vmul.f32 v40, v12;
	v8 =	vadd.f32 v46, v8  }
0x45e: {  	v53 =	vor.u32 $0x17, v6;
	v11 =	vld.idx.msk [tilespmem:v39+s14+$0x0], $0xffff  }
0x45f: {  	v51 =	vor.u32 $0x17, v7;
	v56 =	vld.idx.msk [tilespmem:v45+s16+$0x0], $0xffff;
	v54 =	vmul.f32 v44, v14;
	v8 =	vadd.f32 v50, v8  }
0x460: {  	v57 =	vor.u32 $0x18, v6;
	v13 =	vld.idx.msk [tilespmem:v43+s14+$0x0], $0xffff  }
0x461: {  	v55 =	vor.u32 $0x18, v7;
	v60 =	vld.idx.msk [tilespmem:v49+s16+$0x0], $0xffff;
	v58 =	vmul.f32 v48, v10;
	v8 =	vadd.f32 v54, v8  }
0x462: {  	v61 =	vor.u32 $0x19, v6;
	v16 =	vld.idx.msk [tilespmem:v47+s14+$0x0], $0xffff  }
0x463: {  	v59 =	vor.u32 $0x19, v7;
	v24 =	vld.idx.msk [tilespmem:v53+s16+$0x0], $0xffff;
	v62 =	vmul.f32 v52, v11;
	v8 =	vadd.f32 v58, v8  }
0x464: {  	v25 =	vor.u32 $0x1A, v6;
	v12 =	vld.idx.msk [tilespmem:v51+s14+$0x0], $0xffff  }
0x465: {  	v63 =	vor.u32 $0x1A, v7;
	v28 =	vld.idx.msk [tilespmem:v57+s16+$0x0], $0xffff;
	v26 =	vmul.f32 v56, v13;
	v8 =	vadd.f32 v62, v8  }
0x466: {  	v29 =	vor.u32 $0x1B, v6;
	v14 =	vld.idx.msk [tilespmem:v55+s14+$0x0], $0xffff  }
0x467: {  	v27 =	vor.u32 $0x1B, v7;
	v32 =	vld.idx.msk [tilespmem:v61+s16+$0x0], $0xffff;
	v30 =	vmul.f32 v60, v16;
	v8 =	vadd.f32 v26, v8  }
0x468: {  	v33 =	vor.u32 $0x1C, v6;
	v10 =	vld.idx.msk [tilespmem:v59+s14+$0x0], $0xffff  }
0x469: {  	v31 =	vor.u32 $0x1C, v7;
	v36 =	vld.idx.msk [tilespmem:v25+s16+$0x0], $0xffff;
	v34 =	vmul.f32 v24, v12;
	v8 =	vadd.f32 v30, v8  }
0x46a: {  	v37 =	vor.u32 $0x1D, v6;
	v11 =	vld.idx.msk [tilespmem:v63+s14+$0x0], $0xffff  }
0x46b: {  	v35 =	vor.u32 $0x1D, v7;
	v40 =	vld.idx.msk [tilespmem:v29+s16+$0x0], $0xffff;
	v38 =	vmul.f32 v28, v14;
	v8 =	vadd.f32 v34, v8  }
0x46c: {  	v41 =	vor.u32 $0x1E, v6;
	v13 =	vld.idx.msk [tilespmem:v27+s14+$0x0], $0xffff  }
0x46d: {  	v39 =	vor.u32 $0x1E, v7;
	v43 =	vld.idx.msk [tilespmem:v33+s16+$0x0], $0xffff;
	v42 =	vmul.f32 v32, v10;
	v8 =	vadd.f32 v38, v8  }
0x46e: {  	v6 =	vor.u32 $0x1F, v6;
	v16 =	vld.idx.msk [tilespmem:v31+s14+$0x0], $0xffff  }
0x46f: {  	v7 =	vor.u32 $0x1F, v7;
	v45 =	vld.idx.msk [tilespmem:v37+s16+$0x0], $0xffff;
	v44 =	vmul.f32 v36, v11;
	v8 =	vadd.f32 v42, v8  }
0x470: {  	s24 =	sshll.u32 s24, $0x4;
	v12 =	vld.idx.msk [tilespmem:v35+s14+$0x0], $0xffff  }
0x471: {  	s28 =	sand.u32 $0x70, s23;
	s24 =	sand.u32 $0xFFFFFF80, s24;
	v47 =	vld.idx.msk [tilespmem:v41+s16+$0x0], $0xffff;
	v46 =	vmul.f32 v40, v13;
	v8 =	vadd.f32 v44, v8  }
0x472: {  	s23 =	sor.u32 s28, s24;
	v14 =	vld.idx.msk [tilespmem:v39+s14+$0x0], $0xffff  }
0x473: {  	v6 =	vld.idx.msk [tilespmem:v6+s16+$0x0], $0xffff;
	v48 =	vor.u32 s23, v0;
	v49 =	vmul.f32 v43, v16;
	v8 =	vadd.f32 v46, v8  }
0x474: {  	v7 =	vld.idx.msk [tilespmem:v7+s14+$0x0], $0xffff  }
0x475: {  	v50 =	vmul.f32 v45, v12;
	v8 =	vadd.f32 v49, v8;
	_ =	sdelay $0x1  }
0x476: {  	v51 =	vmul.f32 v47, v14;
	v8 =	vadd.f32 v50, v8  }
0x477: {  	v52 =	vld.idx.msk [tilespmem:v48+s22+$0x0], $0xffff  }
0x478: {  	v6 =	vmul.f32 v6, v7;
	v8 =	vadd.f32 v51, v8;
	_ =	sdelay $0x1  }
0x479: {  	v6 =	vadd.f32 v6, v8;
	_ =	sdelay $0x1  }
0x47a: {  	v53 =	vsub.f32 v6, v52;
	_ =	sdelay $0x1  }
0x47b: {  	v7 =	vmul.f32 $1.442695020e+00, v53;
	_ =	sdelay $0x1  }
0x47c: {  	(erf) = vpow2.f32 v7;
	_ =	sdelay $0x8  }
0x47d: {  	v7 =	vpop (erf)  }
0x47e: {  	v7 =	vadd.f32 $1.000000000e+00, v7;
	_ =	sdelay $0x1  }
0x47f: {  	(erf) = vrcp.f32 v7;
	_ =	sdelay $0x3  }
0x480: {  	v4 =	vand.u32 $0x7F, v4  }
0x481: {  	s24 =	sor.u32 $0x100, s23;
	v4 =	vor.u32 v4, v5  }
0x482: {  	v5 =	vor.u32 s24, v0;
	_ =	sdelay $0x2  }
0x483: {  	v7 =	vpop (erf)  }
0x484: {  	[tilespmem:v4+s20+$0x0] =	vst.idx.msk $0xffff, v7  }
0x485: {  	v5 =	vld.idx.msk [tilespmem:v5+s22+$0x0], $0xffff;
	_ =	sdelay $0x4  }
0x486: {  	v5 =	vmul.f32 $1.442695020e+00, v5;
	_ =	sdelay $0x1  }
0x487: {  	(erf) = vpow2.f32 v5;
	_ =	sdelay $0x8  }
0x488: {  	v5 =	vpop (erf)  }
0x489: {  	v5 =	vadd.f32 v5, v52;
	_ =	sdelay $0x1  }
0x48a: {  	v8 =	vsub.f32 v6, v5;
	_ =	sdelay $0x1  }
0x48b: {  	v8 =	vmul.f32 $1.442695020e+00, v8;
	_ =	sdelay $0x1  }
0x48c: {  	(erf) = vpow2.f32 v8;
	_ =	sdelay $0x8  }
0x48d: {  	v8 =	vpop (erf)  }
0x48e: {  	v8 =	vadd.f32 $1.000000000e+00, v8;
	_ =	sdelay $0x1  }
0x48f: {  	(erf) = vrcp.f32 v8;
	_ =	sdelay $0x6  }
0x490: {  	s29 =	sor.u32 $0x200, s23;
	v54 =	vor.u32 $0x80, v4  }
0x491: {  	v55 =	vor.u32 s29, v0  }
0x492: {  	v56 =	vpop (erf)  }
0x493: {  	v7 =	vsub.f32 v56, v7;
	_ =	sdelay $0x1  }
0x494: {  	[tilespmem:v54+s20+$0x0] =	vst.idx.msk $0xffff, v7  }
0x495: {  	v7 =	vld.idx.msk [tilespmem:v55+s22+$0x0], $0xffff;
	_ =	sdelay $0x4  }
0x496: {  	v7 =	vmul.f32 $1.442695020e+00, v7;
	_ =	sdelay $0x1  }
0x497: {  	(erf) = vpow2.f32 v7;
	_ =	sdelay $0x8  }
0x498: {  	v7 =	vpop (erf)  }
0x499: {  	v5 =	vadd.f32 v7, v5;
	_ =	sdelay $0x1  }
0x49a: {  	v7 =	vsub.f32 v6, v5;
	_ =	sdelay $0x1  }
0x49b: {  	v7 =	vmul.f32 $1.442695020e+00, v7;
	_ =	sdelay $0x1  }
0x49c: {  	(erf) = vpow2.f32 v7;
	_ =	sdelay $0x8  }
0x49d: {  	v7 =	vpop (erf)  }
0x49e: {  	v7 =	vadd.f32 $1.000000000e+00, v7;
	_ =	sdelay $0x1  }
0x49f: {  	(erf) = vrcp.f32 v7;
	_ =	sdelay $0x6  }
0x4a0: {  	v57 =	vor.u32 $0x100, v4;
	s23 =	sor.u32 $0x300, s23  }
0x4a1: {  	v58 =	vor.u32 s23, v0  }
0x4a2: {  	v59 =	vpop (erf)  }
0x4a3: {  	v10 =	vsub.f32 v59, v56;
	_ =	sdelay $0x1  }
0x4a4: {  	[tilespmem:v57+s20+$0x0] =	vst.idx.msk $0xffff, v10  }
0x4a5: {  	v7 =	vld.idx.msk [tilespmem:v58+s22+$0x0], $0xffff;
	_ =	sdelay $0x4  }
0x4a6: {  	v7 =	vmul.f32 $1.442695020e+00, v7;
	_ =	sdelay $0x1  }
0x4a7: {  	(erf) = vpow2.f32 v7;
	_ =	sdelay $0x8  }
0x4a8: {  	v7 =	vpop (erf)  }
0x4a9: {  	v5 =	vadd.f32 v7, v5;
	_ =	sdelay $0x1  }
0x4aa: {  	v5 =	vsub.f32 v6, v5;
	_ =	sdelay $0x1  }
0x4ab: {  	v5 =	vmul.f32 $1.442695020e+00, v5;
	_ =	sdelay $0x1  }
0x4ac: {  	(erf) = vpow2.f32 v5;
	_ =	sdelay $0x8  }
0x4ad: {  	v5 =	vpop (erf)  }
0x4ae: {  	v5 =	vadd.f32 $1.000000000e+00, v5;
	_ =	sdelay $0x1  }
0x4af: {  	(erf) = vrcp.f32 v5;
	_ =	sdelay $0x6  }
0x4b0: {  	v5 =	vor.u32 $0x180, v4  }
0x4b1: {  	v60 =	vor.u32 $0x200, v4  }
0x4b2: {  	v61 =	vor.u32 $0x280, v4;
	v62 =	vpop (erf)  }
0x4b3: {  	v63 =	vor.u32 $0x300, v4;
	v9 =	vsub.f32 v62, v59  }
0x4b4: {  	v4 =	vor.u32 $0x380, v4;
	v8 =	vsub.f32 $1.000000000e+00, v62  }
0x4b5: {  	[tilespmem:v5+s20+$0x0] =	vst.idx.msk $0xffff, v9  }
0x4b6: {  	[tilespmem:v60+s20+$0x0] =	vst.idx.msk $0xffff, v8  }
0x4b7: {  	s21 =	sadd.s32 $0x1, s21;
	[tilespmem:v61+s20+$0x0] =	vst.idx.msk $0xffff, v1  }
0x4b8: {  	p0 =	sne.s32 s21, s9;
	[tilespmem:v63+s20+$0x0] =	vst.idx.msk $0xffff, v1  }
.Ltmp2:
0x4b9: {  	[tilespmem:v4+s20+$0x0] =	vst.idx.msk $0xffff, v1;
	(pc) =	sbr.rel @p0 .LBB2_1-.Ltmp2, $4  }
0x4ba: {  	[hbm4b:s8+s2] =	stream.linear.scatter [tilespmem:s20], [sflag:$0x2], $0x1000, $0x38;
	[tilespmem:$0x11E00] =	vst v63  }
0x4bb: {  	_ =	swait.ge [sflag:s10], $0x1000  }
0x4bc: {  	[sflag:s10] =	ssyncset.done $0x0  }
0x4bd: {  	[sflag:s10] =	ssyncadd.s32 $0xFFFFF000  }
0x4be: {  	_ =	sfence.sel $0x180000  }
0x4bf: {  	[bflag:$0x0] =	sbarrier.arrive $0xFFFF  }
0x4c0: {  	_ =	strace $0x90000047  }
0x4c1: {  	s0 =	stileid.u32;
	[bflag:$0x2] =	sbarrier.arrive $0xFFFF  }
0x4c2: {  	p0 =	sne.s32 s0, $0x0;
	s0 =	rddreg [dreg:$0x3]  }
0x4c3: {  	s0 =	sadd.s32 @!p0 $0x100000, s0  }
0x4c4: {  	[sflag:s0] =	ssyncadd.tile.s32 @!p0 $0x1;
	_ =	shalt  }
.Lfunc_end2:
_tile_overlayer_lowered:
.L_overlay_start_2:
0x4c5: {  	(tag) =	ssettag $0x2  }
0x4c6: {  	s0 =	rddreg [dreg:$0x0];
	s2 =	stileid.u32  }
0x4c7: {  	s1 =	rddreg [dreg:$0x1];
	p0 =	sne.s32 s2, $0x0  }
0x4c8: {  	s3 =	rddreg [dreg:$0x2];
	[bflag:$0x3] =	sbarrier.arrive $0xFFFF;
	s2 =	simm.s32 @!p0 $0x1C02  }
0x4c9: {  	[timem:s3], [sflag:s2] =	dma.local @!p0 [hbm:s0], s1  }
0x4ca: {  	s0 =	simm.s32 @!p0 $0x2  }
0x4cb: {  	_ =	swait.ge @!p0 [sflag:s0], s1  }
0x4cc: {  	s1 =	ssub.s32 @!p0 $0x0, s1;
	[sflag:s0] =	ssyncset.done @!p0 $0x0  }
0x4cd: {  	[sflag:s0] =	ssyncadd.s32 @!p0 s1  }
0x4ce: {  	[bflag:$0x3] =	sbarrier.arrive $0xFFFF  }
0x4cf: {  	_ =	shalt  }

</sc_bundles>
